<compile_context>
chip_gen: v7x
topology: tpu7x:2x2x1
jax: 0.10.2.dev20260603
libtpu: 0.0.44.dev20260713+nightly
codegen_flags: <defaults>
</compile_context>

<pallas_src>
import jax
import jax.numpy as jnp
from jax import lax
from jax.experimental import pallas as pl
from jax.experimental.pallas import tpu as pltpu
from jax.experimental.pallas import tpu_sc as plsc

N = 10000
NI = 320000
D = 128
G = 64
L = 16

NC = 2
NS = 16
NW = NC * NS
CHUNK = 128
N_CHUNKS = 80
PER_TILE = CHUNK * N_CHUNKS
NI_PAD = PER_TILE * NW
NP = 10240
PAD_ROW = N
ROWS_PER_TILE = NP // NS

_MESH = plsc.VectorSubcoreMesh(core_axis_name="c", subcore_axis_name="s")

_f32 = jnp.float32


def _phase_body(table, pairs, zeros_nd, zeros_np,
                out, cnt_out,
                pv0, pv1, pv2, pv3, rv0, rv1, hist,
                acc_sh,
                si0, si1, si2, si3, sg0, sg1, ss0, ss1):
    pair_v = (pv0, pv1, pv2, pv3)
    src_v = tuple(p.at[0] for p in pair_v)
    dst_v = tuple(p.at[1] for p in pair_v)
    rows_v = (rv0, rv1)
    sem_i = (si0, si1, si2, si3)
    sem_g = (sg0, sg1)
    sem_s = (ss0, ss1)

    cid = lax.axis_index("c")
    sid = lax.axis_index("s")
    wid = cid * NS + sid

    r0 = sid * ROWS_PER_TILE
    ones16 = jnp.ones((L,), _f32)

    def issue_idx(j, c):
        pltpu.async_copy(pairs.at[wid * N_CHUNKS + c], pair_v[j], sem_i[j])

    def wait_idx(j):
        pltpu.make_async_copy(pairs.at[0], pair_v[j], sem_i[j]).wait()

    issue_idx(0, 0)
    issue_idx(1, 1)
    pltpu.sync_copy(zeros_nd.at[pl.ds(r0, ROWS_PER_TILE)],
                    acc_sh.at[pl.ds(r0, ROWS_PER_TILE)])
    pltpu.sync_copy(zeros_np, hist)
    plsc.subcore_barrier()

    def issue_scatter(j, b):
        pltpu.async_copy(rows_v[b], acc_sh.at[dst_v[j]], sem_s[b], add=True)

    def wait_scatter(j, b):
        pltpu.make_async_copy(rows_v[b], acc_sh.at[dst_v[j]], sem_s[b]).wait()

    def wait_gather(j, b):
        pltpu.make_async_copy(table.at[src_v[j]], rows_v[b], sem_g[b]).wait()

    def hist_update(j):
        for k in range(CHUNK // L):
            idx16 = pair_v[j][1, pl.ds(k * L, L)]
            plsc.addupdate_scatter(hist, [idx16], ones16)

    def body(s, carry):
        for j in range(4):
            c = 4 * s + j
            b = j % 2
            wait_idx(j)

            @pl.when(c >= 2)
            def _(j=j, b=b):
                wait_scatter((j + 2) % 4, b)

            @pl.when(c + 2 < N_CHUNKS)
            def _(j=j, c=c):
                issue_idx((j + 2) % 4, c + 2)

            pltpu.async_copy(table.at[src_v[j]], rows_v[b], sem_g[b])
            hist_update(j)

            @pl.when(c >= 1)
            def _(j=j, b=b):
                wait_gather((j + 3) % 4, 1 - b)
                issue_scatter((j + 3) % 4, 1 - b)

        return carry

    lax.fori_loop(0, N_CHUNKS // 4, body, 0)

    j_last = (N_CHUNKS - 1) % 4
    b_last = (N_CHUNKS - 1) % 2
    wait_gather(j_last, b_last)
    issue_scatter(j_last, b_last)
    wait_scatter((N_CHUNKS - 2) % 4, (N_CHUNKS - 2) % 2)
    wait_scatter(j_last, b_last)

    plsc.subcore_barrier()

    hist_cp = pltpu.async_copy(hist, cnt_out.at[wid], sem_s[0])
    descs = {}
    for k in range(ROWS_PER_TILE // CHUNK):
        b = k % 2
        if k >= 2:
            descs[k - 2].wait()
        pltpu.sync_copy(acc_sh.at[pl.ds(r0 + k * CHUNK, CHUNK)], rows_v[b])
        descs[k] = pltpu.async_copy(
            rows_v[b], out.at[pl.ds(cid * NP + r0 + k * CHUNK, CHUNK)],
            sem_g[b])
    descs[ROWS_PER_TILE // CHUNK - 2].wait()
    descs[ROWS_PER_TILE // CHUNK - 1].wait()
    hist_cp.wait()


_phase = pl.kernel(
    _phase_body,
    out_type=(
        jax.ShapeDtypeStruct((NC * NP, D), _f32),
        jax.ShapeDtypeStruct((NW, NP), _f32),
    ),
    mesh=_MESH,
    scratch_types=(
        [pltpu.VMEM((2, CHUNK), jnp.int32)] * 4
        + [pltpu.VMEM((CHUNK, D), _f32)] * 2
        + [pltpu.VMEM((NP,), _f32)]
        + [pltpu.VMEM_SHARED((NP, D), _f32)]
        + [pltpu.SemaphoreType.DMA] * 8
    ),
    compiler_params=pltpu.CompilerParams(use_tc_tiling_on_sc=False,
                                         needs_layout_passes=False),
)



_RB = 1000
_NB = N // _RB


def _tc_matmul(x, W):
    def body(x_ref, w_ref, o_ref):
        o_ref[...] = jnp.dot(x_ref[...], w_ref[...],
                             preferred_element_type=_f32)

    return pl.pallas_call(
        body,
        grid=(_NB,),
        in_specs=[pl.BlockSpec((_RB, D), lambda i: (i, 0)),
                  pl.BlockSpec((D, D), lambda i: (0, 0))],
        out_specs=pl.BlockSpec((_RB, D), lambda i: (i, 0)),
        out_shape=jax.ShapeDtypeStruct((N, D), _f32),
    )(x, W)


def _combine_block(p_ref, c_ref):
    s = p_ref[0] + p_ref[1]
    cnt = jnp.sum(c_ref[:, 0, 0, :], axis=0)[:, None]
    inv = jnp.where(cnt > 0.0, 1.0 / cnt, 0.0)
    return s * inv


def _tc_combine(partials, cnts):
    p3 = partials.reshape(NC, NP, D)
    cnts = cnts[:, :N].reshape(NW, _NB, 1, _RB)

    def body(p_ref, c_ref, o_ref):
        o_ref[...] = _combine_block(p_ref, c_ref)

    return pl.pallas_call(
        body,
        grid=(_NB,),
        in_specs=[pl.BlockSpec((NC, _RB, D), lambda i: (0, i, 0)),
                  pl.BlockSpec((NW, 1, 1, _RB), lambda i: (0, i, 0, 0))],
        out_specs=pl.BlockSpec((_RB, D), lambda i: (i, 0)),
        out_shape=jax.ShapeDtypeStruct((N, D), _f32),
    )(p3, cnts)


def _tc_combine_relu_mm(partials, cnts, bias, W):
    p3 = partials.reshape(NC, NP, D)
    cnts = cnts[:, :N].reshape(NW, _NB, 1, _RB)

    def body(p_ref, c_ref, b_ref, w_ref, o_ref):
        h = jnp.maximum(
            _combine_block(p_ref, c_ref) + b_ref[...], 0.0)
        o_ref[...] = jnp.dot(h, w_ref[...], preferred_element_type=_f32)

    return pl.pallas_call(
        body,
        grid=(_NB,),
        in_specs=[pl.BlockSpec((NC, _RB, D), lambda i: (0, i, 0)),
                  pl.BlockSpec((NW, 1, 1, _RB), lambda i: (0, i, 0, 0)),
                  pl.BlockSpec((1, D), lambda i: (0, 0)),
                  pl.BlockSpec((D, D), lambda i: (0, 0))],
        out_specs=pl.BlockSpec((_RB, D), lambda i: (i, 0)),
        out_shape=jax.ShapeDtypeStruct((N, D), _f32),
    )(p3, cnts, bias.reshape(1, D), W)


def _tc_combine_relu_pool(partials, cnts, bias, batch3d):
    p3 = partials.reshape(NC, NP, D)
    cnts = cnts[:, :N].reshape(NW, _NB, 1, _RB)

    def body(p_ref, c_ref, b_ref, bt_ref, o_ref, sums, pcnts):
        i = pl.program_id(0)

        @pl.when(i == 0)
        def _():
            sums[...] = jnp.zeros_like(sums)
            pcnts[...] = jnp.zeros_like(pcnts)

        h = jnp.maximum(_combine_block(p_ref, c_ref) + b_ref[...], 0.0)
        b = bt_ref[0, 0, :]
        mask = (b[:, None] == lax.broadcasted_iota(jnp.int32, (_RB, G), 1)
                ).astype(_f32)
        sums[...] += lax.dot_general(mask, h, (((0,), (0,)), ((), ())),
                                     preferred_element_type=_f32)
        pcnts[...] += jnp.broadcast_to(jnp.sum(mask, axis=0)[:, None], (G, D))

        @pl.when(i == _NB - 1)
        def _():
            o_ref[...] = sums[...] / jnp.maximum(pcnts[...], 1.0)

    return pl.pallas_call(
        body,
        grid=(_NB,),
        in_specs=[pl.BlockSpec((NC, _RB, D), lambda i: (0, i, 0)),
                  pl.BlockSpec((NW, 1, 1, _RB), lambda i: (0, i, 0, 0)),
                  pl.BlockSpec((1, D), lambda i: (0, 0)),
                  pl.BlockSpec((1, 1, _RB), lambda i: (i, 0, 0))],
        out_specs=pl.BlockSpec((G, D), lambda i: (0, 0)),
        out_shape=jax.ShapeDtypeStruct((G, D), _f32),
        scratch_shapes=[pltpu.VMEM((G, D), _f32), pltpu.VMEM((G, D), _f32)],
    )(p3, cnts, bias.reshape(1, D), batch3d)


def kernel(x, hyperedge_index, batch, W1, b1, W2, b2):
    node_idx = hyperedge_index[0].astype(jnp.int32)
    edge_idx = hyperedge_index[1].astype(jnp.int32)
    batch3d = batch.astype(jnp.int32).reshape(_NB, 1, _RB)

    n_pad = NI_PAD - NI
    src_pad = jnp.arange(n_pad, dtype=jnp.int32) % N
    dst_pad = PAD_ROW + (jnp.arange(n_pad, dtype=jnp.int32) % (NP - N))
    node_src = jnp.concatenate([node_idx, src_pad])
    node_dst = jnp.concatenate([node_idx, dst_pad])
    edge_src = jnp.concatenate([edge_idx, src_pad])
    edge_dst = jnp.concatenate([edge_idx, dst_pad])
    pairsA = jnp.stack([node_src.reshape(-1, CHUNK),
                        edge_dst.reshape(-1, CHUNK)], axis=1)
    pairsB = jnp.stack([edge_src.reshape(-1, CHUNK),
                        node_dst.reshape(-1, CHUNK)], axis=1)

    zeros_nd = jnp.zeros((NP, D), _f32)
    zeros_np = jnp.zeros((NP,), _f32)

    xw = _tc_matmul(x, W1)
    heP, cntB = _phase(xw, pairsA, zeros_nd, zeros_np)
    he = _tc_combine(heP, cntB)
    outP, cntD = _phase(he, pairsB, zeros_nd, zeros_np)
    xw = _tc_combine_relu_mm(outP, cntD, b1, W2)

    heP, cntB = _phase(xw, pairsA, zeros_nd, zeros_np)
    he = _tc_combine(heP, cntB)
    outP, cntD = _phase(he, pairsB, zeros_nd, zeros_np)
    return _tc_combine_relu_pool(outP, cntD, b2, batch3d)

# --- scband reference (transcript-rebuilt; emitter-appended) ---
"""Pipeline reference for scband-hgnnencoder-72000831750624 (READ-ONLY COPY).

The authoritative reference and input builder live on the scoring server;
editing this copy changes nothing except your own understanding.
"""

import jax, jax.numpy as jnp
import numpy as np

N_NODES = 10000
N_INCIDENCES = 320000
D_IN = 128
D_HID = 128
D_OUT = 128


def _glorot(key, shape):
    fan_in, fan_out = shape[0], shape[1]
    limit = np.sqrt(6.0 / (fan_in + fan_out))
    return jax.random.uniform(key, shape, dtype=jnp.float32, minval=-limit, maxval=limit)


def setup_inputs(seed: int = 0) -> dict:
    key = jax.random.key(seed)
    k1, k2, k3, k4, k5 = jax.random.split(key, 5)
    x = jax.random.normal(k1, (N_NODES, D_IN), dtype=jnp.float32)
    hyperedge_index = jax.random.randint(k2, (2, N_INCIDENCES), 0, N_NODES, dtype=jnp.int64)
    batch = jnp.sort(jax.random.randint(k3, (N_NODES,), 0, 64, dtype=jnp.int64))
    W1 = _glorot(k4, (D_IN, D_HID))
    b1 = jnp.zeros((D_HID,), dtype=jnp.float32)
    W2 = _glorot(k5, (D_HID, D_OUT))
    b2 = jnp.zeros((D_OUT,), dtype=jnp.float32)
    return {"x": x, "hyperedge_index": hyperedge_index, "batch": batch,
            "W1": W1, "b1": b1, "W2": W2, "b2": b2}


def _hypergraph_conv(x, hyperedge_index, W, b, num_nodes, num_edges):
    # Faithful port of torch_geometric HypergraphConv (heads=1, no attention,
    # hyperedge_weight = ones): X' = D^-1 H W_e B^-1 H^T X Theta + bias
    x = x @ W
    node_idx = hyperedge_index[0]
    edge_idx = hyperedge_index[1]
    hyperedge_weight = jnp.ones((num_edges,), dtype=x.dtype)
    D = jax.ops.segment_sum(hyperedge_weight[edge_idx], node_idx, num_segments=num_nodes)
    D = jnp.where(D > 0, 1.0 / D, 0.0)
    B = jax.ops.segment_sum(jnp.ones((edge_idx.shape[0],), dtype=x.dtype), edge_idx, num_segments=num_edges)
    B = jnp.where(B > 0, 1.0 / B, 0.0)
    # propagate 1: nodes -> hyperedges, message = B[e] * x[v]
    msg = B[edge_idx][:, None] * x[node_idx]
    he = jax.ops.segment_sum(msg, edge_idx, num_segments=num_edges)
    # propagate 2: hyperedges -> nodes, message = D[v] * he[e]
    msg2 = D[node_idx][:, None] * he[edge_idx]
    out = jax.ops.segment_sum(msg2, node_idx, num_segments=num_nodes)
    return out + b


def _global_mean_pool(x, batch, num_graphs):
    sums = jax.ops.segment_sum(x, batch, num_segments=num_graphs)
    cnt = jax.ops.segment_sum(jnp.ones((x.shape[0],), dtype=x.dtype), batch, num_segments=num_graphs)
    return sums / jnp.clip(cnt, 1.0)[:, None]


def reference(x, hyperedge_index, batch, W1, b1, W2, b2):
    num_nodes = x.shape[0]
    num_edges = x.shape[0]
    num_graphs = 64
    h = jax.nn.relu(_hypergraph_conv(x, hyperedge_index, W1, b1, num_nodes, num_edges))
    h = jax.nn.relu(_hypergraph_conv(h, hyperedge_index, W2, b2, num_nodes, num_edges))
    return _global_mean_pool(h, batch, num_graphs)

if __name__ == "__main__":
    import jax
    _d = setup_inputs()
    print(jax.jit(kernel)(*tuple(_d.values())))

</pallas_src>

<mosaic_0001>
#map = affine_map<(d0, d1) -> (0, 0)>
#map1 = affine_map<(d0, d1) -> (0, 0, 0)>
#map2 = affine_map<(d0, d1) -> (0)>
module attributes {stable_mosaic.version = 14 : i64} {
  func.func @_phase_body(%arg0: i32, %arg1: i32, %arg2: memref<10000x128xf32, #tpu.memory_space<hbm>>, %arg3: memref<2560x2x128xi32, #tpu.memory_space<hbm>>, %arg4: memref<10240x128xf32, #tpu.memory_space<hbm>>, %arg5: memref<10240xf32, #tpu.memory_space<hbm>>, %arg6: memref<20480x128xf32, #tpu.memory_space<hbm>>, %arg7: memref<32x10240xf32, #tpu.memory_space<hbm>>, %arg8: memref<2x128xi32, #tpu.memory_space<vmem>>, %arg9: memref<2x128xi32, #tpu.memory_space<vmem>>, %arg10: memref<2x128xi32, #tpu.memory_space<vmem>>, %arg11: memref<2x128xi32, #tpu.memory_space<vmem>>, %arg12: memref<128x128xf32, #tpu.memory_space<vmem>>, %arg13: memref<128x128xf32, #tpu.memory_space<vmem>>, %arg14: memref<10240xf32, #tpu.memory_space<vmem>>, %arg15: memref<10240x128xf32, #tpu.memory_space<vmem_shared>>, %arg16: memref<!tpu.dma_semaphore, #tpu.memory_space<semaphore_mem>>, %arg17: memref<!tpu.dma_semaphore, #tpu.memory_space<semaphore_mem>>, %arg18: memref<!tpu.dma_semaphore, #tpu.memory_space<semaphore_mem>>, %arg19: memref<!tpu.dma_semaphore, #tpu.memory_space<semaphore_mem>>, %arg20: memref<!tpu.dma_semaphore, #tpu.memory_space<semaphore_mem>>, %arg21: memref<!tpu.dma_semaphore, #tpu.memory_space<semaphore_mem>>, %arg22: memref<!tpu.dma_semaphore, #tpu.memory_space<semaphore_mem>>, %arg23: memref<!tpu.dma_semaphore, #tpu.memory_space<semaphore_mem>>) attributes {dimension_semantics = [#tpu.dimension_semantics<core_parallel>, #tpu.dimension_semantics<subcore_parallel>], iteration_bounds = array<i64: 2, 16>, scalar_prefetch = 0 : i64, scratch_operands = 16 : i64, tpu.core_type = #tpu.core_type<sc_vector_subcore>, window_params = [{transform_indices = #map}, {transform_indices = #map1}, {transform_indices = #map}, {transform_indices = #map2}, {transform_indices = #map}, {transform_indices = #map}]} {
    %mul3A = arith.constant 16 : i32
    %mul3A_0 = arith.muli %arg0, %mul3A : i32
    %add3A = arith.addi %mul3A_0, %arg1 : i32
    %mul3A_1 = arith.constant 640 : i32
    %mul3A_2 = arith.muli %arg1, %mul3A_1 : i32
    %broadcast_in_dim3A = arith.constant 1.000000e+00 : f32
    %broadcast_in_dim3A_3 = vector.broadcast %broadcast_in_dim3A : f32 to vector<16xf32>
    %mul3A_4 = arith.constant 80 : i32
    %mul3A_5 = arith.muli %add3A, %mul3A_4 : i32
    %add3A_6 = arith.constant 0 : i32
    %add3A_7 = arith.addi %mul3A_5, %add3A_6 : i32
    %dma_start3A = arith.constant 0 : i32
    %dma_start3A_8 = arith.constant 0 : i32
    %dma_start3A_9 = tpu.memref_slice %arg3[%add3A_7, %dma_start3A, %dma_start3A_8] : memref<2560x2x128xi32, #tpu.memory_space<hbm>> -> memref<1x2x128xi32, #tpu.memory_space<hbm>>
    %dma_start3A_10 = tpu.memref_squeeze %dma_start3A_9 : memref<1x2x128xi32, #tpu.memory_space<hbm>> -> memref<2x128xi32, #tpu.memory_space<hbm>>
    %dma_start3A_11 = arith.constant 0 : i32
    %dma_start3A_12 = arith.constant 0 : i32
    %dma_start3A_13 = tpu.memref_slice %arg3[%add3A_7, %dma_start3A_11, %dma_start3A_12] : memref<2560x2x128xi32, #tpu.memory_space<hbm>> -> memref<1x2x128xi32, #tpu.memory_space<hbm>>
    %dma_start3A_14 = tpu.memref_squeeze %dma_start3A_13 : memref<1x2x128xi32, #tpu.memory_space<hbm>> -> memref<2x128xi32, #tpu.memory_space<hbm>>
    tpu.enqueue_dma source(%dma_start3A_14 : memref<2x128xi32, #tpu.memory_space<hbm>>) target(%arg8 : memref<2x128xi32, #tpu.memory_space<vmem>>) target_semaphore(%arg16 : memref<!tpu.dma_semaphore, #tpu.memory_space<semaphore_mem>>)
    %mul3A_15 = arith.constant 80 : i32
    %mul3A_16 = arith.muli %add3A, %mul3A_15 : i32
    %add3A_17 = arith.constant 1 : i32
    %add3A_18 = arith.addi %mul3A_16, %add3A_17 : i32
    %dma_start3A_19 = arith.constant 0 : i32
    %dma_start3A_20 = arith.constant 0 : i32
    %dma_start3A_21 = tpu.memref_slice %arg3[%add3A_18, %dma_start3A_19, %dma_start3A_20] : memref<2560x2x128xi32, #tpu.memory_space<hbm>> -> memref<1x2x128xi32, #tpu.memory_space<hbm>>
    %dma_start3A_22 = tpu.memref_squeeze %dma_start3A_21 : memref<1x2x128xi32, #tpu.memory_space<hbm>> -> memref<2x128xi32, #tpu.memory_space<hbm>>
    %dma_start3A_23 = arith.constant 0 : i32
    %dma_start3A_24 = arith.constant 0 : i32
    %dma_start3A_25 = tpu.memref_slice %arg3[%add3A_18, %dma_start3A_23, %dma_start3A_24] : memref<2560x2x128xi32, #tpu.memory_space<hbm>> -> memref<1x2x128xi32, #tpu.memory_space<hbm>>
    %dma_start3A_26 = tpu.memref_squeeze %dma_start3A_25 : memref<1x2x128xi32, #tpu.memory_space<hbm>> -> memref<2x128xi32, #tpu.memory_space<hbm>>
    tpu.enqueue_dma source(%dma_start3A_26 : memref<2x128xi32, #tpu.memory_space<hbm>>) target(%arg9 : memref<2x128xi32, #tpu.memory_space<vmem>>) target_semaphore(%arg17 : memref<!tpu.dma_semaphore, #tpu.memory_space<semaphore_mem>>)
    "tpu.region"() ({
      %run_scoped3A = tpu.sem_alloc : memref<!tpu.dma_semaphore, #tpu.memory_space<semaphore_mem>>
      %dma_start3A_155 = arith.constant 0 : i32
      %dma_start3A_156 = tpu.memref_slice %arg15[%mul3A_2, %dma_start3A_155] : memref<10240x128xf32, #tpu.memory_space<vmem_shared>> -> memref<640x128xf32, #tpu.memory_space<vmem_shared>>
      %dma_start3A_157 = arith.constant 0 : i32
      %dma_start3A_158 = tpu.memref_slice %arg4[%mul3A_2, %dma_start3A_157] : memref<10240x128xf32, #tpu.memory_space<hbm>> -> memref<640x128xf32, #tpu.memory_space<hbm>>
      tpu.enqueue_dma source(%dma_start3A_158 : memref<640x128xf32, #tpu.memory_space<hbm>>) target(%dma_start3A_156 : memref<640x128xf32, #tpu.memory_space<vmem_shared>>) target_semaphore(%run_scoped3A : memref<!tpu.dma_semaphore, #tpu.memory_space<semaphore_mem>>)
      %dma_wait3A_159 = arith.constant 0 : i32
      %dma_wait3A_160 = tpu.memref_slice %arg15[%mul3A_2, %dma_wait3A_159] : memref<10240x128xf32, #tpu.memory_space<vmem_shared>> -> memref<640x128xf32, #tpu.memory_space<vmem_shared>>
      %dma_wait3A_161 = arith.constant 0 : i32
      %dma_wait3A_162 = tpu.memref_slice %arg4[%mul3A_2, %dma_wait3A_161] : memref<10240x128xf32, #tpu.memory_space<hbm>> -> memref<640x128xf32, #tpu.memory_space<hbm>>
      tpu.wait_dma2 semaphore(%run_scoped3A : memref<!tpu.dma_semaphore, #tpu.memory_space<semaphore_mem>>) src(%dma_wait3A_162 : memref<640x128xf32, #tpu.memory_space<hbm>>) dst(%dma_wait3A_160 : memref<640x128xf32, #tpu.memory_space<vmem_shared>>)
      tpu.yield
    }) : () -> ()
    "tpu.region"() ({
      %run_scoped3A = tpu.sem_alloc : memref<!tpu.dma_semaphore, #tpu.memory_space<semaphore_mem>>
      tpu.enqueue_dma source(%arg5 : memref<10240xf32, #tpu.memory_space<hbm>>) target(%arg14 : memref<10240xf32, #tpu.memory_space<vmem>>) target_semaphore(%run_scoped3A : memref<!tpu.dma_semaphore, #tpu.memory_space<semaphore_mem>>)
      tpu.wait_dma2 semaphore(%run_scoped3A : memref<!tpu.dma_semaphore, #tpu.memory_space<semaphore_mem>>) src(%arg5 : memref<10240xf32, #tpu.memory_space<hbm>>) dst(%arg14 : memref<10240xf32, #tpu.memory_space<vmem>>)
      tpu.yield
    }) : () -> ()
    %barrier3A = arith.constant 0 : index
    tpu.barrier barrier_id(%barrier3A)
    %scan3A = arith.constant 0 : i32
    %scan3A_27 = arith.constant 1 : i32
    %scan3A_28 = arith.constant 0 : i32
    %scan3A_29 = arith.constant 0 : i32
    %scan3A_30 = arith.constant 1 : i32
    %scan3A_31 = arith.constant 0 : i32
    %scan3A_32 = arith.constant 1 : i32
    %scan3A_33 = arith.constant 0 : i32
    %scan3A_34 = arith.constant 1 : i32
    %scan3A_35 = arith.constant 0 : i32
    %scan3A_36 = arith.constant 20 : i32
    %scan3A_37 = arith.addi %scan3A_35, %scan3A_36 : i32
    %scan3A_38 = arith.constant 1 : i32
    scf.for %scan3A_155 = %scan3A_35 to %scan3A_37 step %scan3A_38  : i32 {
      %mul3A_156 = arith.constant 4 : i32
      %mul3A_157 = arith.muli %mul3A_156, %scan3A_155 : i32
      %add3A_158 = arith.constant 0 : i32
      %add3A_159 = arith.addi %mul3A_157, %add3A_158 : i32
      %dma_wait3A_160 = arith.constant 0 : i32
      %dma_wait3A_161 = arith.constant 0 : i32
      %dma_wait3A_162 = arith.constant 0 : i32
      %dma_wait3A_163 = tpu.memref_slice %arg3[%dma_wait3A_160, %dma_wait3A_161, %dma_wait3A_162] : memref<2560x2x128xi32, #tpu.memory_space<hbm>> -> memref<1x2x128xi32, #tpu.memory_space<hbm>>
      %dma_wait3A_164 = tpu.memref_squeeze %dma_wait3A_163 : memref<1x2x128xi32, #tpu.memory_space<hbm>> -> memref<2x128xi32, #tpu.memory_space<hbm>>
      %dma_wait3A_165 = arith.constant 0 : i32
      %dma_wait3A_166 = arith.constant 0 : i32
      %dma_wait3A_167 = tpu.memref_slice %arg3[%dma_wait3A_160, %dma_wait3A_165, %dma_wait3A_166] : memref<2560x2x128xi32, #tpu.memory_space<hbm>> -> memref<1x2x128xi32, #tpu.memory_space<hbm>>
      %dma_wait3A_168 = tpu.memref_squeeze %dma_wait3A_167 : memref<1x2x128xi32, #tpu.memory_space<hbm>> -> memref<2x128xi32, #tpu.memory_space<hbm>>
      tpu.wait_dma2 semaphore(%arg16 : memref<!tpu.dma_semaphore, #tpu.memory_space<semaphore_mem>>) src(%dma_wait3A_168 : memref<2x128xi32, #tpu.memory_space<hbm>>) dst(%arg8 : memref<2x128xi32, #tpu.memory_space<vmem>>)
      %ge3A = arith.constant 2 : i32
      %ge3A_169 = arith.cmpi sge, %add3A_159, %ge3A : i32
      %convert_element_type3A = arith.extui %ge3A_169 : i1 to i32
      %cond3A = arith.constant 0 : i32
      %cond3A_170 = arith.cmpi ne, %convert_element_type3A, %cond3A : i32
      scf.if %cond3A_170 {
        %dma_wait3A_423 = arith.constant 0 : i32
        %dma_wait3A_424 = tpu.memref_slice %arg10[%scan3A_27, %dma_wait3A_423] : memref<2x128xi32, #tpu.memory_space<vmem>> -> memref<1x128xi32, #tpu.memory_space<vmem>>
        %dma_wait3A_425 = tpu.memref_squeeze %dma_wait3A_424 : memref<1x128xi32, #tpu.memory_space<vmem>> -> memref<128xi32, #tpu.memory_space<vmem>>
        %dma_wait3A_426 = arith.constant 0 : i32
        %dma_wait3A_427 = arith.constant 0 : i32
        %dma_wait3A_428 = tpu.memref_slice %arg15[%dma_wait3A_426, %dma_wait3A_427] : memref<10240x128xf32, #tpu.memory_space<vmem_shared>> -> memref<10240x128xf32, #tpu.memory_space<vmem_shared>>
        tpu.wait_indirect_dma semaphore(%arg22 : memref<!tpu.dma_semaphore, #tpu.memory_space<semaphore_mem>>) src(%arg12 : memref<128x128xf32, #tpu.memory_space<vmem>>) dst(%dma_wait3A_428 : memref<10240x128xf32, #tpu.memory_space<vmem_shared>>)
      } else {
      }
      %add3A_171 = arith.constant 2 : i32
      %add3A_172 = arith.addi %add3A_159, %add3A_171 : i32
      %lt3A = arith.constant 80 : i32
      %lt3A_173 = arith.cmpi slt, %add3A_172, %lt3A : i32
      %convert_element_type3A_174 = arith.extui %lt3A_173 : i1 to i32
      %cond3A_175 = arith.constant 0 : i32
      %cond3A_176 = arith.cmpi ne, %convert_element_type3A_174, %cond3A_175 : i32
      scf.if %cond3A_176 {
        %add3A_423 = arith.constant 2 : i32
        %add3A_424 = arith.addi %add3A_159, %add3A_423 : i32
        %mul3A_425 = arith.constant 80 : i32
        %mul3A_426 = arith.muli %add3A, %mul3A_425 : i32
        %add3A_427 = arith.addi %mul3A_426, %add3A_424 : i32
        %dma_start3A_428 = arith.constant 0 : i32
        %dma_start3A_429 = arith.constant 0 : i32
        %dma_start3A_430 = tpu.memref_slice %arg3[%add3A_427, %dma_start3A_428, %dma_start3A_429] : memref<2560x2x128xi32, #tpu.memory_space<hbm>> -> memref<1x2x128xi32, #tpu.memory_space<hbm>>
        %dma_start3A_431 = tpu.memref_squeeze %dma_start3A_430 : memref<1x2x128xi32, #tpu.memory_space<hbm>> -> memref<2x128xi32, #tpu.memory_space<hbm>>
        %dma_start3A_432 = arith.constant 0 : i32
        %dma_start3A_433 = arith.constant 0 : i32
        %dma_start3A_434 = tpu.memref_slice %arg3[%add3A_427, %dma_start3A_432, %dma_start3A_433] : memref<2560x2x128xi32, #tpu.memory_space<hbm>> -> memref<1x2x128xi32, #tpu.memory_space<hbm>>
        %dma_start3A_435 = tpu.memref_squeeze %dma_start3A_434 : memref<1x2x128xi32, #tpu.memory_space<hbm>> -> memref<2x128xi32, #tpu.memory_space<hbm>>
        tpu.enqueue_dma source(%dma_start3A_435 : memref<2x128xi32, #tpu.memory_space<hbm>>) target(%arg10 : memref<2x128xi32, #tpu.memory_space<vmem>>) target_semaphore(%arg18 : memref<!tpu.dma_semaphore, #tpu.memory_space<semaphore_mem>>)
      } else {
      }
      %dma_start3A_177 = arith.constant 0 : i32
      %dma_start3A_178 = tpu.memref_slice %arg8[%scan3A_28, %dma_start3A_177] : memref<2x128xi32, #tpu.memory_space<vmem>> -> memref<1x128xi32, #tpu.memory_space<vmem>>
      %dma_start3A_179 = tpu.memref_squeeze %dma_start3A_178 : memref<1x128xi32, #tpu.memory_space<vmem>> -> memref<128xi32, #tpu.memory_space<vmem>>
      %dma_start3A_180 = arith.constant 0 : i32
      %dma_start3A_181 = arith.constant 0 : i32
      %dma_start3A_182 = tpu.memref_slice %arg2[%dma_start3A_180, %dma_start3A_181] : memref<10000x128xf32, #tpu.memory_space<hbm>> -> memref<10000x128xf32, #tpu.memory_space<hbm>>
      tpu.enqueue_indirect_dma source(%dma_start3A_182 : memref<10000x128xf32, #tpu.memory_space<hbm>>) target(%arg12 : memref<128x128xf32, #tpu.memory_space<vmem>>) offsets(%dma_start3A_179 : memref<128xi32, #tpu.memory_space<vmem>>) semaphore(%arg20 : memref<!tpu.dma_semaphore, #tpu.memory_space<semaphore_mem>>)
      %get3A = arith.constant 1 : i32
      %get3A_183 = arith.index_cast %get3A : i32 to index
      %get3A_184 = arith.constant 0 : index
      %get3A_185 = tpu.vector_load %arg8[%get3A_183, %get3A_184] {strides = array<i32>} : memref<2x128xi32, #tpu.memory_space<vmem>>, vector<16xi32>,
      tpu.vector_store_idx %arg14[%get3A_185], %broadcast_in_dim3A_3 {add = true} : memref<10240xf32, #tpu.memory_space<vmem>>[vector<16xi32>], vector<16xf32>,
      %get3A_186 = arith.constant 1 : i32
      %get3A_187 = arith.index_cast %get3A_186 : i32 to index
      %get3A_188 = arith.constant 16 : index
      %get3A_189 = tpu.vector_load %arg8[%get3A_187, %get3A_188] {strides = array<i32>} : memref<2x128xi32, #tpu.memory_space<vmem>>, vector<16xi32>,
      tpu.vector_store_idx %arg14[%get3A_189], %broadcast_in_dim3A_3 {add = true} : memref<10240xf32, #tpu.memory_space<vmem>>[vector<16xi32>], vector<16xf32>,
      %get3A_190 = arith.constant 1 : i32
      %get3A_191 = arith.index_cast %get3A_190 : i32 to index
      %get3A_192 = arith.constant 32 : index
      %get3A_193 = tpu.vector_load %arg8[%get3A_191, %get3A_192] {strides = array<i32>} : memref<2x128xi32, #tpu.memory_space<vmem>>, vector<16xi32>,
      tpu.vector_store_idx %arg14[%get3A_193], %broadcast_in_dim3A_3 {add = true} : memref<10240xf32, #tpu.memory_space<vmem>>[vector<16xi32>], vector<16xf32>,
      %get3A_194 = arith.constant 1 : i32
      %get3A_195 = arith.index_cast %get3A_194 : i32 to index
      %get3A_196 = arith.constant 48 : index
      %get3A_197 = tpu.vector_load %arg8[%get3A_195, %get3A_196] {strides = array<i32>} : memref<2x128xi32, #tpu.memory_space<vmem>>, vector<16xi32>,
      tpu.vector_store_idx %arg14[%get3A_197], %broadcast_in_dim3A_3 {add = true} : memref<10240xf32, #tpu.memory_space<vmem>>[vector<16xi32>], vector<16xf32>,
      %get3A_198 = arith.constant 1 : i32
      %get3A_199 = arith.index_cast %get3A_198 : i32 to index
      %get3A_200 = arith.constant 64 : index
      %get3A_201 = tpu.vector_load %arg8[%get3A_199, %get3A_200] {strides = array<i32>} : memref<2x128xi32, #tpu.memory_space<vmem>>, vector<16xi32>,
      tpu.vector_store_idx %arg14[%get3A_201], %broadcast_in_dim3A_3 {add = true} : memref<10240xf32, #tpu.memory_space<vmem>>[vector<16xi32>], vector<16xf32>,
      %get3A_202 = arith.constant 1 : i32
      %get3A_203 = arith.index_cast %get3A_202 : i32 to index
      %get3A_204 = arith.constant 80 : index
      %get3A_205 = tpu.vector_load %arg8[%get3A_203, %get3A_204] {strides = array<i32>} : memref<2x128xi32, #tpu.memory_space<vmem>>, vector<16xi32>,
      tpu.vector_store_idx %arg14[%get3A_205], %broadcast_in_dim3A_3 {add = true} : memref<10240xf32, #tpu.memory_space<vmem>>[vector<16xi32>], vector<16xf32>,
      %get3A_206 = arith.constant 1 : i32
      %get3A_207 = arith.index_cast %get3A_206 : i32 to index
      %get3A_208 = arith.constant 96 : index
      %get3A_209 = tpu.vector_load %arg8[%get3A_207, %get3A_208] {strides = array<i32>} : memref<2x128xi32, #tpu.memory_space<vmem>>, vector<16xi32>,
      tpu.vector_store_idx %arg14[%get3A_209], %broadcast_in_dim3A_3 {add = true} : memref<10240xf32, #tpu.memory_space<vmem>>[vector<16xi32>], vector<16xf32>,
      %get3A_210 = arith.constant 1 : i32
      %get3A_211 = arith.index_cast %get3A_210 : i32 to index
      %get3A_212 = arith.constant 112 : index
      %get3A_213 = tpu.vector_load %arg8[%get3A_211, %get3A_212] {strides = array<i32>} : memref<2x128xi32, #tpu.memory_space<vmem>>, vector<16xi32>,
      tpu.vector_store_idx %arg14[%get3A_213], %broadcast_in_dim3A_3 {add = true} : memref<10240xf32, #tpu.memory_space<vmem>>[vector<16xi32>], vector<16xf32>,
      %ge3A_214 = arith.constant 1 : i32
      %ge3A_215 = arith.cmpi sge, %add3A_159, %ge3A_214 : i32
      %convert_element_type3A_216 = arith.extui %ge3A_215 : i1 to i32
      %cond3A_217 = arith.constant 0 : i32
      %cond3A_218 = arith.cmpi ne, %convert_element_type3A_216, %cond3A_217 : i32
      scf.if %cond3A_218 {
        %dma_wait3A_423 = arith.constant 0 : i32
        %dma_wait3A_424 = tpu.memref_slice %arg11[%scan3A_29, %dma_wait3A_423] : memref<2x128xi32, #tpu.memory_space<vmem>> -> memref<1x128xi32, #tpu.memory_space<vmem>>
        %dma_wait3A_425 = tpu.memref_squeeze %dma_wait3A_424 : memref<1x128xi32, #tpu.memory_space<vmem>> -> memref<128xi32, #tpu.memory_space<vmem>>
        %dma_wait3A_426 = arith.constant 0 : i32
        %dma_wait3A_427 = arith.constant 0 : i32
        %dma_wait3A_428 = tpu.memref_slice %arg2[%dma_wait3A_426, %dma_wait3A_427] : memref<10000x128xf32, #tpu.memory_space<hbm>> -> memref<10000x128xf32, #tpu.memory_space<hbm>>
        tpu.wait_indirect_dma semaphore(%arg21 : memref<!tpu.dma_semaphore, #tpu.memory_space<semaphore_mem>>) src(%dma_wait3A_428 : memref<10000x128xf32, #tpu.memory_space<hbm>>) dst(%arg13 : memref<128x128xf32, #tpu.memory_space<vmem>>)
        %dma_start3A_429 = arith.constant 0 : i32
        %dma_start3A_430 = tpu.memref_slice %arg11[%scan3A_30, %dma_start3A_429] : memref<2x128xi32, #tpu.memory_space<vmem>> -> memref<1x128xi32, #tpu.memory_space<vmem>>
        %dma_start3A_431 = tpu.memref_squeeze %dma_start3A_430 : memref<1x128xi32, #tpu.memory_space<vmem>> -> memref<128xi32, #tpu.memory_space<vmem>>
        %dma_start3A_432 = arith.constant 0 : i32
        %dma_start3A_433 = arith.constant 0 : i32
        %dma_start3A_434 = tpu.memref_slice %arg15[%dma_start3A_432, %dma_start3A_433] : memref<10240x128xf32, #tpu.memory_space<vmem_shared>> -> memref<10240x128xf32, #tpu.memory_space<vmem_shared>>
        tpu.enqueue_indirect_dma source(%arg13 : memref<128x128xf32, #tpu.memory_space<vmem>>) target(%dma_start3A_434 : memref<10240x128xf32, #tpu.memory_space<vmem_shared>>) offsets(%dma_start3A_431 : memref<128xi32, #tpu.memory_space<vmem>>) semaphore(%arg23 : memref<!tpu.dma_semaphore, #tpu.memory_space<semaphore_mem>>) {add = true}
      } else {
      }
      %mul3A_219 = arith.constant 4 : i32
      %mul3A_220 = arith.muli %mul3A_219, %scan3A_155 : i32
      %add3A_221 = arith.constant 1 : i32
      %add3A_222 = arith.addi %mul3A_220, %add3A_221 : i32
      %dma_wait3A_223 = arith.constant 0 : i32
      %dma_wait3A_224 = arith.constant 0 : i32
      %dma_wait3A_225 = arith.constant 0 : i32
      %dma_wait3A_226 = tpu.memref_slice %arg3[%dma_wait3A_223, %dma_wait3A_224, %dma_wait3A_225] : memref<2560x2x128xi32, #tpu.memory_space<hbm>> -> memref<1x2x128xi32, #tpu.memory_space<hbm>>
      %dma_wait3A_227 = tpu.memref_squeeze %dma_wait3A_226 : memref<1x2x128xi32, #tpu.memory_space<hbm>> -> memref<2x128xi32, #tpu.memory_space<hbm>>
      %dma_wait3A_228 = arith.constant 0 : i32
      %dma_wait3A_229 = arith.constant 0 : i32
      %dma_wait3A_230 = tpu.memref_slice %arg3[%dma_wait3A_223, %dma_wait3A_228, %dma_wait3A_229] : memref<2560x2x128xi32, #tpu.memory_space<hbm>> -> memref<1x2x128xi32, #tpu.memory_space<hbm>>
      %dma_wait3A_231 = tpu.memref_squeeze %dma_wait3A_230 : memref<1x2x128xi32, #tpu.memory_space<hbm>> -> memref<2x128xi32, #tpu.memory_space<hbm>>
      tpu.wait_dma2 semaphore(%arg17 : memref<!tpu.dma_semaphore, #tpu.memory_space<semaphore_mem>>) src(%dma_wait3A_231 : memref<2x128xi32, #tpu.memory_space<hbm>>) dst(%arg9 : memref<2x128xi32, #tpu.memory_space<vmem>>)
      %ge3A_232 = arith.constant 2 : i32
      %ge3A_233 = arith.cmpi sge, %add3A_222, %ge3A_232 : i32
      %convert_element_type3A_234 = arith.extui %ge3A_233 : i1 to i32
      %cond3A_235 = arith.constant 0 : i32
      %cond3A_236 = arith.cmpi ne, %convert_element_type3A_234, %cond3A_235 : i32
      scf.if %cond3A_236 {
        %dma_wait3A_423 = arith.constant 0 : i32
        %dma_wait3A_424 = tpu.memref_slice %arg11[%scan3A_30, %dma_wait3A_423] : memref<2x128xi32, #tpu.memory_space<vmem>> -> memref<1x128xi32, #tpu.memory_space<vmem>>
        %dma_wait3A_425 = tpu.memref_squeeze %dma_wait3A_424 : memref<1x128xi32, #tpu.memory_space<vmem>> -> memref<128xi32, #tpu.memory_space<vmem>>
        %dma_wait3A_426 = arith.constant 0 : i32
        %dma_wait3A_427 = arith.constant 0 : i32
        %dma_wait3A_428 = tpu.memref_slice %arg15[%dma_wait3A_426, %dma_wait3A_427] : memref<10240x128xf32, #tpu.memory_space<vmem_shared>> -> memref<10240x128xf32, #tpu.memory_space<vmem_shared>>
        tpu.wait_indirect_dma semaphore(%arg23 : memref<!tpu.dma_semaphore, #tpu.memory_space<semaphore_mem>>) src(%arg13 : memref<128x128xf32, #tpu.memory_space<vmem>>) dst(%dma_wait3A_428 : memref<10240x128xf32, #tpu.memory_space<vmem_shared>>)
      } else {
      }
      %add3A_237 = arith.constant 2 : i32
      %add3A_238 = arith.addi %add3A_222, %add3A_237 : i32
      %lt3A_239 = arith.constant 80 : i32
      %lt3A_240 = arith.cmpi slt, %add3A_238, %lt3A_239 : i32
      %convert_element_type3A_241 = arith.extui %lt3A_240 : i1 to i32
      %cond3A_242 = arith.constant 0 : i32
      %cond3A_243 = arith.cmpi ne, %convert_element_type3A_241, %cond3A_242 : i32
      scf.if %cond3A_243 {
        %add3A_423 = arith.constant 2 : i32
        %add3A_424 = arith.addi %add3A_222, %add3A_423 : i32
        %mul3A_425 = arith.constant 80 : i32
        %mul3A_426 = arith.muli %add3A, %mul3A_425 : i32
        %add3A_427 = arith.addi %mul3A_426, %add3A_424 : i32
        %dma_start3A_428 = arith.constant 0 : i32
        %dma_start3A_429 = arith.constant 0 : i32
        %dma_start3A_430 = tpu.memref_slice %arg3[%add3A_427, %dma_start3A_428, %dma_start3A_429] : memref<2560x2x128xi32, #tpu.memory_space<hbm>> -> memref<1x2x128xi32, #tpu.memory_space<hbm>>
        %dma_start3A_431 = tpu.memref_squeeze %dma_start3A_430 : memref<1x2x128xi32, #tpu.memory_space<hbm>> -> memref<2x128xi32, #tpu.memory_space<hbm>>
        %dma_start3A_432 = arith.constant 0 : i32
        %dma_start3A_433 = arith.constant 0 : i32
        %dma_start3A_434 = tpu.memref_slice %arg3[%add3A_427, %dma_start3A_432, %dma_start3A_433] : memref<2560x2x128xi32, #tpu.memory_space<hbm>> -> memref<1x2x128xi32, #tpu.memory_space<hbm>>
        %dma_start3A_435 = tpu.memref_squeeze %dma_start3A_434 : memref<1x2x128xi32, #tpu.memory_space<hbm>> -> memref<2x128xi32, #tpu.memory_space<hbm>>
        tpu.enqueue_dma source(%dma_start3A_435 : memref<2x128xi32, #tpu.memory_space<hbm>>) target(%arg11 : memref<2x128xi32, #tpu.memory_space<vmem>>) target_semaphore(%arg19 : memref<!tpu.dma_semaphore, #tpu.memory_space<semaphore_mem>>)
      } else {
      }
      %dma_start3A_244 = arith.constant 0 : i32
      %dma_start3A_245 = tpu.memref_slice %arg9[%scan3A_31, %dma_start3A_244] : memref<2x128xi32, #tpu.memory_space<vmem>> -> memref<1x128xi32, #tpu.memory_space<vmem>>
      %dma_start3A_246 = tpu.memref_squeeze %dma_start3A_245 : memref<1x128xi32, #tpu.memory_space<vmem>> -> memref<128xi32, #tpu.memory_space<vmem>>
      %dma_start3A_247 = arith.constant 0 : i32
      %dma_start3A_248 = arith.constant 0 : i32
      %dma_start3A_249 = tpu.memref_slice %arg2[%dma_start3A_247, %dma_start3A_248] : memref<10000x128xf32, #tpu.memory_space<hbm>> -> memref<10000x128xf32, #tpu.memory_space<hbm>>
      tpu.enqueue_indirect_dma source(%dma_start3A_249 : memref<10000x128xf32, #tpu.memory_space<hbm>>) target(%arg13 : memref<128x128xf32, #tpu.memory_space<vmem>>) offsets(%dma_start3A_246 : memref<128xi32, #tpu.memory_space<vmem>>) semaphore(%arg21 : memref<!tpu.dma_semaphore, #tpu.memory_space<semaphore_mem>>)
      %get3A_250 = arith.constant 1 : i32
      %get3A_251 = arith.index_cast %get3A_250 : i32 to index
      %get3A_252 = arith.constant 0 : index
      %get3A_253 = tpu.vector_load %arg9[%get3A_251, %get3A_252] {strides = array<i32>} : memref<2x128xi32, #tpu.memory_space<vmem>>, vector<16xi32>,
      tpu.vector_store_idx %arg14[%get3A_253], %broadcast_in_dim3A_3 {add = true} : memref<10240xf32, #tpu.memory_space<vmem>>[vector<16xi32>], vector<16xf32>,
      %get3A_254 = arith.constant 1 : i32
      %get3A_255 = arith.index_cast %get3A_254 : i32 to index
      %get3A_256 = arith.constant 16 : index
      %get3A_257 = tpu.vector_load %arg9[%get3A_255, %get3A_256] {strides = array<i32>} : memref<2x128xi32, #tpu.memory_space<vmem>>, vector<16xi32>,
      tpu.vector_store_idx %arg14[%get3A_257], %broadcast_in_dim3A_3 {add = true} : memref<10240xf32, #tpu.memory_space<vmem>>[vector<16xi32>], vector<16xf32>,
      %get3A_258 = arith.constant 1 : i32
      %get3A_259 = arith.index_cast %get3A_258 : i32 to index
      %get3A_260 = arith.constant 32 : index
      %get3A_261 = tpu.vector_load %arg9[%get3A_259, %get3A_260] {strides = array<i32>} : memref<2x128xi32, #tpu.memory_space<vmem>>, vector<16xi32>,
      tpu.vector_store_idx %arg14[%get3A_261], %broadcast_in_dim3A_3 {add = true} : memref<10240xf32, #tpu.memory_space<vmem>>[vector<16xi32>], vector<16xf32>,
      %get3A_262 = arith.constant 1 : i32
      %get3A_263 = arith.index_cast %get3A_262 : i32 to index
      %get3A_264 = arith.constant 48 : index
      %get3A_265 = tpu.vector_load %arg9[%get3A_263, %get3A_264] {strides = array<i32>} : memref<2x128xi32, #tpu.memory_space<vmem>>, vector<16xi32>,
      tpu.vector_store_idx %arg14[%get3A_265], %broadcast_in_dim3A_3 {add = true} : memref<10240xf32, #tpu.memory_space<vmem>>[vector<16xi32>], vector<16xf32>,
      %get3A_266 = arith.constant 1 : i32
      %get3A_267 = arith.index_cast %get3A_266 : i32 to index
      %get3A_268 = arith.constant 64 : index
      %get3A_269 = tpu.vector_load %arg9[%get3A_267, %get3A_268] {strides = array<i32>} : memref<2x128xi32, #tpu.memory_space<vmem>>, vector<16xi32>,
      tpu.vector_store_idx %arg14[%get3A_269], %broadcast_in_dim3A_3 {add = true} : memref<10240xf32, #tpu.memory_space<vmem>>[vector<16xi32>], vector<16xf32>,
      %get3A_270 = arith.constant 1 : i32
      %get3A_271 = arith.index_cast %get3A_270 : i32 to index
      %get3A_272 = arith.constant 80 : index
      %get3A_273 = tpu.vector_load %arg9[%get3A_271, %get3A_272] {strides = array<i32>} : memref<2x128xi32, #tpu.memory_space<vmem>>, vector<16xi32>,
      tpu.vector_store_idx %arg14[%get3A_273], %broadcast_in_dim3A_3 {add = true} : memref<10240xf32, #tpu.memory_space<vmem>>[vector<16xi32>], vector<16xf32>,
      %get3A_274 = arith.constant 1 : i32
      %get3A_275 = arith.index_cast %get3A_274 : i32 to index
      %get3A_276 = arith.constant 96 : index
      %get3A_277 = tpu.vector_load %arg9[%get3A_275, %get3A_276] {strides = array<i32>} : memref<2x128xi32, #tpu.memory_space<vmem>>, vector<16xi32>,
      tpu.vector_store_idx %arg14[%get3A_277], %broadcast_in_dim3A_3 {add = true} : memref<10240xf32, #tpu.memory_space<vmem>>[vector<16xi32>], vector<16xf32>,
      %get3A_278 = arith.constant 1 : i32
      %get3A_279 = arith.index_cast %get3A_278 : i32 to index
      %get3A_280 = arith.constant 112 : index
      %get3A_281 = tpu.vector_load %arg9[%get3A_279, %get3A_280] {strides = array<i32>} : memref<2x128xi32, #tpu.memory_space<vmem>>, vector<16xi32>,
      tpu.vector_store_idx %arg14[%get3A_281], %broadcast_in_dim3A_3 {add = true} : memref<10240xf32, #tpu.memory_space<vmem>>[vector<16xi32>], vector<16xf32>,
      %ge3A_282 = arith.constant 1 : i32
      %ge3A_283 = arith.cmpi sge, %add3A_222, %ge3A_282 : i32
      %convert_element_type3A_284 = arith.extui %ge3A_283 : i1 to i32
      %cond3A_285 = arith.constant 0 : i32
      %cond3A_286 = arith.cmpi ne, %convert_element_type3A_284, %cond3A_285 : i32
      scf.if %cond3A_286 {
        %dma_wait3A_423 = arith.constant 0 : i32
        %dma_wait3A_424 = tpu.memref_slice %arg8[%scan3A_28, %dma_wait3A_423] : memref<2x128xi32, #tpu.memory_space<vmem>> -> memref<1x128xi32, #tpu.memory_space<vmem>>
        %dma_wait3A_425 = tpu.memref_squeeze %dma_wait3A_424 : memref<1x128xi32, #tpu.memory_space<vmem>> -> memref<128xi32, #tpu.memory_space<vmem>>
        %dma_wait3A_426 = arith.constant 0 : i32
        %dma_wait3A_427 = arith.constant 0 : i32
        %dma_wait3A_428 = tpu.memref_slice %arg2[%dma_wait3A_426, %dma_wait3A_427] : memref<10000x128xf32, #tpu.memory_space<hbm>> -> memref<10000x128xf32, #tpu.memory_space<hbm>>
        tpu.wait_indirect_dma semaphore(%arg20 : memref<!tpu.dma_semaphore, #tpu.memory_space<semaphore_mem>>) src(%dma_wait3A_428 : memref<10000x128xf32, #tpu.memory_space<hbm>>) dst(%arg12 : memref<128x128xf32, #tpu.memory_space<vmem>>)
        %dma_start3A_429 = arith.constant 0 : i32
        %dma_start3A_430 = tpu.memref_slice %arg8[%scan3A_32, %dma_start3A_429] : memref<2x128xi32, #tpu.memory_space<vmem>> -> memref<1x128xi32, #tpu.memory_space<vmem>>
        %dma_start3A_431 = tpu.memref_squeeze %dma_start3A_430 : memref<1x128xi32, #tpu.memory_space<vmem>> -> memref<128xi32, #tpu.memory_space<vmem>>
        %dma_start3A_432 = arith.constant 0 : i32
        %dma_start3A_433 = arith.constant 0 : i32
        %dma_start3A_434 = tpu.memref_slice %arg15[%dma_start3A_432, %dma_start3A_433] : memref<10240x128xf32, #tpu.memory_space<vmem_shared>> -> memref<10240x128xf32, #tpu.memory_space<vmem_shared>>
        tpu.enqueue_indirect_dma source(%arg12 : memref<128x128xf32, #tpu.memory_space<vmem>>) target(%dma_start3A_434 : memref<10240x128xf32, #tpu.memory_space<vmem_shared>>) offsets(%dma_start3A_431 : memref<128xi32, #tpu.memory_space<vmem>>) semaphore(%arg22 : memref<!tpu.dma_semaphore, #tpu.memory_space<semaphore_mem>>) {add = true}
      } else {
      }
      %mul3A_287 = arith.constant 4 : i32
      %mul3A_288 = arith.muli %mul3A_287, %scan3A_155 : i32
      %add3A_289 = arith.constant 2 : i32
      %add3A_290 = arith.addi %mul3A_288, %add3A_289 : i32
      %dma_wait3A_291 = arith.constant 0 : i32
      %dma_wait3A_292 = arith.constant 0 : i32
      %dma_wait3A_293 = arith.constant 0 : i32
      %dma_wait3A_294 = tpu.memref_slice %arg3[%dma_wait3A_291, %dma_wait3A_292, %dma_wait3A_293] : memref<2560x2x128xi32, #tpu.memory_space<hbm>> -> memref<1x2x128xi32, #tpu.memory_space<hbm>>
      %dma_wait3A_295 = tpu.memref_squeeze %dma_wait3A_294 : memref<1x2x128xi32, #tpu.memory_space<hbm>> -> memref<2x128xi32, #tpu.memory_space<hbm>>
      %dma_wait3A_296 = arith.constant 0 : i32
      %dma_wait3A_297 = arith.constant 0 : i32
      %dma_wait3A_298 = tpu.memref_slice %arg3[%dma_wait3A_291, %dma_wait3A_296, %dma_wait3A_297] : memref<2560x2x128xi32, #tpu.memory_space<hbm>> -> memref<1x2x128xi32, #tpu.memory_space<hbm>>
      %dma_wait3A_299 = tpu.memref_squeeze %dma_wait3A_298 : memref<1x2x128xi32, #tpu.memory_space<hbm>> -> memref<2x128xi32, #tpu.memory_space<hbm>>
      tpu.wait_dma2 semaphore(%arg18 : memref<!tpu.dma_semaphore, #tpu.memory_space<semaphore_mem>>) src(%dma_wait3A_299 : memref<2x128xi32, #tpu.memory_space<hbm>>) dst(%arg10 : memref<2x128xi32, #tpu.memory_space<vmem>>)
      %ge3A_300 = arith.constant 2 : i32
      %ge3A_301 = arith.cmpi sge, %add3A_290, %ge3A_300 : i32
      %convert_element_type3A_302 = arith.extui %ge3A_301 : i1 to i32
      %cond3A_303 = arith.constant 0 : i32
      %cond3A_304 = arith.cmpi ne, %convert_element_type3A_302, %cond3A_303 : i32
      scf.if %cond3A_304 {
        %dma_wait3A_423 = arith.constant 0 : i32
        %dma_wait3A_424 = tpu.memref_slice %arg8[%scan3A_32, %dma_wait3A_423] : memref<2x128xi32, #tpu.memory_space<vmem>> -> memref<1x128xi32, #tpu.memory_space<vmem>>
        %dma_wait3A_425 = tpu.memref_squeeze %dma_wait3A_424 : memref<1x128xi32, #tpu.memory_space<vmem>> -> memref<128xi32, #tpu.memory_space<vmem>>
        %dma_wait3A_426 = arith.constant 0 : i32
        %dma_wait3A_427 = arith.constant 0 : i32
        %dma_wait3A_428 = tpu.memref_slice %arg15[%dma_wait3A_426, %dma_wait3A_427] : memref<10240x128xf32, #tpu.memory_space<vmem_shared>> -> memref<10240x128xf32, #tpu.memory_space<vmem_shared>>
        tpu.wait_indirect_dma semaphore(%arg22 : memref<!tpu.dma_semaphore, #tpu.memory_space<semaphore_mem>>) src(%arg12 : memref<128x128xf32, #tpu.memory_space<vmem>>) dst(%dma_wait3A_428 : memref<10240x128xf32, #tpu.memory_space<vmem_shared>>)
      } else {
      }
      %add3A_305 = arith.constant 2 : i32
      %add3A_306 = arith.addi %add3A_290, %add3A_305 : i32
      %lt3A_307 = arith.constant 80 : i32
      %lt3A_308 = arith.cmpi slt, %add3A_306, %lt3A_307 : i32
      %convert_element_type3A_309 = arith.extui %lt3A_308 : i1 to i32
      %cond3A_310 = arith.constant 0 : i32
      %cond3A_311 = arith.cmpi ne, %convert_element_type3A_309, %cond3A_310 : i32
      scf.if %cond3A_311 {
        %add3A_423 = arith.constant 2 : i32
        %add3A_424 = arith.addi %add3A_290, %add3A_423 : i32
        %mul3A_425 = arith.constant 80 : i32
        %mul3A_426 = arith.muli %add3A, %mul3A_425 : i32
        %add3A_427 = arith.addi %mul3A_426, %add3A_424 : i32
        %dma_start3A_428 = arith.constant 0 : i32
        %dma_start3A_429 = arith.constant 0 : i32
        %dma_start3A_430 = tpu.memref_slice %arg3[%add3A_427, %dma_start3A_428, %dma_start3A_429] : memref<2560x2x128xi32, #tpu.memory_space<hbm>> -> memref<1x2x128xi32, #tpu.memory_space<hbm>>
        %dma_start3A_431 = tpu.memref_squeeze %dma_start3A_430 : memref<1x2x128xi32, #tpu.memory_space<hbm>> -> memref<2x128xi32, #tpu.memory_space<hbm>>
        %dma_start3A_432 = arith.constant 0 : i32
        %dma_start3A_433 = arith.constant 0 : i32
        %dma_start3A_434 = tpu.memref_slice %arg3[%add3A_427, %dma_start3A_432, %dma_start3A_433] : memref<2560x2x128xi32, #tpu.memory_space<hbm>> -> memref<1x2x128xi32, #tpu.memory_space<hbm>>
        %dma_start3A_435 = tpu.memref_squeeze %dma_start3A_434 : memref<1x2x128xi32, #tpu.memory_space<hbm>> -> memref<2x128xi32, #tpu.memory_space<hbm>>
        tpu.enqueue_dma source(%dma_start3A_435 : memref<2x128xi32, #tpu.memory_space<hbm>>) target(%arg8 : memref<2x128xi32, #tpu.memory_space<vmem>>) target_semaphore(%arg16 : memref<!tpu.dma_semaphore, #tpu.memory_space<semaphore_mem>>)
      } else {
      }
      %dma_start3A_312 = arith.constant 0 : i32
      %dma_start3A_313 = tpu.memref_slice %arg10[%scan3A_33, %dma_start3A_312] : memref<2x128xi32, #tpu.memory_space<vmem>> -> memref<1x128xi32, #tpu.memory_space<vmem>>
      %dma_start3A_314 = tpu.memref_squeeze %dma_start3A_313 : memref<1x128xi32, #tpu.memory_space<vmem>> -> memref<128xi32, #tpu.memory_space<vmem>>
      %dma_start3A_315 = arith.constant 0 : i32
      %dma_start3A_316 = arith.constant 0 : i32
      %dma_start3A_317 = tpu.memref_slice %arg2[%dma_start3A_315, %dma_start3A_316] : memref<10000x128xf32, #tpu.memory_space<hbm>> -> memref<10000x128xf32, #tpu.memory_space<hbm>>
      tpu.enqueue_indirect_dma source(%dma_start3A_317 : memref<10000x128xf32, #tpu.memory_space<hbm>>) target(%arg12 : memref<128x128xf32, #tpu.memory_space<vmem>>) offsets(%dma_start3A_314 : memref<128xi32, #tpu.memory_space<vmem>>) semaphore(%arg20 : memref<!tpu.dma_semaphore, #tpu.memory_space<semaphore_mem>>)
      %get3A_318 = arith.constant 1 : i32
      %get3A_319 = arith.index_cast %get3A_318 : i32 to index
      %get3A_320 = arith.constant 0 : index
      %get3A_321 = tpu.vector_load %arg10[%get3A_319, %get3A_320] {strides = array<i32>} : memref<2x128xi32, #tpu.memory_space<vmem>>, vector<16xi32>,
      tpu.vector_store_idx %arg14[%get3A_321], %broadcast_in_dim3A_3 {add = true} : memref<10240xf32, #tpu.memory_space<vmem>>[vector<16xi32>], vector<16xf32>,
      %get3A_322 = arith.constant 1 : i32
      %get3A_323 = arith.index_cast %get3A_322 : i32 to index
      %get3A_324 = arith.constant 16 : index
      %get3A_325 = tpu.vector_load %arg10[%get3A_323, %get3A_324] {strides = array<i32>} : memref<2x128xi32, #tpu.memory_space<vmem>>, vector<16xi32>,
      tpu.vector_store_idx %arg14[%get3A_325], %broadcast_in_dim3A_3 {add = true} : memref<10240xf32, #tpu.memory_space<vmem>>[vector<16xi32>], vector<16xf32>,
      %get3A_326 = arith.constant 1 : i32
      %get3A_327 = arith.index_cast %get3A_326 : i32 to index
      %get3A_328 = arith.constant 32 : index
      %get3A_329 = tpu.vector_load %arg10[%get3A_327, %get3A_328] {strides = array<i32>} : memref<2x128xi32, #tpu.memory_space<vmem>>, vector<16xi32>,
      tpu.vector_store_idx %arg14[%get3A_329], %broadcast_in_dim3A_3 {add = true} : memref<10240xf32, #tpu.memory_space<vmem>>[vector<16xi32>], vector<16xf32>,
      %get3A_330 = arith.constant 1 : i32
      %get3A_331 = arith.index_cast %get3A_330 : i32 to index
      %get3A_332 = arith.constant 48 : index
      %get3A_333 = tpu.vector_load %arg10[%get3A_331, %get3A_332] {strides = array<i32>} : memref<2x128xi32, #tpu.memory_space<vmem>>, vector<16xi32>,
      tpu.vector_store_idx %arg14[%get3A_333], %broadcast_in_dim3A_3 {add = true} : memref<10240xf32, #tpu.memory_space<vmem>>[vector<16xi32>], vector<16xf32>,
      %get3A_334 = arith.constant 1 : i32
      %get3A_335 = arith.index_cast %get3A_334 : i32 to index
      %get3A_336 = arith.constant 64 : index
      %get3A_337 = tpu.vector_load %arg10[%get3A_335, %get3A_336] {strides = array<i32>} : memref<2x128xi32, #tpu.memory_space<vmem>>, vector<16xi32>,
      tpu.vector_store_idx %arg14[%get3A_337], %broadcast_in_dim3A_3 {add = true} : memref<10240xf32, #tpu.memory_space<vmem>>[vector<16xi32>], vector<16xf32>,
      %get3A_338 = arith.constant 1 : i32
      %get3A_339 = arith.index_cast %get3A_338 : i32 to index
      %get3A_340 = arith.constant 80 : index
      %get3A_341 = tpu.vector_load %arg10[%get3A_339, %get3A_340] {strides = array<i32>} : memref<2x128xi32, #tpu.memory_space<vmem>>, vector<16xi32>,
      tpu.vector_store_idx %arg14[%get3A_341], %broadcast_in_dim3A_3 {add = true} : memref<10240xf32, #tpu.memory_space<vmem>>[vector<16xi32>], vector<16xf32>,
      %get3A_342 = arith.constant 1 : i32
      %get3A_343 = arith.index_cast %get3A_342 : i32 to index
      %get3A_344 = arith.constant 96 : index
      %get3A_345 = tpu.vector_load %arg10[%get3A_343, %get3A_344] {strides = array<i32>} : memref<2x128xi32, #tpu.memory_space<vmem>>, vector<16xi32>,
      tpu.vector_store_idx %arg14[%get3A_345], %broadcast_in_dim3A_3 {add = true} : memref<10240xf32, #tpu.memory_space<vmem>>[vector<16xi32>], vector<16xf32>,
      %get3A_346 = arith.constant 1 : i32
      %get3A_347 = arith.index_cast %get3A_346 : i32 to index
      %get3A_348 = arith.constant 112 : index
      %get3A_349 = tpu.vector_load %arg10[%get3A_347, %get3A_348] {strides = array<i32>} : memref<2x128xi32, #tpu.memory_space<vmem>>, vector<16xi32>,
      tpu.vector_store_idx %arg14[%get3A_349], %broadcast_in_dim3A_3 {add = true} : memref<10240xf32, #tpu.memory_space<vmem>>[vector<16xi32>], vector<16xf32>,
      %ge3A_350 = arith.constant 1 : i32
      %ge3A_351 = arith.cmpi sge, %add3A_290, %ge3A_350 : i32
      %convert_element_type3A_352 = arith.extui %ge3A_351 : i1 to i32
      %cond3A_353 = arith.constant 0 : i32
      %cond3A_354 = arith.cmpi ne, %convert_element_type3A_352, %cond3A_353 : i32
      scf.if %cond3A_354 {
        %dma_wait3A_423 = arith.constant 0 : i32
        %dma_wait3A_424 = tpu.memref_slice %arg9[%scan3A_31, %dma_wait3A_423] : memref<2x128xi32, #tpu.memory_space<vmem>> -> memref<1x128xi32, #tpu.memory_space<vmem>>
        %dma_wait3A_425 = tpu.memref_squeeze %dma_wait3A_424 : memref<1x128xi32, #tpu.memory_space<vmem>> -> memref<128xi32, #tpu.memory_space<vmem>>
        %dma_wait3A_426 = arith.constant 0 : i32
        %dma_wait3A_427 = arith.constant 0 : i32
        %dma_wait3A_428 = tpu.memref_slice %arg2[%dma_wait3A_426, %dma_wait3A_427] : memref<10000x128xf32, #tpu.memory_space<hbm>> -> memref<10000x128xf32, #tpu.memory_space<hbm>>
        tpu.wait_indirect_dma semaphore(%arg21 : memref<!tpu.dma_semaphore, #tpu.memory_space<semaphore_mem>>) src(%dma_wait3A_428 : memref<10000x128xf32, #tpu.memory_space<hbm>>) dst(%arg13 : memref<128x128xf32, #tpu.memory_space<vmem>>)
        %dma_start3A_429 = arith.constant 0 : i32
        %dma_start3A_430 = tpu.memref_slice %arg9[%scan3A_34, %dma_start3A_429] : memref<2x128xi32, #tpu.memory_space<vmem>> -> memref<1x128xi32, #tpu.memory_space<vmem>>
        %dma_start3A_431 = tpu.memref_squeeze %dma_start3A_430 : memref<1x128xi32, #tpu.memory_space<vmem>> -> memref<128xi32, #tpu.memory_space<vmem>>
        %dma_start3A_432 = arith.constant 0 : i32
        %dma_start3A_433 = arith.constant 0 : i32
        %dma_start3A_434 = tpu.memref_slice %arg15[%dma_start3A_432, %dma_start3A_433] : memref<10240x128xf32, #tpu.memory_space<vmem_shared>> -> memref<10240x128xf32, #tpu.memory_space<vmem_shared>>
        tpu.enqueue_indirect_dma source(%arg13 : memref<128x128xf32, #tpu.memory_space<vmem>>) target(%dma_start3A_434 : memref<10240x128xf32, #tpu.memory_space<vmem_shared>>) offsets(%dma_start3A_431 : memref<128xi32, #tpu.memory_space<vmem>>) semaphore(%arg23 : memref<!tpu.dma_semaphore, #tpu.memory_space<semaphore_mem>>) {add = true}
      } else {
      }
      %mul3A_355 = arith.constant 4 : i32
      %mul3A_356 = arith.muli %mul3A_355, %scan3A_155 : i32
      %add3A_357 = arith.constant 3 : i32
      %add3A_358 = arith.addi %mul3A_356, %add3A_357 : i32
      %dma_wait3A_359 = arith.constant 0 : i32
      %dma_wait3A_360 = arith.constant 0 : i32
      %dma_wait3A_361 = arith.constant 0 : i32
      %dma_wait3A_362 = tpu.memref_slice %arg3[%dma_wait3A_359, %dma_wait3A_360, %dma_wait3A_361] : memref<2560x2x128xi32, #tpu.memory_space<hbm>> -> memref<1x2x128xi32, #tpu.memory_space<hbm>>
      %dma_wait3A_363 = tpu.memref_squeeze %dma_wait3A_362 : memref<1x2x128xi32, #tpu.memory_space<hbm>> -> memref<2x128xi32, #tpu.memory_space<hbm>>
      %dma_wait3A_364 = arith.constant 0 : i32
      %dma_wait3A_365 = arith.constant 0 : i32
      %dma_wait3A_366 = tpu.memref_slice %arg3[%dma_wait3A_359, %dma_wait3A_364, %dma_wait3A_365] : memref<2560x2x128xi32, #tpu.memory_space<hbm>> -> memref<1x2x128xi32, #tpu.memory_space<hbm>>
      %dma_wait3A_367 = tpu.memref_squeeze %dma_wait3A_366 : memref<1x2x128xi32, #tpu.memory_space<hbm>> -> memref<2x128xi32, #tpu.memory_space<hbm>>
      tpu.wait_dma2 semaphore(%arg19 : memref<!tpu.dma_semaphore, #tpu.memory_space<semaphore_mem>>) src(%dma_wait3A_367 : memref<2x128xi32, #tpu.memory_space<hbm>>) dst(%arg11 : memref<2x128xi32, #tpu.memory_space<vmem>>)
      %ge3A_368 = arith.constant 2 : i32
      %ge3A_369 = arith.cmpi sge, %add3A_358, %ge3A_368 : i32
      %convert_element_type3A_370 = arith.extui %ge3A_369 : i1 to i32
      %cond3A_371 = arith.constant 0 : i32
      %cond3A_372 = arith.cmpi ne, %convert_element_type3A_370, %cond3A_371 : i32
      scf.if %cond3A_372 {
        %dma_wait3A_423 = arith.constant 0 : i32
        %dma_wait3A_424 = tpu.memref_slice %arg9[%scan3A_34, %dma_wait3A_423] : memref<2x128xi32, #tpu.memory_space<vmem>> -> memref<1x128xi32, #tpu.memory_space<vmem>>
        %dma_wait3A_425 = tpu.memref_squeeze %dma_wait3A_424 : memref<1x128xi32, #tpu.memory_space<vmem>> -> memref<128xi32, #tpu.memory_space<vmem>>
        %dma_wait3A_426 = arith.constant 0 : i32
        %dma_wait3A_427 = arith.constant 0 : i32
        %dma_wait3A_428 = tpu.memref_slice %arg15[%dma_wait3A_426, %dma_wait3A_427] : memref<10240x128xf32, #tpu.memory_space<vmem_shared>> -> memref<10240x128xf32, #tpu.memory_space<vmem_shared>>
        tpu.wait_indirect_dma semaphore(%arg23 : memref<!tpu.dma_semaphore, #tpu.memory_space<semaphore_mem>>) src(%arg13 : memref<128x128xf32, #tpu.memory_space<vmem>>) dst(%dma_wait3A_428 : memref<10240x128xf32, #tpu.memory_space<vmem_shared>>)
      } else {
      }
      %add3A_373 = arith.constant 2 : i32
      %add3A_374 = arith.addi %add3A_358, %add3A_373 : i32
      %lt3A_375 = arith.constant 80 : i32
      %lt3A_376 = arith.cmpi slt, %add3A_374, %lt3A_375 : i32
      %convert_element_type3A_377 = arith.extui %lt3A_376 : i1 to i32
      %cond3A_378 = arith.constant 0 : i32
      %cond3A_379 = arith.cmpi ne, %convert_element_type3A_377, %cond3A_378 : i32
      scf.if %cond3A_379 {
        %add3A_423 = arith.constant 2 : i32
        %add3A_424 = arith.addi %add3A_358, %add3A_423 : i32
        %mul3A_425 = arith.constant 80 : i32
        %mul3A_426 = arith.muli %add3A, %mul3A_425 : i32
        %add3A_427 = arith.addi %mul3A_426, %add3A_424 : i32
        %dma_start3A_428 = arith.constant 0 : i32
        %dma_start3A_429 = arith.constant 0 : i32
        %dma_start3A_430 = tpu.memref_slice %arg3[%add3A_427, %dma_start3A_428, %dma_start3A_429] : memref<2560x2x128xi32, #tpu.memory_space<hbm>> -> memref<1x2x128xi32, #tpu.memory_space<hbm>>
        %dma_start3A_431 = tpu.memref_squeeze %dma_start3A_430 : memref<1x2x128xi32, #tpu.memory_space<hbm>> -> memref<2x128xi32, #tpu.memory_space<hbm>>
        %dma_start3A_432 = arith.constant 0 : i32
        %dma_start3A_433 = arith.constant 0 : i32
        %dma_start3A_434 = tpu.memref_slice %arg3[%add3A_427, %dma_start3A_432, %dma_start3A_433] : memref<2560x2x128xi32, #tpu.memory_space<hbm>> -> memref<1x2x128xi32, #tpu.memory_space<hbm>>
        %dma_start3A_435 = tpu.memref_squeeze %dma_start3A_434 : memref<1x2x128xi32, #tpu.memory_space<hbm>> -> memref<2x128xi32, #tpu.memory_space<hbm>>
        tpu.enqueue_dma source(%dma_start3A_435 : memref<2x128xi32, #tpu.memory_space<hbm>>) target(%arg9 : memref<2x128xi32, #tpu.memory_space<vmem>>) target_semaphore(%arg17 : memref<!tpu.dma_semaphore, #tpu.memory_space<semaphore_mem>>)
      } else {
      }
      %dma_start3A_380 = arith.constant 0 : i32
      %dma_start3A_381 = tpu.memref_slice %arg11[%scan3A_29, %dma_start3A_380] : memref<2x128xi32, #tpu.memory_space<vmem>> -> memref<1x128xi32, #tpu.memory_space<vmem>>
      %dma_start3A_382 = tpu.memref_squeeze %dma_start3A_381 : memref<1x128xi32, #tpu.memory_space<vmem>> -> memref<128xi32, #tpu.memory_space<vmem>>
      %dma_start3A_383 = arith.constant 0 : i32
      %dma_start3A_384 = arith.constant 0 : i32
      %dma_start3A_385 = tpu.memref_slice %arg2[%dma_start3A_383, %dma_start3A_384] : memref<10000x128xf32, #tpu.memory_space<hbm>> -> memref<10000x128xf32, #tpu.memory_space<hbm>>
      tpu.enqueue_indirect_dma source(%dma_start3A_385 : memref<10000x128xf32, #tpu.memory_space<hbm>>) target(%arg13 : memref<128x128xf32, #tpu.memory_space<vmem>>) offsets(%dma_start3A_382 : memref<128xi32, #tpu.memory_space<vmem>>) semaphore(%arg21 : memref<!tpu.dma_semaphore, #tpu.memory_space<semaphore_mem>>)
      %get3A_386 = arith.constant 1 : i32
      %get3A_387 = arith.index_cast %get3A_386 : i32 to index
      %get3A_388 = arith.constant 0 : index
      %get3A_389 = tpu.vector_load %arg11[%get3A_387, %get3A_388] {strides = array<i32>} : memref<2x128xi32, #tpu.memory_space<vmem>>, vector<16xi32>,
      tpu.vector_store_idx %arg14[%get3A_389], %broadcast_in_dim3A_3 {add = true} : memref<10240xf32, #tpu.memory_space<vmem>>[vector<16xi32>], vector<16xf32>,
      %get3A_390 = arith.constant 1 : i32
      %get3A_391 = arith.index_cast %get3A_390 : i32 to index
      %get3A_392 = arith.constant 16 : index
      %get3A_393 = tpu.vector_load %arg11[%get3A_391, %get3A_392] {strides = array<i32>} : memref<2x128xi32, #tpu.memory_space<vmem>>, vector<16xi32>,
      tpu.vector_store_idx %arg14[%get3A_393], %broadcast_in_dim3A_3 {add = true} : memref<10240xf32, #tpu.memory_space<vmem>>[vector<16xi32>], vector<16xf32>,
      %get3A_394 = arith.constant 1 : i32
      %get3A_395 = arith.index_cast %get3A_394 : i32 to index
      %get3A_396 = arith.constant 32 : index
      %get3A_397 = tpu.vector_load %arg11[%get3A_395, %get3A_396] {strides = array<i32>} : memref<2x128xi32, #tpu.memory_space<vmem>>, vector<16xi32>,
      tpu.vector_store_idx %arg14[%get3A_397], %broadcast_in_dim3A_3 {add = true} : memref<10240xf32, #tpu.memory_space<vmem>>[vector<16xi32>], vector<16xf32>,
      %get3A_398 = arith.constant 1 : i32
      %get3A_399 = arith.index_cast %get3A_398 : i32 to index
      %get3A_400 = arith.constant 48 : index
      %get3A_401 = tpu.vector_load %arg11[%get3A_399, %get3A_400] {strides = array<i32>} : memref<2x128xi32, #tpu.memory_space<vmem>>, vector<16xi32>,
      tpu.vector_store_idx %arg14[%get3A_401], %broadcast_in_dim3A_3 {add = true} : memref<10240xf32, #tpu.memory_space<vmem>>[vector<16xi32>], vector<16xf32>,
      %get3A_402 = arith.constant 1 : i32
      %get3A_403 = arith.index_cast %get3A_402 : i32 to index
      %get3A_404 = arith.constant 64 : index
      %get3A_405 = tpu.vector_load %arg11[%get3A_403, %get3A_404] {strides = array<i32>} : memref<2x128xi32, #tpu.memory_space<vmem>>, vector<16xi32>,
      tpu.vector_store_idx %arg14[%get3A_405], %broadcast_in_dim3A_3 {add = true} : memref<10240xf32, #tpu.memory_space<vmem>>[vector<16xi32>], vector<16xf32>,
      %get3A_406 = arith.constant 1 : i32
      %get3A_407 = arith.index_cast %get3A_406 : i32 to index
      %get3A_408 = arith.constant 80 : index
      %get3A_409 = tpu.vector_load %arg11[%get3A_407, %get3A_408] {strides = array<i32>} : memref<2x128xi32, #tpu.memory_space<vmem>>, vector<16xi32>,
      tpu.vector_store_idx %arg14[%get3A_409], %broadcast_in_dim3A_3 {add = true} : memref<10240xf32, #tpu.memory_space<vmem>>[vector<16xi32>], vector<16xf32>,
      %get3A_410 = arith.constant 1 : i32
      %get3A_411 = arith.index_cast %get3A_410 : i32 to index
      %get3A_412 = arith.constant 96 : index
      %get3A_413 = tpu.vector_load %arg11[%get3A_411, %get3A_412] {strides = array<i32>} : memref<2x128xi32, #tpu.memory_space<vmem>>, vector<16xi32>,
      tpu.vector_store_idx %arg14[%get3A_413], %broadcast_in_dim3A_3 {add = true} : memref<10240xf32, #tpu.memory_space<vmem>>[vector<16xi32>], vector<16xf32>,
      %get3A_414 = arith.constant 1 : i32
      %get3A_415 = arith.index_cast %get3A_414 : i32 to index
      %get3A_416 = arith.constant 112 : index
      %get3A_417 = tpu.vector_load %arg11[%get3A_415, %get3A_416] {strides = array<i32>} : memref<2x128xi32, #tpu.memory_space<vmem>>, vector<16xi32>,
      tpu.vector_store_idx %arg14[%get3A_417], %broadcast_in_dim3A_3 {add = true} : memref<10240xf32, #tpu.memory_space<vmem>>[vector<16xi32>], vector<16xf32>,
      %ge3A_418 = arith.constant 1 : i32
      %ge3A_419 = arith.cmpi sge, %add3A_358, %ge3A_418 : i32
      %convert_element_type3A_420 = arith.extui %ge3A_419 : i1 to i32
      %cond3A_421 = arith.constant 0 : i32
      %cond3A_422 = arith.cmpi ne, %convert_element_type3A_420, %cond3A_421 : i32
      scf.if %cond3A_422 {
        %dma_wait3A_423 = arith.constant 0 : i32
        %dma_wait3A_424 = tpu.memref_slice %arg10[%scan3A_33, %dma_wait3A_423] : memref<2x128xi32, #tpu.memory_space<vmem>> -> memref<1x128xi32, #tpu.memory_space<vmem>>
        %dma_wait3A_425 = tpu.memref_squeeze %dma_wait3A_424 : memref<1x128xi32, #tpu.memory_space<vmem>> -> memref<128xi32, #tpu.memory_space<vmem>>
        %dma_wait3A_426 = arith.constant 0 : i32
        %dma_wait3A_427 = arith.constant 0 : i32
        %dma_wait3A_428 = tpu.memref_slice %arg2[%dma_wait3A_426, %dma_wait3A_427] : memref<10000x128xf32, #tpu.memory_space<hbm>> -> memref<10000x128xf32, #tpu.memory_space<hbm>>
        tpu.wait_indirect_dma semaphore(%arg20 : memref<!tpu.dma_semaphore, #tpu.memory_space<semaphore_mem>>) src(%dma_wait3A_428 : memref<10000x128xf32, #tpu.memory_space<hbm>>) dst(%arg12 : memref<128x128xf32, #tpu.memory_space<vmem>>)
        %dma_start3A_429 = arith.constant 0 : i32
        %dma_start3A_430 = tpu.memref_slice %arg10[%scan3A_27, %dma_start3A_429] : memref<2x128xi32, #tpu.memory_space<vmem>> -> memref<1x128xi32, #tpu.memory_space<vmem>>
        %dma_start3A_431 = tpu.memref_squeeze %dma_start3A_430 : memref<1x128xi32, #tpu.memory_space<vmem>> -> memref<128xi32, #tpu.memory_space<vmem>>
        %dma_start3A_432 = arith.constant 0 : i32
        %dma_start3A_433 = arith.constant 0 : i32
        %dma_start3A_434 = tpu.memref_slice %arg15[%dma_start3A_432, %dma_start3A_433] : memref<10240x128xf32, #tpu.memory_space<vmem_shared>> -> memref<10240x128xf32, #tpu.memory_space<vmem_shared>>
        tpu.enqueue_indirect_dma source(%arg12 : memref<128x128xf32, #tpu.memory_space<vmem>>) target(%dma_start3A_434 : memref<10240x128xf32, #tpu.memory_space<vmem_shared>>) offsets(%dma_start3A_431 : memref<128xi32, #tpu.memory_space<vmem>>) semaphore(%arg22 : memref<!tpu.dma_semaphore, #tpu.memory_space<semaphore_mem>>) {add = true}
      } else {
      }
    }
    %scan3A_39 = arith.constant 20 : i32
    %dma_wait3A = arith.constant 0 : i32
    %dma_wait3A_40 = arith.constant 0 : i32
    %dma_wait3A_41 = tpu.memref_slice %arg11[%dma_wait3A, %dma_wait3A_40] : memref<2x128xi32, #tpu.memory_space<vmem>> -> memref<1x128xi32, #tpu.memory_space<vmem>>
    %dma_wait3A_42 = tpu.memref_squeeze %dma_wait3A_41 : memref<1x128xi32, #tpu.memory_space<vmem>> -> memref<128xi32, #tpu.memory_space<vmem>>
    %dma_wait3A_43 = arith.constant 0 : i32
    %dma_wait3A_44 = arith.constant 0 : i32
    %dma_wait3A_45 = tpu.memref_slice %arg2[%dma_wait3A_43, %dma_wait3A_44] : memref<10000x128xf32, #tpu.memory_space<hbm>> -> memref<10000x128xf32, #tpu.memory_space<hbm>>
    tpu.wait_indirect_dma semaphore(%arg21 : memref<!tpu.dma_semaphore, #tpu.memory_space<semaphore_mem>>) src(%dma_wait3A_45 : memref<10000x128xf32, #tpu.memory_space<hbm>>) dst(%arg13 : memref<128x128xf32, #tpu.memory_space<vmem>>)
    %dma_start3A_46 = arith.constant 1 : i32
    %dma_start3A_47 = arith.constant 0 : i32
    %dma_start3A_48 = tpu.memref_slice %arg11[%dma_start3A_46, %dma_start3A_47] : memref<2x128xi32, #tpu.memory_space<vmem>> -> memref<1x128xi32, #tpu.memory_space<vmem>>
    %dma_start3A_49 = tpu.memref_squeeze %dma_start3A_48 : memref<1x128xi32, #tpu.memory_space<vmem>> -> memref<128xi32, #tpu.memory_space<vmem>>
    %dma_start3A_50 = arith.constant 0 : i32
    %dma_start3A_51 = arith.constant 0 : i32
    %dma_start3A_52 = tpu.memref_slice %arg15[%dma_start3A_50, %dma_start3A_51] : memref<10240x128xf32, #tpu.memory_space<vmem_shared>> -> memref<10240x128xf32, #tpu.memory_space<vmem_shared>>
    tpu.enqueue_indirect_dma source(%arg13 : memref<128x128xf32, #tpu.memory_space<vmem>>) target(%dma_start3A_52 : memref<10240x128xf32, #tpu.memory_space<vmem_shared>>) offsets(%dma_start3A_49 : memref<128xi32, #tpu.memory_space<vmem>>) semaphore(%arg23 : memref<!tpu.dma_semaphore, #tpu.memory_space<semaphore_mem>>) {add = true}
    %dma_wait3A_53 = arith.constant 1 : i32
    %dma_wait3A_54 = arith.constant 0 : i32
    %dma_wait3A_55 = tpu.memref_slice %arg10[%dma_wait3A_53, %dma_wait3A_54] : memref<2x128xi32, #tpu.memory_space<vmem>> -> memref<1x128xi32, #tpu.memory_space<vmem>>
    %dma_wait3A_56 = tpu.memref_squeeze %dma_wait3A_55 : memref<1x128xi32, #tpu.memory_space<vmem>> -> memref<128xi32, #tpu.memory_space<vmem>>
    %dma_wait3A_57 = arith.constant 0 : i32
    %dma_wait3A_58 = arith.constant 0 : i32
    %dma_wait3A_59 = tpu.memref_slice %arg15[%dma_wait3A_57, %dma_wait3A_58] : memref<10240x128xf32, #tpu.memory_space<vmem_shared>> -> memref<10240x128xf32, #tpu.memory_space<vmem_shared>>
    tpu.wait_indirect_dma semaphore(%arg22 : memref<!tpu.dma_semaphore, #tpu.memory_space<semaphore_mem>>) src(%arg12 : memref<128x128xf32, #tpu.memory_space<vmem>>) dst(%dma_wait3A_59 : memref<10240x128xf32, #tpu.memory_space<vmem_shared>>)
    %dma_wait3A_60 = arith.constant 1 : i32
    %dma_wait3A_61 = arith.constant 0 : i32
    %dma_wait3A_62 = tpu.memref_slice %arg11[%dma_wait3A_60, %dma_wait3A_61] : memref<2x128xi32, #tpu.memory_space<vmem>> -> memref<1x128xi32, #tpu.memory_space<vmem>>
    %dma_wait3A_63 = tpu.memref_squeeze %dma_wait3A_62 : memref<1x128xi32, #tpu.memory_space<vmem>> -> memref<128xi32, #tpu.memory_space<vmem>>
    %dma_wait3A_64 = arith.constant 0 : i32
    %dma_wait3A_65 = arith.constant 0 : i32
    %dma_wait3A_66 = tpu.memref_slice %arg15[%dma_wait3A_64, %dma_wait3A_65] : memref<10240x128xf32, #tpu.memory_space<vmem_shared>> -> memref<10240x128xf32, #tpu.memory_space<vmem_shared>>
    tpu.wait_indirect_dma semaphore(%arg23 : memref<!tpu.dma_semaphore, #tpu.memory_space<semaphore_mem>>) src(%arg13 : memref<128x128xf32, #tpu.memory_space<vmem>>) dst(%dma_wait3A_66 : memref<10240x128xf32, #tpu.memory_space<vmem_shared>>)
    %barrier3A_67 = arith.constant 0 : index
    tpu.barrier barrier_id(%barrier3A_67)
    %dma_start3A_68 = arith.constant 0 : i32
    %dma_start3A_69 = tpu.memref_slice %arg7[%add3A, %dma_start3A_68] : memref<32x10240xf32, #tpu.memory_space<hbm>> -> memref<1x10240xf32, #tpu.memory_space<hbm>>
    %dma_start3A_70 = tpu.memref_squeeze %dma_start3A_69 : memref<1x10240xf32, #tpu.memory_space<hbm>> -> memref<10240xf32, #tpu.memory_space<hbm>>
    %dma_start3A_71 = arith.constant 0 : i32
    %dma_start3A_72 = tpu.memref_slice %arg7[%add3A, %dma_start3A_71] : memref<32x10240xf32, #tpu.memory_space<hbm>> -> memref<1x10240xf32, #tpu.memory_space<hbm>>
    %dma_start3A_73 = tpu.memref_squeeze %dma_start3A_72 : memref<1x10240xf32, #tpu.memory_space<hbm>> -> memref<10240xf32, #tpu.memory_space<hbm>>
    tpu.enqueue_dma source(%arg14 : memref<10240xf32, #tpu.memory_space<vmem>>) target(%dma_start3A_73 : memref<10240xf32, #tpu.memory_space<hbm>>) target_semaphore(%arg22 : memref<!tpu.dma_semaphore, #tpu.memory_space<semaphore_mem>>)
    %add3A_74 = arith.constant 0 : i32
    %add3A_75 = arith.addi %mul3A_2, %add3A_74 : i32
    "tpu.region"() ({
      %run_scoped3A = tpu.sem_alloc : memref<!tpu.dma_semaphore, #tpu.memory_space<semaphore_mem>>
      %dma_start3A_155 = arith.constant 0 : i32
      %dma_start3A_156 = tpu.memref_slice %arg15[%add3A_75, %dma_start3A_155] : memref<10240x128xf32, #tpu.memory_space<vmem_shared>> -> memref<128x128xf32, #tpu.memory_space<vmem_shared>>
      %dma_start3A_157 = arith.constant 0 : i32
      %dma_start3A_158 = tpu.memref_slice %arg15[%add3A_75, %dma_start3A_157] : memref<10240x128xf32, #tpu.memory_space<vmem_shared>> -> memref<128x128xf32, #tpu.memory_space<vmem_shared>>
      tpu.enqueue_dma source(%dma_start3A_158 : memref<128x128xf32, #tpu.memory_space<vmem_shared>>) target(%arg12 : memref<128x128xf32, #tpu.memory_space<vmem>>) target_semaphore(%run_scoped3A : memref<!tpu.dma_semaphore, #tpu.memory_space<semaphore_mem>>)
      %dma_wait3A_159 = arith.constant 0 : i32
      %dma_wait3A_160 = tpu.memref_slice %arg15[%add3A_75, %dma_wait3A_159] : memref<10240x128xf32, #tpu.memory_space<vmem_shared>> -> memref<128x128xf32, #tpu.memory_space<vmem_shared>>
      %dma_wait3A_161 = arith.constant 0 : i32
      %dma_wait3A_162 = tpu.memref_slice %arg15[%add3A_75, %dma_wait3A_161] : memref<10240x128xf32, #tpu.memory_space<vmem_shared>> -> memref<128x128xf32, #tpu.memory_space<vmem_shared>>
      tpu.wait_dma2 semaphore(%run_scoped3A : memref<!tpu.dma_semaphore, #tpu.memory_space<semaphore_mem>>) src(%dma_wait3A_162 : memref<128x128xf32, #tpu.memory_space<vmem_shared>>) dst(%arg12 : memref<128x128xf32, #tpu.memory_space<vmem>>)
      tpu.yield
    }) : () -> ()
    %mul3A_76 = arith.constant 10240 : i32
    %mul3A_77 = arith.muli %arg0, %mul3A_76 : i32
    %add3A_78 = arith.addi %mul3A_77, %mul3A_2 : i32
    %add3A_79 = arith.constant 0 : i32
    %add3A_80 = arith.addi %add3A_78, %add3A_79 : i32
    %dma_start3A_81 = arith.constant 0 : i32
    %dma_start3A_82 = tpu.memref_slice %arg6[%add3A_80, %dma_start3A_81] : memref<20480x128xf32, #tpu.memory_space<hbm>> -> memref<128x128xf32, #tpu.memory_space<hbm>>
    %dma_start3A_83 = arith.constant 0 : i32
    %dma_start3A_84 = tpu.memref_slice %arg6[%add3A_80, %dma_start3A_83] : memref<20480x128xf32, #tpu.memory_space<hbm>> -> memref<128x128xf32, #tpu.memory_space<hbm>>
    tpu.enqueue_dma source(%arg12 : memref<128x128xf32, #tpu.memory_space<vmem>>) target(%dma_start3A_84 : memref<128x128xf32, #tpu.memory_space<hbm>>) target_semaphore(%arg20 : memref<!tpu.dma_semaphore, #tpu.memory_space<semaphore_mem>>)
    %add3A_85 = arith.constant 128 : i32
    %add3A_86 = arith.addi %mul3A_2, %add3A_85 : i32
    "tpu.region"() ({
      %run_scoped3A = tpu.sem_alloc : memref<!tpu.dma_semaphore, #tpu.memory_space<semaphore_mem>>
      %dma_start3A_155 = arith.constant 0 : i32
      %dma_start3A_156 = tpu.memref_slice %arg15[%add3A_86, %dma_start3A_155] : memref<10240x128xf32, #tpu.memory_space<vmem_shared>> -> memref<128x128xf32, #tpu.memory_space<vmem_shared>>
      %dma_start3A_157 = arith.constant 0 : i32
      %dma_start3A_158 = tpu.memref_slice %arg15[%add3A_86, %dma_start3A_157] : memref<10240x128xf32, #tpu.memory_space<vmem_shared>> -> memref<128x128xf32, #tpu.memory_space<vmem_shared>>
      tpu.enqueue_dma source(%dma_start3A_158 : memref<128x128xf32, #tpu.memory_space<vmem_shared>>) target(%arg13 : memref<128x128xf32, #tpu.memory_space<vmem>>) target_semaphore(%run_scoped3A : memref<!tpu.dma_semaphore, #tpu.memory_space<semaphore_mem>>)
      %dma_wait3A_159 = arith.constant 0 : i32
      %dma_wait3A_160 = tpu.memref_slice %arg15[%add3A_86, %dma_wait3A_159] : memref<10240x128xf32, #tpu.memory_space<vmem_shared>> -> memref<128x128xf32, #tpu.memory_space<vmem_shared>>
      %dma_wait3A_161 = arith.constant 0 : i32
      %dma_wait3A_162 = tpu.memref_slice %arg15[%add3A_86, %dma_wait3A_161] : memref<10240x128xf32, #tpu.memory_space<vmem_shared>> -> memref<128x128xf32, #tpu.memory_space<vmem_shared>>
      tpu.wait_dma2 semaphore(%run_scoped3A : memref<!tpu.dma_semaphore, #tpu.memory_space<semaphore_mem>>) src(%dma_wait3A_162 : memref<128x128xf32, #tpu.memory_space<vmem_shared>>) dst(%arg13 : memref<128x128xf32, #tpu.memory_space<vmem>>)
      tpu.yield
    }) : () -> ()
    %mul3A_87 = arith.constant 10240 : i32
    %mul3A_88 = arith.muli %arg0, %mul3A_87 : i32
    %add3A_89 = arith.addi %mul3A_88, %mul3A_2 : i32
    %add3A_90 = arith.constant 128 : i32
    %add3A_91 = arith.addi %add3A_89, %add3A_90 : i32
    %dma_start3A_92 = arith.constant 0 : i32
    %dma_start3A_93 = tpu.memref_slice %arg6[%add3A_91, %dma_start3A_92] : memref<20480x128xf32, #tpu.memory_space<hbm>> -> memref<128x128xf32, #tpu.memory_space<hbm>>
    %dma_start3A_94 = arith.constant 0 : i32
    %dma_start3A_95 = tpu.memref_slice %arg6[%add3A_91, %dma_start3A_94] : memref<20480x128xf32, #tpu.memory_space<hbm>> -> memref<128x128xf32, #tpu.memory_space<hbm>>
    tpu.enqueue_dma source(%arg13 : memref<128x128xf32, #tpu.memory_space<vmem>>) target(%dma_start3A_95 : memref<128x128xf32, #tpu.memory_space<hbm>>) target_semaphore(%arg21 : memref<!tpu.dma_semaphore, #tpu.memory_space<semaphore_mem>>)
    %dma_wait3A_96 = arith.constant 0 : i32
    %dma_wait3A_97 = tpu.memref_slice %arg6[%add3A_80, %dma_wait3A_96] : memref<20480x128xf32, #tpu.memory_space<hbm>> -> memref<128x128xf32, #tpu.memory_space<hbm>>
    %dma_wait3A_98 = arith.constant 0 : i32
    %dma_wait3A_99 = tpu.memref_slice %arg6[%add3A_80, %dma_wait3A_98] : memref<20480x128xf32, #tpu.memory_space<hbm>> -> memref<128x128xf32, #tpu.memory_space<hbm>>
    tpu.wait_dma2 semaphore(%arg20 : memref<!tpu.dma_semaphore, #tpu.memory_space<semaphore_mem>>) src(%arg12 : memref<128x128xf32, #tpu.memory_space<vmem>>) dst(%dma_wait3A_99 : memref<128x128xf32, #tpu.memory_space<hbm>>)
    %add3A_100 = arith.constant 256 : i32
    %add3A_101 = arith.addi %mul3A_2, %add3A_100 : i32
    "tpu.region"() ({
      %run_scoped3A = tpu.sem_alloc : memref<!tpu.dma_semaphore, #tpu.memory_space<semaphore_mem>>
      %dma_start3A_155 = arith.constant 0 : i32
      %dma_start3A_156 = tpu.memref_slice %arg15[%add3A_101, %dma_start3A_155] : memref<10240x128xf32, #tpu.memory_space<vmem_shared>> -> memref<128x128xf32, #tpu.memory_space<vmem_shared>>
      %dma_start3A_157 = arith.constant 0 : i32
      %dma_start3A_158 = tpu.memref_slice %arg15[%add3A_101, %dma_start3A_157] : memref<10240x128xf32, #tpu.memory_space<vmem_shared>> -> memref<128x128xf32, #tpu.memory_space<vmem_shared>>
      tpu.enqueue_dma source(%dma_start3A_158 : memref<128x128xf32, #tpu.memory_space<vmem_shared>>) target(%arg12 : memref<128x128xf32, #tpu.memory_space<vmem>>) target_semaphore(%run_scoped3A : memref<!tpu.dma_semaphore, #tpu.memory_space<semaphore_mem>>)
      %dma_wait3A_159 = arith.constant 0 : i32
      %dma_wait3A_160 = tpu.memref_slice %arg15[%add3A_101, %dma_wait3A_159] : memref<10240x128xf32, #tpu.memory_space<vmem_shared>> -> memref<128x128xf32, #tpu.memory_space<vmem_shared>>
      %dma_wait3A_161 = arith.constant 0 : i32
      %dma_wait3A_162 = tpu.memref_slice %arg15[%add3A_101, %dma_wait3A_161] : memref<10240x128xf32, #tpu.memory_space<vmem_shared>> -> memref<128x128xf32, #tpu.memory_space<vmem_shared>>
      tpu.wait_dma2 semaphore(%run_scoped3A : memref<!tpu.dma_semaphore, #tpu.memory_space<semaphore_mem>>) src(%dma_wait3A_162 : memref<128x128xf32, #tpu.memory_space<vmem_shared>>) dst(%arg12 : memref<128x128xf32, #tpu.memory_space<vmem>>)
      tpu.yield
    }) : () -> ()
    %mul3A_102 = arith.constant 10240 : i32
    %mul3A_103 = arith.muli %arg0, %mul3A_102 : i32
    %add3A_104 = arith.addi %mul3A_103, %mul3A_2 : i32
    %add3A_105 = arith.constant 256 : i32
    %add3A_106 = arith.addi %add3A_104, %add3A_105 : i32
    %dma_start3A_107 = arith.constant 0 : i32
    %dma_start3A_108 = tpu.memref_slice %arg6[%add3A_106, %dma_start3A_107] : memref<20480x128xf32, #tpu.memory_space<hbm>> -> memref<128x128xf32, #tpu.memory_space<hbm>>
    %dma_start3A_109 = arith.constant 0 : i32
    %dma_start3A_110 = tpu.memref_slice %arg6[%add3A_106, %dma_start3A_109] : memref<20480x128xf32, #tpu.memory_space<hbm>> -> memref<128x128xf32, #tpu.memory_space<hbm>>
    tpu.enqueue_dma source(%arg12 : memref<128x128xf32, #tpu.memory_space<vmem>>) target(%dma_start3A_110 : memref<128x128xf32, #tpu.memory_space<hbm>>) target_semaphore(%arg20 : memref<!tpu.dma_semaphore, #tpu.memory_space<semaphore_mem>>)
    %dma_wait3A_111 = arith.constant 0 : i32
    %dma_wait3A_112 = tpu.memref_slice %arg6[%add3A_91, %dma_wait3A_111] : memref<20480x128xf32, #tpu.memory_space<hbm>> -> memref<128x128xf32, #tpu.memory_space<hbm>>
    %dma_wait3A_113 = arith.constant 0 : i32
    %dma_wait3A_114 = tpu.memref_slice %arg6[%add3A_91, %dma_wait3A_113] : memref<20480x128xf32, #tpu.memory_space<hbm>> -> memref<128x128xf32, #tpu.memory_space<hbm>>
    tpu.wait_dma2 semaphore(%arg21 : memref<!tpu.dma_semaphore, #tpu.memory_space<semaphore_mem>>) src(%arg13 : memref<128x128xf32, #tpu.memory_space<vmem>>) dst(%dma_wait3A_114 : memref<128x128xf32, #tpu.memory_space<hbm>>)
    %add3A_115 = arith.constant 384 : i32
    %add3A_116 = arith.addi %mul3A_2, %add3A_115 : i32
    "tpu.region"() ({
      %run_scoped3A = tpu.sem_alloc : memref<!tpu.dma_semaphore, #tpu.memory_space<semaphore_mem>>
      %dma_start3A_155 = arith.constant 0 : i32
      %dma_start3A_156 = tpu.memref_slice %arg15[%add3A_116, %dma_start3A_155] : memref<10240x128xf32, #tpu.memory_space<vmem_shared>> -> memref<128x128xf32, #tpu.memory_space<vmem_shared>>
      %dma_start3A_157 = arith.constant 0 : i32
      %dma_start3A_158 = tpu.memref_slice %arg15[%add3A_116, %dma_start3A_157] : memref<10240x128xf32, #tpu.memory_space<vmem_shared>> -> memref<128x128xf32, #tpu.memory_space<vmem_shared>>
      tpu.enqueue_dma source(%dma_start3A_158 : memref<128x128xf32, #tpu.memory_space<vmem_shared>>) target(%arg13 : memref<128x128xf32, #tpu.memory_space<vmem>>) target_semaphore(%run_scoped3A : memref<!tpu.dma_semaphore, #tpu.memory_space<semaphore_mem>>)
      %dma_wait3A_159 = arith.constant 0 : i32
      %dma_wait3A_160 = tpu.memref_slice %arg15[%add3A_116, %dma_wait3A_159] : memref<10240x128xf32, #tpu.memory_space<vmem_shared>> -> memref<128x128xf32, #tpu.memory_space<vmem_shared>>
      %dma_wait3A_161 = arith.constant 0 : i32
      %dma_wait3A_162 = tpu.memref_slice %arg15[%add3A_116, %dma_wait3A_161] : memref<10240x128xf32, #tpu.memory_space<vmem_shared>> -> memref<128x128xf32, #tpu.memory_space<vmem_shared>>
      tpu.wait_dma2 semaphore(%run_scoped3A : memref<!tpu.dma_semaphore, #tpu.memory_space<semaphore_mem>>) src(%dma_wait3A_162 : memref<128x128xf32, #tpu.memory_space<vmem_shared>>) dst(%arg13 : memref<128x128xf32, #tpu.memory_space<vmem>>)
      tpu.yield
    }) : () -> ()
    %mul3A_117 = arith.constant 10240 : i32
    %mul3A_118 = arith.muli %arg0, %mul3A_117 : i32
    %add3A_119 = arith.addi %mul3A_118, %mul3A_2 : i32
    %add3A_120 = arith.constant 384 : i32
    %add3A_121 = arith.addi %add3A_119, %add3A_120 : i32
    %dma_start3A_122 = arith.constant 0 : i32
    %dma_start3A_123 = tpu.memref_slice %arg6[%add3A_121, %dma_start3A_122] : memref<20480x128xf32, #tpu.memory_space<hbm>> -> memref<128x128xf32, #tpu.memory_space<hbm>>
    %dma_start3A_124 = arith.constant 0 : i32
    %dma_start3A_125 = tpu.memref_slice %arg6[%add3A_121, %dma_start3A_124] : memref<20480x128xf32, #tpu.memory_space<hbm>> -> memref<128x128xf32, #tpu.memory_space<hbm>>
    tpu.enqueue_dma source(%arg13 : memref<128x128xf32, #tpu.memory_space<vmem>>) target(%dma_start3A_125 : memref<128x128xf32, #tpu.memory_space<hbm>>) target_semaphore(%arg21 : memref<!tpu.dma_semaphore, #tpu.memory_space<semaphore_mem>>)
    %dma_wait3A_126 = arith.constant 0 : i32
    %dma_wait3A_127 = tpu.memref_slice %arg6[%add3A_106, %dma_wait3A_126] : memref<20480x128xf32, #tpu.memory_space<hbm>> -> memref<128x128xf32, #tpu.memory_space<hbm>>
    %dma_wait3A_128 = arith.constant 0 : i32
    %dma_wait3A_129 = tpu.memref_slice %arg6[%add3A_106, %dma_wait3A_128] : memref<20480x128xf32, #tpu.memory_space<hbm>> -> memref<128x128xf32, #tpu.memory_space<hbm>>
    tpu.wait_dma2 semaphore(%arg20 : memref<!tpu.dma_semaphore, #tpu.memory_space<semaphore_mem>>) src(%arg12 : memref<128x128xf32, #tpu.memory_space<vmem>>) dst(%dma_wait3A_129 : memref<128x128xf32, #tpu.memory_space<hbm>>)
    %add3A_130 = arith.constant 512 : i32
    %add3A_131 = arith.addi %mul3A_2, %add3A_130 : i32
    "tpu.region"() ({
      %run_scoped3A = tpu.sem_alloc : memref<!tpu.dma_semaphore, #tpu.memory_space<semaphore_mem>>
      %dma_start3A_155 = arith.constant 0 : i32
      %dma_start3A_156 = tpu.memref_slice %arg15[%add3A_131, %dma_start3A_155] : memref<10240x128xf32, #tpu.memory_space<vmem_shared>> -> memref<128x128xf32, #tpu.memory_space<vmem_shared>>
      %dma_start3A_157 = arith.constant 0 : i32
      %dma_start3A_158 = tpu.memref_slice %arg15[%add3A_131, %dma_start3A_157] : memref<10240x128xf32, #tpu.memory_space<vmem_shared>> -> memref<128x128xf32, #tpu.memory_space<vmem_shared>>
      tpu.enqueue_dma source(%dma_start3A_158 : memref<128x128xf32, #tpu.memory_space<vmem_shared>>) target(%arg12 : memref<128x128xf32, #tpu.memory_space<vmem>>) target_semaphore(%run_scoped3A : memref<!tpu.dma_semaphore, #tpu.memory_space<semaphore_mem>>)
      %dma_wait3A_159 = arith.constant 0 : i32
      %dma_wait3A_160 = tpu.memref_slice %arg15[%add3A_131, %dma_wait3A_159] : memref<10240x128xf32, #tpu.memory_space<vmem_shared>> -> memref<128x128xf32, #tpu.memory_space<vmem_shared>>
      %dma_wait3A_161 = arith.constant 0 : i32
      %dma_wait3A_162 = tpu.memref_slice %arg15[%add3A_131, %dma_wait3A_161] : memref<10240x128xf32, #tpu.memory_space<vmem_shared>> -> memref<128x128xf32, #tpu.memory_space<vmem_shared>>
      tpu.wait_dma2 semaphore(%run_scoped3A : memref<!tpu.dma_semaphore, #tpu.memory_space<semaphore_mem>>) src(%dma_wait3A_162 : memref<128x128xf32, #tpu.memory_space<vmem_shared>>) dst(%arg12 : memref<128x128xf32, #tpu.memory_space<vmem>>)
      tpu.yield
    }) : () -> ()
    %mul3A_132 = arith.constant 10240 : i32
    %mul3A_133 = arith.muli %arg0, %mul3A_132 : i32
    %add3A_134 = arith.addi %mul3A_133, %mul3A_2 : i32
    %add3A_135 = arith.constant 512 : i32
    %add3A_136 = arith.addi %add3A_134, %add3A_135 : i32
    %dma_start3A_137 = arith.constant 0 : i32
    %dma_start3A_138 = tpu.memref_slice %arg6[%add3A_136, %dma_start3A_137] : memref<20480x128xf32, #tpu.memory_space<hbm>> -> memref<128x128xf32, #tpu.memory_space<hbm>>
    %dma_start3A_139 = arith.constant 0 : i32
    %dma_start3A_140 = tpu.memref_slice %arg6[%add3A_136, %dma_start3A_139] : memref<20480x128xf32, #tpu.memory_space<hbm>> -> memref<128x128xf32, #tpu.memory_space<hbm>>
    tpu.enqueue_dma source(%arg12 : memref<128x128xf32, #tpu.memory_space<vmem>>) target(%dma_start3A_140 : memref<128x128xf32, #tpu.memory_space<hbm>>) target_semaphore(%arg20 : memref<!tpu.dma_semaphore, #tpu.memory_space<semaphore_mem>>)
    %dma_wait3A_141 = arith.constant 0 : i32
    %dma_wait3A_142 = tpu.memref_slice %arg6[%add3A_121, %dma_wait3A_141] : memref<20480x128xf32, #tpu.memory_space<hbm>> -> memref<128x128xf32, #tpu.memory_space<hbm>>
    %dma_wait3A_143 = arith.constant 0 : i32
    %dma_wait3A_144 = tpu.memref_slice %arg6[%add3A_121, %dma_wait3A_143] : memref<20480x128xf32, #tpu.memory_space<hbm>> -> memref<128x128xf32, #tpu.memory_space<hbm>>
    tpu.wait_dma2 semaphore(%arg21 : memref<!tpu.dma_semaphore, #tpu.memory_space<semaphore_mem>>) src(%arg13 : memref<128x128xf32, #tpu.memory_space<vmem>>) dst(%dma_wait3A_144 : memref<128x128xf32, #tpu.memory_space<hbm>>)
    %dma_wait3A_145 = arith.constant 0 : i32
    %dma_wait3A_146 = tpu.memref_slice %arg6[%add3A_136, %dma_wait3A_145] : memref<20480x128xf32, #tpu.memory_space<hbm>> -> memref<128x128xf32, #tpu.memory_space<hbm>>
    %dma_wait3A_147 = arith.constant 0 : i32
    %dma_wait3A_148 = tpu.memref_slice %arg6[%add3A_136, %dma_wait3A_147] : memref<20480x128xf32, #tpu.memory_space<hbm>> -> memref<128x128xf32, #tpu.memory_space<hbm>>
    tpu.wait_dma2 semaphore(%arg20 : memref<!tpu.dma_semaphore, #tpu.memory_space<semaphore_mem>>) src(%arg12 : memref<128x128xf32, #tpu.memory_space<vmem>>) dst(%dma_wait3A_148 : memref<128x128xf32, #tpu.memory_space<hbm>>)
    %dma_wait3A_149 = arith.constant 0 : i32
    %dma_wait3A_150 = tpu.memref_slice %arg7[%add3A, %dma_wait3A_149] : memref<32x10240xf32, #tpu.memory_space<hbm>> -> memref<1x10240xf32, #tpu.memory_space<hbm>>
    %dma_wait3A_151 = tpu.memref_squeeze %dma_wait3A_150 : memref<1x10240xf32, #tpu.memory_space<hbm>> -> memref<10240xf32, #tpu.memory_space<hbm>>
    %dma_wait3A_152 = arith.constant 0 : i32
    %dma_wait3A_153 = tpu.memref_slice %arg7[%add3A, %dma_wait3A_152] : memref<32x10240xf32, #tpu.memory_space<hbm>> -> memref<1x10240xf32, #tpu.memory_space<hbm>>
    %dma_wait3A_154 = tpu.memref_squeeze %dma_wait3A_153 : memref<1x10240xf32, #tpu.memory_space<hbm>> -> memref<10240xf32, #tpu.memory_space<hbm>>
    tpu.wait_dma2 semaphore(%arg22 : memref<!tpu.dma_semaphore, #tpu.memory_space<semaphore_mem>>) src(%arg14 : memref<10240xf32, #tpu.memory_space<vmem>>) dst(%dma_wait3A_154 : memref<10240xf32, #tpu.memory_space<hbm>>)
    return
  }
}

#map = affine_map<(d0, d1) -> (0, 0)>
#map1 = affine_map<(d0, d1) -> (0, 0, 0)>
#map2 = affine_map<(d0, d1) -> (0)>
module attributes {stable_mosaic.version = 14 : i64} {
  func.func @_phase_body(%arg0: i32, %arg1: i32, %arg2: memref<10000x128xf32, #tpu.memory_space<hbm>>, %arg3: memref<2560x2x128xi32, #tpu.memory_space<hbm>>, %arg4: memref<10240x128xf32, #tpu.memory_space<hbm>>, %arg5: memref<10240xf32, #tpu.memory_space<hbm>>, %arg6: memref<20480x128xf32, #tpu.memory_space<hbm>>, %arg7: memref<32x10240xf32, #tpu.memory_space<hbm>>, %arg8: memref<2x128xi32, #tpu.memory_space<vmem>>, %arg9: memref<2x128xi32, #tpu.memory_space<vmem>>, %arg10: memref<2x128xi32, #tpu.memory_space<vmem>>, %arg11: memref<2x128xi32, #tpu.memory_space<vmem>>, %arg12: memref<128x128xf32, #tpu.memory_space<vmem>>, %arg13: memref<128x128xf32, #tpu.memory_space<vmem>>, %arg14: memref<10240xf32, #tpu.memory_space<vmem>>, %arg15: memref<10240x128xf32, #tpu.memory_space<vmem_shared>>, %arg16: memref<!tpu.dma_semaphore, #tpu.memory_space<semaphore_mem>>, %arg17: memref<!tpu.dma_semaphore, #tpu.memory_space<semaphore_mem>>, %arg18: memref<!tpu.dma_semaphore, #tpu.memory_space<semaphore_mem>>, %arg19: memref<!tpu.dma_semaphore, #tpu.memory_space<semaphore_mem>>, %arg20: memref<!tpu.dma_semaphore, #tpu.memory_space<semaphore_mem>>, %arg21: memref<!tpu.dma_semaphore, #tpu.memory_space<semaphore_mem>>, %arg22: memref<!tpu.dma_semaphore, #tpu.memory_space<semaphore_mem>>, %arg23: memref<!tpu.dma_semaphore, #tpu.memory_space<semaphore_mem>>) attributes {dimension_semantics = [#tpu.dimension_semantics<core_parallel>, #tpu.dimension_semantics<subcore_parallel>], iteration_bounds = array<i64: 2, 16>, scalar_prefetch = 0 : i64, scratch_operands = 16 : i64, tpu.core_type = #tpu.core_type<sc_vector_subcore>, window_params = [{transform_indices = #map}, {transform_indices = #map1}, {transform_indices = #map}, {transform_indices = #map2}, {transform_indices = #map}, {transform_indices = #map}]} {
    %mul3A = arith.constant 16 : i32
    %mul3A_0 = arith.muli %arg0, %mul3A : i32
    %add3A = arith.addi %mul3A_0, %arg1 : i32
    %mul3A_1 = arith.constant 640 : i32
    %mul3A_2 = arith.muli %arg1, %mul3A_1 : i32
    %broadcast_in_dim3A = arith.constant 1.000000e+00 : f32
    %broadcast_in_dim3A_3 = vector.broadcast %broadcast_in_dim3A : f32 to vector<16xf32>
    %mul3A_4 = arith.constant 80 : i32
    %mul3A_5 = arith.muli %add3A, %mul3A_4 : i32
    %add3A_6 = arith.constant 0 : i32
    %add3A_7 = arith.addi %mul3A_5, %add3A_6 : i32
    %dma_start3A = arith.constant 0 : i32
    %dma_start3A_8 = arith.constant 0 : i32
    %dma_start3A_9 = tpu.memref_slice %arg3[%add3A_7, %dma_start3A, %dma_start3A_8] : memref<2560x2x128xi32, #tpu.memory_space<hbm>> -> memref<1x2x128xi32, #tpu.memory_space<hbm>>
    %dma_start3A_10 = tpu.memref_squeeze %dma_start3A_9 : memref<1x2x128xi32, #tpu.memory_space<hbm>> -> memref<2x128xi32, #tpu.memory_space<hbm>>
    %dma_start3A_11 = arith.constant 0 : i32
    %dma_start3A_12 = arith.constant 0 : i32
    %dma_start3A_13 = tpu.memref_slice %arg3[%add3A_7, %dma_start3A_11, %dma_start3A_12] : memref<2560x2x128xi32, #tpu.memory_space<hbm>> -> memref<1x2x128xi32, #tpu.memory_space<hbm>>
    %dma_start3A_14 = tpu.memref_squeeze %dma_start3A_13 : memref<1x2x128xi32, #tpu.memory_space<hbm>> -> memref<2x128xi32, #tpu.memory_space<hbm>>
    tpu.enqueue_dma source(%dma_start3A_14 : memref<2x128xi32, #tpu.memory_space<hbm>>) target(%arg8 : memref<2x128xi32, #tpu.memory_space<vmem>>) target_semaphore(%arg16 : memref<!tpu.dma_semaphore, #tpu.memory_space<semaphore_mem>>)
    %mul3A_15 = arith.constant 80 : i32
    %mul3A_16 = arith.muli %add3A, %mul3A_15 : i32
    %add3A_17 = arith.constant 1 : i32
    %add3A_18 = arith.addi %mul3A_16, %add3A_17 : i32
    %dma_start3A_19 = arith.constant 0 : i32
    %dma_start3A_20 = arith.constant 0 : i32
    %dma_start3A_21 = tpu.memref_slice %arg3[%add3A_18, %dma_start3A_19, %dma_start3A_20] : memref<2560x2x128xi32, #tpu.memory_space<hbm>> -> memref<1x2x128xi32, #tpu.memory_space<hbm>>
    %dma_start3A_22 = tpu.memref_squeeze %dma_start3A_21 : memref<1x2x128xi32, #tpu.memory_space<hbm>> -> memref<2x128xi32, #tpu.memory_space<hbm>>
    %dma_start3A_23 = arith.constant 0 : i32
    %dma_start3A_24 = arith.constant 0 : i32
    %dma_start3A_25 = tpu.memref_slice %arg3[%add3A_18, %dma_start3A_23, %dma_start3A_24] : memref<2560x2x128xi32, #tpu.memory_space<hbm>> -> memref<1x2x128xi32, #tpu.memory_space<hbm>>
    %dma_start3A_26 = tpu.memref_squeeze %dma_start3A_25 : memref<1x2x128xi32, #tpu.memory_space<hbm>> -> memref<2x128xi32, #tpu.memory_space<hbm>>
    tpu.enqueue_dma source(%dma_start3A_26 : memref<2x128xi32, #tpu.memory_space<hbm>>) target(%arg9 : memref<2x128xi32, #tpu.memory_space<vmem>>) target_semaphore(%arg17 : memref<!tpu.dma_semaphore, #tpu.memory_space<semaphore_mem>>)
    "tpu.region"() ({
      %run_scoped3A = tpu.sem_alloc : memref<!tpu.dma_semaphore, #tpu.memory_space<semaphore_mem>>
      %dma_start3A_155 = arith.constant 0 : i32
      %dma_start3A_156 = tpu.memref_slice %arg15[%mul3A_2, %dma_start3A_155] : memref<10240x128xf32, #tpu.memory_space<vmem_shared>> -> memref<640x128xf32, #tpu.memory_space<vmem_shared>>
      %dma_start3A_157 = arith.constant 0 : i32
      %dma_start3A_158 = tpu.memref_slice %arg4[%mul3A_2, %dma_start3A_157] : memref<10240x128xf32, #tpu.memory_space<hbm>> -> memref<640x128xf32, #tpu.memory_space<hbm>>
      tpu.enqueue_dma source(%dma_start3A_158 : memref<640x128xf32, #tpu.memory_space<hbm>>) target(%dma_start3A_156 : memref<640x128xf32, #tpu.memory_space<vmem_shared>>) target_semaphore(%run_scoped3A : memref<!tpu.dma_semaphore, #tpu.memory_space<semaphore_mem>>)
      %dma_wait3A_159 = arith.constant 0 : i32
      %dma_wait3A_160 = tpu.memref_slice %arg15[%mul3A_2, %dma_wait3A_159] : memref<10240x128xf32, #tpu.memory_space<vmem_shared>> -> memref<640x128xf32, #tpu.memory_space<vmem_shared>>
      %dma_wait3A_161 = arith.constant 0 : i32
      %dma_wait3A_162 = tpu.memref_slice %arg4[%mul3A_2, %dma_wait3A_161] : memref<10240x128xf32, #tpu.memory_space<hbm>> -> memref<640x128xf32, #tpu.memory_space<hbm>>
      tpu.wait_dma2 semaphore(%run_scoped3A : memref<!tpu.dma_semaphore, #tpu.memory_space<semaphore_mem>>) src(%dma_wait3A_162 : memref<640x128xf32, #tpu.memory_space<hbm>>) dst(%dma_wait3A_160 : memref<640x128xf32, #tpu.memory_space<vmem_shared>>)
      tpu.yield
    }) : () -> ()
    "tpu.region"() ({
      %run_scoped3A = tpu.sem_alloc : memref<!tpu.dma_semaphore, #tpu.memory_space<semaphore_mem>>
      tpu.enqueue_dma source(%arg5 : memref<10240xf32, #tpu.memory_space<hbm>>) target(%arg14 : memref<10240xf32, #tpu.memory_space<vmem>>) target_semaphore(%run_scoped3A : memref<!tpu.dma_semaphore, #tpu.memory_space<semaphore_mem>>)
      tpu.wait_dma2 semaphore(%run_scoped3A : memref<!tpu.dma_semaphore, #tpu.memory_space<semaphore_mem>>) src(%arg5 : memref<10240xf32, #tpu.memory_space<hbm>>) dst(%arg14 : memref<10240xf32, #tpu.memory_space<vmem>>)
      tpu.yield
    }) : () -> ()
    %barrier3A = arith.constant 0 : index
    tpu.barrier barrier_id(%barrier3A)
    %scan3A = arith.constant 0 : i32
    %scan3A_27 = arith.constant 1 : i32
    %scan3A_28 = arith.constant 0 : i32
    %scan3A_29 = arith.constant 0 : i32
    %scan3A_30 = arith.constant 1 : i32
    %scan3A_31 = arith.constant 0 : i32
    %scan3A_32 = arith.constant 1 : i32
    %scan3A_33 = arith.constant 0 : i32
    %scan3A_34 = arith.constant 1 : i32
    %scan3A_35 = arith.constant 0 : i32
    %scan3A_36 = arith.constant 20 : i32
    %scan3A_37 = arith.addi %scan3A_35, %scan3A_36 : i32
    %scan3A_38 = arith.constant 1 : i32
    scf.for %scan3A_155 = %scan3A_35 to %scan3A_37 step %scan3A_38  : i32 {
      %mul3A_156 = arith.constant 4 : i32
      %mul3A_157 = arith.muli %mul3A_156, %scan3A_155 : i32
      %add3A_158 = arith.constant 0 : i32
      %add3A_159 = arith.addi %mul3A_157, %add3A_158 : i32
      %dma_wait3A_160 = arith.constant 0 : i32
      %dma_wait3A_161 = arith.constant 0 : i32
      %dma_wait3A_162 = arith.constant 0 : i32
      %dma_wait3A_163 = tpu.memref_slice %arg3[%dma_wait3A_160, %dma_wait3A_161, %dma_wait3A_162] : memref<2560x2x128xi32, #tpu.memory_space<hbm>> -> memref<1x2x128xi32, #tpu.memory_space<hbm>>
      %dma_wait3A_164 = tpu.memref_squeeze %dma_wait3A_163 : memref<1x2x128xi32, #tpu.memory_space<hbm>> -> memref<2x128xi32, #tpu.memory_space<hbm>>
      %dma_wait3A_165 = arith.constant 0 : i32
      %dma_wait3A_166 = arith.constant 0 : i32
      %dma_wait3A_167 = tpu.memref_slice %arg3[%dma_wait3A_160, %dma_wait3A_165, %dma_wait3A_166] : memref<2560x2x128xi32, #tpu.memory_space<hbm>> -> memref<1x2x128xi32, #tpu.memory_space<hbm>>
      %dma_wait3A_168 = tpu.memref_squeeze %dma_wait3A_167 : memref<1x2x128xi32, #tpu.memory_space<hbm>> -> memref<2x128xi32, #tpu.memory_space<hbm>>
      tpu.wait_dma2 semaphore(%arg16 : memref<!tpu.dma_semaphore, #tpu.memory_space<semaphore_mem>>) src(%dma_wait3A_168 : memref<2x128xi32, #tpu.memory_space<hbm>>) dst(%arg8 : memref<2x128xi32, #tpu.memory_space<vmem>>)
      %ge3A = arith.constant 2 : i32
      %ge3A_169 = arith.cmpi sge, %add3A_159, %ge3A : i32
      %convert_element_type3A = arith.extui %ge3A_169 : i1 to i32
      %cond3A = arith.constant 0 : i32
      %cond3A_170 = arith.cmpi ne, %convert_element_type3A, %cond3A : i32
      scf.if %cond3A_170 {
        %dma_wait3A_423 = arith.constant 0 : i32
        %dma_wait3A_424 = tpu.memref_slice %arg10[%scan3A_27, %dma_wait3A_423] : memref<2x128xi32, #tpu.memory_space<vmem>> -> memref<1x128xi32, #tpu.memory_space<vmem>>
        %dma_wait3A_425 = tpu.memref_squeeze %dma_wait3A_424 : memref<1x128xi32, #tpu.memory_space<vmem>> -> memref<128xi32, #tpu.memory_space<vmem>>
        %dma_wait3A_426 = arith.constant 0 : i32
        %dma_wait3A_427 = arith.constant 0 : i32
        %dma_wait3A_428 = tpu.memref_slice %arg15[%dma_wait3A_426, %dma_wait3A_427] : memref<10240x128xf32, #tpu.memory_space<vmem_shared>> -> memref<10240x128xf32, #tpu.memory_space<vmem_shared>>
        tpu.wait_indirect_dma semaphore(%arg22 : memref<!tpu.dma_semaphore, #tpu.memory_space<semaphore_mem>>) src(%arg12 : memref<128x128xf32, #tpu.memory_space<vmem>>) dst(%dma_wait3A_428 : memref<10240x128xf32, #tpu.memory_space<vmem_shared>>)
      } else {
      }
      %add3A_171 = arith.constant 2 : i32
      %add3A_172 = arith.addi %add3A_159, %add3A_171 : i32
      %lt3A = arith.constant 80 : i32
      %lt3A_173 = arith.cmpi slt, %add3A_172, %lt3A : i32
      %convert_element_type3A_174 = arith.extui %lt3A_173 : i1 to i32
      %cond3A_175 = arith.constant 0 : i32
      %cond3A_176 = arith.cmpi ne, %convert_element_type3A_174, %cond3A_175 : i32
      scf.if %cond3A_176 {
        %add3A_423 = arith.constant 2 : i32
        %add3A_424 = arith.addi %add3A_159, %add3A_423 : i32
        %mul3A_425 = arith.constant 80 : i32
        %mul3A_426 = arith.muli %add3A, %mul3A_425 : i32
        %add3A_427 = arith.addi %mul3A_426, %add3A_424 : i32
        %dma_start3A_428 = arith.constant 0 : i32
        %dma_start3A_429 = arith.constant 0 : i32
        %dma_start3A_430 = tpu.memref_slice %arg3[%add3A_427, %dma_start3A_428, %dma_start3A_429] : memref<2560x2x128xi32, #tpu.memory_space<hbm>> -> memref<1x2x128xi32, #tpu.memory_space<hbm>>
        %dma_start3A_431 = tpu.memref_squeeze %dma_start3A_430 : memref<1x2x128xi32, #tpu.memory_space<hbm>> -> memref<2x128xi32, #tpu.memory_space<hbm>>
        %dma_start3A_432 = arith.constant 0 : i32
        %dma_start3A_433 = arith.constant 0 : i32
        %dma_start3A_434 = tpu.memref_slice %arg3[%add3A_427, %dma_start3A_432, %dma_start3A_433] : memref<2560x2x128xi32, #tpu.memory_space<hbm>> -> memref<1x2x128xi32, #tpu.memory_space<hbm>>
        %dma_start3A_435 = tpu.memref_squeeze %dma_start3A_434 : memref<1x2x128xi32, #tpu.memory_space<hbm>> -> memref<2x128xi32, #tpu.memory_space<hbm>>
        tpu.enqueue_dma source(%dma_start3A_435 : memref<2x128xi32, #tpu.memory_space<hbm>>) target(%arg10 : memref<2x128xi32, #tpu.memory_space<vmem>>) target_semaphore(%arg18 : memref<!tpu.dma_semaphore, #tpu.memory_space<semaphore_mem>>)
      } else {
      }
      %dma_start3A_177 = arith.constant 0 : i32
      %dma_start3A_178 = tpu.memref_slice %arg8[%scan3A_28, %dma_start3A_177] : memref<2x128xi32, #tpu.memory_space<vmem>> -> memref<1x128xi32, #tpu.memory_space<vmem>>
      %dma_start3A_179 = tpu.memref_squeeze %dma_start3A_178 : memref<1x128xi32, #tpu.memory_space<vmem>> -> memref<128xi32, #tpu.memory_space<vmem>>
      %dma_start3A_180 = arith.constant 0 : i32
      %dma_start3A_181 = arith.constant 0 : i32
      %dma_start3A_182 = tpu.memref_slice %arg2[%dma_start3A_180, %dma_start3A_181] : memref<10000x128xf32, #tpu.memory_space<hbm>> -> memref<10000x128xf32, #tpu.memory_space<hbm>>
      tpu.enqueue_indirect_dma source(%dma_start3A_182 : memref<10000x128xf32, #tpu.memory_space<hbm>>) target(%arg12 : memref<128x128xf32, #tpu.memory_space<vmem>>) offsets(%dma_start3A_179 : memref<128xi32, #tpu.memory_space<vmem>>) semaphore(%arg20 : memref<!tpu.dma_semaphore, #tpu.memory_space<semaphore_mem>>)
      %get3A = arith.constant 1 : i32
      %get3A_183 = arith.index_cast %get3A : i32 to index
      %get3A_184 = arith.constant 0 : index
      %get3A_185 = tpu.vector_load %arg8[%get3A_183, %get3A_184] {strides = array<i32>} : memref<2x128xi32, #tpu.memory_space<vmem>>, vector<16xi32>,
      tpu.vector_store_idx %arg14[%get3A_185], %broadcast_in_dim3A_3 {add = true} : memref<10240xf32, #tpu.memory_space<vmem>>[vector<16xi32>], vector<16xf32>,
      %get3A_186 = arith.constant 1 : i32
      %get3A_187 = arith.index_cast %get3A_186 : i32 to index
      %get3A_188 = arith.constant 16 : index
      %get3A_189 = tpu.vector_load %arg8[%get3A_187, %get3A_188] {strides = array<i32>} : memref<2x128xi32, #tpu.memory_space<vmem>>, vector<16xi32>,
      tpu.vector_store_idx %arg14[%get3A_189], %broadcast_in_dim3A_3 {add = true} : memref<10240xf32, #tpu.memory_space<vmem>>[vector<16xi32>], vector<16xf32>,
      %get3A_190 = arith.constant 1 : i32
      %get3A_191 = arith.index_cast %get3A_190 : i32 to index
      %get3A_192 = arith.constant 32 : index
      %get3A_193 = tpu.vector_load %arg8[%get3A_191, %get3A_192] {strides = array<i32>} : memref<2x128xi32, #tpu.memory_space<vmem>>, vector<16xi32>,
      tpu.vector_store_idx %arg14[%get3A_193], %broadcast_in_dim3A_3 {add = true} : memref<10240xf32, #tpu.memory_space<vmem>>[vector<16xi32>], vector<16xf32>,
      %get3A_194 = arith.constant 1 : i32
      %get3A_195 = arith.index_cast %get3A_194 : i32 to index
      %get3A_196 = arith.constant 48 : index
      %get3A_197 = tpu.vector_load %arg8[%get3A_195, %get3A_196] {strides = array<i32>} : memref<2x128xi32, #tpu.memory_space<vmem>>, vector<16xi32>,
      tpu.vector_store_idx %arg14[%get3A_197], %broadcast_in_dim3A_3 {add = true} : memref<10240xf32, #tpu.memory_space<vmem>>[vector<16xi32>], vector<16xf32>,
      %get3A_198 = arith.constant 1 : i32
      %get3A_199 = arith.index_cast %get3A_198 : i32 to index
      %get3A_200 = arith.constant 64 : index
      %get3A_201 = tpu.vector_load %arg8[%get3A_199, %get3A_200] {strides = array<i32>} : memref<2x128xi32, #tpu.memory_space<vmem>>, vector<16xi32>,
      tpu.vector_store_idx %arg14[%get3A_201], %broadcast_in_dim3A_3 {add = true} : memref<10240xf32, #tpu.memory_space<vmem>>[vector<16xi32>], vector<16xf32>,
      %get3A_202 = arith.constant 1 : i32
      %get3A_203 = arith.index_cast %get3A_202 : i32 to index
      %get3A_204 = arith.constant 80 : index
      %get3A_205 = tpu.vector_load %arg8[%get3A_203, %get3A_204] {strides = array<i32>} : memref<2x128xi32, #tpu.memory_space<vmem>>, vector<16xi32>,
      tpu.vector_store_idx %arg14[%get3A_205], %broadcast_in_dim3A_3 {add = true} : memref<10240xf32, #tpu.memory_space<vmem>>[vector<16xi32>], vector<16xf32>,
      %get3A_206 = arith.constant 1 : i32
      %get3A_207 = arith.index_cast %get3A_206 : i32 to index
      %get3A_208 = arith.constant 96 : index
      %get3A_209 = tpu.vector_load %arg8[%get3A_207, %get3A_208] {strides = array<i32>} : memref<2x128xi32, #tpu.memory_space<vmem>>, vector<16xi32>,
      tpu.vector_store_idx %arg14[%get3A_209], %broadcast_in_dim3A_3 {add = true} : memref<10240xf32, #tpu.memory_space<vmem>>[vector<16xi32>], vector<16xf32>,
      %get3A_210 = arith.constant 1 : i32
      %get3A_211 = arith.index_cast %get3A_210 : i32 to index
      %get3A_212 = arith.constant 112 : index
      %get3A_213 = tpu.vector_load %arg8[%get3A_211, %get3A_212] {strides = array<i32>} : memref<2x128xi32, #tpu.memory_space<vmem>>, vector<16xi32>,
      tpu.vector_store_idx %arg14[%get3A_213], %broadcast_in_dim3A_3 {add = true} : memref<10240xf32, #tpu.memory_space<vmem>>[vector<16xi32>], vector<16xf32>,
      %ge3A_214 = arith.constant 1 : i32
      %ge3A_215 = arith.cmpi sge, %add3A_159, %ge3A_214 : i32
      %convert_element_type3A_216 = arith.extui %ge3A_215 : i1 to i32
      %cond3A_217 = arith.constant 0 : i32
      %cond3A_218 = arith.cmpi ne, %convert_element_type3A_216, %cond3A_217 : i32
      scf.if %cond3A_218 {
        %dma_wait3A_423 = arith.constant 0 : i32
        %dma_wait3A_424 = tpu.memref_slice %arg11[%scan3A_29, %dma_wait3A_423] : memref<2x128xi32, #tpu.memory_space<vmem>> -> memref<1x128xi32, #tpu.memory_space<vmem>>
        %dma_wait3A_425 = tpu.memref_squeeze %dma_wait3A_424 : memref<1x128xi32, #tpu.memory_space<vmem>> -> memref<128xi32, #tpu.memory_space<vmem>>
        %dma_wait3A_426 = arith.constant 0 : i32
        %dma_wait3A_427 = arith.constant 0 : i32
        %dma_wait3A_428 = tpu.memref_slice %arg2[%dma_wait3A_426, %dma_wait3A_427] : memref<10000x128xf32, #tpu.memory_space<hbm>> -> memref<10000x128xf32, #tpu.memory_space<hbm>>
        tpu.wait_indirect_dma semaphore(%arg21 : memref<!tpu.dma_semaphore, #tpu.memory_space<semaphore_mem>>) src(%dma_wait3A_428 : memref<10000x128xf32, #tpu.memory_space<hbm>>) dst(%arg13 : memref<128x128xf32, #tpu.memory_space<vmem>>)
        %dma_start3A_429 = arith.constant 0 : i32
        %dma_start3A_430 = tpu.memref_slice %arg11[%scan3A_30, %dma_start3A_429] : memref<2x128xi32, #tpu.memory_space<vmem>> -> memref<1x128xi32, #tpu.memory_space<vmem>>
        %dma_start3A_431 = tpu.memref_squeeze %dma_start3A_430 : memref<1x128xi32, #tpu.memory_space<vmem>> -> memref<128xi32, #tpu.memory_space<vmem>>
        %dma_start3A_432 = arith.constant 0 : i32
        %dma_start3A_433 = arith.constant 0 : i32
        %dma_start3A_434 = tpu.memref_slice %arg15[%dma_start3A_432, %dma_start3A_433] : memref<10240x128xf32, #tpu.memory_space<vmem_shared>> -> memref<10240x128xf32, #tpu.memory_space<vmem_shared>>
        tpu.enqueue_indirect_dma source(%arg13 : memref<128x128xf32, #tpu.memory_space<vmem>>) target(%dma_start3A_434 : memref<10240x128xf32, #tpu.memory_space<vmem_shared>>) offsets(%dma_start3A_431 : memref<128xi32, #tpu.memory_space<vmem>>) semaphore(%arg23 : memref<!tpu.dma_semaphore, #tpu.memory_space<semaphore_mem>>) {add = true}
      } else {
      }
      %mul3A_219 = arith.constant 4 : i32
      %mul3A_220 = arith.muli %mul3A_219, %scan3A_155 : i32
      %add3A_221 = arith.constant 1 : i32
      %add3A_222 = arith.addi %mul3A_220, %add3A_221 : i32
      %dma_wait3A_223 = arith.constant 0 : i32
      %dma_wait3A_224 = arith.constant 0 : i32
      %dma_wait3A_225 = arith.constant 0 : i32
      %dma_wait3A_226 = tpu.memref_slice %arg3[%dma_wait3A_223, %dma_wait3A_224, %dma_wait3A_225] : memref<2560x2x128xi32, #tpu.memory_space<hbm>> -> memref<1x2x128xi32, #tpu.memory_space<hbm>>
      %dma_wait3A_227 = tpu.memref_squeeze %dma_wait3A_226 : memref<1x2x128xi32, #tpu.memory_space<hbm>> -> memref<2x128xi32, #tpu.memory_space<hbm>>
      %dma_wait3A_228 = arith.constant 0 : i32
      %dma_wait3A_229 = arith.constant 0 : i32
      %dma_wait3A_230 = tpu.memref_slice %arg3[%dma_wait3A_223, %dma_wait3A_228, %dma_wait3A_229] : memref<2560x2x128xi32, #tpu.memory_space<hbm>> -> memref<1x2x128xi32, #tpu.memory_space<hbm>>
      %dma_wait3A_231 = tpu.memref_squeeze %dma_wait3A_230 : memref<1x2x128xi32, #tpu.memory_space<hbm>> -> memref<2x128xi32, #tpu.memory_space<hbm>>
      tpu.wait_dma2 semaphore(%arg17 : memref<!tpu.dma_semaphore, #tpu.memory_space<semaphore_mem>>) src(%dma_wait3A_231 : memref<2x128xi32, #tpu.memory_space<hbm>>) dst(%arg9 : memref<2x128xi32, #tpu.memory_space<vmem>>)
      %ge3A_232 = arith.constant 2 : i32
      %ge3A_233 = arith.cmpi sge, %add3A_222, %ge3A_232 : i32
      %convert_element_type3A_234 = arith.extui %ge3A_233 : i1 to i32
      %cond3A_235 = arith.constant 0 : i32
      %cond3A_236 = arith.cmpi ne, %convert_element_type3A_234, %cond3A_235 : i32
      scf.if %cond3A_236 {
        %dma_wait3A_423 = arith.constant 0 : i32
        %dma_wait3A_424 = tpu.memref_slice %arg11[%scan3A_30, %dma_wait3A_423] : memref<2x128xi32, #tpu.memory_space<vmem>> -> memref<1x128xi32, #tpu.memory_space<vmem>>
        %dma_wait3A_425 = tpu.memref_squeeze %dma_wait3A_424 : memref<1x128xi32, #tpu.memory_space<vmem>> -> memref<128xi32, #tpu.memory_space<vmem>>
        %dma_wait3A_426 = arith.constant 0 : i32
        %dma_wait3A_427 = arith.constant 0 : i32
        %dma_wait3A_428 = tpu.memref_slice %arg15[%dma_wait3A_426, %dma_wait3A_427] : memref<10240x128xf32, #tpu.memory_space<vmem_shared>> -> memref<10240x128xf32, #tpu.memory_space<vmem_shared>>
        tpu.wait_indirect_dma semaphore(%arg23 : memref<!tpu.dma_semaphore, #tpu.memory_space<semaphore_mem>>) src(%arg13 : memref<128x128xf32, #tpu.memory_space<vmem>>) dst(%dma_wait3A_428 : memref<10240x128xf32, #tpu.memory_space<vmem_shared>>)
      } else {
      }
      %add3A_237 = arith.constant 2 : i32
      %add3A_238 = arith.addi %add3A_222, %add3A_237 : i32
      %lt3A_239 = arith.constant 80 : i32
      %lt3A_240 = arith.cmpi slt, %add3A_238, %lt3A_239 : i32
      %convert_element_type3A_241 = arith.extui %lt3A_240 : i1 to i32
      %cond3A_242 = arith.constant 0 : i32
      %cond3A_243 = arith.cmpi ne, %convert_element_type3A_241, %cond3A_242 : i32
      scf.if %cond3A_243 {
        %add3A_423 = arith.constant 2 : i32
        %add3A_424 = arith.addi %add3A_222, %add3A_423 : i32
        %mul3A_425 = arith.constant 80 : i32
        %mul3A_426 = arith.muli %add3A, %mul3A_425 : i32
        %add3A_427 = arith.addi %mul3A_426, %add3A_424 : i32
        %dma_start3A_428 = arith.constant 0 : i32
        %dma_start3A_429 = arith.constant 0 : i32
        %dma_start3A_430 = tpu.memref_slice %arg3[%add3A_427, %dma_start3A_428, %dma_start3A_429] : memref<2560x2x128xi32, #tpu.memory_space<hbm>> -> memref<1x2x128xi32, #tpu.memory_space<hbm>>
        %dma_start3A_431 = tpu.memref_squeeze %dma_start3A_430 : memref<1x2x128xi32, #tpu.memory_space<hbm>> -> memref<2x128xi32, #tpu.memory_space<hbm>>
        %dma_start3A_432 = arith.constant 0 : i32
        %dma_start3A_433 = arith.constant 0 : i32
        %dma_start3A_434 = tpu.memref_slice %arg3[%add3A_427, %dma_start3A_432, %dma_start3A_433] : memref<2560x2x128xi32, #tpu.memory_space<hbm>> -> memref<1x2x128xi32, #tpu.memory_space<hbm>>
        %dma_start3A_435 = tpu.memref_squeeze %dma_start3A_434 : memref<1x2x128xi32, #tpu.memory_space<hbm>> -> memref<2x128xi32, #tpu.memory_space<hbm>>
        tpu.enqueue_dma source(%dma_start3A_435 : memref<2x128xi32, #tpu.memory_space<hbm>>) target(%arg11 : memref<2x128xi32, #tpu.memory_space<vmem>>) target_semaphore(%arg19 : memref<!tpu.dma_semaphore, #tpu.memory_space<semaphore_mem>>)
      } else {
      }
      %dma_start3A_244 = arith.constant 0 : i32
      %dma_start3A_245 = tpu.memref_slice %arg9[%scan3A_31, %dma_start3A_244] : memref<2x128xi32, #tpu.memory_space<vmem>> -> memref<1x128xi32, #tpu.memory_space<vmem>>
      %dma_start3A_246 = tpu.memref_squeeze %dma_start3A_245 : memref<1x128xi32, #tpu.memory_space<vmem>> -> memref<128xi32, #tpu.memory_space<vmem>>
      %dma_start3A_247 = arith.constant 0 : i32
      %dma_start3A_248 = arith.constant 0 : i32
      %dma_start3A_249 = tpu.memref_slice %arg2[%dma_start3A_247, %dma_start3A_248] : memref<10000x128xf32, #tpu.memory_space<hbm>> -> memref<10000x128xf32, #tpu.memory_space<hbm>>
      tpu.enqueue_indirect_dma source(%dma_start3A_249 : memref<10000x128xf32, #tpu.memory_space<hbm>>) target(%arg13 : memref<128x128xf32, #tpu.memory_space<vmem>>) offsets(%dma_start3A_246 : memref<128xi32, #tpu.memory_space<vmem>>) semaphore(%arg21 : memref<!tpu.dma_semaphore, #tpu.memory_space<semaphore_mem>>)
      %get3A_250 = arith.constant 1 : i32
      %get3A_251 = arith.index_cast %get3A_250 : i32 to index
      %get3A_252 = arith.constant 0 : index
      %get3A_253 = tpu.vector_load %arg9[%get3A_251, %get3A_252] {strides = array<i32>} : memref<2x128xi32, #tpu.memory_space<vmem>>, vector<16xi32>,
      tpu.vector_store_idx %arg14[%get3A_253], %broadcast_in_dim3A_3 {add = true} : memref<10240xf32, #tpu.memory_space<vmem>>[vector<16xi32>], vector<16xf32>,
      %get3A_254 = arith.constant 1 : i32
      %get3A_255 = arith.index_cast %get3A_254 : i32 to index
      %get3A_256 = arith.constant 16 : index
      %get3A_257 = tpu.vector_load %arg9[%get3A_255, %get3A_256] {strides = array<i32>} : memref<2x128xi32, #tpu.memory_space<vmem>>, vector<16xi32>,
      tpu.vector_store_idx %arg14[%get3A_257], %broadcast_in_dim3A_3 {add = true} : memref<10240xf32, #tpu.memory_space<vmem>>[vector<16xi32>], vector<16xf32>,
      %get3A_258 = arith.constant 1 : i32
      %get3A_259 = arith.index_cast %get3A_258 : i32 to index
      %get3A_260 = arith.constant 32 : index
      %get3A_261 = tpu.vector_load %arg9[%get3A_259, %get3A_260] {strides = array<i32>} : memref<2x128xi32, #tpu.memory_space<vmem>>, vector<16xi32>,
      tpu.vector_store_idx %arg14[%get3A_261], %broadcast_in_dim3A_3 {add = true} : memref<10240xf32, #tpu.memory_space<vmem>>[vector<16xi32>], vector<16xf32>,
      %get3A_262 = arith.constant 1 : i32
      %get3A_263 = arith.index_cast %get3A_262 : i32 to index
      %get3A_264 = arith.constant 48 : index
      %get3A_265 = tpu.vector_load %arg9[%get3A_263, %get3A_264] {strides = array<i32>} : memref<2x128xi32, #tpu.memory_space<vmem>>, vector<16xi32>,
      tpu.vector_store_idx %arg14[%get3A_265], %broadcast_in_dim3A_3 {add = true} : memref<10240xf32, #tpu.memory_space<vmem>>[vector<16xi32>], vector<16xf32>,
      %get3A_266 = arith.constant 1 : i32
      %get3A_267 = arith.index_cast %get3A_266 : i32 to index
      %get3A_268 = arith.constant 64 : index
      %get3A_269 = tpu.vector_load %arg9[%get3A_267, %get3A_268] {strides = array<i32>} : memref<2x128xi32, #tpu.memory_space<vmem>>, vector<16xi32>,
      tpu.vector_store_idx %arg14[%get3A_269], %broadcast_in_dim3A_3 {add = true} : memref<10240xf32, #tpu.memory_space<vmem>>[vector<16xi32>], vector<16xf32>,
      %get3A_270 = arith.constant 1 : i32
      %get3A_271 = arith.index_cast %get3A_270 : i32 to index
      %get3A_272 = arith.constant 80 : index
      %get3A_273 = tpu.vector_load %arg9[%get3A_271, %get3A_272] {strides = array<i32>} : memref<2x128xi32, #tpu.memory_space<vmem>>, vector<16xi32>,
      tpu.vector_store_idx %arg14[%get3A_273], %broadcast_in_dim3A_3 {add = true} : memref<10240xf32, #tpu.memory_space<vmem>>[vector<16xi32>], vector<16xf32>,
      %get3A_274 = arith.constant 1 : i32
      %get3A_275 = arith.index_cast %get3A_274 : i32 to index
      %get3A_276 = arith.constant 96 : index
      %get3A_277 = tpu.vector_load %arg9[%get3A_275, %get3A_276] {strides = array<i32>} : memref<2x128xi32, #tpu.memory_space<vmem>>, vector<16xi32>,
      tpu.vector_store_idx %arg14[%get3A_277], %broadcast_in_dim3A_3 {add = true} : memref<10240xf32, #tpu.memory_space<vmem>>[vector<16xi32>], vector<16xf32>,
      %get3A_278 = arith.constant 1 : i32
      %get3A_279 = arith.index_cast %get3A_278 : i32 to index
      %get3A_280 = arith.constant 112 : index
      %get3A_281 = tpu.vector_load %arg9[%get3A_279, %get3A_280] {strides = array<i32>} : memref<2x128xi32, #tpu.memory_space<vmem>>, vector<16xi32>,
      tpu.vector_store_idx %arg14[%get3A_281], %broadcast_in_dim3A_3 {add = true} : memref<10240xf32, #tpu.memory_space<vmem>>[vector<16xi32>], vector<16xf32>,
      %ge3A_282 = arith.constant 1 : i32
      %ge3A_283 = arith.cmpi sge, %add3A_222, %ge3A_282 : i32
      %convert_element_type3A_284 = arith.extui %ge3A_283 : i1 to i32
      %cond3A_285 = arith.constant 0 : i32
      %cond3A_286 = arith.cmpi ne, %convert_element_type3A_284, %cond3A_285 : i32
      scf.if %cond3A_286 {
        %dma_wait3A_423 = arith.constant 0 : i32
        %dma_wait3A_424 = tpu.memref_slice %arg8[%scan3A_28, %dma_wait3A_423] : memref<2x128xi32, #tpu.memory_space<vmem>> -> memref<1x128xi32, #tpu.memory_space<vmem>>
        %dma_wait3A_425 = tpu.memref_squeeze %dma_wait3A_424 : memref<1x128xi32, #tpu.memory_space<vmem>> -> memref<128xi32, #tpu.memory_space<vmem>>
        %dma_wait3A_426 = arith.constant 0 : i32
        %dma_wait3A_427 = arith.constant 0 : i32
        %dma_wait3A_428 = tpu.memref_slice %arg2[%dma_wait3A_426, %dma_wait3A_427] : memref<10000x128xf32, #tpu.memory_space<hbm>> -> memref<10000x128xf32, #tpu.memory_space<hbm>>
        tpu.wait_indirect_dma semaphore(%arg20 : memref<!tpu.dma_semaphore, #tpu.memory_space<semaphore_mem>>) src(%dma_wait3A_428 : memref<10000x128xf32, #tpu.memory_space<hbm>>) dst(%arg12 : memref<128x128xf32, #tpu.memory_space<vmem>>)
        %dma_start3A_429 = arith.constant 0 : i32
        %dma_start3A_430 = tpu.memref_slice %arg8[%scan3A_32, %dma_start3A_429] : memref<2x128xi32, #tpu.memory_space<vmem>> -> memref<1x128xi32, #tpu.memory_space<vmem>>
        %dma_start3A_431 = tpu.memref_squeeze %dma_start3A_430 : memref<1x128xi32, #tpu.memory_space<vmem>> -> memref<128xi32, #tpu.memory_space<vmem>>
        %dma_start3A_432 = arith.constant 0 : i32
        %dma_start3A_433 = arith.constant 0 : i32
        %dma_start3A_434 = tpu.memref_slice %arg15[%dma_start3A_432, %dma_start3A_433] : memref<10240x128xf32, #tpu.memory_space<vmem_shared>> -> memref<10240x128xf32, #tpu.memory_space<vmem_shared>>
        tpu.enqueue_indirect_dma source(%arg12 : memref<128x128xf32, #tpu.memory_space<vmem>>) target(%dma_start3A_434 : memref<10240x128xf32, #tpu.memory_space<vmem_shared>>) offsets(%dma_start3A_431 : memref<128xi32, #tpu.memory_space<vmem>>) semaphore(%arg22 : memref<!tpu.dma_semaphore, #tpu.memory_space<semaphore_mem>>) {add = true}
      } else {
      }
      %mul3A_287 = arith.constant 4 : i32
      %mul3A_288 = arith.muli %mul3A_287, %scan3A_155 : i32
      %add3A_289 = arith.constant 2 : i32
      %add3A_290 = arith.addi %mul3A_288, %add3A_289 : i32
      %dma_wait3A_291 = arith.constant 0 : i32
      %dma_wait3A_292 = arith.constant 0 : i32
      %dma_wait3A_293 = arith.constant 0 : i32
      %dma_wait3A_294 = tpu.memref_slice %arg3[%dma_wait3A_291, %dma_wait3A_292, %dma_wait3A_293] : memref<2560x2x128xi32, #tpu.memory_space<hbm>> -> memref<1x2x128xi32, #tpu.memory_space<hbm>>
      %dma_wait3A_295 = tpu.memref_squeeze %dma_wait3A_294 : memref<1x2x128xi32, #tpu.memory_space<hbm>> -> memref<2x128xi32, #tpu.memory_space<hbm>>
      %dma_wait3A_296 = arith.constant 0 : i32
      %dma_wait3A_297 = arith.constant 0 : i32
      %dma_wait3A_298 = tpu.memref_slice %arg3[%dma_wait3A_291, %dma_wait3A_296, %dma_wait3A_297] : memref<2560x2x128xi32, #tpu.memory_space<hbm>> -> memref<1x2x128xi32, #tpu.memory_space<hbm>>
      %dma_wait3A_299 = tpu.memref_squeeze %dma_wait3A_298 : memref<1x2x128xi32, #tpu.memory_space<hbm>> -> memref<2x128xi32, #tpu.memory_space<hbm>>
      tpu.wait_dma2 semaphore(%arg18 : memref<!tpu.dma_semaphore, #tpu.memory_space<semaphore_mem>>) src(%dma_wait3A_299 : memref<2x128xi32, #tpu.memory_space<hbm>>) dst(%arg10 : memref<2x128xi32, #tpu.memory_space<vmem>>)
      %ge3A_300 = arith.constant 2 : i32
      %ge3A_301 = arith.cmpi sge, %add3A_290, %ge3A_300 : i32
      %convert_element_type3A_302 = arith.extui %ge3A_301 : i1 to i32
      %cond3A_303 = arith.constant 0 : i32
      %cond3A_304 = arith.cmpi ne, %convert_element_type3A_302, %cond3A_303 : i32
      scf.if %cond3A_304 {
        %dma_wait3A_423 = arith.constant 0 : i32
        %dma_wait3A_424 = tpu.memref_slice %arg8[%scan3A_32, %dma_wait3A_423] : memref<2x128xi32, #tpu.memory_space<vmem>> -> memref<1x128xi32, #tpu.memory_space<vmem>>
        %dma_wait3A_425 = tpu.memref_squeeze %dma_wait3A_424 : memref<1x128xi32, #tpu.memory_space<vmem>> -> memref<128xi32, #tpu.memory_space<vmem>>
        %dma_wait3A_426 = arith.constant 0 : i32
        %dma_wait3A_427 = arith.constant 0 : i32
        %dma_wait3A_428 = tpu.memref_slice %arg15[%dma_wait3A_426, %dma_wait3A_427] : memref<10240x128xf32, #tpu.memory_space<vmem_shared>> -> memref<10240x128xf32, #tpu.memory_space<vmem_shared>>
        tpu.wait_indirect_dma semaphore(%arg22 : memref<!tpu.dma_semaphore, #tpu.memory_space<semaphore_mem>>) src(%arg12 : memref<128x128xf32, #tpu.memory_space<vmem>>) dst(%dma_wait3A_428 : memref<10240x128xf32, #tpu.memory_space<vmem_shared>>)
      } else {
      }
      %add3A_305 = arith.constant 2 : i32
      %add3A_306 = arith.addi %add3A_290, %add3A_305 : i32
      %lt3A_307 = arith.constant 80 : i32
      %lt3A_308 = arith.cmpi slt, %add3A_306, %lt3A_307 : i32
      %convert_element_type3A_309 = arith.extui %lt3A_308 : i1 to i32
      %cond3A_310 = arith.constant 0 : i32
      %cond3A_311 = arith.cmpi ne, %convert_element_type3A_309, %cond3A_310 : i32
      scf.if %cond3A_311 {
        %add3A_423 = arith.constant 2 : i32
        %add3A_424 = arith.addi %add3A_290, %add3A_423 : i32
        %mul3A_425 = arith.constant 80 : i32
        %mul3A_426 = arith.muli %add3A, %mul3A_425 : i32
        %add3A_427 = arith.addi %mul3A_426, %add3A_424 : i32
        %dma_start3A_428 = arith.constant 0 : i32
        %dma_start3A_429 = arith.constant 0 : i32
        %dma_start3A_430 = tpu.memref_slice %arg3[%add3A_427, %dma_start3A_428, %dma_start3A_429] : memref<2560x2x128xi32, #tpu.memory_space<hbm>> -> memref<1x2x128xi32, #tpu.memory_space<hbm>>
        %dma_start3A_431 = tpu.memref_squeeze %dma_start3A_430 : memref<1x2x128xi32, #tpu.memory_space<hbm>> -> memref<2x128xi32, #tpu.memory_space<hbm>>
        %dma_start3A_432 = arith.constant 0 : i32
        %dma_start3A_433 = arith.constant 0 : i32
        %dma_start3A_434 = tpu.memref_slice %arg3[%add3A_427, %dma_start3A_432, %dma_start3A_433] : memref<2560x2x128xi32, #tpu.memory_space<hbm>> -> memref<1x2x128xi32, #tpu.memory_space<hbm>>
        %dma_start3A_435 = tpu.memref_squeeze %dma_start3A_434 : memref<1x2x128xi32, #tpu.memory_space<hbm>> -> memref<2x128xi32, #tpu.memory_space<hbm>>
        tpu.enqueue_dma source(%dma_start3A_435 : memref<2x128xi32, #tpu.memory_space<hbm>>) target(%arg8 : memref<2x128xi32, #tpu.memory_space<vmem>>) target_semaphore(%arg16 : memref<!tpu.dma_semaphore, #tpu.memory_space<semaphore_mem>>)
      } else {
      }
      %dma_start3A_312 = arith.constant 0 : i32
      %dma_start3A_313 = tpu.memref_slice %arg10[%scan3A_33, %dma_start3A_312] : memref<2x128xi32, #tpu.memory_space<vmem>> -> memref<1x128xi32, #tpu.memory_space<vmem>>
      %dma_start3A_314 = tpu.memref_squeeze %dma_start3A_313 : memref<1x128xi32, #tpu.memory_space<vmem>> -> memref<128xi32, #tpu.memory_space<vmem>>
      %dma_start3A_315 = arith.constant 0 : i32
      %dma_start3A_316 = arith.constant 0 : i32
      %dma_start3A_317 = tpu.memref_slice %arg2[%dma_start3A_315, %dma_start3A_316] : memref<10000x128xf32, #tpu.memory_space<hbm>> -> memref<10000x128xf32, #tpu.memory_space<hbm>>
      tpu.enqueue_indirect_dma source(%dma_start3A_317 : memref<10000x128xf32, #tpu.memory_space<hbm>>) target(%arg12 : memref<128x128xf32, #tpu.memory_space<vmem>>) offsets(%dma_start3A_314 : memref<128xi32, #tpu.memory_space<vmem>>) semaphore(%arg20 : memref<!tpu.dma_semaphore, #tpu.memory_space<semaphore_mem>>)
      %get3A_318 = arith.constant 1 : i32
      %get3A_319 = arith.index_cast %get3A_318 : i32 to index
      %get3A_320 = arith.constant 0 : index
      %get3A_321 = tpu.vector_load %arg10[%get3A_319, %get3A_320] {strides = array<i32>} : memref<2x128xi32, #tpu.memory_space<vmem>>, vector<16xi32>,
      tpu.vector_store_idx %arg14[%get3A_321], %broadcast_in_dim3A_3 {add = true} : memref<10240xf32, #tpu.memory_space<vmem>>[vector<16xi32>], vector<16xf32>,
      %get3A_322 = arith.constant 1 : i32
      %get3A_323 = arith.index_cast %get3A_322 : i32 to index
      %get3A_324 = arith.constant 16 : index
      %get3A_325 = tpu.vector_load %arg10[%get3A_323, %get3A_324] {strides = array<i32>} : memref<2x128xi32, #tpu.memory_space<vmem>>, vector<16xi32>,
      tpu.vector_store_idx %arg14[%get3A_325], %broadcast_in_dim3A_3 {add = true} : memref<10240xf32, #tpu.memory_space<vmem>>[vector<16xi32>], vector<16xf32>,
      %get3A_326 = arith.constant 1 : i32
      %get3A_327 = arith.index_cast %get3A_326 : i32 to index
      %get3A_328 = arith.constant 32 : index
      %get3A_329 = tpu.vector_load %arg10[%get3A_327, %get3A_328] {strides = array<i32>} : memref<2x128xi32, #tpu.memory_space<vmem>>, vector<16xi32>,
      tpu.vector_store_idx %arg14[%get3A_329], %broadcast_in_dim3A_3 {add = true} : memref<10240xf32, #tpu.memory_space<vmem>>[vector<16xi32>], vector<16xf32>,
      %get3A_330 = arith.constant 1 : i32
      %get3A_331 = arith.index_cast %get3A_330 : i32 to index
      %get3A_332 = arith.constant 48 : index
      %get3A_333 = tpu.vector_load %arg10[%get3A_331, %get3A_332] {strides = array<i32>} : memref<2x128xi32, #tpu.memory_space<vmem>>, vector<16xi32>,
      tpu.vector_store_idx %arg14[%get3A_333], %broadcast_in_dim3A_3 {add = true} : memref<10240xf32, #tpu.memory_space<vmem>>[vector<16xi32>], vector<16xf32>,
      %get3A_334 = arith.constant 1 : i32
      %get3A_335 = arith.index_cast %get3A_334 : i32 to index
      %get3A_336 = arith.constant 64 : index
      %get3A_337 = tpu.vector_load %arg10[%get3A_335, %get3A_336] {strides = array<i32>} : memref<2x128xi32, #tpu.memory_space<vmem>>, vector<16xi32>,
      tpu.vector_store_idx %arg14[%get3A_337], %broadcast_in_dim3A_3 {add = true} : memref<10240xf32, #tpu.memory_space<vmem>>[vector<16xi32>], vector<16xf32>,
      %get3A_338 = arith.constant 1 : i32
      %get3A_339 = arith.index_cast %get3A_338 : i32 to index
      %get3A_340 = arith.constant 80 : index
      %get3A_341 = tpu.vector_load %arg10[%get3A_339, %get3A_340] {strides = array<i32>} : memref<2x128xi32, #tpu.memory_space<vmem>>, vector<16xi32>,
      tpu.vector_store_idx %arg14[%get3A_341], %broadcast_in_dim3A_3 {add = true} : memref<10240xf32, #tpu.memory_space<vmem>>[vector<16xi32>], vector<16xf32>,
      %get3A_342 = arith.constant 1 : i32
      %get3A_343 = arith.index_cast %get3A_342 : i32 to index
      %get3A_344 = arith.constant 96 : index
      %get3A_345 = tpu.vector_load %arg10[%get3A_343, %get3A_344] {strides = array<i32>} : memref<2x128xi32, #tpu.memory_space<vmem>>, vector<16xi32>,
      tpu.vector_store_idx %arg14[%get3A_345], %broadcast_in_dim3A_3 {add = true} : memref<10240xf32, #tpu.memory_space<vmem>>[vector<16xi32>], vector<16xf32>,
      %get3A_346 = arith.constant 1 : i32
      %get3A_347 = arith.index_cast %get3A_346 : i32 to index
      %get3A_348 = arith.constant 112 : index
      %get3A_349 = tpu.vector_load %arg10[%get3A_347, %get3A_348] {strides = array<i32>} : memref<2x128xi32, #tpu.memory_space<vmem>>, vector<16xi32>,
      tpu.vector_store_idx %arg14[%get3A_349], %broadcast_in_dim3A_3 {add = true} : memref<10240xf32, #tpu.memory_space<vmem>>[vector<16xi32>], vector<16xf32>,
      %ge3A_350 = arith.constant 1 : i32
      %ge3A_351 = arith.cmpi sge, %add3A_290, %ge3A_350 : i32
      %convert_element_type3A_352 = arith.extui %ge3A_351 : i1 to i32
      %cond3A_353 = arith.constant 0 : i32
      %cond3A_354 = arith.cmpi ne, %convert_element_type3A_352, %cond3A_353 : i32
      scf.if %cond3A_354 {
        %dma_wait3A_423 = arith.constant 0 : i32
        %dma_wait3A_424 = tpu.memref_slice %arg9[%scan3A_31, %dma_wait3A_423] : memref<2x128xi32, #tpu.memory_space<vmem>> -> memref<1x128xi32, #tpu.memory_space<vmem>>
        %dma_wait3A_425 = tpu.memref_squeeze %dma_wait3A_424 : memref<1x128xi32, #tpu.memory_space<vmem>> -> memref<128xi32, #tpu.memory_space<vmem>>
        %dma_wait3A_426 = arith.constant 0 : i32
        %dma_wait3A_427 = arith.constant 0 : i32
        %dma_wait3A_428 = tpu.memref_slice %arg2[%dma_wait3A_426, %dma_wait3A_427] : memref<10000x128xf32, #tpu.memory_space<hbm>> -> memref<10000x128xf32, #tpu.memory_space<hbm>>
        tpu.wait_indirect_dma semaphore(%arg21 : memref<!tpu.dma_semaphore, #tpu.memory_space<semaphore_mem>>) src(%dma_wait3A_428 : memref<10000x128xf32, #tpu.memory_space<hbm>>) dst(%arg13 : memref<128x128xf32, #tpu.memory_space<vmem>>)
        %dma_start3A_429 = arith.constant 0 : i32
        %dma_start3A_430 = tpu.memref_slice %arg9[%scan3A_34, %dma_start3A_429] : memref<2x128xi32, #tpu.memory_space<vmem>> -> memref<1x128xi32, #tpu.memory_space<vmem>>
        %dma_start3A_431 = tpu.memref_squeeze %dma_start3A_430 : memref<1x128xi32, #tpu.memory_space<vmem>> -> memref<128xi32, #tpu.memory_space<vmem>>
        %dma_start3A_432 = arith.constant 0 : i32
        %dma_start3A_433 = arith.constant 0 : i32
        %dma_start3A_434 = tpu.memref_slice %arg15[%dma_start3A_432, %dma_start3A_433] : memref<10240x128xf32, #tpu.memory_space<vmem_shared>> -> memref<10240x128xf32, #tpu.memory_space<vmem_shared>>
        tpu.enqueue_indirect_dma source(%arg13 : memref<128x128xf32, #tpu.memory_space<vmem>>) target(%dma_start3A_434 : memref<10240x128xf32, #tpu.memory_space<vmem_shared>>) offsets(%dma_start3A_431 : memref<128xi32, #tpu.memory_space<vmem>>) semaphore(%arg23 : memref<!tpu.dma_semaphore, #tpu.memory_space<semaphore_mem>>) {add = true}
      } else {
      }
      %mul3A_355 = arith.constant 4 : i32
      %mul3A_356 = arith.muli %mul3A_355, %scan3A_155 : i32
      %add3A_357 = arith.constant 3 : i32
      %add3A_358 = arith.addi %mul3A_356, %add3A_357 : i32
      %dma_wait3A_359 = arith.constant 0 : i32
      %dma_wait3A_360 = arith.constant 0 : i32
      %dma_wait3A_361 = arith.constant 0 : i32
      %dma_wait3A_362 = tpu.memref_slice %arg3[%dma_wait3A_359, %dma_wait3A_360, %dma_wait3A_361] : memref<2560x2x128xi32, #tpu.memory_space<hbm>> -> memref<1x2x128xi32, #tpu.memory_space<hbm>>
      %dma_wait3A_363 = tpu.memref_squeeze %dma_wait3A_362 : memref<1x2x128xi32, #tpu.memory_space<hbm>> -> memref<2x128xi32, #tpu.memory_space<hbm>>
      %dma_wait3A_364 = arith.constant 0 : i32
      %dma_wait3A_365 = arith.constant 0 : i32
      %dma_wait3A_366 = tpu.memref_slice %arg3[%dma_wait3A_359, %dma_wait3A_364, %dma_wait3A_365] : memref<2560x2x128xi32, #tpu.memory_space<hbm>> -> memref<1x2x128xi32, #tpu.memory_space<hbm>>
      %dma_wait3A_367 = tpu.memref_squeeze %dma_wait3A_366 : memref<1x2x128xi32, #tpu.memory_space<hbm>> -> memref<2x128xi32, #tpu.memory_space<hbm>>
      tpu.wait_dma2 semaphore(%arg19 : memref<!tpu.dma_semaphore, #tpu.memory_space<semaphore_mem>>) src(%dma_wait3A_367 : memref<2x128xi32, #tpu.memory_space<hbm>>) dst(%arg11 : memref<2x128xi32, #tpu.memory_space<vmem>>)
      %ge3A_368 = arith.constant 2 : i32
      %ge3A_369 = arith.cmpi sge, %add3A_358, %ge3A_368 : i32
      %convert_element_type3A_370 = arith.extui %ge3A_369 : i1 to i32
      %cond3A_371 = arith.constant 0 : i32
      %cond3A_372 = arith.cmpi ne, %convert_element_type3A_370, %cond3A_371 : i32
      scf.if %cond3A_372 {
        %dma_wait3A_423 = arith.constant 0 : i32
        %dma_wait3A_424 = tpu.memref_slice %arg9[%scan3A_34, %dma_wait3A_423] : memref<2x128xi32, #tpu.memory_space<vmem>> -> memref<1x128xi32, #tpu.memory_space<vmem>>
        %dma_wait3A_425 = tpu.memref_squeeze %dma_wait3A_424 : memref<1x128xi32, #tpu.memory_space<vmem>> -> memref<128xi32, #tpu.memory_space<vmem>>
        %dma_wait3A_426 = arith.constant 0 : i32
        %dma_wait3A_427 = arith.constant 0 : i32
        %dma_wait3A_428 = tpu.memref_slice %arg15[%dma_wait3A_426, %dma_wait3A_427] : memref<10240x128xf32, #tpu.memory_space<vmem_shared>> -> memref<10240x128xf32, #tpu.memory_space<vmem_shared>>
        tpu.wait_indirect_dma semaphore(%arg23 : memref<!tpu.dma_semaphore, #tpu.memory_space<semaphore_mem>>) src(%arg13 : memref<128x128xf32, #tpu.memory_space<vmem>>) dst(%dma_wait3A_428 : memref<10240x128xf32, #tpu.memory_space<vmem_shared>>)
      } else {
      }
      %add3A_373 = arith.constant 2 : i32
      %add3A_374 = arith.addi %add3A_358, %add3A_373 : i32
      %lt3A_375 = arith.constant 80 : i32
      %lt3A_376 = arith.cmpi slt, %add3A_374, %lt3A_375 : i32
      %convert_element_type3A_377 = arith.extui %lt3A_376 : i1 to i32
      %cond3A_378 = arith.constant 0 : i32
      %cond3A_379 = arith.cmpi ne, %convert_element_type3A_377, %cond3A_378 : i32
      scf.if %cond3A_379 {
        %add3A_423 = arith.constant 2 : i32
        %add3A_424 = arith.addi %add3A_358, %add3A_423 : i32
        %mul3A_425 = arith.constant 80 : i32
        %mul3A_426 = arith.muli %add3A, %mul3A_425 : i32
        %add3A_427 = arith.addi %mul3A_426, %add3A_424 : i32
        %dma_start3A_428 = arith.constant 0 : i32
        %dma_start3A_429 = arith.constant 0 : i32
        %dma_start3A_430 = tpu.memref_slice %arg3[%add3A_427, %dma_start3A_428, %dma_start3A_429] : memref<2560x2x128xi32, #tpu.memory_space<hbm>> -> memref<1x2x128xi32, #tpu.memory_space<hbm>>
        %dma_start3A_431 = tpu.memref_squeeze %dma_start3A_430 : memref<1x2x128xi32, #tpu.memory_space<hbm>> -> memref<2x128xi32, #tpu.memory_space<hbm>>
        %dma_start3A_432 = arith.constant 0 : i32
        %dma_start3A_433 = arith.constant 0 : i32
        %dma_start3A_434 = tpu.memref_slice %arg3[%add3A_427, %dma_start3A_432, %dma_start3A_433] : memref<2560x2x128xi32, #tpu.memory_space<hbm>> -> memref<1x2x128xi32, #tpu.memory_space<hbm>>
        %dma_start3A_435 = tpu.memref_squeeze %dma_start3A_434 : memref<1x2x128xi32, #tpu.memory_space<hbm>> -> memref<2x128xi32, #tpu.memory_space<hbm>>
        tpu.enqueue_dma source(%dma_start3A_435 : memref<2x128xi32, #tpu.memory_space<hbm>>) target(%arg9 : memref<2x128xi32, #tpu.memory_space<vmem>>) target_semaphore(%arg17 : memref<!tpu.dma_semaphore, #tpu.memory_space<semaphore_mem>>)
      } else {
      }
      %dma_start3A_380 = arith.constant 0 : i32
      %dma_start3A_381 = tpu.memref_slice %arg11[%scan3A_29, %dma_start3A_380] : memref<2x128xi32, #tpu.memory_space<vmem>> -> memref<1x128xi32, #tpu.memory_space<vmem>>
      %dma_start3A_382 = tpu.memref_squeeze %dma_start3A_381 : memref<1x128xi32, #tpu.memory_space<vmem>> -> memref<128xi32, #tpu.memory_space<vmem>>
      %dma_start3A_383 = arith.constant 0 : i32
      %dma_start3A_384 = arith.constant 0 : i32
      %dma_start3A_385 = tpu.memref_slice %arg2[%dma_start3A_383, %dma_start3A_384] : memref<10000x128xf32, #tpu.memory_space<hbm>> -> memref<10000x128xf32, #tpu.memory_space<hbm>>
      tpu.enqueue_indirect_dma source(%dma_start3A_385 : memref<10000x128xf32, #tpu.memory_space<hbm>>) target(%arg13 : memref<128x128xf32, #tpu.memory_space<vmem>>) offsets(%dma_start3A_382 : memref<128xi32, #tpu.memory_space<vmem>>) semaphore(%arg21 : memref<!tpu.dma_semaphore, #tpu.memory_space<semaphore_mem>>)
      %get3A_386 = arith.constant 1 : i32
      %get3A_387 = arith.index_cast %get3A_386 : i32 to index
      %get3A_388 = arith.constant 0 : index
      %get3A_389 = tpu.vector_load %arg11[%get3A_387, %get3A_388] {strides = array<i32>} : memref<2x128xi32, #tpu.memory_space<vmem>>, vector<16xi32>,
      tpu.vector_store_idx %arg14[%get3A_389], %broadcast_in_dim3A_3 {add = true} : memref<10240xf32, #tpu.memory_space<vmem>>[vector<16xi32>], vector<16xf32>,
      %get3A_390 = arith.constant 1 : i32
      %get3A_391 = arith.index_cast %get3A_390 : i32 to index
      %get3A_392 = arith.constant 16 : index
      %get3A_393 = tpu.vector_load %arg11[%get3A_391, %get3A_392] {strides = array<i32>} : memref<2x128xi32, #tpu.memory_space<vmem>>, vector<16xi32>,
      tpu.vector_store_idx %arg14[%get3A_393], %broadcast_in_dim3A_3 {add = true} : memref<10240xf32, #tpu.memory_space<vmem>>[vector<16xi32>], vector<16xf32>,
      %get3A_394 = arith.constant 1 : i32
      %get3A_395 = arith.index_cast %get3A_394 : i32 to index
      %get3A_396 = arith.constant 32 : index
      %get3A_397 = tpu.vector_load %arg11[%get3A_395, %get3A_396] {strides = array<i32>} : memref<2x128xi32, #tpu.memory_space<vmem>>, vector<16xi32>,
      tpu.vector_store_idx %arg14[%get3A_397], %broadcast_in_dim3A_3 {add = true} : memref<10240xf32, #tpu.memory_space<vmem>>[vector<16xi32>], vector<16xf32>,
      %get3A_398 = arith.constant 1 : i32
      %get3A_399 = arith.index_cast %get3A_398 : i32 to index
      %get3A_400 = arith.constant 48 : index
      %get3A_401 = tpu.vector_load %arg11[%get3A_399, %get3A_400] {strides = array<i32>} : memref<2x128xi32, #tpu.memory_space<vmem>>, vector<16xi32>,
      tpu.vector_store_idx %arg14[%get3A_401], %broadcast_in_dim3A_3 {add = true} : memref<10240xf32, #tpu.memory_space<vmem>>[vector<16xi32>], vector<16xf32>,
      %get3A_402 = arith.constant 1 : i32
      %get3A_403 = arith.index_cast %get3A_402 : i32 to index
      %get3A_404 = arith.constant 64 : index
      %get3A_405 = tpu.vector_load %arg11[%get3A_403, %get3A_404] {strides = array<i32>} : memref<2x128xi32, #tpu.memory_space<vmem>>, vector<16xi32>,
      tpu.vector_store_idx %arg14[%get3A_405], %broadcast_in_dim3A_3 {add = true} : memref<10240xf32, #tpu.memory_space<vmem>>[vector<16xi32>], vector<16xf32>,
      %get3A_406 = arith.constant 1 : i32
      %get3A_407 = arith.index_cast %get3A_406 : i32 to index
      %get3A_408 = arith.constant 80 : index
      %get3A_409 = tpu.vector_load %arg11[%get3A_407, %get3A_408] {strides = array<i32>} : memref<2x128xi32, #tpu.memory_space<vmem>>, vector<16xi32>,
      tpu.vector_store_idx %arg14[%get3A_409], %broadcast_in_dim3A_3 {add = true} : memref<10240xf32, #tpu.memory_space<vmem>>[vector<16xi32>], vector<16xf32>,
      %get3A_410 = arith.constant 1 : i32
      %get3A_411 = arith.index_cast %get3A_410 : i32 to index
      %get3A_412 = arith.constant 96 : index
      %get3A_413 = tpu.vector_load %arg11[%get3A_411, %get3A_412] {strides = array<i32>} : memref<2x128xi32, #tpu.memory_space<vmem>>, vector<16xi32>,
      tpu.vector_store_idx %arg14[%get3A_413], %broadcast_in_dim3A_3 {add = true} : memref<10240xf32, #tpu.memory_space<vmem>>[vector<16xi32>], vector<16xf32>,
      %get3A_414 = arith.constant 1 : i32
      %get3A_415 = arith.index_cast %get3A_414 : i32 to index
      %get3A_416 = arith.constant 112 : index
      %get3A_417 = tpu.vector_load %arg11[%get3A_415, %get3A_416] {strides = array<i32>} : memref<2x128xi32, #tpu.memory_space<vmem>>, vector<16xi32>,
      tpu.vector_store_idx %arg14[%get3A_417], %broadcast_in_dim3A_3 {add = true} : memref<10240xf32, #tpu.memory_space<vmem>>[vector<16xi32>], vector<16xf32>,
      %ge3A_418 = arith.constant 1 : i32
      %ge3A_419 = arith.cmpi sge, %add3A_358, %ge3A_418 : i32
      %convert_element_type3A_420 = arith.extui %ge3A_419 : i1 to i32
      %cond3A_421 = arith.constant 0 : i32
      %cond3A_422 = arith.cmpi ne, %convert_element_type3A_420, %cond3A_421 : i32
      scf.if %cond3A_422 {
        %dma_wait3A_423 = arith.constant 0 : i32
        %dma_wait3A_424 = tpu.memref_slice %arg10[%scan3A_33, %dma_wait3A_423] : memref<2x128xi32, #tpu.memory_space<vmem>> -> memref<1x128xi32, #tpu.memory_space<vmem>>
        %dma_wait3A_425 = tpu.memref_squeeze %dma_wait3A_424 : memref<1x128xi32, #tpu.memory_space<vmem>> -> memref<128xi32, #tpu.memory_space<vmem>>
        %dma_wait3A_426 = arith.constant 0 : i32
        %dma_wait3A_427 = arith.constant 0 : i32
        %dma_wait3A_428 = tpu.memref_slice %arg2[%dma_wait3A_426, %dma_wait3A_427] : memref<10000x128xf32, #tpu.memory_space<hbm>> -> memref<10000x128xf32, #tpu.memory_space<hbm>>
        tpu.wait_indirect_dma semaphore(%arg20 : memref<!tpu.dma_semaphore, #tpu.memory_space<semaphore_mem>>) src(%dma_wait3A_428 : memref<10000x128xf32, #tpu.memory_space<hbm>>) dst(%arg12 : memref<128x128xf32, #tpu.memory_space<vmem>>)
        %dma_start3A_429 = arith.constant 0 : i32
        %dma_start3A_430 = tpu.memref_slice %arg10[%scan3A_27, %dma_start3A_429] : memref<2x128xi32, #tpu.memory_space<vmem>> -> memref<1x128xi32, #tpu.memory_space<vmem>>
        %dma_start3A_431 = tpu.memref_squeeze %dma_start3A_430 : memref<1x128xi32, #tpu.memory_space<vmem>> -> memref<128xi32, #tpu.memory_space<vmem>>
        %dma_start3A_432 = arith.constant 0 : i32
        %dma_start3A_433 = arith.constant 0 : i32
        %dma_start3A_434 = tpu.memref_slice %arg15[%dma_start3A_432, %dma_start3A_433] : memref<10240x128xf32, #tpu.memory_space<vmem_shared>> -> memref<10240x128xf32, #tpu.memory_space<vmem_shared>>
        tpu.enqueue_indirect_dma source(%arg12 : memref<128x128xf32, #tpu.memory_space<vmem>>) target(%dma_start3A_434 : memref<10240x128xf32, #tpu.memory_space<vmem_shared>>) offsets(%dma_start3A_431 : memref<128xi32, #tpu.memory_space<vmem>>) semaphore(%arg22 : memref<!tpu.dma_semaphore, #tpu.memory_space<semaphore_mem>>) {add = true}
      } else {
      }
    }
    %scan3A_39 = arith.constant 20 : i32
    %dma_wait3A = arith.constant 0 : i32
    %dma_wait3A_40 = arith.constant 0 : i32
    %dma_wait3A_41 = tpu.memref_slice %arg11[%dma_wait3A, %dma_wait3A_40] : memref<2x128xi32, #tpu.memory_space<vmem>> -> memref<1x128xi32, #tpu.memory_space<vmem>>
    %dma_wait3A_42 = tpu.memref_squeeze %dma_wait3A_41 : memref<1x128xi32, #tpu.memory_space<vmem>> -> memref<128xi32, #tpu.memory_space<vmem>>
    %dma_wait3A_43 = arith.constant 0 : i32
    %dma_wait3A_44 = arith.constant 0 : i32
    %dma_wait3A_45 = tpu.memref_slice %arg2[%dma_wait3A_43, %dma_wait3A_44] : memref<10000x128xf32, #tpu.memory_space<hbm>> -> memref<10000x128xf32, #tpu.memory_space<hbm>>
    tpu.wait_indirect_dma semaphore(%arg21 : memref<!tpu.dma_semaphore, #tpu.memory_space<semaphore_mem>>) src(%dma_wait3A_45 : memref<10000x128xf32, #tpu.memory_space<hbm>>) dst(%arg13 : memref<128x128xf32, #tpu.memory_space<vmem>>)
    %dma_start3A_46 = arith.constant 1 : i32
    %dma_start3A_47 = arith.constant 0 : i32
    %dma_start3A_48 = tpu.memref_slice %arg11[%dma_start3A_46, %dma_start3A_47] : memref<2x128xi32, #tpu.memory_space<vmem>> -> memref<1x128xi32, #tpu.memory_space<vmem>>
    %dma_start3A_49 = tpu.memref_squeeze %dma_start3A_48 : memref<1x128xi32, #tpu.memory_space<vmem>> -> memref<128xi32, #tpu.memory_space<vmem>>
    %dma_start3A_50 = arith.constant 0 : i32
    %dma_start3A_51 = arith.constant 0 : i32
    %dma_start3A_52 = tpu.memref_slice %arg15[%dma_start3A_50, %dma_start3A_51] : memref<10240x128xf32, #tpu.memory_space<vmem_shared>> -> memref<10240x128xf32, #tpu.memory_space<vmem_shared>>
    tpu.enqueue_indirect_dma source(%arg13 : memref<128x128xf32, #tpu.memory_space<vmem>>) target(%dma_start3A_52 : memref<10240x128xf32, #tpu.memory_space<vmem_shared>>) offsets(%dma_start3A_49 : memref<128xi32, #tpu.memory_space<vmem>>) semaphore(%arg23 : memref<!tpu.dma_semaphore, #tpu.memory_space<semaphore_mem>>) {add = true}
    %dma_wait3A_53 = arith.constant 1 : i32
    %dma_wait3A_54 = arith.constant 0 : i32
    %dma_wait3A_55 = tpu.memref_slice %arg10[%dma_wait3A_53, %dma_wait3A_54] : memref<2x128xi32, #tpu.memory_space<vmem>> -> memref<1x128xi32, #tpu.memory_space<vmem>>
    %dma_wait3A_56 = tpu.memref_squeeze %dma_wait3A_55 : memref<1x128xi32, #tpu.memory_space<vmem>> -> memref<128xi32, #tpu.memory_space<vmem>>
    %dma_wait3A_57 = arith.constant 0 : i32
    %dma_wait3A_58 = arith.constant 0 : i32
    %dma_wait3A_59 = tpu.memref_slice %arg15[%dma_wait3A_57, %dma_wait3A_58] : memref<10240x128xf32, #tpu.memory_space<vmem_shared>> -> memref<10240x128xf32, #tpu.memory_space<vmem_shared>>
    tpu.wait_indirect_dma semaphore(%arg22 : memref<!tpu.dma_semaphore, #tpu.memory_space<semaphore_mem>>) src(%arg12 : memref<128x128xf32, #tpu.memory_space<vmem>>) dst(%dma_wait3A_59 : memref<10240x128xf32, #tpu.memory_space<vmem_shared>>)
    %dma_wait3A_60 = arith.constant 1 : i32
    %dma_wait3A_61 = arith.constant 0 : i32
    %dma_wait3A_62 = tpu.memref_slice %arg11[%dma_wait3A_60, %dma_wait3A_61] : memref<2x128xi32, #tpu.memory_space<vmem>> -> memref<1x128xi32, #tpu.memory_space<vmem>>
    %dma_wait3A_63 = tpu.memref_squeeze %dma_wait3A_62 : memref<1x128xi32, #tpu.memory_space<vmem>> -> memref<128xi32, #tpu.memory_space<vmem>>
    %dma_wait3A_64 = arith.constant 0 : i32
    %dma_wait3A_65 = arith.constant 0 : i32
    %dma_wait3A_66 = tpu.memref_slice %arg15[%dma_wait3A_64, %dma_wait3A_65] : memref<10240x128xf32, #tpu.memory_space<vmem_shared>> -> memref<10240x128xf32, #tpu.memory_space<vmem_shared>>
    tpu.wait_indirect_dma semaphore(%arg23 : memref<!tpu.dma_semaphore, #tpu.memory_space<semaphore_mem>>) src(%arg13 : memref<128x128xf32, #tpu.memory_space<vmem>>) dst(%dma_wait3A_66 : memref<10240x128xf32, #tpu.memory_space<vmem_shared>>)
    %barrier3A_67 = arith.constant 0 : index
    tpu.barrier barrier_id(%barrier3A_67)
    %dma_start3A_68 = arith.constant 0 : i32
    %dma_start3A_69 = tpu.memref_slice %arg7[%add3A, %dma_start3A_68] : memref<32x10240xf32, #tpu.memory_space<hbm>> -> memref<1x10240xf32, #tpu.memory_space<hbm>>
    %dma_start3A_70 = tpu.memref_squeeze %dma_start3A_69 : memref<1x10240xf32, #tpu.memory_space<hbm>> -> memref<10240xf32, #tpu.memory_space<hbm>>
    %dma_start3A_71 = arith.constant 0 : i32
    %dma_start3A_72 = tpu.memref_slice %arg7[%add3A, %dma_start3A_71] : memref<32x10240xf32, #tpu.memory_space<hbm>> -> memref<1x10240xf32, #tpu.memory_space<hbm>>
    %dma_start3A_73 = tpu.memref_squeeze %dma_start3A_72 : memref<1x10240xf32, #tpu.memory_space<hbm>> -> memref<10240xf32, #tpu.memory_space<hbm>>
    tpu.enqueue_dma source(%arg14 : memref<10240xf32, #tpu.memory_space<vmem>>) target(%dma_start3A_73 : memref<10240xf32, #tpu.memory_space<hbm>>) target_semaphore(%arg22 : memref<!tpu.dma_semaphore, #tpu.memory_space<semaphore_mem>>)
    %add3A_74 = arith.constant 0 : i32
    %add3A_75 = arith.addi %mul3A_2, %add3A_74 : i32
    "tpu.region"() ({
      %run_scoped3A = tpu.sem_alloc : memref<!tpu.dma_semaphore, #tpu.memory_space<semaphore_mem>>
      %dma_start3A_155 = arith.constant 0 : i32
      %dma_start3A_156 = tpu.memref_slice %arg15[%add3A_75, %dma_start3A_155] : memref<10240x128xf32, #tpu.memory_space<vmem_shared>> -> memref<128x128xf32, #tpu.memory_space<vmem_shared>>
      %dma_start3A_157 = arith.constant 0 : i32
      %dma_start3A_158 = tpu.memref_slice %arg15[%add3A_75, %dma_start3A_157] : memref<10240x128xf32, #tpu.memory_space<vmem_shared>> -> memref<128x128xf32, #tpu.memory_space<vmem_shared>>
      tpu.enqueue_dma source(%dma_start3A_158 : memref<128x128xf32, #tpu.memory_space<vmem_shared>>) target(%arg12 : memref<128x128xf32, #tpu.memory_space<vmem>>) target_semaphore(%run_scoped3A : memref<!tpu.dma_semaphore, #tpu.memory_space<semaphore_mem>>)
      %dma_wait3A_159 = arith.constant 0 : i32
      %dma_wait3A_160 = tpu.memref_slice %arg15[%add3A_75, %dma_wait3A_159] : memref<10240x128xf32, #tpu.memory_space<vmem_shared>> -> memref<128x128xf32, #tpu.memory_space<vmem_shared>>
      %dma_wait3A_161 = arith.constant 0 : i32
      %dma_wait3A_162 = tpu.memref_slice %arg15[%add3A_75, %dma_wait3A_161] : memref<10240x128xf32, #tpu.memory_space<vmem_shared>> -> memref<128x128xf32, #tpu.memory_space<vmem_shared>>
      tpu.wait_dma2 semaphore(%run_scoped3A : memref<!tpu.dma_semaphore, #tpu.memory_space<semaphore_mem>>) src(%dma_wait3A_162 : memref<128x128xf32, #tpu.memory_space<vmem_shared>>) dst(%arg12 : memref<128x128xf32, #tpu.memory_space<vmem>>)
      tpu.yield
    }) : () -> ()
    %mul3A_76 = arith.constant 10240 : i32
    %mul3A_77 = arith.muli %arg0, %mul3A_76 : i32
    %add3A_78 = arith.addi %mul3A_77, %mul3A_2 : i32
    %add3A_79 = arith.constant 0 : i32
    %add3A_80 = arith.addi %add3A_78, %add3A_79 : i32
    %dma_start3A_81 = arith.constant 0 : i32
    %dma_start3A_82 = tpu.memref_slice %arg6[%add3A_80, %dma_start3A_81] : memref<20480x128xf32, #tpu.memory_space<hbm>> -> memref<128x128xf32, #tpu.memory_space<hbm>>
    %dma_start3A_83 = arith.constant 0 : i32
    %dma_start3A_84 = tpu.memref_slice %arg6[%add3A_80, %dma_start3A_83] : memref<20480x128xf32, #tpu.memory_space<hbm>> -> memref<128x128xf32, #tpu.memory_space<hbm>>
    tpu.enqueue_dma source(%arg12 : memref<128x128xf32, #tpu.memory_space<vmem>>) target(%dma_start3A_84 : memref<128x128xf32, #tpu.memory_space<hbm>>) target_semaphore(%arg20 : memref<!tpu.dma_semaphore, #tpu.memory_space<semaphore_mem>>)
    %add3A_85 = arith.constant 128 : i32
    %add3A_86 = arith.addi %mul3A_2, %add3A_85 : i32
    "tpu.region"() ({
      %run_scoped3A = tpu.sem_alloc : memref<!tpu.dma_semaphore, #tpu.memory_space<semaphore_mem>>
      %dma_start3A_155 = arith.constant 0 : i32
      %dma_start3A_156 = tpu.memref_slice %arg15[%add3A_86, %dma_start3A_155] : memref<10240x128xf32, #tpu.memory_space<vmem_shared>> -> memref<128x128xf32, #tpu.memory_space<vmem_shared>>
      %dma_start3A_157 = arith.constant 0 : i32
      %dma_start3A_158 = tpu.memref_slice %arg15[%add3A_86, %dma_start3A_157] : memref<10240x128xf32, #tpu.memory_space<vmem_shared>> -> memref<128x128xf32, #tpu.memory_space<vmem_shared>>
      tpu.enqueue_dma source(%dma_start3A_158 : memref<128x128xf32, #tpu.memory_space<vmem_shared>>) target(%arg13 : memref<128x128xf32, #tpu.memory_space<vmem>>) target_semaphore(%run_scoped3A : memref<!tpu.dma_semaphore, #tpu.memory_space<semaphore_mem>>)
      %dma_wait3A_159 = arith.constant 0 : i32
      %dma_wait3A_160 = tpu.memref_slice %arg15[%add3A_86, %dma_wait3A_159] : memref<10240x128xf32, #tpu.memory_space<vmem_shared>> -> memref<128x128xf32, #tpu.memory_space<vmem_shared>>
      %dma_wait3A_161 = arith.constant 0 : i32
      %dma_wait3A_162 = tpu.memref_slice %arg15[%add3A_86, %dma_wait3A_161] : memref<10240x128xf32, #tpu.memory_space<vmem_shared>> -> memref<128x128xf32, #tpu.memory_space<vmem_shared>>
      tpu.wait_dma2 semaphore(%run_scoped3A : memref<!tpu.dma_semaphore, #tpu.memory_space<semaphore_mem>>) src(%dma_wait3A_162 : memref<128x128xf32, #tpu.memory_space<vmem_shared>>) dst(%arg13 : memref<128x128xf32, #tpu.memory_space<vmem>>)
      tpu.yield
    }) : () -> ()
    %mul3A_87 = arith.constant 10240 : i32
    %mul3A_88 = arith.muli %arg0, %mul3A_87 : i32
    %add3A_89 = arith.addi %mul3A_88, %mul3A_2 : i32
    %add3A_90 = arith.constant 128 : i32
    %add3A_91 = arith.addi %add3A_89, %add3A_90 : i32
    %dma_start3A_92 = arith.constant 0 : i32
    %dma_start3A_93 = tpu.memref_slice %arg6[%add3A_91, %dma_start3A_92] : memref<20480x128xf32, #tpu.memory_space<hbm>> -> memref<128x128xf32, #tpu.memory_space<hbm>>
    %dma_start3A_94 = arith.constant 0 : i32
    %dma_start3A_95 = tpu.memref_slice %arg6[%add3A_91, %dma_start3A_94] : memref<20480x128xf32, #tpu.memory_space<hbm>> -> memref<128x128xf32, #tpu.memory_space<hbm>>
    tpu.enqueue_dma source(%arg13 : memref<128x128xf32, #tpu.memory_space<vmem>>) target(%dma_start3A_95 : memref<128x128xf32, #tpu.memory_space<hbm>>) target_semaphore(%arg21 : memref<!tpu.dma_semaphore, #tpu.memory_space<semaphore_mem>>)
    %dma_wait3A_96 = arith.constant 0 : i32
    %dma_wait3A_97 = tpu.memref_slice %arg6[%add3A_80, %dma_wait3A_96] : memref<20480x128xf32, #tpu.memory_space<hbm>> -> memref<128x128xf32, #tpu.memory_space<hbm>>
    %dma_wait3A_98 = arith.constant 0 : i32
    %dma_wait3A_99 = tpu.memref_slice %arg6[%add3A_80, %dma_wait3A_98] : memref<20480x128xf32, #tpu.memory_space<hbm>> -> memref<128x128xf32, #tpu.memory_space<hbm>>
    tpu.wait_dma2 semaphore(%arg20 : memref<!tpu.dma_semaphore, #tpu.memory_space<semaphore_mem>>) src(%arg12 : memref<128x128xf32, #tpu.memory_space<vmem>>) dst(%dma_wait3A_99 : memref<128x128xf32, #tpu.memory_space<hbm>>)
    %add3A_100 = arith.constant 256 : i32
    %add3A_101 = arith.addi %mul3A_2, %add3A_100 : i32
    "tpu.region"() ({
      %run_scoped3A = tpu.sem_alloc : memref<!tpu.dma_semaphore, #tpu.memory_space<semaphore_mem>>
      %dma_start3A_155 = arith.constant 0 : i32
      %dma_start3A_156 = tpu.memref_slice %arg15[%add3A_101, %dma_start3A_155] : memref<10240x128xf32, #tpu.memory_space<vmem_shared>> -> memref<128x128xf32, #tpu.memory_space<vmem_shared>>
      %dma_start3A_157 = arith.constant 0 : i32
      %dma_start3A_158 = tpu.memref_slice %arg15[%add3A_101, %dma_start3A_157] : memref<10240x128xf32, #tpu.memory_space<vmem_shared>> -> memref<128x128xf32, #tpu.memory_space<vmem_shared>>
      tpu.enqueue_dma source(%dma_start3A_158 : memref<128x128xf32, #tpu.memory_space<vmem_shared>>) target(%arg12 : memref<128x128xf32, #tpu.memory_space<vmem>>) target_semaphore(%run_scoped3A : memref<!tpu.dma_semaphore, #tpu.memory_space<semaphore_mem>>)
      %dma_wait3A_159 = arith.constant 0 : i32
      %dma_wait3A_160 = tpu.memref_slice %arg15[%add3A_101, %dma_wait3A_159] : memref<10240x128xf32, #tpu.memory_space<vmem_shared>> -> memref<128x128xf32, #tpu.memory_space<vmem_shared>>
      %dma_wait3A_161 = arith.constant 0 : i32
      %dma_wait3A_162 = tpu.memref_slice %arg15[%add3A_101, %dma_wait3A_161] : memref<10240x128xf32, #tpu.memory_space<vmem_shared>> -> memref<128x128xf32, #tpu.memory_space<vmem_shared>>
      tpu.wait_dma2 semaphore(%run_scoped3A : memref<!tpu.dma_semaphore, #tpu.memory_space<semaphore_mem>>) src(%dma_wait3A_162 : memref<128x128xf32, #tpu.memory_space<vmem_shared>>) dst(%arg12 : memref<128x128xf32, #tpu.memory_space<vmem>>)
      tpu.yield
    }) : () -> ()
    %mul3A_102 = arith.constant 10240 : i32
    %mul3A_103 = arith.muli %arg0, %mul3A_102 : i32
    %add3A_104 = arith.addi %mul3A_103, %mul3A_2 : i32
    %add3A_105 = arith.constant 256 : i32
    %add3A_106 = arith.addi %add3A_104, %add3A_105 : i32
    %dma_start3A_107 = arith.constant 0 : i32
    %dma_start3A_108 = tpu.memref_slice %arg6[%add3A_106, %dma_start3A_107] : memref<20480x128xf32, #tpu.memory_space<hbm>> -> memref<128x128xf32, #tpu.memory_space<hbm>>
    %dma_start3A_109 = arith.constant 0 : i32
    %dma_start3A_110 = tpu.memref_slice %arg6[%add3A_106, %dma_start3A_109] : memref<20480x128xf32, #tpu.memory_space<hbm>> -> memref<128x128xf32, #tpu.memory_space<hbm>>
    tpu.enqueue_dma source(%arg12 : memref<128x128xf32, #tpu.memory_space<vmem>>) target(%dma_start3A_110 : memref<128x128xf32, #tpu.memory_space<hbm>>) target_semaphore(%arg20 : memref<!tpu.dma_semaphore, #tpu.memory_space<semaphore_mem>>)
    %dma_wait3A_111 = arith.constant 0 : i32
    %dma_wait3A_112 = tpu.memref_slice %arg6[%add3A_91, %dma_wait3A_111] : memref<20480x128xf32, #tpu.memory_space<hbm>> -> memref<128x128xf32, #tpu.memory_space<hbm>>
    %dma_wait3A_113 = arith.constant 0 : i32
    %dma_wait3A_114 = tpu.memref_slice %arg6[%add3A_91, %dma_wait3A_113] : memref<20480x128xf32, #tpu.memory_space<hbm>> -> memref<128x128xf32, #tpu.memory_space<hbm>>
    tpu.wait_dma2 semaphore(%arg21 : memref<!tpu.dma_semaphore, #tpu.memory_space<semaphore_mem>>) src(%arg13 : memref<128x128xf32, #tpu.memory_space<vmem>>) dst(%dma_wait3A_114 : memref<128x128xf32, #tpu.memory_space<hbm>>)
    %add3A_115 = arith.constant 384 : i32
    %add3A_116 = arith.addi %mul3A_2, %add3A_115 : i32
    "tpu.region"() ({
      %run_scoped3A = tpu.sem_alloc : memref<!tpu.dma_semaphore, #tpu.memory_space<semaphore_mem>>
      %dma_start3A_155 = arith.constant 0 : i32
      %dma_start3A_156 = tpu.memref_slice %arg15[%add3A_116, %dma_start3A_155] : memref<10240x128xf32, #tpu.memory_space<vmem_shared>> -> memref<128x128xf32, #tpu.memory_space<vmem_shared>>
      %dma_start3A_157 = arith.constant 0 : i32
      %dma_start3A_158 = tpu.memref_slice %arg15[%add3A_116, %dma_start3A_157] : memref<10240x128xf32, #tpu.memory_space<vmem_shared>> -> memref<128x128xf32, #tpu.memory_space<vmem_shared>>
      tpu.enqueue_dma source(%dma_start3A_158 : memref<128x128xf32, #tpu.memory_space<vmem_shared>>) target(%arg13 : memref<128x128xf32, #tpu.memory_space<vmem>>) target_semaphore(%run_scoped3A : memref<!tpu.dma_semaphore, #tpu.memory_space<semaphore_mem>>)
      %dma_wait3A_159 = arith.constant 0 : i32
      %dma_wait3A_160 = tpu.memref_slice %arg15[%add3A_116, %dma_wait3A_159] : memref<10240x128xf32, #tpu.memory_space<vmem_shared>> -> memref<128x128xf32, #tpu.memory_space<vmem_shared>>
      %dma_wait3A_161 = arith.constant 0 : i32
      %dma_wait3A_162 = tpu.memref_slice %arg15[%add3A_116, %dma_wait3A_161] : memref<10240x128xf32, #tpu.memory_space<vmem_shared>> -> memref<128x128xf32, #tpu.memory_space<vmem_shared>>
      tpu.wait_dma2 semaphore(%run_scoped3A : memref<!tpu.dma_semaphore, #tpu.memory_space<semaphore_mem>>) src(%dma_wait3A_162 : memref<128x128xf32, #tpu.memory_space<vmem_shared>>) dst(%arg13 : memref<128x128xf32, #tpu.memory_space<vmem>>)
      tpu.yield
    }) : () -> ()
    %mul3A_117 = arith.constant 10240 : i32
    %mul3A_118 = arith.muli %arg0, %mul3A_117 : i32
    %add3A_119 = arith.addi %mul3A_118, %mul3A_2 : i32
    %add3A_120 = arith.constant 384 : i32
    %add3A_121 = arith.addi %add3A_119, %add3A_120 : i32
    %dma_start3A_122 = arith.constant 0 : i32
    %dma_start3A_123 = tpu.memref_slice %arg6[%add3A_121, %dma_start3A_122] : memref<20480x128xf32, #tpu.memory_space<hbm>> -> memref<128x128xf32, #tpu.memory_space<hbm>>
    %dma_start3A_124 = arith.constant 0 : i32
    %dma_start3A_125 = tpu.memref_slice %arg6[%add3A_121, %dma_start3A_124] : memref<20480x128xf32, #tpu.memory_space<hbm>> -> memref<128x128xf32, #tpu.memory_space<hbm>>
    tpu.enqueue_dma source(%arg13 : memref<128x128xf32, #tpu.memory_space<vmem>>) target(%dma_start3A_125 : memref<128x128xf32, #tpu.memory_space<hbm>>) target_semaphore(%arg21 : memref<!tpu.dma_semaphore, #tpu.memory_space<semaphore_mem>>)
    %dma_wait3A_126 = arith.constant 0 : i32
    %dma_wait3A_127 = tpu.memref_slice %arg6[%add3A_106, %dma_wait3A_126] : memref<20480x128xf32, #tpu.memory_space<hbm>> -> memref<128x128xf32, #tpu.memory_space<hbm>>
    %dma_wait3A_128 = arith.constant 0 : i32
    %dma_wait3A_129 = tpu.memref_slice %arg6[%add3A_106, %dma_wait3A_128] : memref<20480x128xf32, #tpu.memory_space<hbm>> -> memref<128x128xf32, #tpu.memory_space<hbm>>
    tpu.wait_dma2 semaphore(%arg20 : memref<!tpu.dma_semaphore, #tpu.memory_space<semaphore_mem>>) src(%arg12 : memref<128x128xf32, #tpu.memory_space<vmem>>) dst(%dma_wait3A_129 : memref<128x128xf32, #tpu.memory_space<hbm>>)
    %add3A_130 = arith.constant 512 : i32
    %add3A_131 = arith.addi %mul3A_2, %add3A_130 : i32
    "tpu.region"() ({
      %run_scoped3A = tpu.sem_alloc : memref<!tpu.dma_semaphore, #tpu.memory_space<semaphore_mem>>
      %dma_start3A_155 = arith.constant 0 : i32
      %dma_start3A_156 = tpu.memref_slice %arg15[%add3A_131, %dma_start3A_155] : memref<10240x128xf32, #tpu.memory_space<vmem_shared>> -> memref<128x128xf32, #tpu.memory_space<vmem_shared>>
      %dma_start3A_157 = arith.constant 0 : i32
      %dma_start3A_158 = tpu.memref_slice %arg15[%add3A_131, %dma_start3A_157] : memref<10240x128xf32, #tpu.memory_space<vmem_shared>> -> memref<128x128xf32, #tpu.memory_space<vmem_shared>>
      tpu.enqueue_dma source(%dma_start3A_158 : memref<128x128xf32, #tpu.memory_space<vmem_shared>>) target(%arg12 : memref<128x128xf32, #tpu.memory_space<vmem>>) target_semaphore(%run_scoped3A : memref<!tpu.dma_semaphore, #tpu.memory_space<semaphore_mem>>)
      %dma_wait3A_159 = arith.constant 0 : i32
      %dma_wait3A_160 = tpu.memref_slice %arg15[%add3A_131, %dma_wait3A_159] : memref<10240x128xf32, #tpu.memory_space<vmem_shared>> -> memref<128x128xf32, #tpu.memory_space<vmem_shared>>
      %dma_wait3A_161 = arith.constant 0 : i32
      %dma_wait3A_162 = tpu.memref_slice %arg15[%add3A_131, %dma_wait3A_161] : memref<10240x128xf32, #tpu.memory_space<vmem_shared>> -> memref<128x128xf32, #tpu.memory_space<vmem_shared>>
      tpu.wait_dma2 semaphore(%run_scoped3A : memref<!tpu.dma_semaphore, #tpu.memory_space<semaphore_mem>>) src(%dma_wait3A_162 : memref<128x128xf32, #tpu.memory_space<vmem_shared>>) dst(%arg12 : memref<128x128xf32, #tpu.memory_space<vmem>>)
      tpu.yield
    }) : () -> ()
    %mul3A_132 = arith.constant 10240 : i32
    %mul3A_133 = arith.muli %arg0, %mul3A_132 : i32
    %add3A_134 = arith.addi %mul3A_133, %mul3A_2 : i32
    %add3A_135 = arith.constant 512 : i32
    %add3A_136 = arith.addi %add3A_134, %add3A_135 : i32
    %dma_start3A_137 = arith.constant 0 : i32
    %dma_start3A_138 = tpu.memref_slice %arg6[%add3A_136, %dma_start3A_137] : memref<20480x128xf32, #tpu.memory_space<hbm>> -> memref<128x128xf32, #tpu.memory_space<hbm>>
    %dma_start3A_139 = arith.constant 0 : i32
    %dma_start3A_140 = tpu.memref_slice %arg6[%add3A_136, %dma_start3A_139] : memref<20480x128xf32, #tpu.memory_space<hbm>> -> memref<128x128xf32, #tpu.memory_space<hbm>>
    tpu.enqueue_dma source(%arg12 : memref<128x128xf32, #tpu.memory_space<vmem>>) target(%dma_start3A_140 : memref<128x128xf32, #tpu.memory_space<hbm>>) target_semaphore(%arg20 : memref<!tpu.dma_semaphore, #tpu.memory_space<semaphore_mem>>)
    %dma_wait3A_141 = arith.constant 0 : i32
    %dma_wait3A_142 = tpu.memref_slice %arg6[%add3A_121, %dma_wait3A_141] : memref<20480x128xf32, #tpu.memory_space<hbm>> -> memref<128x128xf32, #tpu.memory_space<hbm>>
    %dma_wait3A_143 = arith.constant 0 : i32
    %dma_wait3A_144 = tpu.memref_slice %arg6[%add3A_121, %dma_wait3A_143] : memref<20480x128xf32, #tpu.memory_space<hbm>> -> memref<128x128xf32, #tpu.memory_space<hbm>>
    tpu.wait_dma2 semaphore(%arg21 : memref<!tpu.dma_semaphore, #tpu.memory_space<semaphore_mem>>) src(%arg13 : memref<128x128xf32, #tpu.memory_space<vmem>>) dst(%dma_wait3A_144 : memref<128x128xf32, #tpu.memory_space<hbm>>)
    %dma_wait3A_145 = arith.constant 0 : i32
    %dma_wait3A_146 = tpu.memref_slice %arg6[%add3A_136, %dma_wait3A_145] : memref<20480x128xf32, #tpu.memory_space<hbm>> -> memref<128x128xf32, #tpu.memory_space<hbm>>
    %dma_wait3A_147 = arith.constant 0 : i32
    %dma_wait3A_148 = tpu.memref_slice %arg6[%add3A_136, %dma_wait3A_147] : memref<20480x128xf32, #tpu.memory_space<hbm>> -> memref<128x128xf32, #tpu.memory_space<hbm>>
    tpu.wait_dma2 semaphore(%arg20 : memref<!tpu.dma_semaphore, #tpu.memory_space<semaphore_mem>>) src(%arg12 : memref<128x128xf32, #tpu.memory_space<vmem>>) dst(%dma_wait3A_148 : memref<128x128xf32, #tpu.memory_space<hbm>>)
    %dma_wait3A_149 = arith.constant 0 : i32
    %dma_wait3A_150 = tpu.memref_slice %arg7[%add3A, %dma_wait3A_149] : memref<32x10240xf32, #tpu.memory_space<hbm>> -> memref<1x10240xf32, #tpu.memory_space<hbm>>
    %dma_wait3A_151 = tpu.memref_squeeze %dma_wait3A_150 : memref<1x10240xf32, #tpu.memory_space<hbm>> -> memref<10240xf32, #tpu.memory_space<hbm>>
    %dma_wait3A_152 = arith.constant 0 : i32
    %dma_wait3A_153 = tpu.memref_slice %arg7[%add3A, %dma_wait3A_152] : memref<32x10240xf32, #tpu.memory_space<hbm>> -> memref<1x10240xf32, #tpu.memory_space<hbm>>
    %dma_wait3A_154 = tpu.memref_squeeze %dma_wait3A_153 : memref<1x10240xf32, #tpu.memory_space<hbm>> -> memref<10240xf32, #tpu.memory_space<hbm>>
    tpu.wait_dma2 semaphore(%arg22 : memref<!tpu.dma_semaphore, #tpu.memory_space<semaphore_mem>>) src(%arg14 : memref<10240xf32, #tpu.memory_space<vmem>>) dst(%dma_wait3A_154 : memref<10240xf32, #tpu.memory_space<hbm>>)
    return
  }
}

#map = affine_map<(d0, d1) -> (0, 0)>
#map1 = affine_map<(d0, d1) -> (0, 0, 0)>
#map2 = affine_map<(d0, d1) -> (0)>
module attributes {stable_mosaic.version = 14 : i64} {
  func.func @_phase_body(%arg0: i32, %arg1: i32, %arg2: memref<10000x128xf32, #tpu.memory_space<hbm>>, %arg3: memref<2560x2x128xi32, #tpu.memory_space<hbm>>, %arg4: memref<10240x128xf32, #tpu.memory_space<hbm>>, %arg5: memref<10240xf32, #tpu.memory_space<hbm>>, %arg6: memref<20480x128xf32, #tpu.memory_space<hbm>>, %arg7: memref<32x10240xf32, #tpu.memory_space<hbm>>, %arg8: memref<2x128xi32, #tpu.memory_space<vmem>>, %arg9: memref<2x128xi32, #tpu.memory_space<vmem>>, %arg10: memref<2x128xi32, #tpu.memory_space<vmem>>, %arg11: memref<2x128xi32, #tpu.memory_space<vmem>>, %arg12: memref<128x128xf32, #tpu.memory_space<vmem>>, %arg13: memref<128x128xf32, #tpu.memory_space<vmem>>, %arg14: memref<10240xf32, #tpu.memory_space<vmem>>, %arg15: memref<10240x128xf32, #tpu.memory_space<vmem_shared>>, %arg16: memref<!tpu.dma_semaphore, #tpu.memory_space<semaphore_mem>>, %arg17: memref<!tpu.dma_semaphore, #tpu.memory_space<semaphore_mem>>, %arg18: memref<!tpu.dma_semaphore, #tpu.memory_space<semaphore_mem>>, %arg19: memref<!tpu.dma_semaphore, #tpu.memory_space<semaphore_mem>>, %arg20: memref<!tpu.dma_semaphore, #tpu.memory_space<semaphore_mem>>, %arg21: memref<!tpu.dma_semaphore, #tpu.memory_space<semaphore_mem>>, %arg22: memref<!tpu.dma_semaphore, #tpu.memory_space<semaphore_mem>>, %arg23: memref<!tpu.dma_semaphore, #tpu.memory_space<semaphore_mem>>) attributes {dimension_semantics = [#tpu.dimension_semantics<core_parallel>, #tpu.dimension_semantics<subcore_parallel>], iteration_bounds = array<i64: 2, 16>, scalar_prefetch = 0 : i64, scratch_operands = 16 : i64, tpu.core_type = #tpu.core_type<sc_vector_subcore>, window_params = [{transform_indices = #map}, {transform_indices = #map1}, {transform_indices = #map}, {transform_indices = #map2}, {transform_indices = #map}, {transform_indices = #map}]} {
    %mul3A = arith.constant 16 : i32
    %mul3A_0 = arith.muli %arg0, %mul3A : i32
    %add3A = arith.addi %mul3A_0, %arg1 : i32
    %mul3A_1 = arith.constant 640 : i32
    %mul3A_2 = arith.muli %arg1, %mul3A_1 : i32
    %broadcast_in_dim3A = arith.constant 1.000000e+00 : f32
    %broadcast_in_dim3A_3 = vector.broadcast %broadcast_in_dim3A : f32 to vector<16xf32>
    %mul3A_4 = arith.constant 80 : i32
    %mul3A_5 = arith.muli %add3A, %mul3A_4 : i32
    %add3A_6 = arith.constant 0 : i32
    %add3A_7 = arith.addi %mul3A_5, %add3A_6 : i32
    %dma_start3A = arith.constant 0 : i32
    %dma_start3A_8 = arith.constant 0 : i32
    %dma_start3A_9 = tpu.memref_slice %arg3[%add3A_7, %dma_start3A, %dma_start3A_8] : memref<2560x2x128xi32, #tpu.memory_space<hbm>> -> memref<1x2x128xi32, #tpu.memory_space<hbm>>
    %dma_start3A_10 = tpu.memref_squeeze %dma_start3A_9 : memref<1x2x128xi32, #tpu.memory_space<hbm>> -> memref<2x128xi32, #tpu.memory_space<hbm>>
    %dma_start3A_11 = arith.constant 0 : i32
    %dma_start3A_12 = arith.constant 0 : i32
    %dma_start3A_13 = tpu.memref_slice %arg3[%add3A_7, %dma_start3A_11, %dma_start3A_12] : memref<2560x2x128xi32, #tpu.memory_space<hbm>> -> memref<1x2x128xi32, #tpu.memory_space<hbm>>
    %dma_start3A_14 = tpu.memref_squeeze %dma_start3A_13 : memref<1x2x128xi32, #tpu.memory_space<hbm>> -> memref<2x128xi32, #tpu.memory_space<hbm>>
    tpu.enqueue_dma source(%dma_start3A_14 : memref<2x128xi32, #tpu.memory_space<hbm>>) target(%arg8 : memref<2x128xi32, #tpu.memory_space<vmem>>) target_semaphore(%arg16 : memref<!tpu.dma_semaphore, #tpu.memory_space<semaphore_mem>>)
    %mul3A_15 = arith.constant 80 : i32
    %mul3A_16 = arith.muli %add3A, %mul3A_15 : i32
    %add3A_17 = arith.constant 1 : i32
    %add3A_18 = arith.addi %mul3A_16, %add3A_17 : i32
    %dma_start3A_19 = arith.constant 0 : i32
    %dma_start3A_20 = arith.constant 0 : i32
    %dma_start3A_21 = tpu.memref_slice %arg3[%add3A_18, %dma_start3A_19, %dma_start3A_20] : memref<2560x2x128xi32, #tpu.memory_space<hbm>> -> memref<1x2x128xi32, #tpu.memory_space<hbm>>
    %dma_start3A_22 = tpu.memref_squeeze %dma_start3A_21 : memref<1x2x128xi32, #tpu.memory_space<hbm>> -> memref<2x128xi32, #tpu.memory_space<hbm>>
    %dma_start3A_23 = arith.constant 0 : i32
    %dma_start3A_24 = arith.constant 0 : i32
    %dma_start3A_25 = tpu.memref_slice %arg3[%add3A_18, %dma_start3A_23, %dma_start3A_24] : memref<2560x2x128xi32, #tpu.memory_space<hbm>> -> memref<1x2x128xi32, #tpu.memory_space<hbm>>
    %dma_start3A_26 = tpu.memref_squeeze %dma_start3A_25 : memref<1x2x128xi32, #tpu.memory_space<hbm>> -> memref<2x128xi32, #tpu.memory_space<hbm>>
    tpu.enqueue_dma source(%dma_start3A_26 : memref<2x128xi32, #tpu.memory_space<hbm>>) target(%arg9 : memref<2x128xi32, #tpu.memory_space<vmem>>) target_semaphore(%arg17 : memref<!tpu.dma_semaphore, #tpu.memory_space<semaphore_mem>>)
    "tpu.region"() ({
      %run_scoped3A = tpu.sem_alloc : memref<!tpu.dma_semaphore, #tpu.memory_space<semaphore_mem>>
      %dma_start3A_155 = arith.constant 0 : i32
      %dma_start3A_156 = tpu.memref_slice %arg15[%mul3A_2, %dma_start3A_155] : memref<10240x128xf32, #tpu.memory_space<vmem_shared>> -> memref<640x128xf32, #tpu.memory_space<vmem_shared>>
      %dma_start3A_157 = arith.constant 0 : i32
      %dma_start3A_158 = tpu.memref_slice %arg4[%mul3A_2, %dma_start3A_157] : memref<10240x128xf32, #tpu.memory_space<hbm>> -> memref<640x128xf32, #tpu.memory_space<hbm>>
      tpu.enqueue_dma source(%dma_start3A_158 : memref<640x128xf32, #tpu.memory_space<hbm>>) target(%dma_start3A_156 : memref<640x128xf32, #tpu.memory_space<vmem_shared>>) target_semaphore(%run_scoped3A : memref<!tpu.dma_semaphore, #tpu.memory_space<semaphore_mem>>)
      %dma_wait3A_159 = arith.constant 0 : i32
      %dma_wait3A_160 = tpu.memref_slice %arg15[%mul3A_2, %dma_wait3A_159] : memref<10240x128xf32, #tpu.memory_space<vmem_shared>> -> memref<640x128xf32, #tpu.memory_space<vmem_shared>>
      %dma_wait3A_161 = arith.constant 0 : i32
      %dma_wait3A_162 = tpu.memref_slice %arg4[%mul3A_2, %dma_wait3A_161] : memref<10240x128xf32, #tpu.memory_space<hbm>> -> memref<640x128xf32, #tpu.memory_space<hbm>>
      tpu.wait_dma2 semaphore(%run_scoped3A : memref<!tpu.dma_semaphore, #tpu.memory_space<semaphore_mem>>) src(%dma_wait3A_162 : memref<640x128xf32, #tpu.memory_space<hbm>>) dst(%dma_wait3A_160 : memref<640x128xf32, #tpu.memory_space<vmem_shared>>)
      tpu.yield
    }) : () -> ()
    "tpu.region"() ({
      %run_scoped3A = tpu.sem_alloc : memref<!tpu.dma_semaphore, #tpu.memory_space<semaphore_mem>>
      tpu.enqueue_dma source(%arg5 : memref<10240xf32, #tpu.memory_space<hbm>>) target(%arg14 : memref<10240xf32, #tpu.memory_space<vmem>>) target_semaphore(%run_scoped3A : memref<!tpu.dma_semaphore, #tpu.memory_space<semaphore_mem>>)
      tpu.wait_dma2 semaphore(%run_scoped3A : memref<!tpu.dma_semaphore, #tpu.memory_space<semaphore_mem>>) src(%arg5 : memref<10240xf32, #tpu.memory_space<hbm>>) dst(%arg14 : memref<10240xf32, #tpu.memory_space<vmem>>)
      tpu.yield
    }) : () -> ()
    %barrier3A = arith.constant 0 : index
    tpu.barrier barrier_id(%barrier3A)
    %scan3A = arith.constant 0 : i32
    %scan3A_27 = arith.constant 1 : i32
    %scan3A_28 = arith.constant 0 : i32
    %scan3A_29 = arith.constant 0 : i32
    %scan3A_30 = arith.constant 1 : i32
    %scan3A_31 = arith.constant 0 : i32
    %scan3A_32 = arith.constant 1 : i32
    %scan3A_33 = arith.constant 0 : i32
    %scan3A_34 = arith.constant 1 : i32
    %scan3A_35 = arith.constant 0 : i32
    %scan3A_36 = arith.constant 20 : i32
    %scan3A_37 = arith.addi %scan3A_35, %scan3A_36 : i32
    %scan3A_38 = arith.constant 1 : i32
    scf.for %scan3A_155 = %scan3A_35 to %scan3A_37 step %scan3A_38  : i32 {
      %mul3A_156 = arith.constant 4 : i32
      %mul3A_157 = arith.muli %mul3A_156, %scan3A_155 : i32
      %add3A_158 = arith.constant 0 : i32
      %add3A_159 = arith.addi %mul3A_157, %add3A_158 : i32
      %dma_wait3A_160 = arith.constant 0 : i32
      %dma_wait3A_161 = arith.constant 0 : i32
      %dma_wait3A_162 = arith.constant 0 : i32
      %dma_wait3A_163 = tpu.memref_slice %arg3[%dma_wait3A_160, %dma_wait3A_161, %dma_wait3A_162] : memref<2560x2x128xi32, #tpu.memory_space<hbm>> -> memref<1x2x128xi32, #tpu.memory_space<hbm>>
      %dma_wait3A_164 = tpu.memref_squeeze %dma_wait3A_163 : memref<1x2x128xi32, #tpu.memory_space<hbm>> -> memref<2x128xi32, #tpu.memory_space<hbm>>
      %dma_wait3A_165 = arith.constant 0 : i32
      %dma_wait3A_166 = arith.constant 0 : i32
      %dma_wait3A_167 = tpu.memref_slice %arg3[%dma_wait3A_160, %dma_wait3A_165, %dma_wait3A_166] : memref<2560x2x128xi32, #tpu.memory_space<hbm>> -> memref<1x2x128xi32, #tpu.memory_space<hbm>>
      %dma_wait3A_168 = tpu.memref_squeeze %dma_wait3A_167 : memref<1x2x128xi32, #tpu.memory_space<hbm>> -> memref<2x128xi32, #tpu.memory_space<hbm>>
      tpu.wait_dma2 semaphore(%arg16 : memref<!tpu.dma_semaphore, #tpu.memory_space<semaphore_mem>>) src(%dma_wait3A_168 : memref<2x128xi32, #tpu.memory_space<hbm>>) dst(%arg8 : memref<2x128xi32, #tpu.memory_space<vmem>>)
      %ge3A = arith.constant 2 : i32
      %ge3A_169 = arith.cmpi sge, %add3A_159, %ge3A : i32
      %convert_element_type3A = arith.extui %ge3A_169 : i1 to i32
      %cond3A = arith.constant 0 : i32
      %cond3A_170 = arith.cmpi ne, %convert_element_type3A, %cond3A : i32
      scf.if %cond3A_170 {
        %dma_wait3A_423 = arith.constant 0 : i32
        %dma_wait3A_424 = tpu.memref_slice %arg10[%scan3A_27, %dma_wait3A_423] : memref<2x128xi32, #tpu.memory_space<vmem>> -> memref<1x128xi32, #tpu.memory_space<vmem>>
        %dma_wait3A_425 = tpu.memref_squeeze %dma_wait3A_424 : memref<1x128xi32, #tpu.memory_space<vmem>> -> memref<128xi32, #tpu.memory_space<vmem>>
        %dma_wait3A_426 = arith.constant 0 : i32
        %dma_wait3A_427 = arith.constant 0 : i32
        %dma_wait3A_428 = tpu.memref_slice %arg15[%dma_wait3A_426, %dma_wait3A_427] : memref<10240x128xf32, #tpu.memory_space<vmem_shared>> -> memref<10240x128xf32, #tpu.memory_space<vmem_shared>>
        tpu.wait_indirect_dma semaphore(%arg22 : memref<!tpu.dma_semaphore, #tpu.memory_space<semaphore_mem>>) src(%arg12 : memref<128x128xf32, #tpu.memory_space<vmem>>) dst(%dma_wait3A_428 : memref<10240x128xf32, #tpu.memory_space<vmem_shared>>)
      } else {
      }
      %add3A_171 = arith.constant 2 : i32
      %add3A_172 = arith.addi %add3A_159, %add3A_171 : i32
      %lt3A = arith.constant 80 : i32
      %lt3A_173 = arith.cmpi slt, %add3A_172, %lt3A : i32
      %convert_element_type3A_174 = arith.extui %lt3A_173 : i1 to i32
      %cond3A_175 = arith.constant 0 : i32
      %cond3A_176 = arith.cmpi ne, %convert_element_type3A_174, %cond3A_175 : i32
      scf.if %cond3A_176 {
        %add3A_423 = arith.constant 2 : i32
        %add3A_424 = arith.addi %add3A_159, %add3A_423 : i32
        %mul3A_425 = arith.constant 80 : i32
        %mul3A_426 = arith.muli %add3A, %mul3A_425 : i32
        %add3A_427 = arith.addi %mul3A_426, %add3A_424 : i32
        %dma_start3A_428 = arith.constant 0 : i32
        %dma_start3A_429 = arith.constant 0 : i32
        %dma_start3A_430 = tpu.memref_slice %arg3[%add3A_427, %dma_start3A_428, %dma_start3A_429] : memref<2560x2x128xi32, #tpu.memory_space<hbm>> -> memref<1x2x128xi32, #tpu.memory_space<hbm>>
        %dma_start3A_431 = tpu.memref_squeeze %dma_start3A_430 : memref<1x2x128xi32, #tpu.memory_space<hbm>> -> memref<2x128xi32, #tpu.memory_space<hbm>>
        %dma_start3A_432 = arith.constant 0 : i32
        %dma_start3A_433 = arith.constant 0 : i32
        %dma_start3A_434 = tpu.memref_slice %arg3[%add3A_427, %dma_start3A_432, %dma_start3A_433] : memref<2560x2x128xi32, #tpu.memory_space<hbm>> -> memref<1x2x128xi32, #tpu.memory_space<hbm>>
        %dma_start3A_435 = tpu.memref_squeeze %dma_start3A_434 : memref<1x2x128xi32, #tpu.memory_space<hbm>> -> memref<2x128xi32, #tpu.memory_space<hbm>>
        tpu.enqueue_dma source(%dma_start3A_435 : memref<2x128xi32, #tpu.memory_space<hbm>>) target(%arg10 : memref<2x128xi32, #tpu.memory_space<vmem>>) target_semaphore(%arg18 : memref<!tpu.dma_semaphore, #tpu.memory_space<semaphore_mem>>)
      } else {
      }
      %dma_start3A_177 = arith.constant 0 : i32
      %dma_start3A_178 = tpu.memref_slice %arg8[%scan3A_28, %dma_start3A_177] : memref<2x128xi32, #tpu.memory_space<vmem>> -> memref<1x128xi32, #tpu.memory_space<vmem>>
      %dma_start3A_179 = tpu.memref_squeeze %dma_start3A_178 : memref<1x128xi32, #tpu.memory_space<vmem>> -> memref<128xi32, #tpu.memory_space<vmem>>
      %dma_start3A_180 = arith.constant 0 : i32
      %dma_start3A_181 = arith.constant 0 : i32
      %dma_start3A_182 = tpu.memref_slice %arg2[%dma_start3A_180, %dma_start3A_181] : memref<10000x128xf32, #tpu.memory_space<hbm>> -> memref<10000x128xf32, #tpu.memory_space<hbm>>
      tpu.enqueue_indirect_dma source(%dma_start3A_182 : memref<10000x128xf32, #tpu.memory_space<hbm>>) target(%arg12 : memref<128x128xf32, #tpu.memory_space<vmem>>) offsets(%dma_start3A_179 : memref<128xi32, #tpu.memory_space<vmem>>) semaphore(%arg20 : memref<!tpu.dma_semaphore, #tpu.memory_space<semaphore_mem>>)
      %get3A = arith.constant 1 : i32
      %get3A_183 = arith.index_cast %get3A : i32 to index
      %get3A_184 = arith.constant 0 : index
      %get3A_185 = tpu.vector_load %arg8[%get3A_183, %get3A_184] {strides = array<i32>} : memref<2x128xi32, #tpu.memory_space<vmem>>, vector<16xi32>,
      tpu.vector_store_idx %arg14[%get3A_185], %broadcast_in_dim3A_3 {add = true} : memref<10240xf32, #tpu.memory_space<vmem>>[vector<16xi32>], vector<16xf32>,
      %get3A_186 = arith.constant 1 : i32
      %get3A_187 = arith.index_cast %get3A_186 : i32 to index
      %get3A_188 = arith.constant 16 : index
      %get3A_189 = tpu.vector_load %arg8[%get3A_187, %get3A_188] {strides = array<i32>} : memref<2x128xi32, #tpu.memory_space<vmem>>, vector<16xi32>,
      tpu.vector_store_idx %arg14[%get3A_189], %broadcast_in_dim3A_3 {add = true} : memref<10240xf32, #tpu.memory_space<vmem>>[vector<16xi32>], vector<16xf32>,
      %get3A_190 = arith.constant 1 : i32
      %get3A_191 = arith.index_cast %get3A_190 : i32 to index
      %get3A_192 = arith.constant 32 : index
      %get3A_193 = tpu.vector_load %arg8[%get3A_191, %get3A_192] {strides = array<i32>} : memref<2x128xi32, #tpu.memory_space<vmem>>, vector<16xi32>,
      tpu.vector_store_idx %arg14[%get3A_193], %broadcast_in_dim3A_3 {add = true} : memref<10240xf32, #tpu.memory_space<vmem>>[vector<16xi32>], vector<16xf32>,
      %get3A_194 = arith.constant 1 : i32
      %get3A_195 = arith.index_cast %get3A_194 : i32 to index
      %get3A_196 = arith.constant 48 : index
      %get3A_197 = tpu.vector_load %arg8[%get3A_195, %get3A_196] {strides = array<i32>} : memref<2x128xi32, #tpu.memory_space<vmem>>, vector<16xi32>,
      tpu.vector_store_idx %arg14[%get3A_197], %broadcast_in_dim3A_3 {add = true} : memref<10240xf32, #tpu.memory_space<vmem>>[vector<16xi32>], vector<16xf32>,
      %get3A_198 = arith.constant 1 : i32
      %get3A_199 = arith.index_cast %get3A_198 : i32 to index
      %get3A_200 = arith.constant 64 : index
      %get3A_201 = tpu.vector_load %arg8[%get3A_199, %get3A_200] {strides = array<i32>} : memref<2x128xi32, #tpu.memory_space<vmem>>, vector<16xi32>,
      tpu.vector_store_idx %arg14[%get3A_201], %broadcast_in_dim3A_3 {add = true} : memref<10240xf32, #tpu.memory_space<vmem>>[vector<16xi32>], vector<16xf32>,
      %get3A_202 = arith.constant 1 : i32
      %get3A_203 = arith.index_cast %get3A_202 : i32 to index
      %get3A_204 = arith.constant 80 : index
      %get3A_205 = tpu.vector_load %arg8[%get3A_203, %get3A_204] {strides = array<i32>} : memref<2x128xi32, #tpu.memory_space<vmem>>, vector<16xi32>,
      tpu.vector_store_idx %arg14[%get3A_205], %broadcast_in_dim3A_3 {add = true} : memref<10240xf32, #tpu.memory_space<vmem>>[vector<16xi32>], vector<16xf32>,
      %get3A_206 = arith.constant 1 : i32
      %get3A_207 = arith.index_cast %get3A_206 : i32 to index
      %get3A_208 = arith.constant 96 : index
      %get3A_209 = tpu.vector_load %arg8[%get3A_207, %get3A_208] {strides = array<i32>} : memref<2x128xi32, #tpu.memory_space<vmem>>, vector<16xi32>,
      tpu.vector_store_idx %arg14[%get3A_209], %broadcast_in_dim3A_3 {add = true} : memref<10240xf32, #tpu.memory_space<vmem>>[vector<16xi32>], vector<16xf32>,
      %get3A_210 = arith.constant 1 : i32
      %get3A_211 = arith.index_cast %get3A_210 : i32 to index
      %get3A_212 = arith.constant 112 : index
      %get3A_213 = tpu.vector_load %arg8[%get3A_211, %get3A_212] {strides = array<i32>} : memref<2x128xi32, #tpu.memory_space<vmem>>, vector<16xi32>,
      tpu.vector_store_idx %arg14[%get3A_213], %broadcast_in_dim3A_3 {add = true} : memref<10240xf32, #tpu.memory_space<vmem>>[vector<16xi32>], vector<16xf32>,
      %ge3A_214 = arith.constant 1 : i32
      %ge3A_215 = arith.cmpi sge, %add3A_159, %ge3A_214 : i32
      %convert_element_type3A_216 = arith.extui %ge3A_215 : i1 to i32
      %cond3A_217 = arith.constant 0 : i32
      %cond3A_218 = arith.cmpi ne, %convert_element_type3A_216, %cond3A_217 : i32
      scf.if %cond3A_218 {
        %dma_wait3A_423 = arith.constant 0 : i32
        %dma_wait3A_424 = tpu.memref_slice %arg11[%scan3A_29, %dma_wait3A_423] : memref<2x128xi32, #tpu.memory_space<vmem>> -> memref<1x128xi32, #tpu.memory_space<vmem>>
        %dma_wait3A_425 = tpu.memref_squeeze %dma_wait3A_424 : memref<1x128xi32, #tpu.memory_space<vmem>> -> memref<128xi32, #tpu.memory_space<vmem>>
        %dma_wait3A_426 = arith.constant 0 : i32
        %dma_wait3A_427 = arith.constant 0 : i32
        %dma_wait3A_428 = tpu.memref_slice %arg2[%dma_wait3A_426, %dma_wait3A_427] : memref<10000x128xf32, #tpu.memory_space<hbm>> -> memref<10000x128xf32, #tpu.memory_space<hbm>>
        tpu.wait_indirect_dma semaphore(%arg21 : memref<!tpu.dma_semaphore, #tpu.memory_space<semaphore_mem>>) src(%dma_wait3A_428 : memref<10000x128xf32, #tpu.memory_space<hbm>>) dst(%arg13 : memref<128x128xf32, #tpu.memory_space<vmem>>)
        %dma_start3A_429 = arith.constant 0 : i32
        %dma_start3A_430 = tpu.memref_slice %arg11[%scan3A_30, %dma_start3A_429] : memref<2x128xi32, #tpu.memory_space<vmem>> -> memref<1x128xi32, #tpu.memory_space<vmem>>
        %dma_start3A_431 = tpu.memref_squeeze %dma_start3A_430 : memref<1x128xi32, #tpu.memory_space<vmem>> -> memref<128xi32, #tpu.memory_space<vmem>>
        %dma_start3A_432 = arith.constant 0 : i32
        %dma_start3A_433 = arith.constant 0 : i32
        %dma_start3A_434 = tpu.memref_slice %arg15[%dma_start3A_432, %dma_start3A_433] : memref<10240x128xf32, #tpu.memory_space<vmem_shared>> -> memref<10240x128xf32, #tpu.memory_space<vmem_shared>>
        tpu.enqueue_indirect_dma source(%arg13 : memref<128x128xf32, #tpu.memory_space<vmem>>) target(%dma_start3A_434 : memref<10240x128xf32, #tpu.memory_space<vmem_shared>>) offsets(%dma_start3A_431 : memref<128xi32, #tpu.memory_space<vmem>>) semaphore(%arg23 : memref<!tpu.dma_semaphore, #tpu.memory_space<semaphore_mem>>) {add = true}
      } else {
      }
      %mul3A_219 = arith.constant 4 : i32
      %mul3A_220 = arith.muli %mul3A_219, %scan3A_155 : i32
      %add3A_221 = arith.constant 1 : i32
      %add3A_222 = arith.addi %mul3A_220, %add3A_221 : i32
      %dma_wait3A_223 = arith.constant 0 : i32
      %dma_wait3A_224 = arith.constant 0 : i32
      %dma_wait3A_225 = arith.constant 0 : i32
      %dma_wait3A_226 = tpu.memref_slice %arg3[%dma_wait3A_223, %dma_wait3A_224, %dma_wait3A_225] : memref<2560x2x128xi32, #tpu.memory_space<hbm>> -> memref<1x2x128xi32, #tpu.memory_space<hbm>>
      %dma_wait3A_227 = tpu.memref_squeeze %dma_wait3A_226 : memref<1x2x128xi32, #tpu.memory_space<hbm>> -> memref<2x128xi32, #tpu.memory_space<hbm>>
      %dma_wait3A_228 = arith.constant 0 : i32
      %dma_wait3A_229 = arith.constant 0 : i32
      %dma_wait3A_230 = tpu.memref_slice %arg3[%dma_wait3A_223, %dma_wait3A_228, %dma_wait3A_229] : memref<2560x2x128xi32, #tpu.memory_space<hbm>> -> memref<1x2x128xi32, #tpu.memory_space<hbm>>
      %dma_wait3A_231 = tpu.memref_squeeze %dma_wait3A_230 : memref<1x2x128xi32, #tpu.memory_space<hbm>> -> memref<2x128xi32, #tpu.memory_space<hbm>>
      tpu.wait_dma2 semaphore(%arg17 : memref<!tpu.dma_semaphore, #tpu.memory_space<semaphore_mem>>) src(%dma_wait3A_231 : memref<2x128xi32, #tpu.memory_space<hbm>>) dst(%arg9 : memref<2x128xi32, #tpu.memory_space<vmem>>)
      %ge3A_232 = arith.constant 2 : i32
      %ge3A_233 = arith.cmpi sge, %add3A_222, %ge3A_232 : i32
      %convert_element_type3A_234 = arith.extui %ge3A_233 : i1 to i32
      %cond3A_235 = arith.constant 0 : i32
      %cond3A_236 = arith.cmpi ne, %convert_element_type3A_234, %cond3A_235 : i32
      scf.if %cond3A_236 {
        %dma_wait3A_423 = arith.constant 0 : i32
        %dma_wait3A_424 = tpu.memref_slice %arg11[%scan3A_30, %dma_wait3A_423] : memref<2x128xi32, #tpu.memory_space<vmem>> -> memref<1x128xi32, #tpu.memory_space<vmem>>
        %dma_wait3A_425 = tpu.memref_squeeze %dma_wait3A_424 : memref<1x128xi32, #tpu.memory_space<vmem>> -> memref<128xi32, #tpu.memory_space<vmem>>
        %dma_wait3A_426 = arith.constant 0 : i32
        %dma_wait3A_427 = arith.constant 0 : i32
        %dma_wait3A_428 = tpu.memref_slice %arg15[%dma_wait3A_426, %dma_wait3A_427] : memref<10240x128xf32, #tpu.memory_space<vmem_shared>> -> memref<10240x128xf32, #tpu.memory_space<vmem_shared>>
        tpu.wait_indirect_dma semaphore(%arg23 : memref<!tpu.dma_semaphore, #tpu.memory_space<semaphore_mem>>) src(%arg13 : memref<128x128xf32, #tpu.memory_space<vmem>>) dst(%dma_wait3A_428 : memref<10240x128xf32, #tpu.memory_space<vmem_shared>>)
      } else {
      }
      %add3A_237 = arith.constant 2 : i32
      %add3A_238 = arith.addi %add3A_222, %add3A_237 : i32
      %lt3A_239 = arith.constant 80 : i32
      %lt3A_240 = arith.cmpi slt, %add3A_238, %lt3A_239 : i32
      %convert_element_type3A_241 = arith.extui %lt3A_240 : i1 to i32
      %cond3A_242 = arith.constant 0 : i32
      %cond3A_243 = arith.cmpi ne, %convert_element_type3A_241, %cond3A_242 : i32
      scf.if %cond3A_243 {
        %add3A_423 = arith.constant 2 : i32
        %add3A_424 = arith.addi %add3A_222, %add3A_423 : i32
        %mul3A_425 = arith.constant 80 : i32
        %mul3A_426 = arith.muli %add3A, %mul3A_425 : i32
        %add3A_427 = arith.addi %mul3A_426, %add3A_424 : i32
        %dma_start3A_428 = arith.constant 0 : i32
        %dma_start3A_429 = arith.constant 0 : i32
        %dma_start3A_430 = tpu.memref_slice %arg3[%add3A_427, %dma_start3A_428, %dma_start3A_429] : memref<2560x2x128xi32, #tpu.memory_space<hbm>> -> memref<1x2x128xi32, #tpu.memory_space<hbm>>
        %dma_start3A_431 = tpu.memref_squeeze %dma_start3A_430 : memref<1x2x128xi32, #tpu.memory_space<hbm>> -> memref<2x128xi32, #tpu.memory_space<hbm>>
        %dma_start3A_432 = arith.constant 0 : i32
        %dma_start3A_433 = arith.constant 0 : i32
        %dma_start3A_434 = tpu.memref_slice %arg3[%add3A_427, %dma_start3A_432, %dma_start3A_433] : memref<2560x2x128xi32, #tpu.memory_space<hbm>> -> memref<1x2x128xi32, #tpu.memory_space<hbm>>
        %dma_start3A_435 = tpu.memref_squeeze %dma_start3A_434 : memref<1x2x128xi32, #tpu.memory_space<hbm>> -> memref<2x128xi32, #tpu.memory_space<hbm>>
        tpu.enqueue_dma source(%dma_start3A_435 : memref<2x128xi32, #tpu.memory_space<hbm>>) target(%arg11 : memref<2x128xi32, #tpu.memory_space<vmem>>) target_semaphore(%arg19 : memref<!tpu.dma_semaphore, #tpu.memory_space<semaphore_mem>>)
      } else {
      }
      %dma_start3A_244 = arith.constant 0 : i32
      %dma_start3A_245 = tpu.memref_slice %arg9[%scan3A_31, %dma_start3A_244] : memref<2x128xi32, #tpu.memory_space<vmem>> -> memref<1x128xi32, #tpu.memory_space<vmem>>
      %dma_start3A_246 = tpu.memref_squeeze %dma_start3A_245 : memref<1x128xi32, #tpu.memory_space<vmem>> -> memref<128xi32, #tpu.memory_space<vmem>>
      %dma_start3A_247 = arith.constant 0 : i32
      %dma_start3A_248 = arith.constant 0 : i32
      %dma_start3A_249 = tpu.memref_slice %arg2[%dma_start3A_247, %dma_start3A_248] : memref<10000x128xf32, #tpu.memory_space<hbm>> -> memref<10000x128xf32, #tpu.memory_space<hbm>>
      tpu.enqueue_indirect_dma source(%dma_start3A_249 : memref<10000x128xf32, #tpu.memory_space<hbm>>) target(%arg13 : memref<128x128xf32, #tpu.memory_space<vmem>>) offsets(%dma_start3A_246 : memref<128xi32, #tpu.memory_space<vmem>>) semaphore(%arg21 : memref<!tpu.dma_semaphore, #tpu.memory_space<semaphore_mem>>)
      %get3A_250 = arith.constant 1 : i32
      %get3A_251 = arith.index_cast %get3A_250 : i32 to index
      %get3A_252 = arith.constant 0 : index
      %get3A_253 = tpu.vector_load %arg9[%get3A_251, %get3A_252] {strides = array<i32>} : memref<2x128xi32, #tpu.memory_space<vmem>>, vector<16xi32>,
      tpu.vector_store_idx %arg14[%get3A_253], %broadcast_in_dim3A_3 {add = true} : memref<10240xf32, #tpu.memory_space<vmem>>[vector<16xi32>], vector<16xf32>,
      %get3A_254 = arith.constant 1 : i32
      %get3A_255 = arith.index_cast %get3A_254 : i32 to index
      %get3A_256 = arith.constant 16 : index
      %get3A_257 = tpu.vector_load %arg9[%get3A_255, %get3A_256] {strides = array<i32>} : memref<2x128xi32, #tpu.memory_space<vmem>>, vector<16xi32>,
      tpu.vector_store_idx %arg14[%get3A_257], %broadcast_in_dim3A_3 {add = true} : memref<10240xf32, #tpu.memory_space<vmem>>[vector<16xi32>], vector<16xf32>,
      %get3A_258 = arith.constant 1 : i32
      %get3A_259 = arith.index_cast %get3A_258 : i32 to index
      %get3A_260 = arith.constant 32 : index
      %get3A_261 = tpu.vector_load %arg9[%get3A_259, %get3A_260] {strides = array<i32>} : memref<2x128xi32, #tpu.memory_space<vmem>>, vector<16xi32>,
      tpu.vector_store_idx %arg14[%get3A_261], %broadcast_in_dim3A_3 {add = true} : memref<10240xf32, #tpu.memory_space<vmem>>[vector<16xi32>], vector<16xf32>,
      %get3A_262 = arith.constant 1 : i32
      %get3A_263 = arith.index_cast %get3A_262 : i32 to index
      %get3A_264 = arith.constant 48 : index
      %get3A_265 = tpu.vector_load %arg9[%get3A_263, %get3A_264] {strides = array<i32>} : memref<2x128xi32, #tpu.memory_space<vmem>>, vector<16xi32>,
      tpu.vector_store_idx %arg14[%get3A_265], %broadcast_in_dim3A_3 {add = true} : memref<10240xf32, #tpu.memory_space<vmem>>[vector<16xi32>], vector<16xf32>,
      %get3A_266 = arith.constant 1 : i32
      %get3A_267 = arith.index_cast %get3A_266 : i32 to index
      %get3A_268 = arith.constant 64 : index
      %get3A_269 = tpu.vector_load %arg9[%get3A_267, %get3A_268] {strides = array<i32>} : memref<2x128xi32, #tpu.memory_space<vmem>>, vector<16xi32>,
      tpu.vector_store_idx %arg14[%get3A_269], %broadcast_in_dim3A_3 {add = true} : memref<10240xf32, #tpu.memory_space<vmem>>[vector<16xi32>], vector<16xf32>,
      %get3A_270 = arith.constant 1 : i32
      %get3A_271 = arith.index_cast %get3A_270 : i32 to index
      %get3A_272 = arith.constant 80 : index
      %get3A_273 = tpu.vector_load %arg9[%get3A_271, %get3A_272] {strides = array<i32>} : memref<2x128xi32, #tpu.memory_space<vmem>>, vector<16xi32>,
      tpu.vector_store_idx %arg14[%get3A_273], %broadcast_in_dim3A_3 {add = true} : memref<10240xf32, #tpu.memory_space<vmem>>[vector<16xi32>], vector<16xf32>,
      %get3A_274 = arith.constant 1 : i32
      %get3A_275 = arith.index_cast %get3A_274 : i32 to index
      %get3A_276 = arith.constant 96 : index
      %get3A_277 = tpu.vector_load %arg9[%get3A_275, %get3A_276] {strides = array<i32>} : memref<2x128xi32, #tpu.memory_space<vmem>>, vector<16xi32>,
      tpu.vector_store_idx %arg14[%get3A_277], %broadcast_in_dim3A_3 {add = true} : memref<10240xf32, #tpu.memory_space<vmem>>[vector<16xi32>], vector<16xf32>,
      %get3A_278 = arith.constant 1 : i32
      %get3A_279 = arith.index_cast %get3A_278 : i32 to index
      %get3A_280 = arith.constant 112 : index
      %get3A_281 = tpu.vector_load %arg9[%get3A_279, %get3A_280] {strides = array<i32>} : memref<2x128xi32, #tpu.memory_space<vmem>>, vector<16xi32>,
      tpu.vector_store_idx %arg14[%get3A_281], %broadcast_in_dim3A_3 {add = true} : memref<10240xf32, #tpu.memory_space<vmem>>[vector<16xi32>], vector<16xf32>,
      %ge3A_282 = arith.constant 1 : i32
      %ge3A_283 = arith.cmpi sge, %add3A_222, %ge3A_282 : i32
      %convert_element_type3A_284 = arith.extui %ge3A_283 : i1 to i32
      %cond3A_285 = arith.constant 0 : i32
      %cond3A_286 = arith.cmpi ne, %convert_element_type3A_284, %cond3A_285 : i32
      scf.if %cond3A_286 {
        %dma_wait3A_423 = arith.constant 0 : i32
        %dma_wait3A_424 = tpu.memref_slice %arg8[%scan3A_28, %dma_wait3A_423] : memref<2x128xi32, #tpu.memory_space<vmem>> -> memref<1x128xi32, #tpu.memory_space<vmem>>
        %dma_wait3A_425 = tpu.memref_squeeze %dma_wait3A_424 : memref<1x128xi32, #tpu.memory_space<vmem>> -> memref<128xi32, #tpu.memory_space<vmem>>
        %dma_wait3A_426 = arith.constant 0 : i32
        %dma_wait3A_427 = arith.constant 0 : i32
        %dma_wait3A_428 = tpu.memref_slice %arg2[%dma_wait3A_426, %dma_wait3A_427] : memref<10000x128xf32, #tpu.memory_space<hbm>> -> memref<10000x128xf32, #tpu.memory_space<hbm>>
        tpu.wait_indirect_dma semaphore(%arg20 : memref<!tpu.dma_semaphore, #tpu.memory_space<semaphore_mem>>) src(%dma_wait3A_428 : memref<10000x128xf32, #tpu.memory_space<hbm>>) dst(%arg12 : memref<128x128xf32, #tpu.memory_space<vmem>>)
        %dma_start3A_429 = arith.constant 0 : i32
        %dma_start3A_430 = tpu.memref_slice %arg8[%scan3A_32, %dma_start3A_429] : memref<2x128xi32, #tpu.memory_space<vmem>> -> memref<1x128xi32, #tpu.memory_space<vmem>>
        %dma_start3A_431 = tpu.memref_squeeze %dma_start3A_430 : memref<1x128xi32, #tpu.memory_space<vmem>> -> memref<128xi32, #tpu.memory_space<vmem>>
        %dma_start3A_432 = arith.constant 0 : i32
        %dma_start3A_433 = arith.constant 0 : i32
        %dma_start3A_434 = tpu.memref_slice %arg15[%dma_start3A_432, %dma_start3A_433] : memref<10240x128xf32, #tpu.memory_space<vmem_shared>> -> memref<10240x128xf32, #tpu.memory_space<vmem_shared>>
        tpu.enqueue_indirect_dma source(%arg12 : memref<128x128xf32, #tpu.memory_space<vmem>>) target(%dma_start3A_434 : memref<10240x128xf32, #tpu.memory_space<vmem_shared>>) offsets(%dma_start3A_431 : memref<128xi32, #tpu.memory_space<vmem>>) semaphore(%arg22 : memref<!tpu.dma_semaphore, #tpu.memory_space<semaphore_mem>>) {add = true}
      } else {
      }
      %mul3A_287 = arith.constant 4 : i32
      %mul3A_288 = arith.muli %mul3A_287, %scan3A_155 : i32
      %add3A_289 = arith.constant 2 : i32
      %add3A_290 = arith.addi %mul3A_288, %add3A_289 : i32
      %dma_wait3A_291 = arith.constant 0 : i32
      %dma_wait3A_292 = arith.constant 0 : i32
      %dma_wait3A_293 = arith.constant 0 : i32
      %dma_wait3A_294 = tpu.memref_slice %arg3[%dma_wait3A_291, %dma_wait3A_292, %dma_wait3A_293] : memref<2560x2x128xi32, #tpu.memory_space<hbm>> -> memref<1x2x128xi32, #tpu.memory_space<hbm>>
      %dma_wait3A_295 = tpu.memref_squeeze %dma_wait3A_294 : memref<1x2x128xi32, #tpu.memory_space<hbm>> -> memref<2x128xi32, #tpu.memory_space<hbm>>
      %dma_wait3A_296 = arith.constant 0 : i32
      %dma_wait3A_297 = arith.constant 0 : i32
      %dma_wait3A_298 = tpu.memref_slice %arg3[%dma_wait3A_291, %dma_wait3A_296, %dma_wait3A_297] : memref<2560x2x128xi32, #tpu.memory_space<hbm>> -> memref<1x2x128xi32, #tpu.memory_space<hbm>>
      %dma_wait3A_299 = tpu.memref_squeeze %dma_wait3A_298 : memref<1x2x128xi32, #tpu.memory_space<hbm>> -> memref<2x128xi32, #tpu.memory_space<hbm>>
      tpu.wait_dma2 semaphore(%arg18 : memref<!tpu.dma_semaphore, #tpu.memory_space<semaphore_mem>>) src(%dma_wait3A_299 : memref<2x128xi32, #tpu.memory_space<hbm>>) dst(%arg10 : memref<2x128xi32, #tpu.memory_space<vmem>>)
      %ge3A_300 = arith.constant 2 : i32
      %ge3A_301 = arith.cmpi sge, %add3A_290, %ge3A_300 : i32
      %convert_element_type3A_302 = arith.extui %ge3A_301 : i1 to i32
      %cond3A_303 = arith.constant 0 : i32
      %cond3A_304 = arith.cmpi ne, %convert_element_type3A_302, %cond3A_303 : i32
      scf.if %cond3A_304 {
        %dma_wait3A_423 = arith.constant 0 : i32
        %dma_wait3A_424 = tpu.memref_slice %arg8[%scan3A_32, %dma_wait3A_423] : memref<2x128xi32, #tpu.memory_space<vmem>> -> memref<1x128xi32, #tpu.memory_space<vmem>>
        %dma_wait3A_425 = tpu.memref_squeeze %dma_wait3A_424 : memref<1x128xi32, #tpu.memory_space<vmem>> -> memref<128xi32, #tpu.memory_space<vmem>>
        %dma_wait3A_426 = arith.constant 0 : i32
        %dma_wait3A_427 = arith.constant 0 : i32
        %dma_wait3A_428 = tpu.memref_slice %arg15[%dma_wait3A_426, %dma_wait3A_427] : memref<10240x128xf32, #tpu.memory_space<vmem_shared>> -> memref<10240x128xf32, #tpu.memory_space<vmem_shared>>
        tpu.wait_indirect_dma semaphore(%arg22 : memref<!tpu.dma_semaphore, #tpu.memory_space<semaphore_mem>>) src(%arg12 : memref<128x128xf32, #tpu.memory_space<vmem>>) dst(%dma_wait3A_428 : memref<10240x128xf32, #tpu.memory_space<vmem_shared>>)
      } else {
      }
      %add3A_305 = arith.constant 2 : i32
      %add3A_306 = arith.addi %add3A_290, %add3A_305 : i32
      %lt3A_307 = arith.constant 80 : i32
      %lt3A_308 = arith.cmpi slt, %add3A_306, %lt3A_307 : i32
      %convert_element_type3A_309 = arith.extui %lt3A_308 : i1 to i32
      %cond3A_310 = arith.constant 0 : i32
      %cond3A_311 = arith.cmpi ne, %convert_element_type3A_309, %cond3A_310 : i32
      scf.if %cond3A_311 {
        %add3A_423 = arith.constant 2 : i32
        %add3A_424 = arith.addi %add3A_290, %add3A_423 : i32
        %mul3A_425 = arith.constant 80 : i32
        %mul3A_426 = arith.muli %add3A, %mul3A_425 : i32
        %add3A_427 = arith.addi %mul3A_426, %add3A_424 : i32
        %dma_start3A_428 = arith.constant 0 : i32
        %dma_start3A_429 = arith.constant 0 : i32
        %dma_start3A_430 = tpu.memref_slice %arg3[%add3A_427, %dma_start3A_428, %dma_start3A_429] : memref<2560x2x128xi32, #tpu.memory_space<hbm>> -> memref<1x2x128xi32, #tpu.memory_space<hbm>>
        %dma_start3A_431 = tpu.memref_squeeze %dma_start3A_430 : memref<1x2x128xi32, #tpu.memory_space<hbm>> -> memref<2x128xi32, #tpu.memory_space<hbm>>
        %dma_start3A_432 = arith.constant 0 : i32
        %dma_start3A_433 = arith.constant 0 : i32
        %dma_start3A_434 = tpu.memref_slice %arg3[%add3A_427, %dma_start3A_432, %dma_start3A_433] : memref<2560x2x128xi32, #tpu.memory_space<hbm>> -> memref<1x2x128xi32, #tpu.memory_space<hbm>>
        %dma_start3A_435 = tpu.memref_squeeze %dma_start3A_434 : memref<1x2x128xi32, #tpu.memory_space<hbm>> -> memref<2x128xi32, #tpu.memory_space<hbm>>
        tpu.enqueue_dma source(%dma_start3A_435 : memref<2x128xi32, #tpu.memory_space<hbm>>) target(%arg8 : memref<2x128xi32, #tpu.memory_space<vmem>>) target_semaphore(%arg16 : memref<!tpu.dma_semaphore, #tpu.memory_space<semaphore_mem>>)
      } else {
      }
      %dma_start3A_312 = arith.constant 0 : i32
      %dma_start3A_313 = tpu.memref_slice %arg10[%scan3A_33, %dma_start3A_312] : memref<2x128xi32, #tpu.memory_space<vmem>> -> memref<1x128xi32, #tpu.memory_space<vmem>>
      %dma_start3A_314 = tpu.memref_squeeze %dma_start3A_313 : memref<1x128xi32, #tpu.memory_space<vmem>> -> memref<128xi32, #tpu.memory_space<vmem>>
      %dma_start3A_315 = arith.constant 0 : i32
      %dma_start3A_316 = arith.constant 0 : i32
      %dma_start3A_317 = tpu.memref_slice %arg2[%dma_start3A_315, %dma_start3A_316] : memref<10000x128xf32, #tpu.memory_space<hbm>> -> memref<10000x128xf32, #tpu.memory_space<hbm>>
      tpu.enqueue_indirect_dma source(%dma_start3A_317 : memref<10000x128xf32, #tpu.memory_space<hbm>>) target(%arg12 : memref<128x128xf32, #tpu.memory_space<vmem>>) offsets(%dma_start3A_314 : memref<128xi32, #tpu.memory_space<vmem>>) semaphore(%arg20 : memref<!tpu.dma_semaphore, #tpu.memory_space<semaphore_mem>>)
      %get3A_318 = arith.constant 1 : i32
      %get3A_319 = arith.index_cast %get3A_318 : i32 to index
      %get3A_320 = arith.constant 0 : index
      %get3A_321 = tpu.vector_load %arg10[%get3A_319, %get3A_320] {strides = array<i32>} : memref<2x128xi32, #tpu.memory_space<vmem>>, vector<16xi32>,
      tpu.vector_store_idx %arg14[%get3A_321], %broadcast_in_dim3A_3 {add = true} : memref<10240xf32, #tpu.memory_space<vmem>>[vector<16xi32>], vector<16xf32>,
      %get3A_322 = arith.constant 1 : i32
      %get3A_323 = arith.index_cast %get3A_322 : i32 to index
      %get3A_324 = arith.constant 16 : index
      %get3A_325 = tpu.vector_load %arg10[%get3A_323, %get3A_324] {strides = array<i32>} : memref<2x128xi32, #tpu.memory_space<vmem>>, vector<16xi32>,
      tpu.vector_store_idx %arg14[%get3A_325], %broadcast_in_dim3A_3 {add = true} : memref<10240xf32, #tpu.memory_space<vmem>>[vector<16xi32>], vector<16xf32>,
      %get3A_326 = arith.constant 1 : i32
      %get3A_327 = arith.index_cast %get3A_326 : i32 to index
      %get3A_328 = arith.constant 32 : index
      %get3A_329 = tpu.vector_load %arg10[%get3A_327, %get3A_328] {strides = array<i32>} : memref<2x128xi32, #tpu.memory_space<vmem>>, vector<16xi32>,
      tpu.vector_store_idx %arg14[%get3A_329], %broadcast_in_dim3A_3 {add = true} : memref<10240xf32, #tpu.memory_space<vmem>>[vector<16xi32>], vector<16xf32>,
      %get3A_330 = arith.constant 1 : i32
      %get3A_331 = arith.index_cast %get3A_330 : i32 to index
      %get3A_332 = arith.constant 48 : index
      %get3A_333 = tpu.vector_load %arg10[%get3A_331, %get3A_332] {strides = array<i32>} : memref<2x128xi32, #tpu.memory_space<vmem>>, vector<16xi32>,
      tpu.vector_store_idx %arg14[%get3A_333], %broadcast_in_dim3A_3 {add = true} : memref<10240xf32, #tpu.memory_space<vmem>>[vector<16xi32>], vector<16xf32>,
      %get3A_334 = arith.constant 1 : i32
      %get3A_335 = arith.index_cast %get3A_334 : i32 to index
      %get3A_336 = arith.constant 64 : index
      %get3A_337 = tpu.vector_load %arg10[%get3A_335, %get3A_336] {strides = array<i32>} : memref<2x128xi32, #tpu.memory_space<vmem>>, vector<16xi32>,
      tpu.vector_store_idx %arg14[%get3A_337], %broadcast_in_dim3A_3 {add = true} : memref<10240xf32, #tpu.memory_space<vmem>>[vector<16xi32>], vector<16xf32>,
      %get3A_338 = arith.constant 1 : i32
      %get3A_339 = arith.index_cast %get3A_338 : i32 to index
      %get3A_340 = arith.constant 80 : index
      %get3A_341 = tpu.vector_load %arg10[%get3A_339, %get3A_340] {strides = array<i32>} : memref<2x128xi32, #tpu.memory_space<vmem>>, vector<16xi32>,
      tpu.vector_store_idx %arg14[%get3A_341], %broadcast_in_dim3A_3 {add = true} : memref<10240xf32, #tpu.memory_space<vmem>>[vector<16xi32>], vector<16xf32>,
      %get3A_342 = arith.constant 1 : i32
      %get3A_343 = arith.index_cast %get3A_342 : i32 to index
      %get3A_344 = arith.constant 96 : index
      %get3A_345 = tpu.vector_load %arg10[%get3A_343, %get3A_344] {strides = array<i32>} : memref<2x128xi32, #tpu.memory_space<vmem>>, vector<16xi32>,
      tpu.vector_store_idx %arg14[%get3A_345], %broadcast_in_dim3A_3 {add = true} : memref<10240xf32, #tpu.memory_space<vmem>>[vector<16xi32>], vector<16xf32>,
      %get3A_346 = arith.constant 1 : i32
      %get3A_347 = arith.index_cast %get3A_346 : i32 to index
      %get3A_348 = arith.constant 112 : index
      %get3A_349 = tpu.vector_load %arg10[%get3A_347, %get3A_348] {strides = array<i32>} : memref<2x128xi32, #tpu.memory_space<vmem>>, vector<16xi32>,
      tpu.vector_store_idx %arg14[%get3A_349], %broadcast_in_dim3A_3 {add = true} : memref<10240xf32, #tpu.memory_space<vmem>>[vector<16xi32>], vector<16xf32>,
      %ge3A_350 = arith.constant 1 : i32
      %ge3A_351 = arith.cmpi sge, %add3A_290, %ge3A_350 : i32
      %convert_element_type3A_352 = arith.extui %ge3A_351 : i1 to i32
      %cond3A_353 = arith.constant 0 : i32
      %cond3A_354 = arith.cmpi ne, %convert_element_type3A_352, %cond3A_353 : i32
      scf.if %cond3A_354 {
        %dma_wait3A_423 = arith.constant 0 : i32
        %dma_wait3A_424 = tpu.memref_slice %arg9[%scan3A_31, %dma_wait3A_423] : memref<2x128xi32, #tpu.memory_space<vmem>> -> memref<1x128xi32, #tpu.memory_space<vmem>>
        %dma_wait3A_425 = tpu.memref_squeeze %dma_wait3A_424 : memref<1x128xi32, #tpu.memory_space<vmem>> -> memref<128xi32, #tpu.memory_space<vmem>>
        %dma_wait3A_426 = arith.constant 0 : i32
        %dma_wait3A_427 = arith.constant 0 : i32
        %dma_wait3A_428 = tpu.memref_slice %arg2[%dma_wait3A_426, %dma_wait3A_427] : memref<10000x128xf32, #tpu.memory_space<hbm>> -> memref<10000x128xf32, #tpu.memory_space<hbm>>
        tpu.wait_indirect_dma semaphore(%arg21 : memref<!tpu.dma_semaphore, #tpu.memory_space<semaphore_mem>>) src(%dma_wait3A_428 : memref<10000x128xf32, #tpu.memory_space<hbm>>) dst(%arg13 : memref<128x128xf32, #tpu.memory_space<vmem>>)
        %dma_start3A_429 = arith.constant 0 : i32
        %dma_start3A_430 = tpu.memref_slice %arg9[%scan3A_34, %dma_start3A_429] : memref<2x128xi32, #tpu.memory_space<vmem>> -> memref<1x128xi32, #tpu.memory_space<vmem>>
        %dma_start3A_431 = tpu.memref_squeeze %dma_start3A_430 : memref<1x128xi32, #tpu.memory_space<vmem>> -> memref<128xi32, #tpu.memory_space<vmem>>
        %dma_start3A_432 = arith.constant 0 : i32
        %dma_start3A_433 = arith.constant 0 : i32
        %dma_start3A_434 = tpu.memref_slice %arg15[%dma_start3A_432, %dma_start3A_433] : memref<10240x128xf32, #tpu.memory_space<vmem_shared>> -> memref<10240x128xf32, #tpu.memory_space<vmem_shared>>
        tpu.enqueue_indirect_dma source(%arg13 : memref<128x128xf32, #tpu.memory_space<vmem>>) target(%dma_start3A_434 : memref<10240x128xf32, #tpu.memory_space<vmem_shared>>) offsets(%dma_start3A_431 : memref<128xi32, #tpu.memory_space<vmem>>) semaphore(%arg23 : memref<!tpu.dma_semaphore, #tpu.memory_space<semaphore_mem>>) {add = true}
      } else {
      }
      %mul3A_355 = arith.constant 4 : i32
      %mul3A_356 = arith.muli %mul3A_355, %scan3A_155 : i32
      %add3A_357 = arith.constant 3 : i32
      %add3A_358 = arith.addi %mul3A_356, %add3A_357 : i32
      %dma_wait3A_359 = arith.constant 0 : i32
      %dma_wait3A_360 = arith.constant 0 : i32
      %dma_wait3A_361 = arith.constant 0 : i32
      %dma_wait3A_362 = tpu.memref_slice %arg3[%dma_wait3A_359, %dma_wait3A_360, %dma_wait3A_361] : memref<2560x2x128xi32, #tpu.memory_space<hbm>> -> memref<1x2x128xi32, #tpu.memory_space<hbm>>
      %dma_wait3A_363 = tpu.memref_squeeze %dma_wait3A_362 : memref<1x2x128xi32, #tpu.memory_space<hbm>> -> memref<2x128xi32, #tpu.memory_space<hbm>>
      %dma_wait3A_364 = arith.constant 0 : i32
      %dma_wait3A_365 = arith.constant 0 : i32
      %dma_wait3A_366 = tpu.memref_slice %arg3[%dma_wait3A_359, %dma_wait3A_364, %dma_wait3A_365] : memref<2560x2x128xi32, #tpu.memory_space<hbm>> -> memref<1x2x128xi32, #tpu.memory_space<hbm>>
      %dma_wait3A_367 = tpu.memref_squeeze %dma_wait3A_366 : memref<1x2x128xi32, #tpu.memory_space<hbm>> -> memref<2x128xi32, #tpu.memory_space<hbm>>
      tpu.wait_dma2 semaphore(%arg19 : memref<!tpu.dma_semaphore, #tpu.memory_space<semaphore_mem>>) src(%dma_wait3A_367 : memref<2x128xi32, #tpu.memory_space<hbm>>) dst(%arg11 : memref<2x128xi32, #tpu.memory_space<vmem>>)
      %ge3A_368 = arith.constant 2 : i32
      %ge3A_369 = arith.cmpi sge, %add3A_358, %ge3A_368 : i32
      %convert_element_type3A_370 = arith.extui %ge3A_369 : i1 to i32
      %cond3A_371 = arith.constant 0 : i32
      %cond3A_372 = arith.cmpi ne, %convert_element_type3A_370, %cond3A_371 : i32
      scf.if %cond3A_372 {
        %dma_wait3A_423 = arith.constant 0 : i32
        %dma_wait3A_424 = tpu.memref_slice %arg9[%scan3A_34, %dma_wait3A_423] : memref<2x128xi32, #tpu.memory_space<vmem>> -> memref<1x128xi32, #tpu.memory_space<vmem>>
        %dma_wait3A_425 = tpu.memref_squeeze %dma_wait3A_424 : memref<1x128xi32, #tpu.memory_space<vmem>> -> memref<128xi32, #tpu.memory_space<vmem>>
        %dma_wait3A_426 = arith.constant 0 : i32
        %dma_wait3A_427 = arith.constant 0 : i32
        %dma_wait3A_428 = tpu.memref_slice %arg15[%dma_wait3A_426, %dma_wait3A_427] : memref<10240x128xf32, #tpu.memory_space<vmem_shared>> -> memref<10240x128xf32, #tpu.memory_space<vmem_shared>>
        tpu.wait_indirect_dma semaphore(%arg23 : memref<!tpu.dma_semaphore, #tpu.memory_space<semaphore_mem>>) src(%arg13 : memref<128x128xf32, #tpu.memory_space<vmem>>) dst(%dma_wait3A_428 : memref<10240x128xf32, #tpu.memory_space<vmem_shared>>)
      } else {
      }
      %add3A_373 = arith.constant 2 : i32
      %add3A_374 = arith.addi %add3A_358, %add3A_373 : i32
      %lt3A_375 = arith.constant 80 : i32
      %lt3A_376 = arith.cmpi slt, %add3A_374, %lt3A_375 : i32
      %convert_element_type3A_377 = arith.extui %lt3A_376 : i1 to i32
      %cond3A_378 = arith.constant 0 : i32
      %cond3A_379 = arith.cmpi ne, %convert_element_type3A_377, %cond3A_378 : i32
      scf.if %cond3A_379 {
        %add3A_423 = arith.constant 2 : i32
        %add3A_424 = arith.addi %add3A_358, %add3A_423 : i32
        %mul3A_425 = arith.constant 80 : i32
        %mul3A_426 = arith.muli %add3A, %mul3A_425 : i32
        %add3A_427 = arith.addi %mul3A_426, %add3A_424 : i32
        %dma_start3A_428 = arith.constant 0 : i32
        %dma_start3A_429 = arith.constant 0 : i32
        %dma_start3A_430 = tpu.memref_slice %arg3[%add3A_427, %dma_start3A_428, %dma_start3A_429] : memref<2560x2x128xi32, #tpu.memory_space<hbm>> -> memref<1x2x128xi32, #tpu.memory_space<hbm>>
        %dma_start3A_431 = tpu.memref_squeeze %dma_start3A_430 : memref<1x2x128xi32, #tpu.memory_space<hbm>> -> memref<2x128xi32, #tpu.memory_space<hbm>>
        %dma_start3A_432 = arith.constant 0 : i32
        %dma_start3A_433 = arith.constant 0 : i32
        %dma_start3A_434 = tpu.memref_slice %arg3[%add3A_427, %dma_start3A_432, %dma_start3A_433] : memref<2560x2x128xi32, #tpu.memory_space<hbm>> -> memref<1x2x128xi32, #tpu.memory_space<hbm>>
        %dma_start3A_435 = tpu.memref_squeeze %dma_start3A_434 : memref<1x2x128xi32, #tpu.memory_space<hbm>> -> memref<2x128xi32, #tpu.memory_space<hbm>>
        tpu.enqueue_dma source(%dma_start3A_435 : memref<2x128xi32, #tpu.memory_space<hbm>>) target(%arg9 : memref<2x128xi32, #tpu.memory_space<vmem>>) target_semaphore(%arg17 : memref<!tpu.dma_semaphore, #tpu.memory_space<semaphore_mem>>)
      } else {
      }
      %dma_start3A_380 = arith.constant 0 : i32
      %dma_start3A_381 = tpu.memref_slice %arg11[%scan3A_29, %dma_start3A_380] : memref<2x128xi32, #tpu.memory_space<vmem>> -> memref<1x128xi32, #tpu.memory_space<vmem>>
      %dma_start3A_382 = tpu.memref_squeeze %dma_start3A_381 : memref<1x128xi32, #tpu.memory_space<vmem>> -> memref<128xi32, #tpu.memory_space<vmem>>
      %dma_start3A_383 = arith.constant 0 : i32
      %dma_start3A_384 = arith.constant 0 : i32
      %dma_start3A_385 = tpu.memref_slice %arg2[%dma_start3A_383, %dma_start3A_384] : memref<10000x128xf32, #tpu.memory_space<hbm>> -> memref<10000x128xf32, #tpu.memory_space<hbm>>
      tpu.enqueue_indirect_dma source(%dma_start3A_385 : memref<10000x128xf32, #tpu.memory_space<hbm>>) target(%arg13 : memref<128x128xf32, #tpu.memory_space<vmem>>) offsets(%dma_start3A_382 : memref<128xi32, #tpu.memory_space<vmem>>) semaphore(%arg21 : memref<!tpu.dma_semaphore, #tpu.memory_space<semaphore_mem>>)
      %get3A_386 = arith.constant 1 : i32
      %get3A_387 = arith.index_cast %get3A_386 : i32 to index
      %get3A_388 = arith.constant 0 : index
      %get3A_389 = tpu.vector_load %arg11[%get3A_387, %get3A_388] {strides = array<i32>} : memref<2x128xi32, #tpu.memory_space<vmem>>, vector<16xi32>,
      tpu.vector_store_idx %arg14[%get3A_389], %broadcast_in_dim3A_3 {add = true} : memref<10240xf32, #tpu.memory_space<vmem>>[vector<16xi32>], vector<16xf32>,
      %get3A_390 = arith.constant 1 : i32
      %get3A_391 = arith.index_cast %get3A_390 : i32 to index
      %get3A_392 = arith.constant 16 : index
      %get3A_393 = tpu.vector_load %arg11[%get3A_391, %get3A_392] {strides = array<i32>} : memref<2x128xi32, #tpu.memory_space<vmem>>, vector<16xi32>,
      tpu.vector_store_idx %arg14[%get3A_393], %broadcast_in_dim3A_3 {add = true} : memref<10240xf32, #tpu.memory_space<vmem>>[vector<16xi32>], vector<16xf32>,
      %get3A_394 = arith.constant 1 : i32
      %get3A_395 = arith.index_cast %get3A_394 : i32 to index
      %get3A_396 = arith.constant 32 : index
      %get3A_397 = tpu.vector_load %arg11[%get3A_395, %get3A_396] {strides = array<i32>} : memref<2x128xi32, #tpu.memory_space<vmem>>, vector<16xi32>,
      tpu.vector_store_idx %arg14[%get3A_397], %broadcast_in_dim3A_3 {add = true} : memref<10240xf32, #tpu.memory_space<vmem>>[vector<16xi32>], vector<16xf32>,
      %get3A_398 = arith.constant 1 : i32
      %get3A_399 = arith.index_cast %get3A_398 : i32 to index
      %get3A_400 = arith.constant 48 : index
      %get3A_401 = tpu.vector_load %arg11[%get3A_399, %get3A_400] {strides = array<i32>} : memref<2x128xi32, #tpu.memory_space<vmem>>, vector<16xi32>,
      tpu.vector_store_idx %arg14[%get3A_401], %broadcast_in_dim3A_3 {add = true} : memref<10240xf32, #tpu.memory_space<vmem>>[vector<16xi32>], vector<16xf32>,
      %get3A_402 = arith.constant 1 : i32
      %get3A_403 = arith.index_cast %get3A_402 : i32 to index
      %get3A_404 = arith.constant 64 : index
      %get3A_405 = tpu.vector_load %arg11[%get3A_403, %get3A_404] {strides = array<i32>} : memref<2x128xi32, #tpu.memory_space<vmem>>, vector<16xi32>,
      tpu.vector_store_idx %arg14[%get3A_405], %broadcast_in_dim3A_3 {add = true} : memref<10240xf32, #tpu.memory_space<vmem>>[vector<16xi32>], vector<16xf32>,
      %get3A_406 = arith.constant 1 : i32
      %get3A_407 = arith.index_cast %get3A_406 : i32 to index
      %get3A_408 = arith.constant 80 : index
      %get3A_409 = tpu.vector_load %arg11[%get3A_407, %get3A_408] {strides = array<i32>} : memref<2x128xi32, #tpu.memory_space<vmem>>, vector<16xi32>,
      tpu.vector_store_idx %arg14[%get3A_409], %broadcast_in_dim3A_3 {add = true} : memref<10240xf32, #tpu.memory_space<vmem>>[vector<16xi32>], vector<16xf32>,
      %get3A_410 = arith.constant 1 : i32
      %get3A_411 = arith.index_cast %get3A_410 : i32 to index
      %get3A_412 = arith.constant 96 : index
      %get3A_413 = tpu.vector_load %arg11[%get3A_411, %get3A_412] {strides = array<i32>} : memref<2x128xi32, #tpu.memory_space<vmem>>, vector<16xi32>,
      tpu.vector_store_idx %arg14[%get3A_413], %broadcast_in_dim3A_3 {add = true} : memref<10240xf32, #tpu.memory_space<vmem>>[vector<16xi32>], vector<16xf32>,
      %get3A_414 = arith.constant 1 : i32
      %get3A_415 = arith.index_cast %get3A_414 : i32 to index
      %get3A_416 = arith.constant 112 : index
      %get3A_417 = tpu.vector_load %arg11[%get3A_415, %get3A_416] {strides = array<i32>} : memref<2x128xi32, #tpu.memory_space<vmem>>, vector<16xi32>,
      tpu.vector_store_idx %arg14[%get3A_417], %broadcast_in_dim3A_3 {add = true} : memref<10240xf32, #tpu.memory_space<vmem>>[vector<16xi32>], vector<16xf32>,
      %ge3A_418 = arith.constant 1 : i32
      %ge3A_419 = arith.cmpi sge, %add3A_358, %ge3A_418 : i32
      %convert_element_type3A_420 = arith.extui %ge3A_419 : i1 to i32
      %cond3A_421 = arith.constant 0 : i32
      %cond3A_422 = arith.cmpi ne, %convert_element_type3A_420, %cond3A_421 : i32
      scf.if %cond3A_422 {
        %dma_wait3A_423 = arith.constant 0 : i32
        %dma_wait3A_424 = tpu.memref_slice %arg10[%scan3A_33, %dma_wait3A_423] : memref<2x128xi32, #tpu.memory_space<vmem>> -> memref<1x128xi32, #tpu.memory_space<vmem>>
        %dma_wait3A_425 = tpu.memref_squeeze %dma_wait3A_424 : memref<1x128xi32, #tpu.memory_space<vmem>> -> memref<128xi32, #tpu.memory_space<vmem>>
        %dma_wait3A_426 = arith.constant 0 : i32
        %dma_wait3A_427 = arith.constant 0 : i32
        %dma_wait3A_428 = tpu.memref_slice %arg2[%dma_wait3A_426, %dma_wait3A_427] : memref<10000x128xf32, #tpu.memory_space<hbm>> -> memref<10000x128xf32, #tpu.memory_space<hbm>>
        tpu.wait_indirect_dma semaphore(%arg20 : memref<!tpu.dma_semaphore, #tpu.memory_space<semaphore_mem>>) src(%dma_wait3A_428 : memref<10000x128xf32, #tpu.memory_space<hbm>>) dst(%arg12 : memref<128x128xf32, #tpu.memory_space<vmem>>)
        %dma_start3A_429 = arith.constant 0 : i32
        %dma_start3A_430 = tpu.memref_slice %arg10[%scan3A_27, %dma_start3A_429] : memref<2x128xi32, #tpu.memory_space<vmem>> -> memref<1x128xi32, #tpu.memory_space<vmem>>
        %dma_start3A_431 = tpu.memref_squeeze %dma_start3A_430 : memref<1x128xi32, #tpu.memory_space<vmem>> -> memref<128xi32, #tpu.memory_space<vmem>>
        %dma_start3A_432 = arith.constant 0 : i32
        %dma_start3A_433 = arith.constant 0 : i32
        %dma_start3A_434 = tpu.memref_slice %arg15[%dma_start3A_432, %dma_start3A_433] : memref<10240x128xf32, #tpu.memory_space<vmem_shared>> -> memref<10240x128xf32, #tpu.memory_space<vmem_shared>>
        tpu.enqueue_indirect_dma source(%arg12 : memref<128x128xf32, #tpu.memory_space<vmem>>) target(%dma_start3A_434 : memref<10240x128xf32, #tpu.memory_space<vmem_shared>>) offsets(%dma_start3A_431 : memref<128xi32, #tpu.memory_space<vmem>>) semaphore(%arg22 : memref<!tpu.dma_semaphore, #tpu.memory_space<semaphore_mem>>) {add = true}
      } else {
      }
    }
    %scan3A_39 = arith.constant 20 : i32
    %dma_wait3A = arith.constant 0 : i32
    %dma_wait3A_40 = arith.constant 0 : i32
    %dma_wait3A_41 = tpu.memref_slice %arg11[%dma_wait3A, %dma_wait3A_40] : memref<2x128xi32, #tpu.memory_space<vmem>> -> memref<1x128xi32, #tpu.memory_space<vmem>>
    %dma_wait3A_42 = tpu.memref_squeeze %dma_wait3A_41 : memref<1x128xi32, #tpu.memory_space<vmem>> -> memref<128xi32, #tpu.memory_space<vmem>>
    %dma_wait3A_43 = arith.constant 0 : i32
    %dma_wait3A_44 = arith.constant 0 : i32
    %dma_wait3A_45 = tpu.memref_slice %arg2[%dma_wait3A_43, %dma_wait3A_44] : memref<10000x128xf32, #tpu.memory_space<hbm>> -> memref<10000x128xf32, #tpu.memory_space<hbm>>
    tpu.wait_indirect_dma semaphore(%arg21 : memref<!tpu.dma_semaphore, #tpu.memory_space<semaphore_mem>>) src(%dma_wait3A_45 : memref<10000x128xf32, #tpu.memory_space<hbm>>) dst(%arg13 : memref<128x128xf32, #tpu.memory_space<vmem>>)
    %dma_start3A_46 = arith.constant 1 : i32
    %dma_start3A_47 = arith.constant 0 : i32
    %dma_start3A_48 = tpu.memref_slice %arg11[%dma_start3A_46, %dma_start3A_47] : memref<2x128xi32, #tpu.memory_space<vmem>> -> memref<1x128xi32, #tpu.memory_space<vmem>>
    %dma_start3A_49 = tpu.memref_squeeze %dma_start3A_48 : memref<1x128xi32, #tpu.memory_space<vmem>> -> memref<128xi32, #tpu.memory_space<vmem>>
    %dma_start3A_50 = arith.constant 0 : i32
    %dma_start3A_51 = arith.constant 0 : i32
    %dma_start3A_52 = tpu.memref_slice %arg15[%dma_start3A_50, %dma_start3A_51] : memref<10240x128xf32, #tpu.memory_space<vmem_shared>> -> memref<10240x128xf32, #tpu.memory_space<vmem_shared>>
    tpu.enqueue_indirect_dma source(%arg13 : memref<128x128xf32, #tpu.memory_space<vmem>>) target(%dma_start3A_52 : memref<10240x128xf32, #tpu.memory_space<vmem_shared>>) offsets(%dma_start3A_49 : memref<128xi32, #tpu.memory_space<vmem>>) semaphore(%arg23 : memref<!tpu.dma_semaphore, #tpu.memory_space<semaphore_mem>>) {add = true}
    %dma_wait3A_53 = arith.constant 1 : i32
    %dma_wait3A_54 = arith.constant 0 : i32
    %dma_wait3A_55 = tpu.memref_slice %arg10[%dma_wait3A_53, %dma_wait3A_54] : memref<2x128xi32, #tpu.memory_space<vmem>> -> memref<1x128xi32, #tpu.memory_space<vmem>>
    %dma_wait3A_56 = tpu.memref_squeeze %dma_wait3A_55 : memref<1x128xi32, #tpu.memory_space<vmem>> -> memref<128xi32, #tpu.memory_space<vmem>>
    %dma_wait3A_57 = arith.constant 0 : i32
    %dma_wait3A_58 = arith.constant 0 : i32
    %dma_wait3A_59 = tpu.memref_slice %arg15[%dma_wait3A_57, %dma_wait3A_58] : memref<10240x128xf32, #tpu.memory_space<vmem_shared>> -> memref<10240x128xf32, #tpu.memory_space<vmem_shared>>
    tpu.wait_indirect_dma semaphore(%arg22 : memref<!tpu.dma_semaphore, #tpu.memory_space<semaphore_mem>>) src(%arg12 : memref<128x128xf32, #tpu.memory_space<vmem>>) dst(%dma_wait3A_59 : memref<10240x128xf32, #tpu.memory_space<vmem_shared>>)
    %dma_wait3A_60 = arith.constant 1 : i32
    %dma_wait3A_61 = arith.constant 0 : i32
    %dma_wait3A_62 = tpu.memref_slice %arg11[%dma_wait3A_60, %dma_wait3A_61] : memref<2x128xi32, #tpu.memory_space<vmem>> -> memref<1x128xi32, #tpu.memory_space<vmem>>
    %dma_wait3A_63 = tpu.memref_squeeze %dma_wait3A_62 : memref<1x128xi32, #tpu.memory_space<vmem>> -> memref<128xi32, #tpu.memory_space<vmem>>
    %dma_wait3A_64 = arith.constant 0 : i32
    %dma_wait3A_65 = arith.constant 0 : i32
    %dma_wait3A_66 = tpu.memref_slice %arg15[%dma_wait3A_64, %dma_wait3A_65] : memref<10240x128xf32, #tpu.memory_space<vmem_shared>> -> memref<10240x128xf32, #tpu.memory_space<vmem_shared>>
    tpu.wait_indirect_dma semaphore(%arg23 : memref<!tpu.dma_semaphore, #tpu.memory_space<semaphore_mem>>) src(%arg13 : memref<128x128xf32, #tpu.memory_space<vmem>>) dst(%dma_wait3A_66 : memref<10240x128xf32, #tpu.memory_space<vmem_shared>>)
    %barrier3A_67 = arith.constant 0 : index
    tpu.barrier barrier_id(%barrier3A_67)
    %dma_start3A_68 = arith.constant 0 : i32
    %dma_start3A_69 = tpu.memref_slice %arg7[%add3A, %dma_start3A_68] : memref<32x10240xf32, #tpu.memory_space<hbm>> -> memref<1x10240xf32, #tpu.memory_space<hbm>>
    %dma_start3A_70 = tpu.memref_squeeze %dma_start3A_69 : memref<1x10240xf32, #tpu.memory_space<hbm>> -> memref<10240xf32, #tpu.memory_space<hbm>>
    %dma_start3A_71 = arith.constant 0 : i32
    %dma_start3A_72 = tpu.memref_slice %arg7[%add3A, %dma_start3A_71] : memref<32x10240xf32, #tpu.memory_space<hbm>> -> memref<1x10240xf32, #tpu.memory_space<hbm>>
    %dma_start3A_73 = tpu.memref_squeeze %dma_start3A_72 : memref<1x10240xf32, #tpu.memory_space<hbm>> -> memref<10240xf32, #tpu.memory_space<hbm>>
    tpu.enqueue_dma source(%arg14 : memref<10240xf32, #tpu.memory_space<vmem>>) target(%dma_start3A_73 : memref<10240xf32, #tpu.memory_space<hbm>>) target_semaphore(%arg22 : memref<!tpu.dma_semaphore, #tpu.memory_space<semaphore_mem>>)
    %add3A_74 = arith.constant 0 : i32
    %add3A_75 = arith.addi %mul3A_2, %add3A_74 : i32
    "tpu.region"() ({
      %run_scoped3A = tpu.sem_alloc : memref<!tpu.dma_semaphore, #tpu.memory_space<semaphore_mem>>
      %dma_start3A_155 = arith.constant 0 : i32
      %dma_start3A_156 = tpu.memref_slice %arg15[%add3A_75, %dma_start3A_155] : memref<10240x128xf32, #tpu.memory_space<vmem_shared>> -> memref<128x128xf32, #tpu.memory_space<vmem_shared>>
      %dma_start3A_157 = arith.constant 0 : i32
      %dma_start3A_158 = tpu.memref_slice %arg15[%add3A_75, %dma_start3A_157] : memref<10240x128xf32, #tpu.memory_space<vmem_shared>> -> memref<128x128xf32, #tpu.memory_space<vmem_shared>>
      tpu.enqueue_dma source(%dma_start3A_158 : memref<128x128xf32, #tpu.memory_space<vmem_shared>>) target(%arg12 : memref<128x128xf32, #tpu.memory_space<vmem>>) target_semaphore(%run_scoped3A : memref<!tpu.dma_semaphore, #tpu.memory_space<semaphore_mem>>)
      %dma_wait3A_159 = arith.constant 0 : i32
      %dma_wait3A_160 = tpu.memref_slice %arg15[%add3A_75, %dma_wait3A_159] : memref<10240x128xf32, #tpu.memory_space<vmem_shared>> -> memref<128x128xf32, #tpu.memory_space<vmem_shared>>
      %dma_wait3A_161 = arith.constant 0 : i32
      %dma_wait3A_162 = tpu.memref_slice %arg15[%add3A_75, %dma_wait3A_161] : memref<10240x128xf32, #tpu.memory_space<vmem_shared>> -> memref<128x128xf32, #tpu.memory_space<vmem_shared>>
      tpu.wait_dma2 semaphore(%run_scoped3A : memref<!tpu.dma_semaphore, #tpu.memory_space<semaphore_mem>>) src(%dma_wait3A_162 : memref<128x128xf32, #tpu.memory_space<vmem_shared>>) dst(%arg12 : memref<128x128xf32, #tpu.memory_space<vmem>>)
      tpu.yield
    }) : () -> ()
    %mul3A_76 = arith.constant 10240 : i32
    %mul3A_77 = arith.muli %arg0, %mul3A_76 : i32
    %add3A_78 = arith.addi %mul3A_77, %mul3A_2 : i32
    %add3A_79 = arith.constant 0 : i32
    %add3A_80 = arith.addi %add3A_78, %add3A_79 : i32
    %dma_start3A_81 = arith.constant 0 : i32
    %dma_start3A_82 = tpu.memref_slice %arg6[%add3A_80, %dma_start3A_81] : memref<20480x128xf32, #tpu.memory_space<hbm>> -> memref<128x128xf32, #tpu.memory_space<hbm>>
    %dma_start3A_83 = arith.constant 0 : i32
    %dma_start3A_84 = tpu.memref_slice %arg6[%add3A_80, %dma_start3A_83] : memref<20480x128xf32, #tpu.memory_space<hbm>> -> memref<128x128xf32, #tpu.memory_space<hbm>>
    tpu.enqueue_dma source(%arg12 : memref<128x128xf32, #tpu.memory_space<vmem>>) target(%dma_start3A_84 : memref<128x128xf32, #tpu.memory_space<hbm>>) target_semaphore(%arg20 : memref<!tpu.dma_semaphore, #tpu.memory_space<semaphore_mem>>)
    %add3A_85 = arith.constant 128 : i32
    %add3A_86 = arith.addi %mul3A_2, %add3A_85 : i32
    "tpu.region"() ({
      %run_scoped3A = tpu.sem_alloc : memref<!tpu.dma_semaphore, #tpu.memory_space<semaphore_mem>>
      %dma_start3A_155 = arith.constant 0 : i32
      %dma_start3A_156 = tpu.memref_slice %arg15[%add3A_86, %dma_start3A_155] : memref<10240x128xf32, #tpu.memory_space<vmem_shared>> -> memref<128x128xf32, #tpu.memory_space<vmem_shared>>
      %dma_start3A_157 = arith.constant 0 : i32
      %dma_start3A_158 = tpu.memref_slice %arg15[%add3A_86, %dma_start3A_157] : memref<10240x128xf32, #tpu.memory_space<vmem_shared>> -> memref<128x128xf32, #tpu.memory_space<vmem_shared>>
      tpu.enqueue_dma source(%dma_start3A_158 : memref<128x128xf32, #tpu.memory_space<vmem_shared>>) target(%arg13 : memref<128x128xf32, #tpu.memory_space<vmem>>) target_semaphore(%run_scoped3A : memref<!tpu.dma_semaphore, #tpu.memory_space<semaphore_mem>>)
      %dma_wait3A_159 = arith.constant 0 : i32
      %dma_wait3A_160 = tpu.memref_slice %arg15[%add3A_86, %dma_wait3A_159] : memref<10240x128xf32, #tpu.memory_space<vmem_shared>> -> memref<128x128xf32, #tpu.memory_space<vmem_shared>>
      %dma_wait3A_161 = arith.constant 0 : i32
      %dma_wait3A_162 = tpu.memref_slice %arg15[%add3A_86, %dma_wait3A_161] : memref<10240x128xf32, #tpu.memory_space<vmem_shared>> -> memref<128x128xf32, #tpu.memory_space<vmem_shared>>
      tpu.wait_dma2 semaphore(%run_scoped3A : memref<!tpu.dma_semaphore, #tpu.memory_space<semaphore_mem>>) src(%dma_wait3A_162 : memref<128x128xf32, #tpu.memory_space<vmem_shared>>) dst(%arg13 : memref<128x128xf32, #tpu.memory_space<vmem>>)
      tpu.yield
    }) : () -> ()
    %mul3A_87 = arith.constant 10240 : i32
    %mul3A_88 = arith.muli %arg0, %mul3A_87 : i32
    %add3A_89 = arith.addi %mul3A_88, %mul3A_2 : i32
    %add3A_90 = arith.constant 128 : i32
    %add3A_91 = arith.addi %add3A_89, %add3A_90 : i32
    %dma_start3A_92 = arith.constant 0 : i32
    %dma_start3A_93 = tpu.memref_slice %arg6[%add3A_91, %dma_start3A_92] : memref<20480x128xf32, #tpu.memory_space<hbm>> -> memref<128x128xf32, #tpu.memory_space<hbm>>
    %dma_start3A_94 = arith.constant 0 : i32
    %dma_start3A_95 = tpu.memref_slice %arg6[%add3A_91, %dma_start3A_94] : memref<20480x128xf32, #tpu.memory_space<hbm>> -> memref<128x128xf32, #tpu.memory_space<hbm>>
    tpu.enqueue_dma source(%arg13 : memref<128x128xf32, #tpu.memory_space<vmem>>) target(%dma_start3A_95 : memref<128x128xf32, #tpu.memory_space<hbm>>) target_semaphore(%arg21 : memref<!tpu.dma_semaphore, #tpu.memory_space<semaphore_mem>>)
    %dma_wait3A_96 = arith.constant 0 : i32
    %dma_wait3A_97 = tpu.memref_slice %arg6[%add3A_80, %dma_wait3A_96] : memref<20480x128xf32, #tpu.memory_space<hbm>> -> memref<128x128xf32, #tpu.memory_space<hbm>>
    %dma_wait3A_98 = arith.constant 0 : i32
    %dma_wait3A_99 = tpu.memref_slice %arg6[%add3A_80, %dma_wait3A_98] : memref<20480x128xf32, #tpu.memory_space<hbm>> -> memref<128x128xf32, #tpu.memory_space<hbm>>
    tpu.wait_dma2 semaphore(%arg20 : memref<!tpu.dma_semaphore, #tpu.memory_space<semaphore_mem>>) src(%arg12 : memref<128x128xf32, #tpu.memory_space<vmem>>) dst(%dma_wait3A_99 : memref<128x128xf32, #tpu.memory_space<hbm>>)
    %add3A_100 = arith.constant 256 : i32
    %add3A_101 = arith.addi %mul3A_2, %add3A_100 : i32
    "tpu.region"() ({
      %run_scoped3A = tpu.sem_alloc : memref<!tpu.dma_semaphore, #tpu.memory_space<semaphore_mem>>
      %dma_start3A_155 = arith.constant 0 : i32
      %dma_start3A_156 = tpu.memref_slice %arg15[%add3A_101, %dma_start3A_155] : memref<10240x128xf32, #tpu.memory_space<vmem_shared>> -> memref<128x128xf32, #tpu.memory_space<vmem_shared>>
      %dma_start3A_157 = arith.constant 0 : i32
      %dma_start3A_158 = tpu.memref_slice %arg15[%add3A_101, %dma_start3A_157] : memref<10240x128xf32, #tpu.memory_space<vmem_shared>> -> memref<128x128xf32, #tpu.memory_space<vmem_shared>>
      tpu.enqueue_dma source(%dma_start3A_158 : memref<128x128xf32, #tpu.memory_space<vmem_shared>>) target(%arg12 : memref<128x128xf32, #tpu.memory_space<vmem>>) target_semaphore(%run_scoped3A : memref<!tpu.dma_semaphore, #tpu.memory_space<semaphore_mem>>)
      %dma_wait3A_159 = arith.constant 0 : i32
      %dma_wait3A_160 = tpu.memref_slice %arg15[%add3A_101, %dma_wait3A_159] : memref<10240x128xf32, #tpu.memory_space<vmem_shared>> -> memref<128x128xf32, #tpu.memory_space<vmem_shared>>
      %dma_wait3A_161 = arith.constant 0 : i32
      %dma_wait3A_162 = tpu.memref_slice %arg15[%add3A_101, %dma_wait3A_161] : memref<10240x128xf32, #tpu.memory_space<vmem_shared>> -> memref<128x128xf32, #tpu.memory_space<vmem_shared>>
      tpu.wait_dma2 semaphore(%run_scoped3A : memref<!tpu.dma_semaphore, #tpu.memory_space<semaphore_mem>>) src(%dma_wait3A_162 : memref<128x128xf32, #tpu.memory_space<vmem_shared>>) dst(%arg12 : memref<128x128xf32, #tpu.memory_space<vmem>>)
      tpu.yield
    }) : () -> ()
    %mul3A_102 = arith.constant 10240 : i32
    %mul3A_103 = arith.muli %arg0, %mul3A_102 : i32
    %add3A_104 = arith.addi %mul3A_103, %mul3A_2 : i32
    %add3A_105 = arith.constant 256 : i32
    %add3A_106 = arith.addi %add3A_104, %add3A_105 : i32
    %dma_start3A_107 = arith.constant 0 : i32
    %dma_start3A_108 = tpu.memref_slice %arg6[%add3A_106, %dma_start3A_107] : memref<20480x128xf32, #tpu.memory_space<hbm>> -> memref<128x128xf32, #tpu.memory_space<hbm>>
    %dma_start3A_109 = arith.constant 0 : i32
    %dma_start3A_110 = tpu.memref_slice %arg6[%add3A_106, %dma_start3A_109] : memref<20480x128xf32, #tpu.memory_space<hbm>> -> memref<128x128xf32, #tpu.memory_space<hbm>>
    tpu.enqueue_dma source(%arg12 : memref<128x128xf32, #tpu.memory_space<vmem>>) target(%dma_start3A_110 : memref<128x128xf32, #tpu.memory_space<hbm>>) target_semaphore(%arg20 : memref<!tpu.dma_semaphore, #tpu.memory_space<semaphore_mem>>)
    %dma_wait3A_111 = arith.constant 0 : i32
    %dma_wait3A_112 = tpu.memref_slice %arg6[%add3A_91, %dma_wait3A_111] : memref<20480x128xf32, #tpu.memory_space<hbm>> -> memref<128x128xf32, #tpu.memory_space<hbm>>
    %dma_wait3A_113 = arith.constant 0 : i32
    %dma_wait3A_114 = tpu.memref_slice %arg6[%add3A_91, %dma_wait3A_113] : memref<20480x128xf32, #tpu.memory_space<hbm>> -> memref<128x128xf32, #tpu.memory_space<hbm>>
    tpu.wait_dma2 semaphore(%arg21 : memref<!tpu.dma_semaphore, #tpu.memory_space<semaphore_mem>>) src(%arg13 : memref<128x128xf32, #tpu.memory_space<vmem>>) dst(%dma_wait3A_114 : memref<128x128xf32, #tpu.memory_space<hbm>>)
    %add3A_115 = arith.constant 384 : i32
    %add3A_116 = arith.addi %mul3A_2, %add3A_115 : i32
    "tpu.region"() ({
      %run_scoped3A = tpu.sem_alloc : memref<!tpu.dma_semaphore, #tpu.memory_space<semaphore_mem>>
      %dma_start3A_155 = arith.constant 0 : i32
      %dma_start3A_156 = tpu.memref_slice %arg15[%add3A_116, %dma_start3A_155] : memref<10240x128xf32, #tpu.memory_space<vmem_shared>> -> memref<128x128xf32, #tpu.memory_space<vmem_shared>>
      %dma_start3A_157 = arith.constant 0 : i32
      %dma_start3A_158 = tpu.memref_slice %arg15[%add3A_116, %dma_start3A_157] : memref<10240x128xf32, #tpu.memory_space<vmem_shared>> -> memref<128x128xf32, #tpu.memory_space<vmem_shared>>
      tpu.enqueue_dma source(%dma_start3A_158 : memref<128x128xf32, #tpu.memory_space<vmem_shared>>) target(%arg13 : memref<128x128xf32, #tpu.memory_space<vmem>>) target_semaphore(%run_scoped3A : memref<!tpu.dma_semaphore, #tpu.memory_space<semaphore_mem>>)
      %dma_wait3A_159 = arith.constant 0 : i32
      %dma_wait3A_160 = tpu.memref_slice %arg15[%add3A_116, %dma_wait3A_159] : memref<10240x128xf32, #tpu.memory_space<vmem_shared>> -> memref<128x128xf32, #tpu.memory_space<vmem_shared>>
      %dma_wait3A_161 = arith.constant 0 : i32
      %dma_wait3A_162 = tpu.memref_slice %arg15[%add3A_116, %dma_wait3A_161] : memref<10240x128xf32, #tpu.memory_space<vmem_shared>> -> memref<128x128xf32, #tpu.memory_space<vmem_shared>>
      tpu.wait_dma2 semaphore(%run_scoped3A : memref<!tpu.dma_semaphore, #tpu.memory_space<semaphore_mem>>) src(%dma_wait3A_162 : memref<128x128xf32, #tpu.memory_space<vmem_shared>>) dst(%arg13 : memref<128x128xf32, #tpu.memory_space<vmem>>)
      tpu.yield
    }) : () -> ()
    %mul3A_117 = arith.constant 10240 : i32
    %mul3A_118 = arith.muli %arg0, %mul3A_117 : i32
    %add3A_119 = arith.addi %mul3A_118, %mul3A_2 : i32
    %add3A_120 = arith.constant 384 : i32
    %add3A_121 = arith.addi %add3A_119, %add3A_120 : i32
    %dma_start3A_122 = arith.constant 0 : i32
    %dma_start3A_123 = tpu.memref_slice %arg6[%add3A_121, %dma_start3A_122] : memref<20480x128xf32, #tpu.memory_space<hbm>> -> memref<128x128xf32, #tpu.memory_space<hbm>>
    %dma_start3A_124 = arith.constant 0 : i32
    %dma_start3A_125 = tpu.memref_slice %arg6[%add3A_121, %dma_start3A_124] : memref<20480x128xf32, #tpu.memory_space<hbm>> -> memref<128x128xf32, #tpu.memory_space<hbm>>
    tpu.enqueue_dma source(%arg13 : memref<128x128xf32, #tpu.memory_space<vmem>>) target(%dma_start3A_125 : memref<128x128xf32, #tpu.memory_space<hbm>>) target_semaphore(%arg21 : memref<!tpu.dma_semaphore, #tpu.memory_space<semaphore_mem>>)
    %dma_wait3A_126 = arith.constant 0 : i32
    %dma_wait3A_127 = tpu.memref_slice %arg6[%add3A_106, %dma_wait3A_126] : memref<20480x128xf32, #tpu.memory_space<hbm>> -> memref<128x128xf32, #tpu.memory_space<hbm>>
    %dma_wait3A_128 = arith.constant 0 : i32
    %dma_wait3A_129 = tpu.memref_slice %arg6[%add3A_106, %dma_wait3A_128] : memref<20480x128xf32, #tpu.memory_space<hbm>> -> memref<128x128xf32, #tpu.memory_space<hbm>>
    tpu.wait_dma2 semaphore(%arg20 : memref<!tpu.dma_semaphore, #tpu.memory_space<semaphore_mem>>) src(%arg12 : memref<128x128xf32, #tpu.memory_space<vmem>>) dst(%dma_wait3A_129 : memref<128x128xf32, #tpu.memory_space<hbm>>)
    %add3A_130 = arith.constant 512 : i32
    %add3A_131 = arith.addi %mul3A_2, %add3A_130 : i32
    "tpu.region"() ({
      %run_scoped3A = tpu.sem_alloc : memref<!tpu.dma_semaphore, #tpu.memory_space<semaphore_mem>>
      %dma_start3A_155 = arith.constant 0 : i32
      %dma_start3A_156 = tpu.memref_slice %arg15[%add3A_131, %dma_start3A_155] : memref<10240x128xf32, #tpu.memory_space<vmem_shared>> -> memref<128x128xf32, #tpu.memory_space<vmem_shared>>
      %dma_start3A_157 = arith.constant 0 : i32
      %dma_start3A_158 = tpu.memref_slice %arg15[%add3A_131, %dma_start3A_157] : memref<10240x128xf32, #tpu.memory_space<vmem_shared>> -> memref<128x128xf32, #tpu.memory_space<vmem_shared>>
      tpu.enqueue_dma source(%dma_start3A_158 : memref<128x128xf32, #tpu.memory_space<vmem_shared>>) target(%arg12 : memref<128x128xf32, #tpu.memory_space<vmem>>) target_semaphore(%run_scoped3A : memref<!tpu.dma_semaphore, #tpu.memory_space<semaphore_mem>>)
      %dma_wait3A_159 = arith.constant 0 : i32
      %dma_wait3A_160 = tpu.memref_slice %arg15[%add3A_131, %dma_wait3A_159] : memref<10240x128xf32, #tpu.memory_space<vmem_shared>> -> memref<128x128xf32, #tpu.memory_space<vmem_shared>>
      %dma_wait3A_161 = arith.constant 0 : i32
      %dma_wait3A_162 = tpu.memref_slice %arg15[%add3A_131, %dma_wait3A_161] : memref<10240x128xf32, #tpu.memory_space<vmem_shared>> -> memref<128x128xf32, #tpu.memory_space<vmem_shared>>
      tpu.wait_dma2 semaphore(%run_scoped3A : memref<!tpu.dma_semaphore, #tpu.memory_space<semaphore_mem>>) src(%dma_wait3A_162 : memref<128x128xf32, #tpu.memory_space<vmem_shared>>) dst(%arg12 : memref<128x128xf32, #tpu.memory_space<vmem>>)
      tpu.yield
    }) : () -> ()
    %mul3A_132 = arith.constant 10240 : i32
    %mul3A_133 = arith.muli %arg0, %mul3A_132 : i32
    %add3A_134 = arith.addi %mul3A_133, %mul3A_2 : i32
    %add3A_135 = arith.constant 512 : i32
    %add3A_136 = arith.addi %add3A_134, %add3A_135 : i32
    %dma_start3A_137 = arith.constant 0 : i32
    %dma_start3A_138 = tpu.memref_slice %arg6[%add3A_136, %dma_start3A_137] : memref<20480x128xf32, #tpu.memory_space<hbm>> -> memref<128x128xf32, #tpu.memory_space<hbm>>
    %dma_start3A_139 = arith.constant 0 : i32
    %dma_start3A_140 = tpu.memref_slice %arg6[%add3A_136, %dma_start3A_139] : memref<20480x128xf32, #tpu.memory_space<hbm>> -> memref<128x128xf32, #tpu.memory_space<hbm>>
    tpu.enqueue_dma source(%arg12 : memref<128x128xf32, #tpu.memory_space<vmem>>) target(%dma_start3A_140 : memref<128x128xf32, #tpu.memory_space<hbm>>) target_semaphore(%arg20 : memref<!tpu.dma_semaphore, #tpu.memory_space<semaphore_mem>>)
    %dma_wait3A_141 = arith.constant 0 : i32
    %dma_wait3A_142 = tpu.memref_slice %arg6[%add3A_121, %dma_wait3A_141] : memref<20480x128xf32, #tpu.memory_space<hbm>> -> memref<128x128xf32, #tpu.memory_space<hbm>>
    %dma_wait3A_143 = arith.constant 0 : i32
    %dma_wait3A_144 = tpu.memref_slice %arg6[%add3A_121, %dma_wait3A_143] : memref<20480x128xf32, #tpu.memory_space<hbm>> -> memref<128x128xf32, #tpu.memory_space<hbm>>
    tpu.wait_dma2 semaphore(%arg21 : memref<!tpu.dma_semaphore, #tpu.memory_space<semaphore_mem>>) src(%arg13 : memref<128x128xf32, #tpu.memory_space<vmem>>) dst(%dma_wait3A_144 : memref<128x128xf32, #tpu.memory_space<hbm>>)
    %dma_wait3A_145 = arith.constant 0 : i32
    %dma_wait3A_146 = tpu.memref_slice %arg6[%add3A_136, %dma_wait3A_145] : memref<20480x128xf32, #tpu.memory_space<hbm>> -> memref<128x128xf32, #tpu.memory_space<hbm>>
    %dma_wait3A_147 = arith.constant 0 : i32
    %dma_wait3A_148 = tpu.memref_slice %arg6[%add3A_136, %dma_wait3A_147] : memref<20480x128xf32, #tpu.memory_space<hbm>> -> memref<128x128xf32, #tpu.memory_space<hbm>>
    tpu.wait_dma2 semaphore(%arg20 : memref<!tpu.dma_semaphore, #tpu.memory_space<semaphore_mem>>) src(%arg12 : memref<128x128xf32, #tpu.memory_space<vmem>>) dst(%dma_wait3A_148 : memref<128x128xf32, #tpu.memory_space<hbm>>)
    %dma_wait3A_149 = arith.constant 0 : i32
    %dma_wait3A_150 = tpu.memref_slice %arg7[%add3A, %dma_wait3A_149] : memref<32x10240xf32, #tpu.memory_space<hbm>> -> memref<1x10240xf32, #tpu.memory_space<hbm>>
    %dma_wait3A_151 = tpu.memref_squeeze %dma_wait3A_150 : memref<1x10240xf32, #tpu.memory_space<hbm>> -> memref<10240xf32, #tpu.memory_space<hbm>>
    %dma_wait3A_152 = arith.constant 0 : i32
    %dma_wait3A_153 = tpu.memref_slice %arg7[%add3A, %dma_wait3A_152] : memref<32x10240xf32, #tpu.memory_space<hbm>> -> memref<1x10240xf32, #tpu.memory_space<hbm>>
    %dma_wait3A_154 = tpu.memref_squeeze %dma_wait3A_153 : memref<1x10240xf32, #tpu.memory_space<hbm>> -> memref<10240xf32, #tpu.memory_space<hbm>>
    tpu.wait_dma2 semaphore(%arg22 : memref<!tpu.dma_semaphore, #tpu.memory_space<semaphore_mem>>) src(%arg14 : memref<10240xf32, #tpu.memory_space<vmem>>) dst(%dma_wait3A_154 : memref<10240xf32, #tpu.memory_space<hbm>>)
    return
  }
}

#map = affine_map<(d0, d1) -> (0, 0)>
#map1 = affine_map<(d0, d1) -> (0, 0, 0)>
#map2 = affine_map<(d0, d1) -> (0)>
module attributes {stable_mosaic.version = 14 : i64} {
  func.func @_phase_body(%arg0: i32, %arg1: i32, %arg2: memref<10000x128xf32, #tpu.memory_space<hbm>>, %arg3: memref<2560x2x128xi32, #tpu.memory_space<hbm>>, %arg4: memref<10240x128xf32, #tpu.memory_space<hbm>>, %arg5: memref<10240xf32, #tpu.memory_space<hbm>>, %arg6: memref<20480x128xf32, #tpu.memory_space<hbm>>, %arg7: memref<32x10240xf32, #tpu.memory_space<hbm>>, %arg8: memref<2x128xi32, #tpu.memory_space<vmem>>, %arg9: memref<2x128xi32, #tpu.memory_space<vmem>>, %arg10: memref<2x128xi32, #tpu.memory_space<vmem>>, %arg11: memref<2x128xi32, #tpu.memory_space<vmem>>, %arg12: memref<128x128xf32, #tpu.memory_space<vmem>>, %arg13: memref<128x128xf32, #tpu.memory_space<vmem>>, %arg14: memref<10240xf32, #tpu.memory_space<vmem>>, %arg15: memref<10240x128xf32, #tpu.memory_space<vmem_shared>>, %arg16: memref<!tpu.dma_semaphore, #tpu.memory_space<semaphore_mem>>, %arg17: memref<!tpu.dma_semaphore, #tpu.memory_space<semaphore_mem>>, %arg18: memref<!tpu.dma_semaphore, #tpu.memory_space<semaphore_mem>>, %arg19: memref<!tpu.dma_semaphore, #tpu.memory_space<semaphore_mem>>, %arg20: memref<!tpu.dma_semaphore, #tpu.memory_space<semaphore_mem>>, %arg21: memref<!tpu.dma_semaphore, #tpu.memory_space<semaphore_mem>>, %arg22: memref<!tpu.dma_semaphore, #tpu.memory_space<semaphore_mem>>, %arg23: memref<!tpu.dma_semaphore, #tpu.memory_space<semaphore_mem>>) attributes {dimension_semantics = [#tpu.dimension_semantics<core_parallel>, #tpu.dimension_semantics<subcore_parallel>], iteration_bounds = array<i64: 2, 16>, scalar_prefetch = 0 : i64, scratch_operands = 16 : i64, tpu.core_type = #tpu.core_type<sc_vector_subcore>, window_params = [{transform_indices = #map}, {transform_indices = #map1}, {transform_indices = #map}, {transform_indices = #map2}, {transform_indices = #map}, {transform_indices = #map}]} {
    %mul3A = arith.constant 16 : i32
    %mul3A_0 = arith.muli %arg0, %mul3A : i32
    %add3A = arith.addi %mul3A_0, %arg1 : i32
    %mul3A_1 = arith.constant 640 : i32
    %mul3A_2 = arith.muli %arg1, %mul3A_1 : i32
    %broadcast_in_dim3A = arith.constant 1.000000e+00 : f32
    %broadcast_in_dim3A_3 = vector.broadcast %broadcast_in_dim3A : f32 to vector<16xf32>
    %mul3A_4 = arith.constant 80 : i32
    %mul3A_5 = arith.muli %add3A, %mul3A_4 : i32
    %add3A_6 = arith.constant 0 : i32
    %add3A_7 = arith.addi %mul3A_5, %add3A_6 : i32
    %dma_start3A = arith.constant 0 : i32
    %dma_start3A_8 = arith.constant 0 : i32
    %dma_start3A_9 = tpu.memref_slice %arg3[%add3A_7, %dma_start3A, %dma_start3A_8] : memref<2560x2x128xi32, #tpu.memory_space<hbm>> -> memref<1x2x128xi32, #tpu.memory_space<hbm>>
    %dma_start3A_10 = tpu.memref_squeeze %dma_start3A_9 : memref<1x2x128xi32, #tpu.memory_space<hbm>> -> memref<2x128xi32, #tpu.memory_space<hbm>>
    %dma_start3A_11 = arith.constant 0 : i32
    %dma_start3A_12 = arith.constant 0 : i32
    %dma_start3A_13 = tpu.memref_slice %arg3[%add3A_7, %dma_start3A_11, %dma_start3A_12] : memref<2560x2x128xi32, #tpu.memory_space<hbm>> -> memref<1x2x128xi32, #tpu.memory_space<hbm>>
    %dma_start3A_14 = tpu.memref_squeeze %dma_start3A_13 : memref<1x2x128xi32, #tpu.memory_space<hbm>> -> memref<2x128xi32, #tpu.memory_space<hbm>>
    tpu.enqueue_dma source(%dma_start3A_14 : memref<2x128xi32, #tpu.memory_space<hbm>>) target(%arg8 : memref<2x128xi32, #tpu.memory_space<vmem>>) target_semaphore(%arg16 : memref<!tpu.dma_semaphore, #tpu.memory_space<semaphore_mem>>)
    %mul3A_15 = arith.constant 80 : i32
    %mul3A_16 = arith.muli %add3A, %mul3A_15 : i32
    %add3A_17 = arith.constant 1 : i32
    %add3A_18 = arith.addi %mul3A_16, %add3A_17 : i32
    %dma_start3A_19 = arith.constant 0 : i32
    %dma_start3A_20 = arith.constant 0 : i32
    %dma_start3A_21 = tpu.memref_slice %arg3[%add3A_18, %dma_start3A_19, %dma_start3A_20] : memref<2560x2x128xi32, #tpu.memory_space<hbm>> -> memref<1x2x128xi32, #tpu.memory_space<hbm>>
    %dma_start3A_22 = tpu.memref_squeeze %dma_start3A_21 : memref<1x2x128xi32, #tpu.memory_space<hbm>> -> memref<2x128xi32, #tpu.memory_space<hbm>>
    %dma_start3A_23 = arith.constant 0 : i32
    %dma_start3A_24 = arith.constant 0 : i32
    %dma_start3A_25 = tpu.memref_slice %arg3[%add3A_18, %dma_start3A_23, %dma_start3A_24] : memref<2560x2x128xi32, #tpu.memory_space<hbm>> -> memref<1x2x128xi32, #tpu.memory_space<hbm>>
    %dma_start3A_26 = tpu.memref_squeeze %dma_start3A_25 : memref<1x2x128xi32, #tpu.memory_space<hbm>> -> memref<2x128xi32, #tpu.memory_space<hbm>>
    tpu.enqueue_dma source(%dma_start3A_26 : memref<2x128xi32, #tpu.memory_space<hbm>>) target(%arg9 : memref<2x128xi32, #tpu.memory_space<vmem>>) target_semaphore(%arg17 : memref<!tpu.dma_semaphore, #tpu.memory_space<semaphore_mem>>)
    "tpu.region"() ({
      %run_scoped3A = tpu.sem_alloc : memref<!tpu.dma_semaphore, #tpu.memory_space<semaphore_mem>>
      %dma_start3A_155 = arith.constant 0 : i32
      %dma_start3A_156 = tpu.memref_slice %arg15[%mul3A_2, %dma_start3A_155] : memref<10240x128xf32, #tpu.memory_space<vmem_shared>> -> memref<640x128xf32, #tpu.memory_space<vmem_shared>>
      %dma_start3A_157 = arith.constant 0 : i32
      %dma_start3A_158 = tpu.memref_slice %arg4[%mul3A_2, %dma_start3A_157] : memref<10240x128xf32, #tpu.memory_space<hbm>> -> memref<640x128xf32, #tpu.memory_space<hbm>>
      tpu.enqueue_dma source(%dma_start3A_158 : memref<640x128xf32, #tpu.memory_space<hbm>>) target(%dma_start3A_156 : memref<640x128xf32, #tpu.memory_space<vmem_shared>>) target_semaphore(%run_scoped3A : memref<!tpu.dma_semaphore, #tpu.memory_space<semaphore_mem>>)
      %dma_wait3A_159 = arith.constant 0 : i32
      %dma_wait3A_160 = tpu.memref_slice %arg15[%mul3A_2, %dma_wait3A_159] : memref<10240x128xf32, #tpu.memory_space<vmem_shared>> -> memref<640x128xf32, #tpu.memory_space<vmem_shared>>
      %dma_wait3A_161 = arith.constant 0 : i32
      %dma_wait3A_162 = tpu.memref_slice %arg4[%mul3A_2, %dma_wait3A_161] : memref<10240x128xf32, #tpu.memory_space<hbm>> -> memref<640x128xf32, #tpu.memory_space<hbm>>
      tpu.wait_dma2 semaphore(%run_scoped3A : memref<!tpu.dma_semaphore, #tpu.memory_space<semaphore_mem>>) src(%dma_wait3A_162 : memref<640x128xf32, #tpu.memory_space<hbm>>) dst(%dma_wait3A_160 : memref<640x128xf32, #tpu.memory_space<vmem_shared>>)
      tpu.yield
    }) : () -> ()
    "tpu.region"() ({
      %run_scoped3A = tpu.sem_alloc : memref<!tpu.dma_semaphore, #tpu.memory_space<semaphore_mem>>
      tpu.enqueue_dma source(%arg5 : memref<10240xf32, #tpu.memory_space<hbm>>) target(%arg14 : memref<10240xf32, #tpu.memory_space<vmem>>) target_semaphore(%run_scoped3A : memref<!tpu.dma_semaphore, #tpu.memory_space<semaphore_mem>>)
      tpu.wait_dma2 semaphore(%run_scoped3A : memref<!tpu.dma_semaphore, #tpu.memory_space<semaphore_mem>>) src(%arg5 : memref<10240xf32, #tpu.memory_space<hbm>>) dst(%arg14 : memref<10240xf32, #tpu.memory_space<vmem>>)
      tpu.yield
    }) : () -> ()
    %barrier3A = arith.constant 0 : index
    tpu.barrier barrier_id(%barrier3A)
    %scan3A = arith.constant 0 : i32
    %scan3A_27 = arith.constant 1 : i32
    %scan3A_28 = arith.constant 0 : i32
    %scan3A_29 = arith.constant 0 : i32
    %scan3A_30 = arith.constant 1 : i32
    %scan3A_31 = arith.constant 0 : i32
    %scan3A_32 = arith.constant 1 : i32
    %scan3A_33 = arith.constant 0 : i32
    %scan3A_34 = arith.constant 1 : i32
    %scan3A_35 = arith.constant 0 : i32
    %scan3A_36 = arith.constant 20 : i32
    %scan3A_37 = arith.addi %scan3A_35, %scan3A_36 : i32
    %scan3A_38 = arith.constant 1 : i32
    scf.for %scan3A_155 = %scan3A_35 to %scan3A_37 step %scan3A_38  : i32 {
      %mul3A_156 = arith.constant 4 : i32
      %mul3A_157 = arith.muli %mul3A_156, %scan3A_155 : i32
      %add3A_158 = arith.constant 0 : i32
      %add3A_159 = arith.addi %mul3A_157, %add3A_158 : i32
      %dma_wait3A_160 = arith.constant 0 : i32
      %dma_wait3A_161 = arith.constant 0 : i32
      %dma_wait3A_162 = arith.constant 0 : i32
      %dma_wait3A_163 = tpu.memref_slice %arg3[%dma_wait3A_160, %dma_wait3A_161, %dma_wait3A_162] : memref<2560x2x128xi32, #tpu.memory_space<hbm>> -> memref<1x2x128xi32, #tpu.memory_space<hbm>>
      %dma_wait3A_164 = tpu.memref_squeeze %dma_wait3A_163 : memref<1x2x128xi32, #tpu.memory_space<hbm>> -> memref<2x128xi32, #tpu.memory_space<hbm>>
      %dma_wait3A_165 = arith.constant 0 : i32
      %dma_wait3A_166 = arith.constant 0 : i32
      %dma_wait3A_167 = tpu.memref_slice %arg3[%dma_wait3A_160, %dma_wait3A_165, %dma_wait3A_166] : memref<2560x2x128xi32, #tpu.memory_space<hbm>> -> memref<1x2x128xi32, #tpu.memory_space<hbm>>
      %dma_wait3A_168 = tpu.memref_squeeze %dma_wait3A_167 : memref<1x2x128xi32, #tpu.memory_space<hbm>> -> memref<2x128xi32, #tpu.memory_space<hbm>>
      tpu.wait_dma2 semaphore(%arg16 : memref<!tpu.dma_semaphore, #tpu.memory_space<semaphore_mem>>) src(%dma_wait3A_168 : memref<2x128xi32, #tpu.memory_space<hbm>>) dst(%arg8 : memref<2x128xi32, #tpu.memory_space<vmem>>)
      %ge3A = arith.constant 2 : i32
      %ge3A_169 = arith.cmpi sge, %add3A_159, %ge3A : i32
      %convert_element_type3A = arith.extui %ge3A_169 : i1 to i32
      %cond3A = arith.constant 0 : i32
      %cond3A_170 = arith.cmpi ne, %convert_element_type3A, %cond3A : i32
      scf.if %cond3A_170 {
        %dma_wait3A_423 = arith.constant 0 : i32
        %dma_wait3A_424 = tpu.memref_slice %arg10[%scan3A_27, %dma_wait3A_423] : memref<2x128xi32, #tpu.memory_space<vmem>> -> memref<1x128xi32, #tpu.memory_space<vmem>>
        %dma_wait3A_425 = tpu.memref_squeeze %dma_wait3A_424 : memref<1x128xi32, #tpu.memory_space<vmem>> -> memref<128xi32, #tpu.memory_space<vmem>>
        %dma_wait3A_426 = arith.constant 0 : i32
        %dma_wait3A_427 = arith.constant 0 : i32
        %dma_wait3A_428 = tpu.memref_slice %arg15[%dma_wait3A_426, %dma_wait3A_427] : memref<10240x128xf32, #tpu.memory_space<vmem_shared>> -> memref<10240x128xf32, #tpu.memory_space<vmem_shared>>
        tpu.wait_indirect_dma semaphore(%arg22 : memref<!tpu.dma_semaphore, #tpu.memory_space<semaphore_mem>>) src(%arg12 : memref<128x128xf32, #tpu.memory_space<vmem>>) dst(%dma_wait3A_428 : memref<10240x128xf32, #tpu.memory_space<vmem_shared>>)
      } else {
      }
      %add3A_171 = arith.constant 2 : i32
      %add3A_172 = arith.addi %add3A_159, %add3A_171 : i32
      %lt3A = arith.constant 80 : i32
      %lt3A_173 = arith.cmpi slt, %add3A_172, %lt3A : i32
      %convert_element_type3A_174 = arith.extui %lt3A_173 : i1 to i32
      %cond3A_175 = arith.constant 0 : i32
      %cond3A_176 = arith.cmpi ne, %convert_element_type3A_174, %cond3A_175 : i32
      scf.if %cond3A_176 {
        %add3A_423 = arith.constant 2 : i32
        %add3A_424 = arith.addi %add3A_159, %add3A_423 : i32
        %mul3A_425 = arith.constant 80 : i32
        %mul3A_426 = arith.muli %add3A, %mul3A_425 : i32
        %add3A_427 = arith.addi %mul3A_426, %add3A_424 : i32
        %dma_start3A_428 = arith.constant 0 : i32
        %dma_start3A_429 = arith.constant 0 : i32
        %dma_start3A_430 = tpu.memref_slice %arg3[%add3A_427, %dma_start3A_428, %dma_start3A_429] : memref<2560x2x128xi32, #tpu.memory_space<hbm>> -> memref<1x2x128xi32, #tpu.memory_space<hbm>>
        %dma_start3A_431 = tpu.memref_squeeze %dma_start3A_430 : memref<1x2x128xi32, #tpu.memory_space<hbm>> -> memref<2x128xi32, #tpu.memory_space<hbm>>
        %dma_start3A_432 = arith.constant 0 : i32
        %dma_start3A_433 = arith.constant 0 : i32
        %dma_start3A_434 = tpu.memref_slice %arg3[%add3A_427, %dma_start3A_432, %dma_start3A_433] : memref<2560x2x128xi32, #tpu.memory_space<hbm>> -> memref<1x2x128xi32, #tpu.memory_space<hbm>>
        %dma_start3A_435 = tpu.memref_squeeze %dma_start3A_434 : memref<1x2x128xi32, #tpu.memory_space<hbm>> -> memref<2x128xi32, #tpu.memory_space<hbm>>
        tpu.enqueue_dma source(%dma_start3A_435 : memref<2x128xi32, #tpu.memory_space<hbm>>) target(%arg10 : memref<2x128xi32, #tpu.memory_space<vmem>>) target_semaphore(%arg18 : memref<!tpu.dma_semaphore, #tpu.memory_space<semaphore_mem>>)
      } else {
      }
      %dma_start3A_177 = arith.constant 0 : i32
      %dma_start3A_178 = tpu.memref_slice %arg8[%scan3A_28, %dma_start3A_177] : memref<2x128xi32, #tpu.memory_space<vmem>> -> memref<1x128xi32, #tpu.memory_space<vmem>>
      %dma_start3A_179 = tpu.memref_squeeze %dma_start3A_178 : memref<1x128xi32, #tpu.memory_space<vmem>> -> memref<128xi32, #tpu.memory_space<vmem>>
      %dma_start3A_180 = arith.constant 0 : i32
      %dma_start3A_181 = arith.constant 0 : i32
      %dma_start3A_182 = tpu.memref_slice %arg2[%dma_start3A_180, %dma_start3A_181] : memref<10000x128xf32, #tpu.memory_space<hbm>> -> memref<10000x128xf32, #tpu.memory_space<hbm>>
      tpu.enqueue_indirect_dma source(%dma_start3A_182 : memref<10000x128xf32, #tpu.memory_space<hbm>>) target(%arg12 : memref<128x128xf32, #tpu.memory_space<vmem>>) offsets(%dma_start3A_179 : memref<128xi32, #tpu.memory_space<vmem>>) semaphore(%arg20 : memref<!tpu.dma_semaphore, #tpu.memory_space<semaphore_mem>>)
      %get3A = arith.constant 1 : i32
      %get3A_183 = arith.index_cast %get3A : i32 to index
      %get3A_184 = arith.constant 0 : index
      %get3A_185 = tpu.vector_load %arg8[%get3A_183, %get3A_184] {strides = array<i32>} : memref<2x128xi32, #tpu.memory_space<vmem>>, vector<16xi32>,
      tpu.vector_store_idx %arg14[%get3A_185], %broadcast_in_dim3A_3 {add = true} : memref<10240xf32, #tpu.memory_space<vmem>>[vector<16xi32>], vector<16xf32>,
      %get3A_186 = arith.constant 1 : i32
      %get3A_187 = arith.index_cast %get3A_186 : i32 to index
      %get3A_188 = arith.constant 16 : index
      %get3A_189 = tpu.vector_load %arg8[%get3A_187, %get3A_188] {strides = array<i32>} : memref<2x128xi32, #tpu.memory_space<vmem>>, vector<16xi32>,
      tpu.vector_store_idx %arg14[%get3A_189], %broadcast_in_dim3A_3 {add = true} : memref<10240xf32, #tpu.memory_space<vmem>>[vector<16xi32>], vector<16xf32>,
      %get3A_190 = arith.constant 1 : i32
      %get3A_191 = arith.index_cast %get3A_190 : i32 to index
      %get3A_192 = arith.constant 32 : index
      %get3A_193 = tpu.vector_load %arg8[%get3A_191, %get3A_192] {strides = array<i32>} : memref<2x128xi32, #tpu.memory_space<vmem>>, vector<16xi32>,
      tpu.vector_store_idx %arg14[%get3A_193], %broadcast_in_dim3A_3 {add = true} : memref<10240xf32, #tpu.memory_space<vmem>>[vector<16xi32>], vector<16xf32>,
      %get3A_194 = arith.constant 1 : i32
      %get3A_195 = arith.index_cast %get3A_194 : i32 to index
      %get3A_196 = arith.constant 48 : index
      %get3A_197 = tpu.vector_load %arg8[%get3A_195, %get3A_196] {strides = array<i32>} : memref<2x128xi32, #tpu.memory_space<vmem>>, vector<16xi32>,
      tpu.vector_store_idx %arg14[%get3A_197], %broadcast_in_dim3A_3 {add = true} : memref<10240xf32, #tpu.memory_space<vmem>>[vector<16xi32>], vector<16xf32>,
      %get3A_198 = arith.constant 1 : i32
      %get3A_199 = arith.index_cast %get3A_198 : i32 to index
      %get3A_200 = arith.constant 64 : index
      %get3A_201 = tpu.vector_load %arg8[%get3A_199, %get3A_200] {strides = array<i32>} : memref<2x128xi32, #tpu.memory_space<vmem>>, vector<16xi32>,
      tpu.vector_store_idx %arg14[%get3A_201], %broadcast_in_dim3A_3 {add = true} : memref<10240xf32, #tpu.memory_space<vmem>>[vector<16xi32>], vector<16xf32>,
      %get3A_202 = arith.constant 1 : i32
      %get3A_203 = arith.index_cast %get3A_202 : i32 to index
      %get3A_204 = arith.constant 80 : index
      %get3A_205 = tpu.vector_load %arg8[%get3A_203, %get3A_204] {strides = array<i32>} : memref<2x128xi32, #tpu.memory_space<vmem>>, vector<16xi32>,
      tpu.vector_store_idx %arg14[%get3A_205], %broadcast_in_dim3A_3 {add = true} : memref<10240xf32, #tpu.memory_space<vmem>>[vector<16xi32>], vector<16xf32>,
      %get3A_206 = arith.constant 1 : i32
      %get3A_207 = arith.index_cast %get3A_206 : i32 to index
      %get3A_208 = arith.constant 96 : index
      %get3A_209 = tpu.vector_load %arg8[%get3A_207, %get3A_208] {strides = array<i32>} : memref<2x128xi32, #tpu.memory_space<vmem>>, vector<16xi32>,
      tpu.vector_store_idx %arg14[%get3A_209], %broadcast_in_dim3A_3 {add = true} : memref<10240xf32, #tpu.memory_space<vmem>>[vector<16xi32>], vector<16xf32>,
      %get3A_210 = arith.constant 1 : i32
      %get3A_211 = arith.index_cast %get3A_210 : i32 to index
      %get3A_212 = arith.constant 112 : index
      %get3A_213 = tpu.vector_load %arg8[%get3A_211, %get3A_212] {strides = array<i32>} : memref<2x128xi32, #tpu.memory_space<vmem>>, vector<16xi32>,
      tpu.vector_store_idx %arg14[%get3A_213], %broadcast_in_dim3A_3 {add = true} : memref<10240xf32, #tpu.memory_space<vmem>>[vector<16xi32>], vector<16xf32>,
      %ge3A_214 = arith.constant 1 : i32
      %ge3A_215 = arith.cmpi sge, %add3A_159, %ge3A_214 : i32
      %convert_element_type3A_216 = arith.extui %ge3A_215 : i1 to i32
      %cond3A_217 = arith.constant 0 : i32
      %cond3A_218 = arith.cmpi ne, %convert_element_type3A_216, %cond3A_217 : i32
      scf.if %cond3A_218 {
        %dma_wait3A_423 = arith.constant 0 : i32
        %dma_wait3A_424 = tpu.memref_slice %arg11[%scan3A_29, %dma_wait3A_423] : memref<2x128xi32, #tpu.memory_space<vmem>> -> memref<1x128xi32, #tpu.memory_space<vmem>>
        %dma_wait3A_425 = tpu.memref_squeeze %dma_wait3A_424 : memref<1x128xi32, #tpu.memory_space<vmem>> -> memref<128xi32, #tpu.memory_space<vmem>>
        %dma_wait3A_426 = arith.constant 0 : i32
        %dma_wait3A_427 = arith.constant 0 : i32
        %dma_wait3A_428 = tpu.memref_slice %arg2[%dma_wait3A_426, %dma_wait3A_427] : memref<10000x128xf32, #tpu.memory_space<hbm>> -> memref<10000x128xf32, #tpu.memory_space<hbm>>
        tpu.wait_indirect_dma semaphore(%arg21 : memref<!tpu.dma_semaphore, #tpu.memory_space<semaphore_mem>>) src(%dma_wait3A_428 : memref<10000x128xf32, #tpu.memory_space<hbm>>) dst(%arg13 : memref<128x128xf32, #tpu.memory_space<vmem>>)
        %dma_start3A_429 = arith.constant 0 : i32
        %dma_start3A_430 = tpu.memref_slice %arg11[%scan3A_30, %dma_start3A_429] : memref<2x128xi32, #tpu.memory_space<vmem>> -> memref<1x128xi32, #tpu.memory_space<vmem>>
        %dma_start3A_431 = tpu.memref_squeeze %dma_start3A_430 : memref<1x128xi32, #tpu.memory_space<vmem>> -> memref<128xi32, #tpu.memory_space<vmem>>
        %dma_start3A_432 = arith.constant 0 : i32
        %dma_start3A_433 = arith.constant 0 : i32
        %dma_start3A_434 = tpu.memref_slice %arg15[%dma_start3A_432, %dma_start3A_433] : memref<10240x128xf32, #tpu.memory_space<vmem_shared>> -> memref<10240x128xf32, #tpu.memory_space<vmem_shared>>
        tpu.enqueue_indirect_dma source(%arg13 : memref<128x128xf32, #tpu.memory_space<vmem>>) target(%dma_start3A_434 : memref<10240x128xf32, #tpu.memory_space<vmem_shared>>) offsets(%dma_start3A_431 : memref<128xi32, #tpu.memory_space<vmem>>) semaphore(%arg23 : memref<!tpu.dma_semaphore, #tpu.memory_space<semaphore_mem>>) {add = true}
      } else {
      }
      %mul3A_219 = arith.constant 4 : i32
      %mul3A_220 = arith.muli %mul3A_219, %scan3A_155 : i32
      %add3A_221 = arith.constant 1 : i32
      %add3A_222 = arith.addi %mul3A_220, %add3A_221 : i32
      %dma_wait3A_223 = arith.constant 0 : i32
      %dma_wait3A_224 = arith.constant 0 : i32
      %dma_wait3A_225 = arith.constant 0 : i32
      %dma_wait3A_226 = tpu.memref_slice %arg3[%dma_wait3A_223, %dma_wait3A_224, %dma_wait3A_225] : memref<2560x2x128xi32, #tpu.memory_space<hbm>> -> memref<1x2x128xi32, #tpu.memory_space<hbm>>
      %dma_wait3A_227 = tpu.memref_squeeze %dma_wait3A_226 : memref<1x2x128xi32, #tpu.memory_space<hbm>> -> memref<2x128xi32, #tpu.memory_space<hbm>>
      %dma_wait3A_228 = arith.constant 0 : i32
      %dma_wait3A_229 = arith.constant 0 : i32
      %dma_wait3A_230 = tpu.memref_slice %arg3[%dma_wait3A_223, %dma_wait3A_228, %dma_wait3A_229] : memref<2560x2x128xi32, #tpu.memory_space<hbm>> -> memref<1x2x128xi32, #tpu.memory_space<hbm>>
      %dma_wait3A_231 = tpu.memref_squeeze %dma_wait3A_230 : memref<1x2x128xi32, #tpu.memory_space<hbm>> -> memref<2x128xi32, #tpu.memory_space<hbm>>
      tpu.wait_dma2 semaphore(%arg17 : memref<!tpu.dma_semaphore, #tpu.memory_space<semaphore_mem>>) src(%dma_wait3A_231 : memref<2x128xi32, #tpu.memory_space<hbm>>) dst(%arg9 : memref<2x128xi32, #tpu.memory_space<vmem>>)
      %ge3A_232 = arith.constant 2 : i32
      %ge3A_233 = arith.cmpi sge, %add3A_222, %ge3A_232 : i32
      %convert_element_type3A_234 = arith.extui %ge3A_233 : i1 to i32
      %cond3A_235 = arith.constant 0 : i32
      %cond3A_236 = arith.cmpi ne, %convert_element_type3A_234, %cond3A_235 : i32
      scf.if %cond3A_236 {
        %dma_wait3A_423 = arith.constant 0 : i32
        %dma_wait3A_424 = tpu.memref_slice %arg11[%scan3A_30, %dma_wait3A_423] : memref<2x128xi32, #tpu.memory_space<vmem>> -> memref<1x128xi32, #tpu.memory_space<vmem>>
        %dma_wait3A_425 = tpu.memref_squeeze %dma_wait3A_424 : memref<1x128xi32, #tpu.memory_space<vmem>> -> memref<128xi32, #tpu.memory_space<vmem>>
        %dma_wait3A_426 = arith.constant 0 : i32
        %dma_wait3A_427 = arith.constant 0 : i32
        %dma_wait3A_428 = tpu.memref_slice %arg15[%dma_wait3A_426, %dma_wait3A_427] : memref<10240x128xf32, #tpu.memory_space<vmem_shared>> -> memref<10240x128xf32, #tpu.memory_space<vmem_shared>>
        tpu.wait_indirect_dma semaphore(%arg23 : memref<!tpu.dma_semaphore, #tpu.memory_space<semaphore_mem>>) src(%arg13 : memref<128x128xf32, #tpu.memory_space<vmem>>) dst(%dma_wait3A_428 : memref<10240x128xf32, #tpu.memory_space<vmem_shared>>)
      } else {
      }
      %add3A_237 = arith.constant 2 : i32
      %add3A_238 = arith.addi %add3A_222, %add3A_237 : i32
      %lt3A_239 = arith.constant 80 : i32
      %lt3A_240 = arith.cmpi slt, %add3A_238, %lt3A_239 : i32
      %convert_element_type3A_241 = arith.extui %lt3A_240 : i1 to i32
      %cond3A_242 = arith.constant 0 : i32
      %cond3A_243 = arith.cmpi ne, %convert_element_type3A_241, %cond3A_242 : i32
      scf.if %cond3A_243 {
        %add3A_423 = arith.constant 2 : i32
        %add3A_424 = arith.addi %add3A_222, %add3A_423 : i32
        %mul3A_425 = arith.constant 80 : i32
        %mul3A_426 = arith.muli %add3A, %mul3A_425 : i32
        %add3A_427 = arith.addi %mul3A_426, %add3A_424 : i32
        %dma_start3A_428 = arith.constant 0 : i32
        %dma_start3A_429 = arith.constant 0 : i32
        %dma_start3A_430 = tpu.memref_slice %arg3[%add3A_427, %dma_start3A_428, %dma_start3A_429] : memref<2560x2x128xi32, #tpu.memory_space<hbm>> -> memref<1x2x128xi32, #tpu.memory_space<hbm>>
        %dma_start3A_431 = tpu.memref_squeeze %dma_start3A_430 : memref<1x2x128xi32, #tpu.memory_space<hbm>> -> memref<2x128xi32, #tpu.memory_space<hbm>>
        %dma_start3A_432 = arith.constant 0 : i32
        %dma_start3A_433 = arith.constant 0 : i32
        %dma_start3A_434 = tpu.memref_slice %arg3[%add3A_427, %dma_start3A_432, %dma_start3A_433] : memref<2560x2x128xi32, #tpu.memory_space<hbm>> -> memref<1x2x128xi32, #tpu.memory_space<hbm>>
        %dma_start3A_435 = tpu.memref_squeeze %dma_start3A_434 : memref<1x2x128xi32, #tpu.memory_space<hbm>> -> memref<2x128xi32, #tpu.memory_space<hbm>>
        tpu.enqueue_dma source(%dma_start3A_435 : memref<2x128xi32, #tpu.memory_space<hbm>>) target(%arg11 : memref<2x128xi32, #tpu.memory_space<vmem>>) target_semaphore(%arg19 : memref<!tpu.dma_semaphore, #tpu.memory_space<semaphore_mem>>)
      } else {
      }
      %dma_start3A_244 = arith.constant 0 : i32
      %dma_start3A_245 = tpu.memref_slice %arg9[%scan3A_31, %dma_start3A_244] : memref<2x128xi32, #tpu.memory_space<vmem>> -> memref<1x128xi32, #tpu.memory_space<vmem>>
      %dma_start3A_246 = tpu.memref_squeeze %dma_start3A_245 : memref<1x128xi32, #tpu.memory_space<vmem>> -> memref<128xi32, #tpu.memory_space<vmem>>
      %dma_start3A_247 = arith.constant 0 : i32
      %dma_start3A_248 = arith.constant 0 : i32
      %dma_start3A_249 = tpu.memref_slice %arg2[%dma_start3A_247, %dma_start3A_248] : memref<10000x128xf32, #tpu.memory_space<hbm>> -> memref<10000x128xf32, #tpu.memory_space<hbm>>
      tpu.enqueue_indirect_dma source(%dma_start3A_249 : memref<10000x128xf32, #tpu.memory_space<hbm>>) target(%arg13 : memref<128x128xf32, #tpu.memory_space<vmem>>) offsets(%dma_start3A_246 : memref<128xi32, #tpu.memory_space<vmem>>) semaphore(%arg21 : memref<!tpu.dma_semaphore, #tpu.memory_space<semaphore_mem>>)
      %get3A_250 = arith.constant 1 : i32
      %get3A_251 = arith.index_cast %get3A_250 : i32 to index
      %get3A_252 = arith.constant 0 : index
      %get3A_253 = tpu.vector_load %arg9[%get3A_251, %get3A_252] {strides = array<i32>} : memref<2x128xi32, #tpu.memory_space<vmem>>, vector<16xi32>,
      tpu.vector_store_idx %arg14[%get3A_253], %broadcast_in_dim3A_3 {add = true} : memref<10240xf32, #tpu.memory_space<vmem>>[vector<16xi32>], vector<16xf32>,
      %get3A_254 = arith.constant 1 : i32
      %get3A_255 = arith.index_cast %get3A_254 : i32 to index
      %get3A_256 = arith.constant 16 : index
      %get3A_257 = tpu.vector_load %arg9[%get3A_255, %get3A_256] {strides = array<i32>} : memref<2x128xi32, #tpu.memory_space<vmem>>, vector<16xi32>,
      tpu.vector_store_idx %arg14[%get3A_257], %broadcast_in_dim3A_3 {add = true} : memref<10240xf32, #tpu.memory_space<vmem>>[vector<16xi32>], vector<16xf32>,
      %get3A_258 = arith.constant 1 : i32
      %get3A_259 = arith.index_cast %get3A_258 : i32 to index
      %get3A_260 = arith.constant 32 : index
      %get3A_261 = tpu.vector_load %arg9[%get3A_259, %get3A_260] {strides = array<i32>} : memref<2x128xi32, #tpu.memory_space<vmem>>, vector<16xi32>,
      tpu.vector_store_idx %arg14[%get3A_261], %broadcast_in_dim3A_3 {add = true} : memref<10240xf32, #tpu.memory_space<vmem>>[vector<16xi32>], vector<16xf32>,
      %get3A_262 = arith.constant 1 : i32
      %get3A_263 = arith.index_cast %get3A_262 : i32 to index
      %get3A_264 = arith.constant 48 : index
      %get3A_265 = tpu.vector_load %arg9[%get3A_263, %get3A_264] {strides = array<i32>} : memref<2x128xi32, #tpu.memory_space<vmem>>, vector<16xi32>,
      tpu.vector_store_idx %arg14[%get3A_265], %broadcast_in_dim3A_3 {add = true} : memref<10240xf32, #tpu.memory_space<vmem>>[vector<16xi32>], vector<16xf32>,
      %get3A_266 = arith.constant 1 : i32
      %get3A_267 = arith.index_cast %get3A_266 : i32 to index
      %get3A_268 = arith.constant 64 : index
      %get3A_269 = tpu.vector_load %arg9[%get3A_267, %get3A_268] {strides = array<i32>} : memref<2x128xi32, #tpu.memory_space<vmem>>, vector<16xi32>,
      tpu.vector_store_idx %arg14[%get3A_269], %broadcast_in_dim3A_3 {add = true} : memref<10240xf32, #tpu.memory_space<vmem>>[vector<16xi32>], vector<16xf32>,
      %get3A_270 = arith.constant 1 : i32
      %get3A_271 = arith.index_cast %get3A_270 : i32 to index
      %get3A_272 = arith.constant 80 : index
      %get3A_273 = tpu.vector_load %arg9[%get3A_271, %get3A_272] {strides = array<i32>} : memref<2x128xi32, #tpu.memory_space<vmem>>, vector<16xi32>,
      tpu.vector_store_idx %arg14[%get3A_273], %broadcast_in_dim3A_3 {add = true} : memref<10240xf32, #tpu.memory_space<vmem>>[vector<16xi32>], vector<16xf32>,
      %get3A_274 = arith.constant 1 : i32
      %get3A_275 = arith.index_cast %get3A_274 : i32 to index
      %get3A_276 = arith.constant 96 : index
      %get3A_277 = tpu.vector_load %arg9[%get3A_275, %get3A_276] {strides = array<i32>} : memref<2x128xi32, #tpu.memory_space<vmem>>, vector<16xi32>,
      tpu.vector_store_idx %arg14[%get3A_277], %broadcast_in_dim3A_3 {add = true} : memref<10240xf32, #tpu.memory_space<vmem>>[vector<16xi32>], vector<16xf32>,
      %get3A_278 = arith.constant 1 : i32
      %get3A_279 = arith.index_cast %get3A_278 : i32 to index
      %get3A_280 = arith.constant 112 : index
      %get3A_281 = tpu.vector_load %arg9[%get3A_279, %get3A_280] {strides = array<i32>} : memref<2x128xi32, #tpu.memory_space<vmem>>, vector<16xi32>,
      tpu.vector_store_idx %arg14[%get3A_281], %broadcast_in_dim3A_3 {add = true} : memref<10240xf32, #tpu.memory_space<vmem>>[vector<16xi32>], vector<16xf32>,
      %ge3A_282 = arith.constant 1 : i32
      %ge3A_283 = arith.cmpi sge, %add3A_222, %ge3A_282 : i32
      %convert_element_type3A_284 = arith.extui %ge3A_283 : i1 to i32
      %cond3A_285 = arith.constant 0 : i32
      %cond3A_286 = arith.cmpi ne, %convert_element_type3A_284, %cond3A_285 : i32
      scf.if %cond3A_286 {
        %dma_wait3A_423 = arith.constant 0 : i32
        %dma_wait3A_424 = tpu.memref_slice %arg8[%scan3A_28, %dma_wait3A_423] : memref<2x128xi32, #tpu.memory_space<vmem>> -> memref<1x128xi32, #tpu.memory_space<vmem>>
        %dma_wait3A_425 = tpu.memref_squeeze %dma_wait3A_424 : memref<1x128xi32, #tpu.memory_space<vmem>> -> memref<128xi32, #tpu.memory_space<vmem>>
        %dma_wait3A_426 = arith.constant 0 : i32
        %dma_wait3A_427 = arith.constant 0 : i32
        %dma_wait3A_428 = tpu.memref_slice %arg2[%dma_wait3A_426, %dma_wait3A_427] : memref<10000x128xf32, #tpu.memory_space<hbm>> -> memref<10000x128xf32, #tpu.memory_space<hbm>>
        tpu.wait_indirect_dma semaphore(%arg20 : memref<!tpu.dma_semaphore, #tpu.memory_space<semaphore_mem>>) src(%dma_wait3A_428 : memref<10000x128xf32, #tpu.memory_space<hbm>>) dst(%arg12 : memref<128x128xf32, #tpu.memory_space<vmem>>)
        %dma_start3A_429 = arith.constant 0 : i32
        %dma_start3A_430 = tpu.memref_slice %arg8[%scan3A_32, %dma_start3A_429] : memref<2x128xi32, #tpu.memory_space<vmem>> -> memref<1x128xi32, #tpu.memory_space<vmem>>
        %dma_start3A_431 = tpu.memref_squeeze %dma_start3A_430 : memref<1x128xi32, #tpu.memory_space<vmem>> -> memref<128xi32, #tpu.memory_space<vmem>>
        %dma_start3A_432 = arith.constant 0 : i32
        %dma_start3A_433 = arith.constant 0 : i32
        %dma_start3A_434 = tpu.memref_slice %arg15[%dma_start3A_432, %dma_start3A_433] : memref<10240x128xf32, #tpu.memory_space<vmem_shared>> -> memref<10240x128xf32, #tpu.memory_space<vmem_shared>>
        tpu.enqueue_indirect_dma source(%arg12 : memref<128x128xf32, #tpu.memory_space<vmem>>) target(%dma_start3A_434 : memref<10240x128xf32, #tpu.memory_space<vmem_shared>>) offsets(%dma_start3A_431 : memref<128xi32, #tpu.memory_space<vmem>>) semaphore(%arg22 : memref<!tpu.dma_semaphore, #tpu.memory_space<semaphore_mem>>) {add = true}
      } else {
      }
      %mul3A_287 = arith.constant 4 : i32
      %mul3A_288 = arith.muli %mul3A_287, %scan3A_155 : i32
      %add3A_289 = arith.constant 2 : i32
      %add3A_290 = arith.addi %mul3A_288, %add3A_289 : i32
      %dma_wait3A_291 = arith.constant 0 : i32
      %dma_wait3A_292 = arith.constant 0 : i32
      %dma_wait3A_293 = arith.constant 0 : i32
      %dma_wait3A_294 = tpu.memref_slice %arg3[%dma_wait3A_291, %dma_wait3A_292, %dma_wait3A_293] : memref<2560x2x128xi32, #tpu.memory_space<hbm>> -> memref<1x2x128xi32, #tpu.memory_space<hbm>>
      %dma_wait3A_295 = tpu.memref_squeeze %dma_wait3A_294 : memref<1x2x128xi32, #tpu.memory_space<hbm>> -> memref<2x128xi32, #tpu.memory_space<hbm>>
      %dma_wait3A_296 = arith.constant 0 : i32
      %dma_wait3A_297 = arith.constant 0 : i32
      %dma_wait3A_298 = tpu.memref_slice %arg3[%dma_wait3A_291, %dma_wait3A_296, %dma_wait3A_297] : memref<2560x2x128xi32, #tpu.memory_space<hbm>> -> memref<1x2x128xi32, #tpu.memory_space<hbm>>
      %dma_wait3A_299 = tpu.memref_squeeze %dma_wait3A_298 : memref<1x2x128xi32, #tpu.memory_space<hbm>> -> memref<2x128xi32, #tpu.memory_space<hbm>>
      tpu.wait_dma2 semaphore(%arg18 : memref<!tpu.dma_semaphore, #tpu.memory_space<semaphore_mem>>) src(%dma_wait3A_299 : memref<2x128xi32, #tpu.memory_space<hbm>>) dst(%arg10 : memref<2x128xi32, #tpu.memory_space<vmem>>)
      %ge3A_300 = arith.constant 2 : i32
      %ge3A_301 = arith.cmpi sge, %add3A_290, %ge3A_300 : i32
      %convert_element_type3A_302 = arith.extui %ge3A_301 : i1 to i32
      %cond3A_303 = arith.constant 0 : i32
      %cond3A_304 = arith.cmpi ne, %convert_element_type3A_302, %cond3A_303 : i32
      scf.if %cond3A_304 {
        %dma_wait3A_423 = arith.constant 0 : i32
        %dma_wait3A_424 = tpu.memref_slice %arg8[%scan3A_32, %dma_wait3A_423] : memref<2x128xi32, #tpu.memory_space<vmem>> -> memref<1x128xi32, #tpu.memory_space<vmem>>
        %dma_wait3A_425 = tpu.memref_squeeze %dma_wait3A_424 : memref<1x128xi32, #tpu.memory_space<vmem>> -> memref<128xi32, #tpu.memory_space<vmem>>
        %dma_wait3A_426 = arith.constant 0 : i32
        %dma_wait3A_427 = arith.constant 0 : i32
        %dma_wait3A_428 = tpu.memref_slice %arg15[%dma_wait3A_426, %dma_wait3A_427] : memref<10240x128xf32, #tpu.memory_space<vmem_shared>> -> memref<10240x128xf32, #tpu.memory_space<vmem_shared>>
        tpu.wait_indirect_dma semaphore(%arg22 : memref<!tpu.dma_semaphore, #tpu.memory_space<semaphore_mem>>) src(%arg12 : memref<128x128xf32, #tpu.memory_space<vmem>>) dst(%dma_wait3A_428 : memref<10240x128xf32, #tpu.memory_space<vmem_shared>>)
      } else {
      }
      %add3A_305 = arith.constant 2 : i32
      %add3A_306 = arith.addi %add3A_290, %add3A_305 : i32
      %lt3A_307 = arith.constant 80 : i32
      %lt3A_308 = arith.cmpi slt, %add3A_306, %lt3A_307 : i32
      %convert_element_type3A_309 = arith.extui %lt3A_308 : i1 to i32
      %cond3A_310 = arith.constant 0 : i32
      %cond3A_311 = arith.cmpi ne, %convert_element_type3A_309, %cond3A_310 : i32
      scf.if %cond3A_311 {
        %add3A_423 = arith.constant 2 : i32
        %add3A_424 = arith.addi %add3A_290, %add3A_423 : i32
        %mul3A_425 = arith.constant 80 : i32
        %mul3A_426 = arith.muli %add3A, %mul3A_425 : i32
        %add3A_427 = arith.addi %mul3A_426, %add3A_424 : i32
        %dma_start3A_428 = arith.constant 0 : i32
        %dma_start3A_429 = arith.constant 0 : i32
        %dma_start3A_430 = tpu.memref_slice %arg3[%add3A_427, %dma_start3A_428, %dma_start3A_429] : memref<2560x2x128xi32, #tpu.memory_space<hbm>> -> memref<1x2x128xi32, #tpu.memory_space<hbm>>
        %dma_start3A_431 = tpu.memref_squeeze %dma_start3A_430 : memref<1x2x128xi32, #tpu.memory_space<hbm>> -> memref<2x128xi32, #tpu.memory_space<hbm>>
        %dma_start3A_432 = arith.constant 0 : i32
        %dma_start3A_433 = arith.constant 0 : i32
        %dma_start3A_434 = tpu.memref_slice %arg3[%add3A_427, %dma_start3A_432, %dma_start3A_433] : memref<2560x2x128xi32, #tpu.memory_space<hbm>> -> memref<1x2x128xi32, #tpu.memory_space<hbm>>
        %dma_start3A_435 = tpu.memref_squeeze %dma_start3A_434 : memref<1x2x128xi32, #tpu.memory_space<hbm>> -> memref<2x128xi32, #tpu.memory_space<hbm>>
        tpu.enqueue_dma source(%dma_start3A_435 : memref<2x128xi32, #tpu.memory_space<hbm>>) target(%arg8 : memref<2x128xi32, #tpu.memory_space<vmem>>) target_semaphore(%arg16 : memref<!tpu.dma_semaphore, #tpu.memory_space<semaphore_mem>>)
      } else {
      }
      %dma_start3A_312 = arith.constant 0 : i32
      %dma_start3A_313 = tpu.memref_slice %arg10[%scan3A_33, %dma_start3A_312] : memref<2x128xi32, #tpu.memory_space<vmem>> -> memref<1x128xi32, #tpu.memory_space<vmem>>
      %dma_start3A_314 = tpu.memref_squeeze %dma_start3A_313 : memref<1x128xi32, #tpu.memory_space<vmem>> -> memref<128xi32, #tpu.memory_space<vmem>>
      %dma_start3A_315 = arith.constant 0 : i32
      %dma_start3A_316 = arith.constant 0 : i32
      %dma_start3A_317 = tpu.memref_slice %arg2[%dma_start3A_315, %dma_start3A_316] : memref<10000x128xf32, #tpu.memory_space<hbm>> -> memref<10000x128xf32, #tpu.memory_space<hbm>>
      tpu.enqueue_indirect_dma source(%dma_start3A_317 : memref<10000x128xf32, #tpu.memory_space<hbm>>) target(%arg12 : memref<128x128xf32, #tpu.memory_space<vmem>>) offsets(%dma_start3A_314 : memref<128xi32, #tpu.memory_space<vmem>>) semaphore(%arg20 : memref<!tpu.dma_semaphore, #tpu.memory_space<semaphore_mem>>)
      %get3A_318 = arith.constant 1 : i32
      %get3A_319 = arith.index_cast %get3A_318 : i32 to index
      %get3A_320 = arith.constant 0 : index
      %get3A_321 = tpu.vector_load %arg10[%get3A_319, %get3A_320] {strides = array<i32>} : memref<2x128xi32, #tpu.memory_space<vmem>>, vector<16xi32>,
      tpu.vector_store_idx %arg14[%get3A_321], %broadcast_in_dim3A_3 {add = true} : memref<10240xf32, #tpu.memory_space<vmem>>[vector<16xi32>], vector<16xf32>,
      %get3A_322 = arith.constant 1 : i32
      %get3A_323 = arith.index_cast %get3A_322 : i32 to index
      %get3A_324 = arith.constant 16 : index
      %get3A_325 = tpu.vector_load %arg10[%get3A_323, %get3A_324] {strides = array<i32>} : memref<2x128xi32, #tpu.memory_space<vmem>>, vector<16xi32>,
      tpu.vector_store_idx %arg14[%get3A_325], %broadcast_in_dim3A_3 {add = true} : memref<10240xf32, #tpu.memory_space<vmem>>[vector<16xi32>], vector<16xf32>,
      %get3A_326 = arith.constant 1 : i32
      %get3A_327 = arith.index_cast %get3A_326 : i32 to index
      %get3A_328 = arith.constant 32 : index
      %get3A_329 = tpu.vector_load %arg10[%get3A_327, %get3A_328] {strides = array<i32>} : memref<2x128xi32, #tpu.memory_space<vmem>>, vector<16xi32>,
      tpu.vector_store_idx %arg14[%get3A_329], %broadcast_in_dim3A_3 {add = true} : memref<10240xf32, #tpu.memory_space<vmem>>[vector<16xi32>], vector<16xf32>,
      %get3A_330 = arith.constant 1 : i32
      %get3A_331 = arith.index_cast %get3A_330 : i32 to index
      %get3A_332 = arith.constant 48 : index
      %get3A_333 = tpu.vector_load %arg10[%get3A_331, %get3A_332] {strides = array<i32>} : memref<2x128xi32, #tpu.memory_space<vmem>>, vector<16xi32>,
      tpu.vector_store_idx %arg14[%get3A_333], %broadcast_in_dim3A_3 {add = true} : memref<10240xf32, #tpu.memory_space<vmem>>[vector<16xi32>], vector<16xf32>,
      %get3A_334 = arith.constant 1 : i32
      %get3A_335 = arith.index_cast %get3A_334 : i32 to index
      %get3A_336 = arith.constant 64 : index
      %get3A_337 = tpu.vector_load %arg10[%get3A_335, %get3A_336] {strides = array<i32>} : memref<2x128xi32, #tpu.memory_space<vmem>>, vector<16xi32>,
      tpu.vector_store_idx %arg14[%get3A_337], %broadcast_in_dim3A_3 {add = true} : memref<10240xf32, #tpu.memory_space<vmem>>[vector<16xi32>], vector<16xf32>,
      %get3A_338 = arith.constant 1 : i32
      %get3A_339 = arith.index_cast %get3A_338 : i32 to index
      %get3A_340 = arith.constant 80 : index
      %get3A_341 = tpu.vector_load %arg10[%get3A_339, %get3A_340] {strides = array<i32>} : memref<2x128xi32, #tpu.memory_space<vmem>>, vector<16xi32>,
      tpu.vector_store_idx %arg14[%get3A_341], %broadcast_in_dim3A_3 {add = true} : memref<10240xf32, #tpu.memory_space<vmem>>[vector<16xi32>], vector<16xf32>,
      %get3A_342 = arith.constant 1 : i32
      %get3A_343 = arith.index_cast %get3A_342 : i32 to index
      %get3A_344 = arith.constant 96 : index
      %get3A_345 = tpu.vector_load %arg10[%get3A_343, %get3A_344] {strides = array<i32>} : memref<2x128xi32, #tpu.memory_space<vmem>>, vector<16xi32>,
      tpu.vector_store_idx %arg14[%get3A_345], %broadcast_in_dim3A_3 {add = true} : memref<10240xf32, #tpu.memory_space<vmem>>[vector<16xi32>], vector<16xf32>,
      %get3A_346 = arith.constant 1 : i32
      %get3A_347 = arith.index_cast %get3A_346 : i32 to index
      %get3A_348 = arith.constant 112 : index
      %get3A_349 = tpu.vector_load %arg10[%get3A_347, %get3A_348] {strides = array<i32>} : memref<2x128xi32, #tpu.memory_space<vmem>>, vector<16xi32>,
      tpu.vector_store_idx %arg14[%get3A_349], %broadcast_in_dim3A_3 {add = true} : memref<10240xf32, #tpu.memory_space<vmem>>[vector<16xi32>], vector<16xf32>,
      %ge3A_350 = arith.constant 1 : i32
      %ge3A_351 = arith.cmpi sge, %add3A_290, %ge3A_350 : i32
      %convert_element_type3A_352 = arith.extui %ge3A_351 : i1 to i32
      %cond3A_353 = arith.constant 0 : i32
      %cond3A_354 = arith.cmpi ne, %convert_element_type3A_352, %cond3A_353 : i32
      scf.if %cond3A_354 {
        %dma_wait3A_423 = arith.constant 0 : i32
        %dma_wait3A_424 = tpu.memref_slice %arg9[%scan3A_31, %dma_wait3A_423] : memref<2x128xi32, #tpu.memory_space<vmem>> -> memref<1x128xi32, #tpu.memory_space<vmem>>
        %dma_wait3A_425 = tpu.memref_squeeze %dma_wait3A_424 : memref<1x128xi32, #tpu.memory_space<vmem>> -> memref<128xi32, #tpu.memory_space<vmem>>
        %dma_wait3A_426 = arith.constant 0 : i32
        %dma_wait3A_427 = arith.constant 0 : i32
        %dma_wait3A_428 = tpu.memref_slice %arg2[%dma_wait3A_426, %dma_wait3A_427] : memref<10000x128xf32, #tpu.memory_space<hbm>> -> memref<10000x128xf32, #tpu.memory_space<hbm>>
        tpu.wait_indirect_dma semaphore(%arg21 : memref<!tpu.dma_semaphore, #tpu.memory_space<semaphore_mem>>) src(%dma_wait3A_428 : memref<10000x128xf32, #tpu.memory_space<hbm>>) dst(%arg13 : memref<128x128xf32, #tpu.memory_space<vmem>>)
        %dma_start3A_429 = arith.constant 0 : i32
        %dma_start3A_430 = tpu.memref_slice %arg9[%scan3A_34, %dma_start3A_429] : memref<2x128xi32, #tpu.memory_space<vmem>> -> memref<1x128xi32, #tpu.memory_space<vmem>>
        %dma_start3A_431 = tpu.memref_squeeze %dma_start3A_430 : memref<1x128xi32, #tpu.memory_space<vmem>> -> memref<128xi32, #tpu.memory_space<vmem>>
        %dma_start3A_432 = arith.constant 0 : i32
        %dma_start3A_433 = arith.constant 0 : i32
        %dma_start3A_434 = tpu.memref_slice %arg15[%dma_start3A_432, %dma_start3A_433] : memref<10240x128xf32, #tpu.memory_space<vmem_shared>> -> memref<10240x128xf32, #tpu.memory_space<vmem_shared>>
        tpu.enqueue_indirect_dma source(%arg13 : memref<128x128xf32, #tpu.memory_space<vmem>>) target(%dma_start3A_434 : memref<10240x128xf32, #tpu.memory_space<vmem_shared>>) offsets(%dma_start3A_431 : memref<128xi32, #tpu.memory_space<vmem>>) semaphore(%arg23 : memref<!tpu.dma_semaphore, #tpu.memory_space<semaphore_mem>>) {add = true}
      } else {
      }
      %mul3A_355 = arith.constant 4 : i32
      %mul3A_356 = arith.muli %mul3A_355, %scan3A_155 : i32
      %add3A_357 = arith.constant 3 : i32
      %add3A_358 = arith.addi %mul3A_356, %add3A_357 : i32
      %dma_wait3A_359 = arith.constant 0 : i32
      %dma_wait3A_360 = arith.constant 0 : i32
      %dma_wait3A_361 = arith.constant 0 : i32
      %dma_wait3A_362 = tpu.memref_slice %arg3[%dma_wait3A_359, %dma_wait3A_360, %dma_wait3A_361] : memref<2560x2x128xi32, #tpu.memory_space<hbm>> -> memref<1x2x128xi32, #tpu.memory_space<hbm>>
      %dma_wait3A_363 = tpu.memref_squeeze %dma_wait3A_362 : memref<1x2x128xi32, #tpu.memory_space<hbm>> -> memref<2x128xi32, #tpu.memory_space<hbm>>
      %dma_wait3A_364 = arith.constant 0 : i32
      %dma_wait3A_365 = arith.constant 0 : i32
      %dma_wait3A_366 = tpu.memref_slice %arg3[%dma_wait3A_359, %dma_wait3A_364, %dma_wait3A_365] : memref<2560x2x128xi32, #tpu.memory_space<hbm>> -> memref<1x2x128xi32, #tpu.memory_space<hbm>>
      %dma_wait3A_367 = tpu.memref_squeeze %dma_wait3A_366 : memref<1x2x128xi32, #tpu.memory_space<hbm>> -> memref<2x128xi32, #tpu.memory_space<hbm>>
      tpu.wait_dma2 semaphore(%arg19 : memref<!tpu.dma_semaphore, #tpu.memory_space<semaphore_mem>>) src(%dma_wait3A_367 : memref<2x128xi32, #tpu.memory_space<hbm>>) dst(%arg11 : memref<2x128xi32, #tpu.memory_space<vmem>>)
      %ge3A_368 = arith.constant 2 : i32
      %ge3A_369 = arith.cmpi sge, %add3A_358, %ge3A_368 : i32
      %convert_element_type3A_370 = arith.extui %ge3A_369 : i1 to i32
      %cond3A_371 = arith.constant 0 : i32
      %cond3A_372 = arith.cmpi ne, %convert_element_type3A_370, %cond3A_371 : i32
      scf.if %cond3A_372 {
        %dma_wait3A_423 = arith.constant 0 : i32
        %dma_wait3A_424 = tpu.memref_slice %arg9[%scan3A_34, %dma_wait3A_423] : memref<2x128xi32, #tpu.memory_space<vmem>> -> memref<1x128xi32, #tpu.memory_space<vmem>>
        %dma_wait3A_425 = tpu.memref_squeeze %dma_wait3A_424 : memref<1x128xi32, #tpu.memory_space<vmem>> -> memref<128xi32, #tpu.memory_space<vmem>>
        %dma_wait3A_426 = arith.constant 0 : i32
        %dma_wait3A_427 = arith.constant 0 : i32
        %dma_wait3A_428 = tpu.memref_slice %arg15[%dma_wait3A_426, %dma_wait3A_427] : memref<10240x128xf32, #tpu.memory_space<vmem_shared>> -> memref<10240x128xf32, #tpu.memory_space<vmem_shared>>
        tpu.wait_indirect_dma semaphore(%arg23 : memref<!tpu.dma_semaphore, #tpu.memory_space<semaphore_mem>>) src(%arg13 : memref<128x128xf32, #tpu.memory_space<vmem>>) dst(%dma_wait3A_428 : memref<10240x128xf32, #tpu.memory_space<vmem_shared>>)
      } else {
      }
      %add3A_373 = arith.constant 2 : i32
      %add3A_374 = arith.addi %add3A_358, %add3A_373 : i32
      %lt3A_375 = arith.constant 80 : i32
      %lt3A_376 = arith.cmpi slt, %add3A_374, %lt3A_375 : i32
      %convert_element_type3A_377 = arith.extui %lt3A_376 : i1 to i32
      %cond3A_378 = arith.constant 0 : i32
      %cond3A_379 = arith.cmpi ne, %convert_element_type3A_377, %cond3A_378 : i32
      scf.if %cond3A_379 {
        %add3A_423 = arith.constant 2 : i32
        %add3A_424 = arith.addi %add3A_358, %add3A_423 : i32
        %mul3A_425 = arith.constant 80 : i32
        %mul3A_426 = arith.muli %add3A, %mul3A_425 : i32
        %add3A_427 = arith.addi %mul3A_426, %add3A_424 : i32
        %dma_start3A_428 = arith.constant 0 : i32
        %dma_start3A_429 = arith.constant 0 : i32
        %dma_start3A_430 = tpu.memref_slice %arg3[%add3A_427, %dma_start3A_428, %dma_start3A_429] : memref<2560x2x128xi32, #tpu.memory_space<hbm>> -> memref<1x2x128xi32, #tpu.memory_space<hbm>>
        %dma_start3A_431 = tpu.memref_squeeze %dma_start3A_430 : memref<1x2x128xi32, #tpu.memory_space<hbm>> -> memref<2x128xi32, #tpu.memory_space<hbm>>
        %dma_start3A_432 = arith.constant 0 : i32
        %dma_start3A_433 = arith.constant 0 : i32
        %dma_start3A_434 = tpu.memref_slice %arg3[%add3A_427, %dma_start3A_432, %dma_start3A_433] : memref<2560x2x128xi32, #tpu.memory_space<hbm>> -> memref<1x2x128xi32, #tpu.memory_space<hbm>>
        %dma_start3A_435 = tpu.memref_squeeze %dma_start3A_434 : memref<1x2x128xi32, #tpu.memory_space<hbm>> -> memref<2x128xi32, #tpu.memory_space<hbm>>
        tpu.enqueue_dma source(%dma_start3A_435 : memref<2x128xi32, #tpu.memory_space<hbm>>) target(%arg9 : memref<2x128xi32, #tpu.memory_space<vmem>>) target_semaphore(%arg17 : memref<!tpu.dma_semaphore, #tpu.memory_space<semaphore_mem>>)
      } else {
      }
      %dma_start3A_380 = arith.constant 0 : i32
      %dma_start3A_381 = tpu.memref_slice %arg11[%scan3A_29, %dma_start3A_380] : memref<2x128xi32, #tpu.memory_space<vmem>> -> memref<1x128xi32, #tpu.memory_space<vmem>>
      %dma_start3A_382 = tpu.memref_squeeze %dma_start3A_381 : memref<1x128xi32, #tpu.memory_space<vmem>> -> memref<128xi32, #tpu.memory_space<vmem>>
      %dma_start3A_383 = arith.constant 0 : i32
      %dma_start3A_384 = arith.constant 0 : i32
      %dma_start3A_385 = tpu.memref_slice %arg2[%dma_start3A_383, %dma_start3A_384] : memref<10000x128xf32, #tpu.memory_space<hbm>> -> memref<10000x128xf32, #tpu.memory_space<hbm>>
      tpu.enqueue_indirect_dma source(%dma_start3A_385 : memref<10000x128xf32, #tpu.memory_space<hbm>>) target(%arg13 : memref<128x128xf32, #tpu.memory_space<vmem>>) offsets(%dma_start3A_382 : memref<128xi32, #tpu.memory_space<vmem>>) semaphore(%arg21 : memref<!tpu.dma_semaphore, #tpu.memory_space<semaphore_mem>>)
      %get3A_386 = arith.constant 1 : i32
      %get3A_387 = arith.index_cast %get3A_386 : i32 to index
      %get3A_388 = arith.constant 0 : index
      %get3A_389 = tpu.vector_load %arg11[%get3A_387, %get3A_388] {strides = array<i32>} : memref<2x128xi32, #tpu.memory_space<vmem>>, vector<16xi32>,
      tpu.vector_store_idx %arg14[%get3A_389], %broadcast_in_dim3A_3 {add = true} : memref<10240xf32, #tpu.memory_space<vmem>>[vector<16xi32>], vector<16xf32>,
      %get3A_390 = arith.constant 1 : i32
      %get3A_391 = arith.index_cast %get3A_390 : i32 to index
      %get3A_392 = arith.constant 16 : index
      %get3A_393 = tpu.vector_load %arg11[%get3A_391, %get3A_392] {strides = array<i32>} : memref<2x128xi32, #tpu.memory_space<vmem>>, vector<16xi32>,
      tpu.vector_store_idx %arg14[%get3A_393], %broadcast_in_dim3A_3 {add = true} : memref<10240xf32, #tpu.memory_space<vmem>>[vector<16xi32>], vector<16xf32>,
      %get3A_394 = arith.constant 1 : i32
      %get3A_395 = arith.index_cast %get3A_394 : i32 to index
      %get3A_396 = arith.constant 32 : index
      %get3A_397 = tpu.vector_load %arg11[%get3A_395, %get3A_396] {strides = array<i32>} : memref<2x128xi32, #tpu.memory_space<vmem>>, vector<16xi32>,
      tpu.vector_store_idx %arg14[%get3A_397], %broadcast_in_dim3A_3 {add = true} : memref<10240xf32, #tpu.memory_space<vmem>>[vector<16xi32>], vector<16xf32>,
      %get3A_398 = arith.constant 1 : i32
      %get3A_399 = arith.index_cast %get3A_398 : i32 to index
      %get3A_400 = arith.constant 48 : index
      %get3A_401 = tpu.vector_load %arg11[%get3A_399, %get3A_400] {strides = array<i32>} : memref<2x128xi32, #tpu.memory_space<vmem>>, vector<16xi32>,
      tpu.vector_store_idx %arg14[%get3A_401], %broadcast_in_dim3A_3 {add = true} : memref<10240xf32, #tpu.memory_space<vmem>>[vector<16xi32>], vector<16xf32>,
      %get3A_402 = arith.constant 1 : i32
      %get3A_403 = arith.index_cast %get3A_402 : i32 to index
      %get3A_404 = arith.constant 64 : index
      %get3A_405 = tpu.vector_load %arg11[%get3A_403, %get3A_404] {strides = array<i32>} : memref<2x128xi32, #tpu.memory_space<vmem>>, vector<16xi32>,
      tpu.vector_store_idx %arg14[%get3A_405], %broadcast_in_dim3A_3 {add = true} : memref<10240xf32, #tpu.memory_space<vmem>>[vector<16xi32>], vector<16xf32>,
      %get3A_406 = arith.constant 1 : i32
      %get3A_407 = arith.index_cast %get3A_406 : i32 to index
      %get3A_408 = arith.constant 80 : index
      %get3A_409 = tpu.vector_load %arg11[%get3A_407, %get3A_408] {strides = array<i32>} : memref<2x128xi32, #tpu.memory_space<vmem>>, vector<16xi32>,
      tpu.vector_store_idx %arg14[%get3A_409], %broadcast_in_dim3A_3 {add = true} : memref<10240xf32, #tpu.memory_space<vmem>>[vector<16xi32>], vector<16xf32>,
      %get3A_410 = arith.constant 1 : i32
      %get3A_411 = arith.index_cast %get3A_410 : i32 to index
      %get3A_412 = arith.constant 96 : index
      %get3A_413 = tpu.vector_load %arg11[%get3A_411, %get3A_412] {strides = array<i32>} : memref<2x128xi32, #tpu.memory_space<vmem>>, vector<16xi32>,
      tpu.vector_store_idx %arg14[%get3A_413], %broadcast_in_dim3A_3 {add = true} : memref<10240xf32, #tpu.memory_space<vmem>>[vector<16xi32>], vector<16xf32>,
      %get3A_414 = arith.constant 1 : i32
      %get3A_415 = arith.index_cast %get3A_414 : i32 to index
      %get3A_416 = arith.constant 112 : index
      %get3A_417 = tpu.vector_load %arg11[%get3A_415, %get3A_416] {strides = array<i32>} : memref<2x128xi32, #tpu.memory_space<vmem>>, vector<16xi32>,
      tpu.vector_store_idx %arg14[%get3A_417], %broadcast_in_dim3A_3 {add = true} : memref<10240xf32, #tpu.memory_space<vmem>>[vector<16xi32>], vector<16xf32>,
      %ge3A_418 = arith.constant 1 : i32
      %ge3A_419 = arith.cmpi sge, %add3A_358, %ge3A_418 : i32
      %convert_element_type3A_420 = arith.extui %ge3A_419 : i1 to i32
      %cond3A_421 = arith.constant 0 : i32
      %cond3A_422 = arith.cmpi ne, %convert_element_type3A_420, %cond3A_421 : i32
      scf.if %cond3A_422 {
        %dma_wait3A_423 = arith.constant 0 : i32
        %dma_wait3A_424 = tpu.memref_slice %arg10[%scan3A_33, %dma_wait3A_423] : memref<2x128xi32, #tpu.memory_space<vmem>> -> memref<1x128xi32, #tpu.memory_space<vmem>>
        %dma_wait3A_425 = tpu.memref_squeeze %dma_wait3A_424 : memref<1x128xi32, #tpu.memory_space<vmem>> -> memref<128xi32, #tpu.memory_space<vmem>>
        %dma_wait3A_426 = arith.constant 0 : i32
        %dma_wait3A_427 = arith.constant 0 : i32
        %dma_wait3A_428 = tpu.memref_slice %arg2[%dma_wait3A_426, %dma_wait3A_427] : memref<10000x128xf32, #tpu.memory_space<hbm>> -> memref<10000x128xf32, #tpu.memory_space<hbm>>
        tpu.wait_indirect_dma semaphore(%arg20 : memref<!tpu.dma_semaphore, #tpu.memory_space<semaphore_mem>>) src(%dma_wait3A_428 : memref<10000x128xf32, #tpu.memory_space<hbm>>) dst(%arg12 : memref<128x128xf32, #tpu.memory_space<vmem>>)
        %dma_start3A_429 = arith.constant 0 : i32
        %dma_start3A_430 = tpu.memref_slice %arg10[%scan3A_27, %dma_start3A_429] : memref<2x128xi32, #tpu.memory_space<vmem>> -> memref<1x128xi32, #tpu.memory_space<vmem>>
        %dma_start3A_431 = tpu.memref_squeeze %dma_start3A_430 : memref<1x128xi32, #tpu.memory_space<vmem>> -> memref<128xi32, #tpu.memory_space<vmem>>
        %dma_start3A_432 = arith.constant 0 : i32
        %dma_start3A_433 = arith.constant 0 : i32
        %dma_start3A_434 = tpu.memref_slice %arg15[%dma_start3A_432, %dma_start3A_433] : memref<10240x128xf32, #tpu.memory_space<vmem_shared>> -> memref<10240x128xf32, #tpu.memory_space<vmem_shared>>
        tpu.enqueue_indirect_dma source(%arg12 : memref<128x128xf32, #tpu.memory_space<vmem>>) target(%dma_start3A_434 : memref<10240x128xf32, #tpu.memory_space<vmem_shared>>) offsets(%dma_start3A_431 : memref<128xi32, #tpu.memory_space<vmem>>) semaphore(%arg22 : memref<!tpu.dma_semaphore, #tpu.memory_space<semaphore_mem>>) {add = true}
      } else {
      }
    }
    %scan3A_39 = arith.constant 20 : i32
    %dma_wait3A = arith.constant 0 : i32
    %dma_wait3A_40 = arith.constant 0 : i32
    %dma_wait3A_41 = tpu.memref_slice %arg11[%dma_wait3A, %dma_wait3A_40] : memref<2x128xi32, #tpu.memory_space<vmem>> -> memref<1x128xi32, #tpu.memory_space<vmem>>
    %dma_wait3A_42 = tpu.memref_squeeze %dma_wait3A_41 : memref<1x128xi32, #tpu.memory_space<vmem>> -> memref<128xi32, #tpu.memory_space<vmem>>
    %dma_wait3A_43 = arith.constant 0 : i32
    %dma_wait3A_44 = arith.constant 0 : i32
    %dma_wait3A_45 = tpu.memref_slice %arg2[%dma_wait3A_43, %dma_wait3A_44] : memref<10000x128xf32, #tpu.memory_space<hbm>> -> memref<10000x128xf32, #tpu.memory_space<hbm>>
    tpu.wait_indirect_dma semaphore(%arg21 : memref<!tpu.dma_semaphore, #tpu.memory_space<semaphore_mem>>) src(%dma_wait3A_45 : memref<10000x128xf32, #tpu.memory_space<hbm>>) dst(%arg13 : memref<128x128xf32, #tpu.memory_space<vmem>>)
    %dma_start3A_46 = arith.constant 1 : i32
    %dma_start3A_47 = arith.constant 0 : i32
    %dma_start3A_48 = tpu.memref_slice %arg11[%dma_start3A_46, %dma_start3A_47] : memref<2x128xi32, #tpu.memory_space<vmem>> -> memref<1x128xi32, #tpu.memory_space<vmem>>
    %dma_start3A_49 = tpu.memref_squeeze %dma_start3A_48 : memref<1x128xi32, #tpu.memory_space<vmem>> -> memref<128xi32, #tpu.memory_space<vmem>>
    %dma_start3A_50 = arith.constant 0 : i32
    %dma_start3A_51 = arith.constant 0 : i32
    %dma_start3A_52 = tpu.memref_slice %arg15[%dma_start3A_50, %dma_start3A_51] : memref<10240x128xf32, #tpu.memory_space<vmem_shared>> -> memref<10240x128xf32, #tpu.memory_space<vmem_shared>>
    tpu.enqueue_indirect_dma source(%arg13 : memref<128x128xf32, #tpu.memory_space<vmem>>) target(%dma_start3A_52 : memref<10240x128xf32, #tpu.memory_space<vmem_shared>>) offsets(%dma_start3A_49 : memref<128xi32, #tpu.memory_space<vmem>>) semaphore(%arg23 : memref<!tpu.dma_semaphore, #tpu.memory_space<semaphore_mem>>) {add = true}
    %dma_wait3A_53 = arith.constant 1 : i32
    %dma_wait3A_54 = arith.constant 0 : i32
    %dma_wait3A_55 = tpu.memref_slice %arg10[%dma_wait3A_53, %dma_wait3A_54] : memref<2x128xi32, #tpu.memory_space<vmem>> -> memref<1x128xi32, #tpu.memory_space<vmem>>
    %dma_wait3A_56 = tpu.memref_squeeze %dma_wait3A_55 : memref<1x128xi32, #tpu.memory_space<vmem>> -> memref<128xi32, #tpu.memory_space<vmem>>
    %dma_wait3A_57 = arith.constant 0 : i32
    %dma_wait3A_58 = arith.constant 0 : i32
    %dma_wait3A_59 = tpu.memref_slice %arg15[%dma_wait3A_57, %dma_wait3A_58] : memref<10240x128xf32, #tpu.memory_space<vmem_shared>> -> memref<10240x128xf32, #tpu.memory_space<vmem_shared>>
    tpu.wait_indirect_dma semaphore(%arg22 : memref<!tpu.dma_semaphore, #tpu.memory_space<semaphore_mem>>) src(%arg12 : memref<128x128xf32, #tpu.memory_space<vmem>>) dst(%dma_wait3A_59 : memref<10240x128xf32, #tpu.memory_space<vmem_shared>>)
    %dma_wait3A_60 = arith.constant 1 : i32
    %dma_wait3A_61 = arith.constant 0 : i32
    %dma_wait3A_62 = tpu.memref_slice %arg11[%dma_wait3A_60, %dma_wait3A_61] : memref<2x128xi32, #tpu.memory_space<vmem>> -> memref<1x128xi32, #tpu.memory_space<vmem>>
    %dma_wait3A_63 = tpu.memref_squeeze %dma_wait3A_62 : memref<1x128xi32, #tpu.memory_space<vmem>> -> memref<128xi32, #tpu.memory_space<vmem>>
    %dma_wait3A_64 = arith.constant 0 : i32
    %dma_wait3A_65 = arith.constant 0 : i32
    %dma_wait3A_66 = tpu.memref_slice %arg15[%dma_wait3A_64, %dma_wait3A_65] : memref<10240x128xf32, #tpu.memory_space<vmem_shared>> -> memref<10240x128xf32, #tpu.memory_space<vmem_shared>>
    tpu.wait_indirect_dma semaphore(%arg23 : memref<!tpu.dma_semaphore, #tpu.memory_space<semaphore_mem>>) src(%arg13 : memref<128x128xf32, #tpu.memory_space<vmem>>) dst(%dma_wait3A_66 : memref<10240x128xf32, #tpu.memory_space<vmem_shared>>)
    %barrier3A_67 = arith.constant 0 : index
    tpu.barrier barrier_id(%barrier3A_67)
    %dma_start3A_68 = arith.constant 0 : i32
    %dma_start3A_69 = tpu.memref_slice %arg7[%add3A, %dma_start3A_68] : memref<32x10240xf32, #tpu.memory_space<hbm>> -> memref<1x10240xf32, #tpu.memory_space<hbm>>
    %dma_start3A_70 = tpu.memref_squeeze %dma_start3A_69 : memref<1x10240xf32, #tpu.memory_space<hbm>> -> memref<10240xf32, #tpu.memory_space<hbm>>
    %dma_start3A_71 = arith.constant 0 : i32
    %dma_start3A_72 = tpu.memref_slice %arg7[%add3A, %dma_start3A_71] : memref<32x10240xf32, #tpu.memory_space<hbm>> -> memref<1x10240xf32, #tpu.memory_space<hbm>>
    %dma_start3A_73 = tpu.memref_squeeze %dma_start3A_72 : memref<1x10240xf32, #tpu.memory_space<hbm>> -> memref<10240xf32, #tpu.memory_space<hbm>>
    tpu.enqueue_dma source(%arg14 : memref<10240xf32, #tpu.memory_space<vmem>>) target(%dma_start3A_73 : memref<10240xf32, #tpu.memory_space<hbm>>) target_semaphore(%arg22 : memref<!tpu.dma_semaphore, #tpu.memory_space<semaphore_mem>>)
    %add3A_74 = arith.constant 0 : i32
    %add3A_75 = arith.addi %mul3A_2, %add3A_74 : i32
    "tpu.region"() ({
      %run_scoped3A = tpu.sem_alloc : memref<!tpu.dma_semaphore, #tpu.memory_space<semaphore_mem>>
      %dma_start3A_155 = arith.constant 0 : i32
      %dma_start3A_156 = tpu.memref_slice %arg15[%add3A_75, %dma_start3A_155] : memref<10240x128xf32, #tpu.memory_space<vmem_shared>> -> memref<128x128xf32, #tpu.memory_space<vmem_shared>>
      %dma_start3A_157 = arith.constant 0 : i32
      %dma_start3A_158 = tpu.memref_slice %arg15[%add3A_75, %dma_start3A_157] : memref<10240x128xf32, #tpu.memory_space<vmem_shared>> -> memref<128x128xf32, #tpu.memory_space<vmem_shared>>
      tpu.enqueue_dma source(%dma_start3A_158 : memref<128x128xf32, #tpu.memory_space<vmem_shared>>) target(%arg12 : memref<128x128xf32, #tpu.memory_space<vmem>>) target_semaphore(%run_scoped3A : memref<!tpu.dma_semaphore, #tpu.memory_space<semaphore_mem>>)
      %dma_wait3A_159 = arith.constant 0 : i32
      %dma_wait3A_160 = tpu.memref_slice %arg15[%add3A_75, %dma_wait3A_159] : memref<10240x128xf32, #tpu.memory_space<vmem_shared>> -> memref<128x128xf32, #tpu.memory_space<vmem_shared>>
      %dma_wait3A_161 = arith.constant 0 : i32
      %dma_wait3A_162 = tpu.memref_slice %arg15[%add3A_75, %dma_wait3A_161] : memref<10240x128xf32, #tpu.memory_space<vmem_shared>> -> memref<128x128xf32, #tpu.memory_space<vmem_shared>>
      tpu.wait_dma2 semaphore(%run_scoped3A : memref<!tpu.dma_semaphore, #tpu.memory_space<semaphore_mem>>) src(%dma_wait3A_162 : memref<128x128xf32, #tpu.memory_space<vmem_shared>>) dst(%arg12 : memref<128x128xf32, #tpu.memory_space<vmem>>)
      tpu.yield
    }) : () -> ()
    %mul3A_76 = arith.constant 10240 : i32
    %mul3A_77 = arith.muli %arg0, %mul3A_76 : i32
    %add3A_78 = arith.addi %mul3A_77, %mul3A_2 : i32
    %add3A_79 = arith.constant 0 : i32
    %add3A_80 = arith.addi %add3A_78, %add3A_79 : i32
    %dma_start3A_81 = arith.constant 0 : i32
    %dma_start3A_82 = tpu.memref_slice %arg6[%add3A_80, %dma_start3A_81] : memref<20480x128xf32, #tpu.memory_space<hbm>> -> memref<128x128xf32, #tpu.memory_space<hbm>>
    %dma_start3A_83 = arith.constant 0 : i32
    %dma_start3A_84 = tpu.memref_slice %arg6[%add3A_80, %dma_start3A_83] : memref<20480x128xf32, #tpu.memory_space<hbm>> -> memref<128x128xf32, #tpu.memory_space<hbm>>
    tpu.enqueue_dma source(%arg12 : memref<128x128xf32, #tpu.memory_space<vmem>>) target(%dma_start3A_84 : memref<128x128xf32, #tpu.memory_space<hbm>>) target_semaphore(%arg20 : memref<!tpu.dma_semaphore, #tpu.memory_space<semaphore_mem>>)
    %add3A_85 = arith.constant 128 : i32
    %add3A_86 = arith.addi %mul3A_2, %add3A_85 : i32
    "tpu.region"() ({
      %run_scoped3A = tpu.sem_alloc : memref<!tpu.dma_semaphore, #tpu.memory_space<semaphore_mem>>
      %dma_start3A_155 = arith.constant 0 : i32
      %dma_start3A_156 = tpu.memref_slice %arg15[%add3A_86, %dma_start3A_155] : memref<10240x128xf32, #tpu.memory_space<vmem_shared>> -> memref<128x128xf32, #tpu.memory_space<vmem_shared>>
      %dma_start3A_157 = arith.constant 0 : i32
      %dma_start3A_158 = tpu.memref_slice %arg15[%add3A_86, %dma_start3A_157] : memref<10240x128xf32, #tpu.memory_space<vmem_shared>> -> memref<128x128xf32, #tpu.memory_space<vmem_shared>>
      tpu.enqueue_dma source(%dma_start3A_158 : memref<128x128xf32, #tpu.memory_space<vmem_shared>>) target(%arg13 : memref<128x128xf32, #tpu.memory_space<vmem>>) target_semaphore(%run_scoped3A : memref<!tpu.dma_semaphore, #tpu.memory_space<semaphore_mem>>)
      %dma_wait3A_159 = arith.constant 0 : i32
      %dma_wait3A_160 = tpu.memref_slice %arg15[%add3A_86, %dma_wait3A_159] : memref<10240x128xf32, #tpu.memory_space<vmem_shared>> -> memref<128x128xf32, #tpu.memory_space<vmem_shared>>
      %dma_wait3A_161 = arith.constant 0 : i32
      %dma_wait3A_162 = tpu.memref_slice %arg15[%add3A_86, %dma_wait3A_161] : memref<10240x128xf32, #tpu.memory_space<vmem_shared>> -> memref<128x128xf32, #tpu.memory_space<vmem_shared>>
      tpu.wait_dma2 semaphore(%run_scoped3A : memref<!tpu.dma_semaphore, #tpu.memory_space<semaphore_mem>>) src(%dma_wait3A_162 : memref<128x128xf32, #tpu.memory_space<vmem_shared>>) dst(%arg13 : memref<128x128xf32, #tpu.memory_space<vmem>>)
      tpu.yield
    }) : () -> ()
    %mul3A_87 = arith.constant 10240 : i32
    %mul3A_88 = arith.muli %arg0, %mul3A_87 : i32
    %add3A_89 = arith.addi %mul3A_88, %mul3A_2 : i32
    %add3A_90 = arith.constant 128 : i32
    %add3A_91 = arith.addi %add3A_89, %add3A_90 : i32
    %dma_start3A_92 = arith.constant 0 : i32
    %dma_start3A_93 = tpu.memref_slice %arg6[%add3A_91, %dma_start3A_92] : memref<20480x128xf32, #tpu.memory_space<hbm>> -> memref<128x128xf32, #tpu.memory_space<hbm>>
    %dma_start3A_94 = arith.constant 0 : i32
    %dma_start3A_95 = tpu.memref_slice %arg6[%add3A_91, %dma_start3A_94] : memref<20480x128xf32, #tpu.memory_space<hbm>> -> memref<128x128xf32, #tpu.memory_space<hbm>>
    tpu.enqueue_dma source(%arg13 : memref<128x128xf32, #tpu.memory_space<vmem>>) target(%dma_start3A_95 : memref<128x128xf32, #tpu.memory_space<hbm>>) target_semaphore(%arg21 : memref<!tpu.dma_semaphore, #tpu.memory_space<semaphore_mem>>)
    %dma_wait3A_96 = arith.constant 0 : i32
    %dma_wait3A_97 = tpu.memref_slice %arg6[%add3A_80, %dma_wait3A_96] : memref<20480x128xf32, #tpu.memory_space<hbm>> -> memref<128x128xf32, #tpu.memory_space<hbm>>
    %dma_wait3A_98 = arith.constant 0 : i32
    %dma_wait3A_99 = tpu.memref_slice %arg6[%add3A_80, %dma_wait3A_98] : memref<20480x128xf32, #tpu.memory_space<hbm>> -> memref<128x128xf32, #tpu.memory_space<hbm>>
    tpu.wait_dma2 semaphore(%arg20 : memref<!tpu.dma_semaphore, #tpu.memory_space<semaphore_mem>>) src(%arg12 : memref<128x128xf32, #tpu.memory_space<vmem>>) dst(%dma_wait3A_99 : memref<128x128xf32, #tpu.memory_space<hbm>>)
    %add3A_100 = arith.constant 256 : i32
    %add3A_101 = arith.addi %mul3A_2, %add3A_100 : i32
    "tpu.region"() ({
      %run_scoped3A = tpu.sem_alloc : memref<!tpu.dma_semaphore, #tpu.memory_space<semaphore_mem>>
      %dma_start3A_155 = arith.constant 0 : i32
      %dma_start3A_156 = tpu.memref_slice %arg15[%add3A_101, %dma_start3A_155] : memref<10240x128xf32, #tpu.memory_space<vmem_shared>> -> memref<128x128xf32, #tpu.memory_space<vmem_shared>>
      %dma_start3A_157 = arith.constant 0 : i32
      %dma_start3A_158 = tpu.memref_slice %arg15[%add3A_101, %dma_start3A_157] : memref<10240x128xf32, #tpu.memory_space<vmem_shared>> -> memref<128x128xf32, #tpu.memory_space<vmem_shared>>
      tpu.enqueue_dma source(%dma_start3A_158 : memref<128x128xf32, #tpu.memory_space<vmem_shared>>) target(%arg12 : memref<128x128xf32, #tpu.memory_space<vmem>>) target_semaphore(%run_scoped3A : memref<!tpu.dma_semaphore, #tpu.memory_space<semaphore_mem>>)
      %dma_wait3A_159 = arith.constant 0 : i32
      %dma_wait3A_160 = tpu.memref_slice %arg15[%add3A_101, %dma_wait3A_159] : memref<10240x128xf32, #tpu.memory_space<vmem_shared>> -> memref<128x128xf32, #tpu.memory_space<vmem_shared>>
      %dma_wait3A_161 = arith.constant 0 : i32
      %dma_wait3A_162 = tpu.memref_slice %arg15[%add3A_101, %dma_wait3A_161] : memref<10240x128xf32, #tpu.memory_space<vmem_shared>> -> memref<128x128xf32, #tpu.memory_space<vmem_shared>>
      tpu.wait_dma2 semaphore(%run_scoped3A : memref<!tpu.dma_semaphore, #tpu.memory_space<semaphore_mem>>) src(%dma_wait3A_162 : memref<128x128xf32, #tpu.memory_space<vmem_shared>>) dst(%arg12 : memref<128x128xf32, #tpu.memory_space<vmem>>)
      tpu.yield
    }) : () -> ()
    %mul3A_102 = arith.constant 10240 : i32
    %mul3A_103 = arith.muli %arg0, %mul3A_102 : i32
    %add3A_104 = arith.addi %mul3A_103, %mul3A_2 : i32
    %add3A_105 = arith.constant 256 : i32
    %add3A_106 = arith.addi %add3A_104, %add3A_105 : i32
    %dma_start3A_107 = arith.constant 0 : i32
    %dma_start3A_108 = tpu.memref_slice %arg6[%add3A_106, %dma_start3A_107] : memref<20480x128xf32, #tpu.memory_space<hbm>> -> memref<128x128xf32, #tpu.memory_space<hbm>>
    %dma_start3A_109 = arith.constant 0 : i32
    %dma_start3A_110 = tpu.memref_slice %arg6[%add3A_106, %dma_start3A_109] : memref<20480x128xf32, #tpu.memory_space<hbm>> -> memref<128x128xf32, #tpu.memory_space<hbm>>
    tpu.enqueue_dma source(%arg12 : memref<128x128xf32, #tpu.memory_space<vmem>>) target(%dma_start3A_110 : memref<128x128xf32, #tpu.memory_space<hbm>>) target_semaphore(%arg20 : memref<!tpu.dma_semaphore, #tpu.memory_space<semaphore_mem>>)
    %dma_wait3A_111 = arith.constant 0 : i32
    %dma_wait3A_112 = tpu.memref_slice %arg6[%add3A_91, %dma_wait3A_111] : memref<20480x128xf32, #tpu.memory_space<hbm>> -> memref<128x128xf32, #tpu.memory_space<hbm>>
    %dma_wait3A_113 = arith.constant 0 : i32
    %dma_wait3A_114 = tpu.memref_slice %arg6[%add3A_91, %dma_wait3A_113] : memref<20480x128xf32, #tpu.memory_space<hbm>> -> memref<128x128xf32, #tpu.memory_space<hbm>>
    tpu.wait_dma2 semaphore(%arg21 : memref<!tpu.dma_semaphore, #tpu.memory_space<semaphore_mem>>) src(%arg13 : memref<128x128xf32, #tpu.memory_space<vmem>>) dst(%dma_wait3A_114 : memref<128x128xf32, #tpu.memory_space<hbm>>)
    %add3A_115 = arith.constant 384 : i32
    %add3A_116 = arith.addi %mul3A_2, %add3A_115 : i32
    "tpu.region"() ({
      %run_scoped3A = tpu.sem_alloc : memref<!tpu.dma_semaphore, #tpu.memory_space<semaphore_mem>>
      %dma_start3A_155 = arith.constant 0 : i32
      %dma_start3A_156 = tpu.memref_slice %arg15[%add3A_116, %dma_start3A_155] : memref<10240x128xf32, #tpu.memory_space<vmem_shared>> -> memref<128x128xf32, #tpu.memory_space<vmem_shared>>
      %dma_start3A_157 = arith.constant 0 : i32
      %dma_start3A_158 = tpu.memref_slice %arg15[%add3A_116, %dma_start3A_157] : memref<10240x128xf32, #tpu.memory_space<vmem_shared>> -> memref<128x128xf32, #tpu.memory_space<vmem_shared>>
      tpu.enqueue_dma source(%dma_start3A_158 : memref<128x128xf32, #tpu.memory_space<vmem_shared>>) target(%arg13 : memref<128x128xf32, #tpu.memory_space<vmem>>) target_semaphore(%run_scoped3A : memref<!tpu.dma_semaphore, #tpu.memory_space<semaphore_mem>>)
      %dma_wait3A_159 = arith.constant 0 : i32
      %dma_wait3A_160 = tpu.memref_slice %arg15[%add3A_116, %dma_wait3A_159] : memref<10240x128xf32, #tpu.memory_space<vmem_shared>> -> memref<128x128xf32, #tpu.memory_space<vmem_shared>>
      %dma_wait3A_161 = arith.constant 0 : i32
      %dma_wait3A_162 = tpu.memref_slice %arg15[%add3A_116, %dma_wait3A_161] : memref<10240x128xf32, #tpu.memory_space<vmem_shared>> -> memref<128x128xf32, #tpu.memory_space<vmem_shared>>
      tpu.wait_dma2 semaphore(%run_scoped3A : memref<!tpu.dma_semaphore, #tpu.memory_space<semaphore_mem>>) src(%dma_wait3A_162 : memref<128x128xf32, #tpu.memory_space<vmem_shared>>) dst(%arg13 : memref<128x128xf32, #tpu.memory_space<vmem>>)
      tpu.yield
    }) : () -> ()
    %mul3A_117 = arith.constant 10240 : i32
    %mul3A_118 = arith.muli %arg0, %mul3A_117 : i32
    %add3A_119 = arith.addi %mul3A_118, %mul3A_2 : i32
    %add3A_120 = arith.constant 384 : i32
    %add3A_121 = arith.addi %add3A_119, %add3A_120 : i32
    %dma_start3A_122 = arith.constant 0 : i32
    %dma_start3A_123 = tpu.memref_slice %arg6[%add3A_121, %dma_start3A_122] : memref<20480x128xf32, #tpu.memory_space<hbm>> -> memref<128x128xf32, #tpu.memory_space<hbm>>
    %dma_start3A_124 = arith.constant 0 : i32
    %dma_start3A_125 = tpu.memref_slice %arg6[%add3A_121, %dma_start3A_124] : memref<20480x128xf32, #tpu.memory_space<hbm>> -> memref<128x128xf32, #tpu.memory_space<hbm>>
    tpu.enqueue_dma source(%arg13 : memref<128x128xf32, #tpu.memory_space<vmem>>) target(%dma_start3A_125 : memref<128x128xf32, #tpu.memory_space<hbm>>) target_semaphore(%arg21 : memref<!tpu.dma_semaphore, #tpu.memory_space<semaphore_mem>>)
    %dma_wait3A_126 = arith.constant 0 : i32
    %dma_wait3A_127 = tpu.memref_slice %arg6[%add3A_106, %dma_wait3A_126] : memref<20480x128xf32, #tpu.memory_space<hbm>> -> memref<128x128xf32, #tpu.memory_space<hbm>>
    %dma_wait3A_128 = arith.constant 0 : i32
    %dma_wait3A_129 = tpu.memref_slice %arg6[%add3A_106, %dma_wait3A_128] : memref<20480x128xf32, #tpu.memory_space<hbm>> -> memref<128x128xf32, #tpu.memory_space<hbm>>
    tpu.wait_dma2 semaphore(%arg20 : memref<!tpu.dma_semaphore, #tpu.memory_space<semaphore_mem>>) src(%arg12 : memref<128x128xf32, #tpu.memory_space<vmem>>) dst(%dma_wait3A_129 : memref<128x128xf32, #tpu.memory_space<hbm>>)
    %add3A_130 = arith.constant 512 : i32
    %add3A_131 = arith.addi %mul3A_2, %add3A_130 : i32
    "tpu.region"() ({
      %run_scoped3A = tpu.sem_alloc : memref<!tpu.dma_semaphore, #tpu.memory_space<semaphore_mem>>
      %dma_start3A_155 = arith.constant 0 : i32
      %dma_start3A_156 = tpu.memref_slice %arg15[%add3A_131, %dma_start3A_155] : memref<10240x128xf32, #tpu.memory_space<vmem_shared>> -> memref<128x128xf32, #tpu.memory_space<vmem_shared>>
      %dma_start3A_157 = arith.constant 0 : i32
      %dma_start3A_158 = tpu.memref_slice %arg15[%add3A_131, %dma_start3A_157] : memref<10240x128xf32, #tpu.memory_space<vmem_shared>> -> memref<128x128xf32, #tpu.memory_space<vmem_shared>>
      tpu.enqueue_dma source(%dma_start3A_158 : memref<128x128xf32, #tpu.memory_space<vmem_shared>>) target(%arg12 : memref<128x128xf32, #tpu.memory_space<vmem>>) target_semaphore(%run_scoped3A : memref<!tpu.dma_semaphore, #tpu.memory_space<semaphore_mem>>)
      %dma_wait3A_159 = arith.constant 0 : i32
      %dma_wait3A_160 = tpu.memref_slice %arg15[%add3A_131, %dma_wait3A_159] : memref<10240x128xf32, #tpu.memory_space<vmem_shared>> -> memref<128x128xf32, #tpu.memory_space<vmem_shared>>
      %dma_wait3A_161 = arith.constant 0 : i32
      %dma_wait3A_162 = tpu.memref_slice %arg15[%add3A_131, %dma_wait3A_161] : memref<10240x128xf32, #tpu.memory_space<vmem_shared>> -> memref<128x128xf32, #tpu.memory_space<vmem_shared>>
      tpu.wait_dma2 semaphore(%run_scoped3A : memref<!tpu.dma_semaphore, #tpu.memory_space<semaphore_mem>>) src(%dma_wait3A_162 : memref<128x128xf32, #tpu.memory_space<vmem_shared>>) dst(%arg12 : memref<128x128xf32, #tpu.memory_space<vmem>>)
      tpu.yield
    }) : () -> ()
    %mul3A_132 = arith.constant 10240 : i32
    %mul3A_133 = arith.muli %arg0, %mul3A_132 : i32
    %add3A_134 = arith.addi %mul3A_133, %mul3A_2 : i32
    %add3A_135 = arith.constant 512 : i32
    %add3A_136 = arith.addi %add3A_134, %add3A_135 : i32
    %dma_start3A_137 = arith.constant 0 : i32
    %dma_start3A_138 = tpu.memref_slice %arg6[%add3A_136, %dma_start3A_137] : memref<20480x128xf32, #tpu.memory_space<hbm>> -> memref<128x128xf32, #tpu.memory_space<hbm>>
    %dma_start3A_139 = arith.constant 0 : i32
    %dma_start3A_140 = tpu.memref_slice %arg6[%add3A_136, %dma_start3A_139] : memref<20480x128xf32, #tpu.memory_space<hbm>> -> memref<128x128xf32, #tpu.memory_space<hbm>>
    tpu.enqueue_dma source(%arg12 : memref<128x128xf32, #tpu.memory_space<vmem>>) target(%dma_start3A_140 : memref<128x128xf32, #tpu.memory_space<hbm>>) target_semaphore(%arg20 : memref<!tpu.dma_semaphore, #tpu.memory_space<semaphore_mem>>)
    %dma_wait3A_141 = arith.constant 0 : i32
    %dma_wait3A_142 = tpu.memref_slice %arg6[%add3A_121, %dma_wait3A_141] : memref<20480x128xf32, #tpu.memory_space<hbm>> -> memref<128x128xf32, #tpu.memory_space<hbm>>
    %dma_wait3A_143 = arith.constant 0 : i32
    %dma_wait3A_144 = tpu.memref_slice %arg6[%add3A_121, %dma_wait3A_143] : memref<20480x128xf32, #tpu.memory_space<hbm>> -> memref<128x128xf32, #tpu.memory_space<hbm>>
    tpu.wait_dma2 semaphore(%arg21 : memref<!tpu.dma_semaphore, #tpu.memory_space<semaphore_mem>>) src(%arg13 : memref<128x128xf32, #tpu.memory_space<vmem>>) dst(%dma_wait3A_144 : memref<128x128xf32, #tpu.memory_space<hbm>>)
    %dma_wait3A_145 = arith.constant 0 : i32
    %dma_wait3A_146 = tpu.memref_slice %arg6[%add3A_136, %dma_wait3A_145] : memref<20480x128xf32, #tpu.memory_space<hbm>> -> memref<128x128xf32, #tpu.memory_space<hbm>>
    %dma_wait3A_147 = arith.constant 0 : i32
    %dma_wait3A_148 = tpu.memref_slice %arg6[%add3A_136, %dma_wait3A_147] : memref<20480x128xf32, #tpu.memory_space<hbm>> -> memref<128x128xf32, #tpu.memory_space<hbm>>
    tpu.wait_dma2 semaphore(%arg20 : memref<!tpu.dma_semaphore, #tpu.memory_space<semaphore_mem>>) src(%arg12 : memref<128x128xf32, #tpu.memory_space<vmem>>) dst(%dma_wait3A_148 : memref<128x128xf32, #tpu.memory_space<hbm>>)
    %dma_wait3A_149 = arith.constant 0 : i32
    %dma_wait3A_150 = tpu.memref_slice %arg7[%add3A, %dma_wait3A_149] : memref<32x10240xf32, #tpu.memory_space<hbm>> -> memref<1x10240xf32, #tpu.memory_space<hbm>>
    %dma_wait3A_151 = tpu.memref_squeeze %dma_wait3A_150 : memref<1x10240xf32, #tpu.memory_space<hbm>> -> memref<10240xf32, #tpu.memory_space<hbm>>
    %dma_wait3A_152 = arith.constant 0 : i32
    %dma_wait3A_153 = tpu.memref_slice %arg7[%add3A, %dma_wait3A_152] : memref<32x10240xf32, #tpu.memory_space<hbm>> -> memref<1x10240xf32, #tpu.memory_space<hbm>>
    %dma_wait3A_154 = tpu.memref_squeeze %dma_wait3A_153 : memref<1x10240xf32, #tpu.memory_space<hbm>> -> memref<10240xf32, #tpu.memory_space<hbm>>
    tpu.wait_dma2 semaphore(%arg22 : memref<!tpu.dma_semaphore, #tpu.memory_space<semaphore_mem>>) src(%arg14 : memref<10240xf32, #tpu.memory_space<vmem>>) dst(%dma_wait3A_154 : memref<10240xf32, #tpu.memory_space<hbm>>)
    return
  }
}

module attributes {stable_mosaic.version = 14 : i64} {
  func.func @body(%arg0: i32, %arg1: memref<1000x128xf32, #tpu.memory_space<vmem>>, %arg2: memref<128x128xf32, #tpu.memory_space<vmem>>, %arg3: memref<1000x128xf32, #tpu.memory_space<vmem>>) attributes {dimension_semantics = [#tpu.dimension_semantics<arbitrary>], iteration_bounds = array<i64: 10>, scalar_prefetch = 0 : i64, scratch_operands = 0 : i64, tpu.core_type = #tpu.core_type<tc>, window_params = [{transform_indices = @transform_0, window_bounds = array<i64: 1000, 128>}, {pipeline_mode = #tpu.pipeline_mode<synchronous>, transform_indices = @transform_1, window_bounds = array<i64: 128, 128>}, {transform_indices = @transform_2, window_bounds = array<i64: 1000, 128>}]} {
    %get3A = arith.constant 0 : index
    %get3A_0 = arith.constant 0 : index
    %get3A_1 = vector.load %arg1[%get3A, %get3A_0] : memref<1000x128xf32, #tpu.memory_space<vmem>>, vector<1000x128xf32>
    %get3A_2 = arith.constant 0 : index
    %get3A_3 = arith.constant 0 : index
    %get3A_4 = vector.load %arg2[%get3A_2, %get3A_3] : memref<128x128xf32, #tpu.memory_space<vmem>>, vector<128x128xf32>
    %dot_general3A = arith.constant dense<0.000000e+00> : vector<1000x128xf32>
    %dot_general3A_5 = tpu.matmul %get3A_1, %get3A_4, %dot_general3A {dimension_numbers = #tpu.dot_dimension_numbers<[1], [0], [0], [1], [0, 0, 1, 1], [], []>, transpose_lhs_hint = false} : vector<1000x128xf32>, vector<128x128xf32>, vector<1000x128xf32> -> vector<1000x128xf32>
    %swap3A = arith.constant 0 : index
    %swap3A_6 = arith.constant 0 : index
    %swap3A_7 = vector.load %arg3[%swap3A, %swap3A_6] : memref<1000x128xf32, #tpu.memory_space<vmem>>, vector<1000x128xf32>
    tpu.vector_store %arg3[%swap3A, %swap3A_6], %dot_general3A_5 {strides = array<i32>} : memref<1000x128xf32, #tpu.memory_space<vmem>>, vector<1000x128xf32>,
    return
  }
  func.func @transform_0(%arg0: i32) -> (i32, i32) {
    %c0_i32 = arith.constant 0 : i32
    %c0_i32_0 = arith.constant 0 : i32
    return %arg0, %c0_i32 : i32, i32
  }
  func.func @transform_1(%arg0: i32) -> (i32, i32) {
    %c0_i32 = arith.constant 0 : i32
    %c0_i32_0 = arith.constant 0 : i32
    %c0_i32_1 = arith.constant 0 : i32
    return %c0_i32, %c0_i32_0 : i32, i32
  }
  func.func @transform_2(%arg0: i32) -> (i32, i32) {
    %c0_i32 = arith.constant 0 : i32
    %c0_i32_0 = arith.constant 0 : i32
    return %arg0, %c0_i32 : i32, i32
  }
}

module attributes {stable_mosaic.version = 14 : i64} {
  func.func @body(%arg0: i32, %arg1: memref<2x1000x128xf32, #tpu.memory_space<vmem>>, %arg2: memref<32x1x1x1000xf32, #tpu.memory_space<vmem>>, %arg3: memref<1000x128xf32, #tpu.memory_space<vmem>>) attributes {dimension_semantics = [#tpu.dimension_semantics<arbitrary>], iteration_bounds = array<i64: 10>, scalar_prefetch = 0 : i64, scratch_operands = 0 : i64, tpu.core_type = #tpu.core_type<tc>, window_params = [{transform_indices = @transform_0, window_bounds = array<i64: 2, 1000, 128>}, {transform_indices = @transform_1, window_bounds = array<i64: 32, 1, 1, 1000>}, {transform_indices = @transform_2, window_bounds = array<i64: 1000, 128>}]} {
    %get3A = arith.constant 0 : index
    %get3A_0 = arith.constant 0 : index
    %get3A_1 = arith.constant 0 : index
    %get3A_2 = vector.load %arg1[%get3A, %get3A_0, %get3A_1] : memref<2x1000x128xf32, #tpu.memory_space<vmem>>, vector<1x1000x128xf32>
    %get3A_3 = vector.shape_cast %get3A_2 : vector<1x1000x128xf32> to vector<1000x128xf32>
    %get3A_4 = arith.constant 1 : index
    %get3A_5 = arith.constant 0 : index
    %get3A_6 = arith.constant 0 : index
    %get3A_7 = vector.load %arg1[%get3A_4, %get3A_5, %get3A_6] : memref<2x1000x128xf32, #tpu.memory_space<vmem>>, vector<1x1000x128xf32>
    %get3A_8 = vector.shape_cast %get3A_7 : vector<1x1000x128xf32> to vector<1000x128xf32>
    %add3A = arith.addf %get3A_3, %get3A_8 : vector<1000x128xf32>
    %get3A_9 = arith.constant 0 : index
    %get3A_10 = arith.constant 0 : index
    %get3A_11 = arith.constant 0 : index
    %get3A_12 = arith.constant 0 : index
    %get3A_13 = vector.load %arg2[%get3A_9, %get3A_10, %get3A_11, %get3A_12] : memref<32x1x1x1000xf32, #tpu.memory_space<vmem>>, vector<32x1x1x1000xf32>
    %get3A_14 = vector.shape_cast %get3A_13 : vector<32x1x1x1000xf32> to vector<32x1000xf32>
    %reduce_sum3A = arith.constant dense<0.000000e+00> : vector<1000xf32>
    %reduce_sum3A_15 = vector.multi_reduction <add>, %get3A_14, %reduce_sum3A [0] : vector<32x1000xf32> to vector<1000xf32>
    %broadcast_in_dim3A = vector.shape_cast %reduce_sum3A_15 : vector<1000xf32> to vector<1000x1xf32>
    %gt3A = arith.constant 0.000000e+00 : f32
    %gt3A_16 = vector.broadcast %gt3A : f32 to vector<1000x1xf32>
    %gt3A_17 = arith.cmpf ogt, %broadcast_in_dim3A, %gt3A_16 : vector<1000x1xf32>
    %div3A = arith.constant 1.000000e+00 : f32
    %div3A_18 = vector.broadcast %div3A : f32 to vector<1000x1xf32>
    %div3A_19 = arith.divf %div3A_18, %broadcast_in_dim3A : vector<1000x1xf32>
    %jit3A = arith.constant 0.000000e+00 : f32
    %broadcast_in_dim3A_20 = vector.broadcast %jit3A : f32 to vector<1000x1xf32>
    %select_n3A = arith.select %gt3A_17, %div3A_19, %broadcast_in_dim3A_20 : vector<1000x1xi1>, vector<1000x1xf32>
    %mul3A = vector.broadcast %select_n3A : vector<1000x1xf32> to vector<1000x128xf32>
    %mul3A_21 = arith.mulf %add3A, %mul3A : vector<1000x128xf32>
    %swap3A = arith.constant 0 : index
    %swap3A_22 = arith.constant 0 : index
    %swap3A_23 = vector.load %arg3[%swap3A, %swap3A_22] : memref<1000x128xf32, #tpu.memory_space<vmem>>, vector<1000x128xf32>
    tpu.vector_store %arg3[%swap3A, %swap3A_22], %mul3A_21 {strides = array<i32>} : memref<1000x128xf32, #tpu.memory_space<vmem>>, vector<1000x128xf32>,
    return
  }
  func.func @transform_0(%arg0: i32) -> (i32, i32, i32) {
    %c0_i32 = arith.constant 0 : i32
    %c0_i32_0 = arith.constant 0 : i32
    %c0_i32_1 = arith.constant 0 : i32
    return %c0_i32, %arg0, %c0_i32_0 : i32, i32, i32
  }
  func.func @transform_1(%arg0: i32) -> (i32, i32, i32, i32) {
    %c0_i32 = arith.constant 0 : i32
    %c0_i32_0 = arith.constant 0 : i32
    %c0_i32_1 = arith.constant 0 : i32
    %c0_i32_2 = arith.constant 0 : i32
    return %c0_i32, %arg0, %c0_i32_0, %c0_i32_1 : i32, i32, i32, i32
  }
  func.func @transform_2(%arg0: i32) -> (i32, i32) {
    %c0_i32 = arith.constant 0 : i32
    %c0_i32_0 = arith.constant 0 : i32
    return %arg0, %c0_i32 : i32, i32
  }
}

module attributes {stable_mosaic.version = 14 : i64} {
  func.func @body(%arg0: i32, %arg1: memref<2x1000x128xf32, #tpu.memory_space<vmem>>, %arg2: memref<32x1x1x1000xf32, #tpu.memory_space<vmem>>, %arg3: memref<1x128xf32, #tpu.memory_space<vmem>>, %arg4: memref<128x128xf32, #tpu.memory_space<vmem>>, %arg5: memref<1000x128xf32, #tpu.memory_space<vmem>>) attributes {dimension_semantics = [#tpu.dimension_semantics<arbitrary>], iteration_bounds = array<i64: 10>, scalar_prefetch = 0 : i64, scratch_operands = 0 : i64, tpu.core_type = #tpu.core_type<tc>, window_params = [{transform_indices = @transform_0, window_bounds = array<i64: 2, 1000, 128>}, {transform_indices = @transform_1, window_bounds = array<i64: 32, 1, 1, 1000>}, {pipeline_mode = #tpu.pipeline_mode<synchronous>, transform_indices = @transform_2, window_bounds = array<i64: 1, 128>}, {pipeline_mode = #tpu.pipeline_mode<synchronous>, transform_indices = @transform_3, window_bounds = array<i64: 128, 128>}, {transform_indices = @transform_4, window_bounds = array<i64: 1000, 128>}]} {
    %get3A = arith.constant 0 : index
    %get3A_0 = arith.constant 0 : index
    %get3A_1 = arith.constant 0 : index
    %get3A_2 = vector.load %arg1[%get3A, %get3A_0, %get3A_1] : memref<2x1000x128xf32, #tpu.memory_space<vmem>>, vector<1x1000x128xf32>
    %get3A_3 = vector.shape_cast %get3A_2 : vector<1x1000x128xf32> to vector<1000x128xf32>
    %get3A_4 = arith.constant 1 : index
    %get3A_5 = arith.constant 0 : index
    %get3A_6 = arith.constant 0 : index
    %get3A_7 = vector.load %arg1[%get3A_4, %get3A_5, %get3A_6] : memref<2x1000x128xf32, #tpu.memory_space<vmem>>, vector<1x1000x128xf32>
    %get3A_8 = vector.shape_cast %get3A_7 : vector<1x1000x128xf32> to vector<1000x128xf32>
    %add3A = arith.addf %get3A_3, %get3A_8 : vector<1000x128xf32>
    %get3A_9 = arith.constant 0 : index
    %get3A_10 = arith.constant 0 : index
    %get3A_11 = arith.constant 0 : index
    %get3A_12 = arith.constant 0 : index
    %get3A_13 = vector.load %arg2[%get3A_9, %get3A_10, %get3A_11, %get3A_12] : memref<32x1x1x1000xf32, #tpu.memory_space<vmem>>, vector<32x1x1x1000xf32>
    %get3A_14 = vector.shape_cast %get3A_13 : vector<32x1x1x1000xf32> to vector<32x1000xf32>
    %reduce_sum3A = arith.constant dense<0.000000e+00> : vector<1000xf32>
    %reduce_sum3A_15 = vector.multi_reduction <add>, %get3A_14, %reduce_sum3A [0] : vector<32x1000xf32> to vector<1000xf32>
    %broadcast_in_dim3A = vector.shape_cast %reduce_sum3A_15 : vector<1000xf32> to vector<1000x1xf32>
    %gt3A = arith.constant 0.000000e+00 : f32
    %gt3A_16 = vector.broadcast %gt3A : f32 to vector<1000x1xf32>
    %gt3A_17 = arith.cmpf ogt, %broadcast_in_dim3A, %gt3A_16 : vector<1000x1xf32>
    %div3A = arith.constant 1.000000e+00 : f32
    %div3A_18 = vector.broadcast %div3A : f32 to vector<1000x1xf32>
    %div3A_19 = arith.divf %div3A_18, %broadcast_in_dim3A : vector<1000x1xf32>
    %jit3A = arith.constant 0.000000e+00 : f32
    %broadcast_in_dim3A_20 = vector.broadcast %jit3A : f32 to vector<1000x1xf32>
    %select_n3A = arith.select %gt3A_17, %div3A_19, %broadcast_in_dim3A_20 : vector<1000x1xi1>, vector<1000x1xf32>
    %mul3A = vector.broadcast %select_n3A : vector<1000x1xf32> to vector<1000x128xf32>
    %mul3A_21 = arith.mulf %add3A, %mul3A : vector<1000x128xf32>
    %get3A_22 = arith.constant 0 : index
    %get3A_23 = arith.constant 0 : index
    %get3A_24 = vector.load %arg3[%get3A_22, %get3A_23] : memref<1x128xf32, #tpu.memory_space<vmem>>, vector<1x128xf32>
    %add3A_25 = vector.broadcast %get3A_24 : vector<1x128xf32> to vector<1000x128xf32>
    %add3A_26 = arith.addf %mul3A_21, %add3A_25 : vector<1000x128xf32>
    %max3A = arith.constant 0.000000e+00 : f32
    %max3A_27 = vector.broadcast %max3A : f32 to vector<1000x128xf32>
    %max3A_28 = arith.maximumf %add3A_26, %max3A_27 : vector<1000x128xf32>
    %get3A_29 = arith.constant 0 : index
    %get3A_30 = arith.constant 0 : index
    %get3A_31 = vector.load %arg4[%get3A_29, %get3A_30] : memref<128x128xf32, #tpu.memory_space<vmem>>, vector<128x128xf32>
    %dot_general3A = arith.constant dense<0.000000e+00> : vector<1000x128xf32>
    %dot_general3A_32 = tpu.matmul %max3A_28, %get3A_31, %dot_general3A {dimension_numbers = #tpu.dot_dimension_numbers<[1], [0], [0], [1], [0, 0, 1, 1], [], []>, transpose_lhs_hint = false} : vector<1000x128xf32>, vector<128x128xf32>, vector<1000x128xf32> -> vector<1000x128xf32>
    %swap3A = arith.constant 0 : index
    %swap3A_33 = arith.constant 0 : index
    %swap3A_34 = vector.load %arg5[%swap3A, %swap3A_33] : memref<1000x128xf32, #tpu.memory_space<vmem>>, vector<1000x128xf32>
    tpu.vector_store %arg5[%swap3A, %swap3A_33], %dot_general3A_32 {strides = array<i32>} : memref<1000x128xf32, #tpu.memory_space<vmem>>, vector<1000x128xf32>,
    return
  }
  func.func @transform_0(%arg0: i32) -> (i32, i32, i32) {
    %c0_i32 = arith.constant 0 : i32
    %c0_i32_0 = arith.constant 0 : i32
    %c0_i32_1 = arith.constant 0 : i32
    return %c0_i32, %arg0, %c0_i32_0 : i32, i32, i32
  }
  func.func @transform_1(%arg0: i32) -> (i32, i32, i32, i32) {
    %c0_i32 = arith.constant 0 : i32
    %c0_i32_0 = arith.constant 0 : i32
    %c0_i32_1 = arith.constant 0 : i32
    %c0_i32_2 = arith.constant 0 : i32
    return %c0_i32, %arg0, %c0_i32_0, %c0_i32_1 : i32, i32, i32, i32
  }
  func.func @transform_2(%arg0: i32) -> (i32, i32) {
    %c0_i32 = arith.constant 0 : i32
    %c0_i32_0 = arith.constant 0 : i32
    %c0_i32_1 = arith.constant 0 : i32
    return %c0_i32, %c0_i32_0 : i32, i32
  }
  func.func @transform_3(%arg0: i32) -> (i32, i32) {
    %c0_i32 = arith.constant 0 : i32
    %c0_i32_0 = arith.constant 0 : i32
    %c0_i32_1 = arith.constant 0 : i32
    return %c0_i32, %c0_i32_0 : i32, i32
  }
  func.func @transform_4(%arg0: i32) -> (i32, i32) {
    %c0_i32 = arith.constant 0 : i32
    %c0_i32_0 = arith.constant 0 : i32
    return %arg0, %c0_i32 : i32, i32
  }
}

module attributes {stable_mosaic.version = 14 : i64} {
  func.func @body(%arg0: i32, %arg1: memref<2x1000x128xf32, #tpu.memory_space<vmem>>, %arg2: memref<32x1x1x1000xf32, #tpu.memory_space<vmem>>, %arg3: memref<1x128xf32, #tpu.memory_space<vmem>>, %arg4: memref<1x1x1000xi32, #tpu.memory_space<vmem>>, %arg5: memref<64x128xf32, #tpu.memory_space<vmem>>, %arg6: memref<64x128xf32, #tpu.memory_space<vmem>>, %arg7: memref<64x128xf32, #tpu.memory_space<vmem>>) attributes {dimension_semantics = [#tpu.dimension_semantics<arbitrary>], iteration_bounds = array<i64: 10>, scalar_prefetch = 0 : i64, scratch_operands = 2 : i64, tpu.core_type = #tpu.core_type<tc>, window_params = [{transform_indices = @transform_0, window_bounds = array<i64: 2, 1000, 128>}, {transform_indices = @transform_1, window_bounds = array<i64: 32, 1, 1, 1000>}, {pipeline_mode = #tpu.pipeline_mode<synchronous>, transform_indices = @transform_2, window_bounds = array<i64: 1, 128>}, {transform_indices = @transform_3, window_bounds = array<i64: 1, 1, 1000>}, {pipeline_mode = #tpu.pipeline_mode<synchronous>, transform_indices = @transform_4, window_bounds = array<i64: 64, 128>}]} {
    %eq3A = arith.constant 0 : i32
    %eq3A_0 = arith.cmpi eq, %arg0, %eq3A : i32
    %convert_element_type3A = arith.extui %eq3A_0 : i1 to i32
    %cond3A = arith.constant 0 : i32
    %cond3A_1 = arith.cmpi ne, %convert_element_type3A, %cond3A : i32
    scf.if %cond3A_1 {
      %broadcast_in_dim3A_65 = arith.constant 0.000000e+00 : f32
      %broadcast_in_dim3A_66 = vector.broadcast %broadcast_in_dim3A_65 : f32 to vector<64x128xf32>
      %swap3A_67 = arith.constant 0 : index
      %swap3A_68 = arith.constant 0 : index
      %swap3A_69 = vector.load %arg6[%swap3A_67, %swap3A_68] : memref<64x128xf32, #tpu.memory_space<vmem>>, vector<64x128xf32>
      tpu.vector_store %arg6[%swap3A_67, %swap3A_68], %broadcast_in_dim3A_66 {strides = array<i32>} : memref<64x128xf32, #tpu.memory_space<vmem>>, vector<64x128xf32>,
      %broadcast_in_dim3A_70 = arith.constant 0.000000e+00 : f32
      %broadcast_in_dim3A_71 = vector.broadcast %broadcast_in_dim3A_70 : f32 to vector<64x128xf32>
      %swap3A_72 = arith.constant 0 : index
      %swap3A_73 = arith.constant 0 : index
      %swap3A_74 = vector.load %arg7[%swap3A_72, %swap3A_73] : memref<64x128xf32, #tpu.memory_space<vmem>>, vector<64x128xf32>
      tpu.vector_store %arg7[%swap3A_72, %swap3A_73], %broadcast_in_dim3A_71 {strides = array<i32>} : memref<64x128xf32, #tpu.memory_space<vmem>>, vector<64x128xf32>,
    } else {
    }
    %get3A = arith.constant 0 : index
    %get3A_2 = arith.constant 0 : index
    %get3A_3 = arith.constant 0 : index
    %get3A_4 = vector.load %arg1[%get3A, %get3A_2, %get3A_3] : memref<2x1000x128xf32, #tpu.memory_space<vmem>>, vector<1x1000x128xf32>
    %get3A_5 = vector.shape_cast %get3A_4 : vector<1x1000x128xf32> to vector<1000x128xf32>
    %get3A_6 = arith.constant 1 : index
    %get3A_7 = arith.constant 0 : index
    %get3A_8 = arith.constant 0 : index
    %get3A_9 = vector.load %arg1[%get3A_6, %get3A_7, %get3A_8] : memref<2x1000x128xf32, #tpu.memory_space<vmem>>, vector<1x1000x128xf32>
    %get3A_10 = vector.shape_cast %get3A_9 : vector<1x1000x128xf32> to vector<1000x128xf32>
    %add3A = arith.addf %get3A_5, %get3A_10 : vector<1000x128xf32>
    %get3A_11 = arith.constant 0 : index
    %get3A_12 = arith.constant 0 : index
    %get3A_13 = arith.constant 0 : index
    %get3A_14 = arith.constant 0 : index
    %get3A_15 = vector.load %arg2[%get3A_11, %get3A_12, %get3A_13, %get3A_14] : memref<32x1x1x1000xf32, #tpu.memory_space<vmem>>, vector<32x1x1x1000xf32>
    %get3A_16 = vector.shape_cast %get3A_15 : vector<32x1x1x1000xf32> to vector<32x1000xf32>
    %reduce_sum3A = arith.constant dense<0.000000e+00> : vector<1000xf32>
    %reduce_sum3A_17 = vector.multi_reduction <add>, %get3A_16, %reduce_sum3A [0] : vector<32x1000xf32> to vector<1000xf32>
    %broadcast_in_dim3A = vector.shape_cast %reduce_sum3A_17 : vector<1000xf32> to vector<1000x1xf32>
    %gt3A = arith.constant 0.000000e+00 : f32
    %gt3A_18 = vector.broadcast %gt3A : f32 to vector<1000x1xf32>
    %gt3A_19 = arith.cmpf ogt, %broadcast_in_dim3A, %gt3A_18 : vector<1000x1xf32>
    %div3A = arith.constant 1.000000e+00 : f32
    %div3A_20 = vector.broadcast %div3A : f32 to vector<1000x1xf32>
    %div3A_21 = arith.divf %div3A_20, %broadcast_in_dim3A : vector<1000x1xf32>
    %jit3A = arith.constant 0.000000e+00 : f32
    %broadcast_in_dim3A_22 = vector.broadcast %jit3A : f32 to vector<1000x1xf32>
    %select_n3A = arith.select %gt3A_19, %div3A_21, %broadcast_in_dim3A_22 : vector<1000x1xi1>, vector<1000x1xf32>
    %mul3A = vector.broadcast %select_n3A : vector<1000x1xf32> to vector<1000x128xf32>
    %mul3A_23 = arith.mulf %add3A, %mul3A : vector<1000x128xf32>
    %get3A_24 = arith.constant 0 : index
    %get3A_25 = arith.constant 0 : index
    %get3A_26 = vector.load %arg3[%get3A_24, %get3A_25] : memref<1x128xf32, #tpu.memory_space<vmem>>, vector<1x128xf32>
    %add3A_27 = vector.broadcast %get3A_26 : vector<1x128xf32> to vector<1000x128xf32>
    %add3A_28 = arith.addf %mul3A_23, %add3A_27 : vector<1000x128xf32>
    %max3A = arith.constant 0.000000e+00 : f32
    %max3A_29 = vector.broadcast %max3A : f32 to vector<1000x128xf32>
    %max3A_30 = arith.maximumf %add3A_28, %max3A_29 : vector<1000x128xf32>
    %get3A_31 = arith.constant 0 : index
    %get3A_32 = arith.constant 0 : index
    %get3A_33 = arith.constant 0 : index
    %get3A_34 = vector.load %arg4[%get3A_31, %get3A_32, %get3A_33] : memref<1x1x1000xi32, #tpu.memory_space<vmem>>, vector<1x1x1000xi32>
    %get3A_35 = vector.shape_cast %get3A_34 : vector<1x1x1000xi32> to vector<1000xi32>
    %broadcast_in_dim3A_36 = vector.shape_cast %get3A_35 : vector<1000xi32> to vector<1000x1xi32>
    %iota3A = tpu.iota {dimensions = array<i32: 1>} : vector<1000x64xi32>
    %eq3A_37 = vector.broadcast %broadcast_in_dim3A_36 : vector<1000x1xi32> to vector<1000x64xi32>
    %eq3A_38 = arith.cmpi eq, %eq3A_37, %iota3A : vector<1000x64xi32>
    %convert_element_type3A_39 = arith.extui %eq3A_38 : vector<1000x64xi1> to vector<1000x64xi32>
    %convert_element_type3A_40 = arith.sitofp %convert_element_type3A_39 : vector<1000x64xi32> to vector<1000x64xf32>
    %get3A_41 = arith.constant 0 : index
    %get3A_42 = arith.constant 0 : index
    %get3A_43 = vector.load %arg6[%get3A_41, %get3A_42] : memref<64x128xf32, #tpu.memory_space<vmem>>, vector<64x128xf32>
    %dot_general3A = arith.constant dense<0.000000e+00> : vector<64x128xf32>
    %dot_general3A_44 = tpu.matmul %convert_element_type3A_40, %max3A_30, %dot_general3A {dimension_numbers = #tpu.dot_dimension_numbers<[0], [0], [1], [1], [0, 1, 1, 1], [], []>, transpose_lhs_hint = false} : vector<1000x64xf32>, vector<1000x128xf32>, vector<64x128xf32> -> vector<64x128xf32>
    %add3A_45 = arith.addf %get3A_43, %dot_general3A_44 : vector<64x128xf32>
    %swap3A = arith.constant 0 : index
    %swap3A_46 = arith.constant 0 : index
    %swap3A_47 = vector.load %arg6[%swap3A, %swap3A_46] : memref<64x128xf32, #tpu.memory_space<vmem>>, vector<64x128xf32>
    tpu.vector_store %arg6[%swap3A, %swap3A_46], %add3A_45 {strides = array<i32>} : memref<64x128xf32, #tpu.memory_space<vmem>>, vector<64x128xf32>,
    %get3A_48 = arith.constant 0 : index
    %get3A_49 = arith.constant 0 : index
    %get3A_50 = vector.load %arg7[%get3A_48, %get3A_49] : memref<64x128xf32, #tpu.memory_space<vmem>>, vector<64x128xf32>
    %reduce_sum3A_51 = arith.constant dense<0.000000e+00> : vector<64xf32>
    %reduce_sum3A_52 = vector.multi_reduction <add>, %convert_element_type3A_40, %reduce_sum3A_51 [0] : vector<1000x64xf32> to vector<64xf32>
    %broadcast_in_dim3A_53 = vector.shape_cast %reduce_sum3A_52 : vector<64xf32> to vector<64x1xf32>
    %broadcast_in_dim3A_54 = vector.shape_cast %broadcast_in_dim3A_53 : vector<64x1xf32> to vector<64x1xf32>
    %broadcast_in_dim3A_55 = vector.broadcast %broadcast_in_dim3A_54 : vector<64x1xf32> to vector<64x128xf32>
    %add3A_56 = arith.addf %get3A_50, %broadcast_in_dim3A_55 : vector<64x128xf32>
    %swap3A_57 = arith.constant 0 : index
    %swap3A_58 = arith.constant 0 : index
    %swap3A_59 = vector.load %arg7[%swap3A_57, %swap3A_58] : memref<64x128xf32, #tpu.memory_space<vmem>>, vector<64x128xf32>
    tpu.vector_store %arg7[%swap3A_57, %swap3A_58], %add3A_56 {strides = array<i32>} : memref<64x128xf32, #tpu.memory_space<vmem>>, vector<64x128xf32>,
    %eq3A_60 = arith.constant 9 : i32
    %eq3A_61 = arith.cmpi eq, %arg0, %eq3A_60 : i32
    %convert_element_type3A_62 = arith.extui %eq3A_61 : i1 to i32
    %cond3A_63 = arith.constant 0 : i32
    %cond3A_64 = arith.cmpi ne, %convert_element_type3A_62, %cond3A_63 : i32
    scf.if %cond3A_64 {
      %get3A_65 = arith.constant 0 : index
      %get3A_66 = arith.constant 0 : index
      %get3A_67 = vector.load %arg6[%get3A_65, %get3A_66] : memref<64x128xf32, #tpu.memory_space<vmem>>, vector<64x128xf32>
      %get3A_68 = arith.constant 0 : index
      %get3A_69 = arith.constant 0 : index
      %get3A_70 = vector.load %arg7[%get3A_68, %get3A_69] : memref<64x128xf32, #tpu.memory_space<vmem>>, vector<64x128xf32>
      %max3A_71 = arith.constant 1.000000e+00 : f32
      %max3A_72 = vector.broadcast %max3A_71 : f32 to vector<64x128xf32>
      %max3A_73 = arith.maximumf %get3A_70, %max3A_72 : vector<64x128xf32>
      %div3A_74 = arith.divf %get3A_67, %max3A_73 : vector<64x128xf32>
      %swap3A_75 = arith.constant 0 : index
      %swap3A_76 = arith.constant 0 : index
      %swap3A_77 = vector.load %arg5[%swap3A_75, %swap3A_76] : memref<64x128xf32, #tpu.memory_space<vmem>>, vector<64x128xf32>
      tpu.vector_store %arg5[%swap3A_75, %swap3A_76], %div3A_74 {strides = array<i32>} : memref<64x128xf32, #tpu.memory_space<vmem>>, vector<64x128xf32>,
    } else {
    }
    return
  }
  func.func @transform_0(%arg0: i32) -> (i32, i32, i32) {
    %c0_i32 = arith.constant 0 : i32
    %c0_i32_0 = arith.constant 0 : i32
    %c0_i32_1 = arith.constant 0 : i32
    return %c0_i32, %arg0, %c0_i32_0 : i32, i32, i32
  }
  func.func @transform_1(%arg0: i32) -> (i32, i32, i32, i32) {
    %c0_i32 = arith.constant 0 : i32
    %c0_i32_0 = arith.constant 0 : i32
    %c0_i32_1 = arith.constant 0 : i32
    %c0_i32_2 = arith.constant 0 : i32
    return %c0_i32, %arg0, %c0_i32_0, %c0_i32_1 : i32, i32, i32, i32
  }
  func.func @transform_2(%arg0: i32) -> (i32, i32) {
    %c0_i32 = arith.constant 0 : i32
    %c0_i32_0 = arith.constant 0 : i32
    %c0_i32_1 = arith.constant 0 : i32
    return %c0_i32, %c0_i32_0 : i32, i32
  }
  func.func @transform_3(%arg0: i32) -> (i32, i32, i32) {
    %c0_i32 = arith.constant 0 : i32
    %c0_i32_0 = arith.constant 0 : i32
    %c0_i32_1 = arith.constant 0 : i32
    return %arg0, %c0_i32, %c0_i32_0 : i32, i32, i32
  }
  func.func @transform_4(%arg0: i32) -> (i32, i32) {
    %c0_i32 = arith.constant 0 : i32
    %c0_i32_0 = arith.constant 0 : i32
    %c0_i32_1 = arith.constant 0 : i32
    return %c0_i32, %c0_i32_0 : i32, i32
  }
}

</mosaic_0001>

<sc_bundles>
// kernel: kernel.11.cloned.1.call-start
scs
__scs_entry_jumppad:
0x0: {  	(pc) =	sbr.rel $0x88, $3  }
0x1: {  	(tag) =	ssettag $0x0;
	lr =	simm.s32 $0x1  }
0x2: {  	[smem:$0x3F9A] =	sst lr;
	_ =	strace $0xD0000000  }
0x3: {  	_ = 	snop  }
0x4: {  	_ = 	snop  }
0x5: {  	_ = 	snop  }
0x6: {  	_ = 	snop  }
0x7: {  	_ = 	snop  }
__scs_overlays_trampoline_lowered:
0x8: {  	[smem:$0x3FA9] =	sst s0  }
0x9: {  	[smem:$0x3FAA] =	sst s1  }
0xa: {  	[smem:$0x3FAB] =	sst s2  }
0xb: {  	[smem:$0x3FAC] =	sst s3  }
0xc: {  	[smem:$0x3FAD] =	sst s4  }
0xd: {  	[smem:$0x3FAE] =	sst s5  }
0xe: {  	[smem:$0x3FAF] =	sst s6  }
0xf: {  	[smem:$0x3FB0] =	sst s7  }
0x10: {  	[smem:$0x3FB1] =	sst s8  }
0x11: {  	[smem:$0x3FB2] =	sst s9;
	s0 =	simm.s32 @!p0 $0x0  }
0x12: {  	s1 =	sld [smem:$0x3F98];
	s0 =	simm.s32 @p0 $0x1  }
0x13: {  	[smem:$0x3FB3] =	sst s0;
	s0 =	simm.s32 @!p1 $0x0  }
0x14: {  	s2 =	sld [smem:$0x3F97];
	s0 =	simm.s32 @p1 $0x1  }
0x15: {  	[smem:$0x3FB4] =	sst s0;
	s0 =	simm.s32 @!p2 $0x0  }
0x16: {  	s3 =	sld [smem:$0x3FDB];
	s0 =	simm.s32 @p2 $0x1  }
0x17: {  	s4 =	simm.s32 $0x1BF5;
	[smem:$0x3FB6] =	sst s0  }
0x18: {  	s0 =	sld [smem:$0x3F99];
	_ =	swait.ge [sflag:s4], $0x0  }
0x19: {  	s7 =	sld [smem:$0x3F9A]  }
0x1a: {  	s8 =	sadd.s32 $0xFFFFE003, lr  }
0x1b: {  	s9 =	sadd.s32 $0xFFFFFEF7, lr;
	s5 =	simm.s32 $0xFFFFFFFF;
	p2 =	slt.u32 s8, $0xFFFFF086  }
0x1c: {  	p1 =	slt.u32 s9, $0xF7A;
	s5 =	simm.s32 @!p2 $0x0  }
0x1d: {  	s5 =	simm.s32 @p1 $0x1;
	p0 =	seq.s32 s7, s2  }
0x1e: {  	s7 =	smul.u32 @!p0 $0xF7A, s2;
	p2 =	seq.s32 @!p0 s5, $0x0  }
0x1f: {  	s9 =	smul.u32 $0xF7A, s1;
	s8 =	simm.s32 @!p0 $0x1BF5;
	p2 =	por !p2, p0  }
0x20: {  	[sflag:s8] =	ssyncset.s32 @!p0 $0xFFFFF086;
	s6 =	sadd.s32 @!p0 s3, s7;
	s7 =	simm.s32 @!p0 $0x108  }
0x21: {  	s3 =	sadd.s32 s3, s9;
	s6 =	sadd.s32 @!p0 $0x88, s6;
	s7 =	simm.s32 @p2 $0x1082  }
0x22: {  	[simem:s7], [sflag:s8] =	dma.local @!p0 [hbm:s6], $0xF7A  }
0x23: {  	s9 =	sor.u32 $0xD0000000, s2;
	s6 =	simm.s32 $0x108;
	_ =	swait.ge @!p0 [sflag:s8], $0x0  }
0x24: {  	s3 =	sadd.s32 $0x88, s3;
	s6 =	simm.s32 @!p1 $0x1082;
	[sflag:s4] =	ssyncset.s32 $0xFFFFF086  }
0x25: {  	[simem:s6], [sflag:s4] =	dma.local [hbm:s3], $0xF7A  }
0x26: {  	[smem:$0x3F9A] =	sst s1;
	(tag) =	ssettag s2;
	_ =	strace s9  }
0x27: {  	s1 =	sld [smem:$0x3FAA]  }
0x28: {  	s2 =	sld [smem:$0x3FAB]  }
0x29: {  	s4 =	sld [smem:$0x3FAD]  }
0x2a: {  	p0 =	seq.s32 s5, $0x0;
	s5 =	sld [smem:$0x3FAE]  }
0x2b: {  	s6 =	sld [smem:$0x3FAF]  }
0x2c: {  	s7 =	sld [smem:$0x3FB0]  }
0x2d: {  	s3 =	simm.s32 $0x108;
	s8 =	sld [smem:$0x3FB1]  }
0x2e: {  	s3 =	simm.s32 @!p0 $0x1082;
	s9 =	sld [smem:$0x3FB2]  }
0x2f: {  	lr =	sadd.s32 s0, s3;
	s0 =	sld [smem:$0x3FA9]  }
0x30: {  	s3 =	sld [smem:$0x3FAC]  }
0x31: {  	[smem:$0x3FB5] =	sst s10  }
0x32: {  	s10 =	sld [smem:$0x3FB3];
	_ =	sdelay $0x3  }
0x33: {  	p0 =	seq.s32 s10, $0x1;
	s10 =	sld [smem:$0x3FB5];
	_ =	sdelay $0x3  }
0x34: {  	[smem:$0x3FB5] =	sst s10  }
0x35: {  	s10 =	sld [smem:$0x3FB4];
	_ =	sdelay $0x3  }
0x36: {  	p1 =	seq.s32 s10, $0x1;
	s10 =	sld [smem:$0x3FB5];
	_ =	sdelay $0x3  }
0x37: {  	[smem:$0x3FB5] =	sst s10  }
0x38: {  	s10 =	sld [smem:$0x3FB6]  }
0x39: {  	_ = 	snop;
	(pc) =	sbr.ind lr, $3  }
0x3a: {  	_ = 	snop  }
0x3b: {  	_ = 	snop  }
0x3c: {  	p2 =	seq.s32 s10, $0x1;
	s10 =	sld [smem:$0x3FB5]  }
0x3d: {  	_ =	shalt  }
0x3e: {  	_ =	shalt  }
0x3f: {  	_ =	shalt  }
0x40: {  	_ =	shalt  }
0x41: {  	_ =	shalt  }
0x42: {  	_ =	shalt  }
0x43: {  	_ =	shalt  }
0x44: {  	_ =	shalt  }
0x45: {  	_ =	shalt  }
0x46: {  	_ =	shalt  }
0x47: {  	_ =	shalt  }
0x48: {  	_ =	shalt  }
0x49: {  	_ =	shalt  }
0x4a: {  	_ =	shalt  }
0x4b: {  	_ =	shalt  }
0x4c: {  	_ =	shalt  }
0x4d: {  	_ =	shalt  }
0x4e: {  	_ =	shalt  }
0x4f: {  	_ =	shalt  }
0x50: {  	_ =	shalt  }
0x51: {  	_ =	shalt  }
0x52: {  	_ =	shalt  }
0x53: {  	_ =	shalt  }
0x54: {  	_ =	shalt  }
0x55: {  	_ =	shalt  }
0x56: {  	_ =	shalt  }
0x57: {  	_ =	shalt  }
0x58: {  	_ =	shalt  }
0x59: {  	_ =	shalt  }
0x5a: {  	_ =	shalt  }
0x5b: {  	_ =	shalt  }
0x5c: {  	_ =	shalt  }
0x5d: {  	_ =	shalt  }
0x5e: {  	_ =	shalt  }
0x5f: {  	_ =	shalt  }
0x60: {  	_ =	shalt  }
0x61: {  	_ =	shalt  }
0x62: {  	_ =	shalt  }
0x63: {  	_ =	shalt  }
0x64: {  	_ =	shalt  }
0x65: {  	_ =	shalt  }
0x66: {  	_ =	shalt  }
0x67: {  	_ =	shalt  }
0x68: {  	_ =	shalt  }
0x69: {  	_ =	shalt  }
0x6a: {  	_ =	shalt  }
0x6b: {  	_ =	shalt  }
0x6c: {  	_ =	shalt  }
0x6d: {  	_ =	shalt  }
0x6e: {  	_ =	shalt  }
0x6f: {  	_ =	shalt  }
0x70: {  	_ =	shalt  }
0x71: {  	_ =	shalt  }
0x72: {  	_ =	shalt  }
0x73: {  	_ =	shalt  }
0x74: {  	_ =	shalt  }
0x75: {  	_ =	shalt  }
0x76: {  	_ =	shalt  }
0x77: {  	_ =	shalt  }
0x78: {  	_ =	shalt  }
0x79: {  	_ =	shalt  }
0x7a: {  	_ =	shalt  }
0x7b: {  	_ =	shalt  }
0x7c: {  	_ =	shalt  }
0x7d: {  	_ =	shalt  }
0x7e: {  	_ =	shalt  }
0x7f: {  	_ =	shalt  }
0x80: {  	_ =	shalt  }
0x81: {  	_ =	shalt  }
0x82: {  	_ =	shalt  }
0x83: {  	_ =	shalt  }
0x84: {  	_ =	shalt  }
0x85: {  	_ =	shalt  }
0x86: {  	_ =	shalt  }
0x87: {  	_ =	shalt  }
.Lfunc_end0:
.L_simem_size_0:
called_computation_lowered:
.L_overlay_start_0:
0x88: {  	s2 =	sld [smem:$0x3FD9]  }
0x89: {  	s3 =	sld [smem:$0x3FFE];
	_ =	sdelay $0x1  }
0x8a: {  	s1 =	srdreg.scid  }
0x8b: {  	s0 =	sand.u32 $0x1, s1  }
0x8c: {  	s16 =	sshll.u32 s0, $0xA;
	s2 =	sadd.s32 s3, s2  }
0x8d: {  	s2 =	sadd.s32 s2, s16  }
0x8e: {  	[smem:$0x3FC1] =	sst s2  }
0x8f: {  	_ = 	snop  }
0x90: {  	(tm) =	ssettm $0x1  }
0x91: {  	s17 =	sld [smem:$0x3FFB];
	_ =	sdelay $0x3  }
0x92: {  	_ =	strace s17  }
0x93: {  	s2 =	sld [smem:$0x3FFC];
	_ =	sdelay $0x3  }
0x94: {  	_ =	strace s2  }
0x95: {  	s2 =	sld [smem:$0x3FFD];
	_ =	sdelay $0x3  }
0x96: {  	_ =	strace s2  }
0x97: {  	_ =	strace $0x8FFFFFFF  }
0x98: {  	s18 =	sld [smem:$0x3FDB];
	_ =	sdelay $0x1  }
0x99: {  	s19 =	simm.s32 $_scs_section_size  }
0x9a: {  	s4 =	simm.s32 $_size__tile_overlayer_lowered;
	s5 =	simm.s32 $_tile_overlayer_lowered  }
0x9b: {  	s22 =	simm.s32 $0x1BFF;
	s21 =	sshll.u32 s5, $0x1;
	s2 =	sadd.s32 s19, s18  }
0x9c: {  	s6 =	simm.s32 $0x0;
	s20 =	sshll.u32 s4, $0x1;
	s4 =	sadd.s32 s21, s2  }
0x9d: {  	[timem:s6], [sflag:s22] =	dma.local [hbm:s4], s20  }
0x9e: {  	_ =	swait.ge [sflag:s22], s20  }
0x9f: {  	s3 =	ssub.s32 $0x0, s20;
	[sflag:s22] =	ssyncset.done $0x0  }
0xa0: {  	[sflag:s22] =	ssyncadd.s32 s3;
	_ =	sdelay $0x1  }
0xa1: {  	s23 =	simm.s32 $0x1B8B  }
0xa2: {  	_ =	swait.ge [sflag:s23], $0x1  }
0xa3: {  	[sflag:s23] =	ssyncset.done $0x0  }
0xa4: {  	s25 =	simm.s32 $0x1B8E;
	s24 =	sld [smem:$0x3FFE];
	[sflag:s23] =	ssyncadd.s32 $0xFFFFFFFF  }
0xa5: {  	s26 =	simm.s32 $execute0_lowered;
	[smem:$0x3FD2] =	sst s25  }
0xa6: {  	s4 =	sshll.u32 s26, $0x1;
	_ =	strace $0x80000046;
	[dreg:$0x1] =	wrdreg $0xFFFFFFFF  }
0xa7: {  	s28 =	simm.s32 $_size_execute0_lowered;
	s2 =	sadd.s32 s2, s4;
	[dreg:$0x0] =	wrdreg $0x0  }
0xa8: {  	s4 =	sshll.u32 s28, $0x1;
	[dreg:$0x2] =	wrdreg s2  }
0xa9: {  	[dreg:$0x3] =	wrdreg s4  }
0xaa: {  	[dreg:$0x4] =	wrdreg $0xC0  }
0xab: {  	_ =	task [dreg:s6], $0x5FFFF  }
0xac: {  	[dreg:$0x1] =	wrdreg $0xFFFFFFFF  }
0xad: {  	[dreg:$0x0] =	wrdreg $0x60  }
0xae: {  	[dreg:$0x2] =	wrdreg s24  }
0xaf: {  	[dreg:$0x3] =	wrdreg $0xAC000  }
0xb0: {  	[dreg:$0x4] =	wrdreg $0x9  }
0xb1: {  	_ =	task.clear_ibuf [dreg:s6], $0x5FFFF;
	_ =	strace $0x90000046  }
0xb2: {  	s29 =	simm.s32 $0x9;
	_ =	strace $0x80000048  }
0xb3: {  	_ =	swait.ge [sflag:s29], $0x1  }
0xb4: {  	[sflag:s29] =	ssyncadd.s32 $0xFFFFFFFF  }
0xb5: {  	_ =	strace $0x90000048  }
0xb6: {  	_ =	sfence  }
0xb7: {  	s30 =	sld [smem:$0x0];
	_ =	sdelay $0x2  }
0xb8: {  	s31 =	sshll.u32 s1, $0xD;
	s1 =	sshrl.u32 s1, $0x2  }
0xb9: {  	s3 =	sand.u32 $0x4000, s31;
	s1 =	sadd.s32 s1, s30  }
0xba: {  	s0 =	sor.u32 s3, s0;
	s1 =	sshll.u32 s1, $0x11  }
0xbb: {  	s0 =	sor.u32 s1, s0  }
0xbc: {  	s0 =	sadd.s32 $0x8F2B, s0  }
0xbd: {  	[sflag:s0] =	ssyncadd.remote.s32 $0x1  }
0xbe: {  	_ =	sfence.sel $0xFFFF  }
0xbf: {  	[dreg:$0x0] =	wrdreg $0xFFFFFFFF;
	(pc) =	sbr.abs _section_cstart, $3  }
0xc0: {  	[dreg:$0x1] =	wrdreg $0xFFFFFFFF  }
0xc1: {  	_ =	task.clear_ibuf [dreg:s6], $0x2FFFF;
	_ =	strace $0x9FFFFFFF  }
0xc2: {  	(tm) =	ssettm $0x7FFFFFFF  }
0xc3: {  	_ =	shalt  }
tec
execute0_lowered:
.L_overlay_start_1:
0x0: {  	(tag) =	ssettag $0x1  }
0x1: {  	s0 =	rddreg [dreg:$0x0]  }
0x2: {  	s2 =	rddreg [dreg:$0x1]  }
0x3: {  	s3 =	simm.s32 $0x0;
	s12 =	stileid.u32;
	s5 =	srdreg.scid  }
0x4: {  	s28 =	simm.s32 $0x200;
	s29 =	simm.s32 $0x80;
	s30 =	simm.s32 $0x400  }
0x5: {  	s31 =	simm.s32 $0x300;
	[smem:$0x7FF] =	sst s3;
	s1 =	smul.u32 $0x14000, s12  }
0x6: {  	s4 =	sadd.s32 $0x17C00, s0;
	s5 =	sand.u32 $0x1, s5;
	s6 =	smul.u32 $0x280, s12  }
0x7: {  	s10 =	sadd.s32 $0x3C00, s0;
	s11 =	sadd.s32 $0x66E00, s0;
	s14 =	smul.u32 $0x50000, s12  }
0x8: {  	s17 =	sshll.u32 s12, $0x6;
	s18 =	smul.u32 $0x50, s12;
	_ =	strace $0x80000047  }
0x9: {  	s8 =	smul.u32 $0x2800, s5;
	s9 =	sshll.u32 s5, $0x4;
	[dreg:$0x7] =	wrdreg s11  }
0xa: {  	s25 =	ssub.s32 $0x2, s5;
	s15 =	smul.u32 $0x500, s5;
	s5 =	sor.u32 $0x1C09, s17  }
0xb: {  	s7 =	sshrl.u32 s1, $0x3;
	s9 =	sor.u32 s12, s9;
	s26 =	sshrl.u32 s25, $0x1  }
0xc: {  	[dreg:$0xb] =	wrdreg s5;
	s19 =	sshrl.u32 s14, $0x2;
	s5 =	simm.s32 $0x3  }
0xd: {  	s7 =	sadd.s32 s7, s0;
	s6 =	sadd.s32 s6, s8;
	s24 =	smul.u32 $0x500, s9  }
0xe: {  	s9 =	smul.u32 $0xA00, s9;
	s11 =	ssub.s32 s25, s26;
	s25 =	simm.s32 $0x180  }
0xf: {  	s26 =	simm.s32 $0x280;
	s6 =	sshll.u32 s6, $0x4;
	[dreg:$0x5] =	wrdreg s25  }
0x10: {  	s16 =	sadd.s32 $0x3EE00, s7;
	[dreg:$0x6] =	wrdreg s26;
	s25 =	simm.s32 $0x8400  }
0x11: {  	s26 =	simm.s32 $0x1;
	s7 =	simm.s32 $0x7;
	s6 =	sadd.s32 s6, s0  }
0x12: {  	s0 =	sadd.s32 s24, s0;
	s13 =	sadd.s32 s10, s9;
	[dreg:$0xa] =	wrdreg s16  }
0x13: {  	s9 =	simm.s32 $0x6;
	[dreg:$0x8] =	wrdreg s13;
	s8 =	sadd.s32 $0x20, s13  }
0x14: {  	s0 =	sadd.s32 $0x67400, s0;
	s20 =	sadd.s32 $0x71400, s6;
	[dreg:$0x9] =	wrdreg s8  }
0x15: {  	s22 =	sadd.s32 $0x71C00, s6;
	s16 =	sadd.s32 $0x72400, s6;
	[dreg:$0xc] =	wrdreg s0  }
0x16: {  	s8 =	sadd.s32 s1, s2;
	[dreg:$0xd] =	wrdreg s20;
	s0 =	sadd.s32 s19, s2  }
0x17: {  	s1 =	sadd.s32 s18, s15;
	[dreg:$0xf] =	wrdreg s22;
	s19 =	sadd.s32 $0x72C00, s6  }
0x18: {  	s22 =	smax.u32 s11, $0x1;
	s11 =	simm.s32 $0x0;
	s21 =	sadd.s32 $0x4000, s0  }
0x19: {  	s1 =	sshll.u32 s1, $0x5;
	s23 =	sadd.s32 $0x8000, s0;
	s18 =	sadd.s32 $0xC000, s0  }
0x1a: {  	s20 =	sadd.s32 $0x10000, s0;
	s0 =	simm.s32 $0x4400;
	[dreg:$0xe] =	wrdreg s21  }
0x1b: {  	[dreg:$0x10] =	wrdreg s23;
	s17 =	sadd.s32 s1, s10;
	s21 =	sadd.s32 $0x73400, s6  }
0x1c: {  	s23 =	simm.s32 $0x100;
	s10 =	simm.s32 $0x4;
	s1 =	sadd.s32 $0x80, s17  }
0x1d: {  	s6 =	simm.s32 $0x8;
	s24 =	sadd.s32 $0x40, s17;
	[dreg:$0x3] =	wrdreg s1  }
0x1e: {  	v0 =	vimm.f32 $1.000000000e+00;
	[dreg:$0x4] =	wrdreg s24;
	s24 =	simm.s32 $0x9;
	s1 =	simm.s32 $0x5  }
.LBB2_1:
0x1f: {  	s12 =	rddreg [dreg:$0x8]  }
0x20: {  	s14 =	rddreg [dreg:$0x9]  }
0x21: {  	[tilespmem:s3], [sflag:$0x1] =	stream.linear.gather [hbm4b:s12+s3], $0x100, $0x38;
	[tilespmem:$0x1EC00] =	vst v63  }
0x22: {  	s13 =	rddreg [dreg:$0xa]  }
0x23: {  	[tilespmem:s23], [sflag:$0x2] =	stream.linear.gather [hbm4b:s14+s3], $0x100, $0x38;
	[tilespmem:$0x1EC00] =	vst v63  }
0x24: {  	s15 =	sshrl.u32 s8, $0x3;
	s14 =	rddreg [dreg:$0xb]  }
0x25: {  	[spmem:s15], [sflag:s14] =	dma.local [hbm:s13], $0x2800  }
0x26: {  	_ =	swait.ge [sflag:s24], $0x2800  }
0x27: {  	[sflag:s24] =	ssyncset.done $0x0  }
0x28: {  	s15 =	rddreg [dreg:$0x7];
	[sflag:s24] =	ssyncadd.s32 $0xFFFFD800  }
0x29: {  	[tilespmem:s25], [sflag:$0x9] =	stream.linear.gather [hbm4b:s15+s3], $0x2800, $0x38;
	[tilespmem:$0x1EC00] =	vst v63  }
0x2a: {  	_ =	swait.ge [sflag:s24], $0x2800  }
0x2b: {  	[sflag:s24] =	ssyncset.done $0x0  }
0x2c: {  	[sflag:s24] =	ssyncadd.s32 $0xFFFFD800  }
0x2d: {  	s12 =	simm.s32 $0x0;
	[bflag:$0x0] =	sbarrier.arrive $0xFFFF  }
.LBB2_2:
0x2e: {  	_ =	swait.ge [sflag:s26], $0x100  }
0x2f: {  	p0 =	seq.s32 s12, $0x0;
	[sflag:s26] =	ssyncset.done $0x0  }
0x30: {  	s13 =	simm.s32 @!p0 $0x7;
	[sflag:s26] =	ssyncadd.s32 $0xFFFFFF00  }
0x31: {  	_ =	swait.ge @!p0 [sflag:s13], $0x4000  }
0x32: {  	s14 =	rddreg [dreg:$0x4];
	[sflag:s13] =	ssyncset.done @!p0 $0x0  }
0x33: {  	[sflag:s13] =	ssyncadd.s32 @!p0 $0xFFFFC000;
	s14 =	sadd.s32 s12, s14  }
0x34: {  	[tilespmem:s28], [sflag:$0x3] =	stream.linear.gather [hbm4b:s14+s3], $0x100, $0x38;
	[tilespmem:$0x1EC00] =	vst v63  }
0x35: {  	_ = 	snop  }
0x36: {  	[tilespmem:s30], [sflag:$0x5] =	stream.indirect.gather [hbm4b:s4+s29], $0x80, s3, s29, $0xb8;
	[tilespmem:$0x1EC00] =	vst v63  }
0x37: {  	v1 =	vld [tilespmem:$0x80];
	_ =	sdelay $0x7  }
0x38: {  	[tilespmem:v1+s25+$0x0] =	vst.idx.add.f32.msk $0xffff, v0  }
0x39: {  	v1 =	vld [tilespmem:$0x90];
	_ =	sdelay $0x7  }
0x3a: {  	[tilespmem:v1+s25+$0x0] =	vst.idx.add.f32.msk $0xffff, v0  }
0x3b: {  	v1 =	vld [tilespmem:$0xA0];
	_ =	sdelay $0x7  }
0x3c: {  	[tilespmem:v1+s25+$0x0] =	vst.idx.add.f32.msk $0xffff, v0  }
0x3d: {  	v1 =	vld [tilespmem:$0xB0];
	_ =	sdelay $0x7  }
0x3e: {  	[tilespmem:v1+s25+$0x0] =	vst.idx.add.f32.msk $0xffff, v0  }
0x3f: {  	v1 =	vld [tilespmem:$0xC0];
	_ =	sdelay $0x7  }
0x40: {  	[tilespmem:v1+s25+$0x0] =	vst.idx.add.f32.msk $0xffff, v0  }
0x41: {  	v1 =	vld [tilespmem:$0xD0];
	_ =	sdelay $0x7  }
0x42: {  	[tilespmem:v1+s25+$0x0] =	vst.idx.add.f32.msk $0xffff, v0  }
0x43: {  	v1 =	vld [tilespmem:$0xE0];
	_ =	sdelay $0x7  }
0x44: {  	[tilespmem:v1+s25+$0x0] =	vst.idx.add.f32.msk $0xffff, v0  }
0x45: {  	v1 =	vld [tilespmem:$0xF0];
	_ =	sdelay $0x6  }
0x46: {  	p0 =	sne.s32 s12, $0x0  }
0x47: {  	s13 =	simm.s32 @p0 $0x6;
	[tilespmem:v1+s25+$0x0] =	vst.idx.add.f32.msk $0xffff, v0  }
0x48: {  	_ =	swait.ge @p0 [sflag:s13], $0x4000  }
0x49: {  	s14 =	simm.s32 @p0 $0x380;
	[sflag:s13] =	ssyncset.done @p0 $0x0  }
0x4a: {  	s15 =	simm.s32 @p0 $0x4400;
	[sflag:s13] =	ssyncadd.s32 @p0 $0xFFFFC000;
	s13 =	simm.s32 @p0 $0x80  }
0x4b: {  	[spmem:s2] =	stream.indirect.scatter.add.f32 @p0 [tilespmem:s15], [sflag:$0x8], $0x80, s14, s13, $0xb8;
	[tilespmem:$0x1EC00] =	vst v63  }
0x4c: {  	s13 =	simm.s32 @p0 $0x2  }
0x4d: {  	_ =	swait.ge @p0 [sflag:s13], $0x100  }
0x4e: {  	[sflag:s13] =	ssyncset.done @p0 $0x0  }
0x4f: {  	[sflag:s13] =	ssyncadd.s32 @p0 $0xFFFFFF00;
	s13 =	simm.s32 @p0 $0x8  }
0x50: {  	_ =	swait.ge @p0 [sflag:s13], $0x4000  }
0x51: {  	[sflag:s13] =	ssyncset.done @p0 $0x0  }
0x52: {  	[sflag:s13] =	ssyncadd.s32 @p0 $0xFFFFC000;
	s13 =	simm.s32 @!p0 $0x2  }
0x53: {  	_ =	swait.ge @!p0 [sflag:s13], $0x100  }
0x54: {  	s15 =	sadd.s32 s12, s17;
	[sflag:s13] =	ssyncset.done @!p0 $0x0  }
0x55: {  	s14 =	sadd.s32 $0x60, s15;
	[sflag:s13] =	ssyncadd.s32 @!p0 $0xFFFFFF00  }
0x56: {  	[tilespmem:s31], [sflag:$0x4] =	stream.linear.gather [hbm4b:s14+s3], $0x100, $0x38;
	[tilespmem:$0x1EC00] =	vst v63  }
0x57: {  	_ = 	snop  }
0x58: {  	[tilespmem:s0], [sflag:$0x6] =	stream.indirect.gather [hbm4b:s4+s29], $0x80, s23, s29, $0xb8;
	[tilespmem:$0x1EC00] =	vst v63  }
0x59: {  	v1 =	vld [tilespmem:$0x180];
	_ =	sdelay $0x7  }
0x5a: {  	[tilespmem:v1+s25+$0x0] =	vst.idx.add.f32.msk $0xffff, v0  }
0x5b: {  	v1 =	vld [tilespmem:$0x190];
	_ =	sdelay $0x7  }
0x5c: {  	[tilespmem:v1+s25+$0x0] =	vst.idx.add.f32.msk $0xffff, v0  }
0x5d: {  	v1 =	vld [tilespmem:$0x1A0];
	_ =	sdelay $0x7  }
0x5e: {  	[tilespmem:v1+s25+$0x0] =	vst.idx.add.f32.msk $0xffff, v0  }
0x5f: {  	v1 =	vld [tilespmem:$0x1B0];
	_ =	sdelay $0x7  }
0x60: {  	[tilespmem:v1+s25+$0x0] =	vst.idx.add.f32.msk $0xffff, v0  }
0x61: {  	v1 =	vld [tilespmem:$0x1C0];
	_ =	sdelay $0x7  }
0x62: {  	[tilespmem:v1+s25+$0x0] =	vst.idx.add.f32.msk $0xffff, v0  }
0x63: {  	v1 =	vld [tilespmem:$0x1D0];
	_ =	sdelay $0x7  }
0x64: {  	[tilespmem:v1+s25+$0x0] =	vst.idx.add.f32.msk $0xffff, v0  }
0x65: {  	v1 =	vld [tilespmem:$0x1E0];
	_ =	sdelay $0x7  }
0x66: {  	[tilespmem:v1+s25+$0x0] =	vst.idx.add.f32.msk $0xffff, v0  }
0x67: {  	v1 =	vld [tilespmem:$0x1F0];
	_ =	sdelay $0x7  }
0x68: {  	[tilespmem:v1+s25+$0x0] =	vst.idx.add.f32.msk $0xffff, v0  }
0x69: {  	_ =	swait.ge [sflag:s1], $0x4000  }
0x6a: {  	[sflag:s1] =	ssyncset.done $0x0  }
0x6b: {  	[sflag:s1] =	ssyncadd.s32 $0xFFFFC000  }
0x6c: {  	[spmem:s2] =	stream.indirect.scatter.add.f32 [tilespmem:s30], [sflag:$0x7], $0x80, s29, s29, $0xb8;
	[tilespmem:$0x1EC00] =	vst v63  }
0x6d: {  	_ =	swait.ge [sflag:s5], $0x100  }
0x6e: {  	[sflag:s5] =	ssyncset.done $0x0  }
0x6f: {  	[sflag:s5] =	ssyncadd.s32 $0xFFFFFF00  }
0x70: {  	_ =	swait.ge [sflag:s7], $0x4000  }
0x71: {  	p0 =	seq.s32 s12, $0x980;
	s13 =	rddreg [dreg:$0x3];
	[sflag:s7] =	ssyncset.done $0x0  }
0x72: {  	s14 =	simm.s32 @!p0 $0x0;
	[sflag:s7] =	ssyncadd.s32 $0xFFFFC000;
	s13 =	sadd.s32 @!p0 s12, s13  }
0x73: {  	[tilespmem:s14], [sflag:$0x1] =	stream.linear.gather @!p0 [hbm4b:s13+s14], $0x100, $0x38;
	[tilespmem:$0x1EC00] =	vst v63  }
0x74: {  	_ = 	snop  }
0x75: {  	[tilespmem:s30], [sflag:$0x5] =	stream.indirect.gather [hbm4b:s4+s29], $0x80, s28, s29, $0xb8;
	[tilespmem:$0x1EC00] =	vst v63  }
0x76: {  	v1 =	vld [tilespmem:$0x280];
	_ =	sdelay $0x7  }
0x77: {  	[tilespmem:v1+s25+$0x0] =	vst.idx.add.f32.msk $0xffff, v0  }
0x78: {  	v1 =	vld [tilespmem:$0x290];
	_ =	sdelay $0x7  }
0x79: {  	[tilespmem:v1+s25+$0x0] =	vst.idx.add.f32.msk $0xffff, v0  }
0x7a: {  	v1 =	vld [tilespmem:$0x2A0];
	_ =	sdelay $0x7  }
0x7b: {  	[tilespmem:v1+s25+$0x0] =	vst.idx.add.f32.msk $0xffff, v0  }
0x7c: {  	v1 =	vld [tilespmem:$0x2B0];
	_ =	sdelay $0x7  }
0x7d: {  	[tilespmem:v1+s25+$0x0] =	vst.idx.add.f32.msk $0xffff, v0  }
0x7e: {  	v1 =	vld [tilespmem:$0x2C0];
	_ =	sdelay $0x7  }
0x7f: {  	[tilespmem:v1+s25+$0x0] =	vst.idx.add.f32.msk $0xffff, v0  }
0x80: {  	v1 =	vld [tilespmem:$0x2D0];
	_ =	sdelay $0x7  }
0x81: {  	[tilespmem:v1+s25+$0x0] =	vst.idx.add.f32.msk $0xffff, v0  }
0x82: {  	v1 =	vld [tilespmem:$0x2E0];
	_ =	sdelay $0x7  }
0x83: {  	[tilespmem:v1+s25+$0x0] =	vst.idx.add.f32.msk $0xffff, v0  }
0x84: {  	v1 =	vld [tilespmem:$0x2F0];
	_ =	sdelay $0x7  }
0x85: {  	[tilespmem:v1+s25+$0x0] =	vst.idx.add.f32.msk $0xffff, v0  }
0x86: {  	_ =	swait.ge [sflag:s9], $0x4000  }
0x87: {  	[sflag:s9] =	ssyncset.done $0x0  }
0x88: {  	s15 =	rddreg [dreg:$0x5];
	[sflag:s9] =	ssyncadd.s32 $0xFFFFC000  }
0x89: {  	[spmem:s2] =	stream.indirect.scatter.add.f32 [tilespmem:s0], [sflag:$0x8], $0x80, s15, s29, $0xb8;
	[tilespmem:$0x1EC00] =	vst v63  }
0x8a: {  	_ =	swait.ge [sflag:s10], $0x100  }
0x8b: {  	[sflag:s10] =	ssyncset.done $0x0  }
0x8c: {  	[sflag:s10] =	ssyncadd.s32 $0xFFFFFF00  }
0x8d: {  	_ =	swait.ge [sflag:s6], $0x4000  }
0x8e: {  	s13 =	sadd.s32 @!p0 s12, s17;
	[sflag:s6] =	ssyncset.done $0x0  }
0x8f: {  	s13 =	sadd.s32 @!p0 $0xA0, s13;
	s15 =	simm.s32 @!p0 $0x100;
	[sflag:s6] =	ssyncadd.s32 $0xFFFFC000  }
0x90: {  	[tilespmem:s15], [sflag:$0x2] =	stream.linear.gather @!p0 [hbm4b:s13+s14], $0x100, $0x38;
	[tilespmem:$0x1EC00] =	vst v63  }
0x91: {  	_ = 	snop  }
0x92: {  	[tilespmem:s0], [sflag:$0x6] =	stream.indirect.gather [hbm4b:s4+s29], $0x80, s31, s29, $0xb8;
	[tilespmem:$0x1EC00] =	vst v63  }
0x93: {  	v1 =	vld [tilespmem:$0x380];
	_ =	sdelay $0x7  }
0x94: {  	[tilespmem:v1+s25+$0x0] =	vst.idx.add.f32.msk $0xffff, v0  }
0x95: {  	v1 =	vld [tilespmem:$0x390];
	_ =	sdelay $0x7  }
0x96: {  	[tilespmem:v1+s25+$0x0] =	vst.idx.add.f32.msk $0xffff, v0  }
0x97: {  	v1 =	vld [tilespmem:$0x3A0];
	_ =	sdelay $0x7  }
0x98: {  	[tilespmem:v1+s25+$0x0] =	vst.idx.add.f32.msk $0xffff, v0  }
0x99: {  	v1 =	vld [tilespmem:$0x3B0];
	_ =	sdelay $0x7  }
0x9a: {  	[tilespmem:v1+s25+$0x0] =	vst.idx.add.f32.msk $0xffff, v0  }
0x9b: {  	v1 =	vld [tilespmem:$0x3C0];
	_ =	sdelay $0x7  }
0x9c: {  	[tilespmem:v1+s25+$0x0] =	vst.idx.add.f32.msk $0xffff, v0  }
0x9d: {  	v1 =	vld [tilespmem:$0x3D0];
	_ =	sdelay $0x7  }
0x9e: {  	[tilespmem:v1+s25+$0x0] =	vst.idx.add.f32.msk $0xffff, v0  }
0x9f: {  	v1 =	vld [tilespmem:$0x3E0];
	_ =	sdelay $0x7  }
0xa0: {  	[tilespmem:v1+s25+$0x0] =	vst.idx.add.f32.msk $0xffff, v0  }
0xa1: {  	v1 =	vld [tilespmem:$0x3F0];
	_ =	sdelay $0x5  }
0xa2: {  	s12 =	sadd.s32 $0x80, s12  }
0xa3: {  	p0 =	sne.s32 s12, $0xA00  }
.Ltmp0:
0xa4: {  	[tilespmem:v1+s25+$0x0] =	vst.idx.add.f32.msk $0xffff, v0;
	(pc) =	sbr.rel @p0 .LBB2_2-.Ltmp0, $4  }
0xa5: {  	_ =	swait.ge [sflag:s1], $0x4000  }
0xa6: {  	[sflag:s1] =	ssyncset.done $0x0  }
0xa7: {  	s15 =	rddreg [dreg:$0x6];
	[sflag:s1] =	ssyncadd.s32 $0xFFFFC000  }
0xa8: {  	[spmem:s2] =	stream.indirect.scatter.add.f32 [tilespmem:s30], [sflag:$0x7], $0x80, s15, s29, $0xb8;
	[tilespmem:$0x1EC00] =	vst v63  }
0xa9: {  	_ =	swait.ge [sflag:s9], $0x4000  }
0xaa: {  	[sflag:s9] =	ssyncset.done $0x0  }
0xab: {  	s12 =	simm.s32 $0x380;
	[sflag:s9] =	ssyncadd.s32 $0xFFFFC000  }
0xac: {  	[spmem:s2] =	stream.indirect.scatter.add.f32 [tilespmem:s0], [sflag:$0x8], $0x80, s12, s29, $0xb8;
	[tilespmem:$0x1EC00] =	vst v63  }
0xad: {  	_ =	swait.ge [sflag:s7], $0x4000  }
0xae: {  	[sflag:s7] =	ssyncset.done $0x0  }
0xaf: {  	[sflag:s7] =	ssyncadd.s32 $0xFFFFC000  }
0xb0: {  	_ =	swait.ge [sflag:s6], $0x4000  }
0xb1: {  	[sflag:s6] =	ssyncset.done $0x0  }
0xb2: {  	[sflag:s6] =	ssyncadd.s32 $0xFFFFC000  }
0xb3: {  	[bflag:$0x0] =	sbarrier.arrive $0xFFFF  }
0xb4: {  	s14 =	rddreg [dreg:$0xc]  }
0xb5: {  	[hbm4b:s14+s3] =	stream.linear.scatter [tilespmem:s25], [sflag:$0x7], $0x2800, $0x38;
	[tilespmem:$0x1EC00] =	vst v63  }
0xb6: {  	_ = 	snop  }
0xb7: {  	[tilespmem:s30], [sflag:$0x9] =	stream.linear.gather [spmem:s8], $0x4000, $0x38;
	[tilespmem:$0x1EC00] =	vst v63  }
0xb8: {  	_ =	swait.ge [sflag:s24], $0x4000  }
0xb9: {  	[sflag:s24] =	ssyncset.done $0x0  }
0xba: {  	s15 =	rddreg [dreg:$0xd];
	[sflag:s24] =	ssyncadd.s32 $0xFFFFC000  }
0xbb: {  	[hbm4b:s15+s3] =	stream.linear.scatter [tilespmem:s30], [sflag:$0x5], $0x4000, $0x38;
	[tilespmem:$0x1EC00] =	vst v63  }
0xbc: {  	s13 =	rddreg [dreg:$0xe]  }
0xbd: {  	[tilespmem:s0], [sflag:$0x9] =	stream.linear.gather [spmem:s13], $0x4000, $0x38;
	[tilespmem:$0x1EC00] =	vst v63  }
0xbe: {  	_ =	swait.ge [sflag:s24], $0x4000  }
0xbf: {  	[sflag:s24] =	ssyncset.done $0x0  }
0xc0: {  	s14 =	rddreg [dreg:$0xf];
	[sflag:s24] =	ssyncadd.s32 $0xFFFFC000  }
0xc1: {  	[hbm4b:s14+s3] =	stream.linear.scatter [tilespmem:s0], [sflag:$0x6], $0x4000, $0x38;
	[tilespmem:$0x1EC00] =	vst v63  }
0xc2: {  	_ =	swait.ge [sflag:s1], $0x4000  }
0xc3: {  	[sflag:s1] =	ssyncset.done $0x0  }
0xc4: {  	s15 =	rddreg [dreg:$0x10];
	[sflag:s1] =	ssyncadd.s32 $0xFFFFC000  }
0xc5: {  	[tilespmem:s30], [sflag:$0x9] =	stream.linear.gather [spmem:s15], $0x4000, $0x38;
	[tilespmem:$0x1EC00] =	vst v63  }
0xc6: {  	_ =	swait.ge [sflag:s24], $0x4000  }
0xc7: {  	[sflag:s24] =	ssyncset.done $0x0  }
0xc8: {  	[sflag:s24] =	ssyncadd.s32 $0xFFFFC000  }
0xc9: {  	[hbm4b:s16+s3] =	stream.linear.scatter [tilespmem:s30], [sflag:$0x5], $0x4000, $0x38;
	[tilespmem:$0x1EC00] =	vst v63  }
0xca: {  	_ =	swait.ge [sflag:s9], $0x4000  }
0xcb: {  	[sflag:s9] =	ssyncset.done $0x0  }
0xcc: {  	[sflag:s9] =	ssyncadd.s32 $0xFFFFC000  }
0xcd: {  	[tilespmem:s0], [sflag:$0x9] =	stream.linear.gather [spmem:s18], $0x4000, $0x38;
	[tilespmem:$0x1EC00] =	vst v63  }
0xce: {  	_ =	swait.ge [sflag:s24], $0x4000  }
0xcf: {  	[sflag:s24] =	ssyncset.done $0x0  }
0xd0: {  	[sflag:s24] =	ssyncadd.s32 $0xFFFFC000  }
0xd1: {  	[hbm4b:s19+s3] =	stream.linear.scatter [tilespmem:s0], [sflag:$0x6], $0x4000, $0x38;
	[tilespmem:$0x1EC00] =	vst v63  }
0xd2: {  	_ =	swait.ge [sflag:s1], $0x4000  }
0xd3: {  	[sflag:s1] =	ssyncset.done $0x0  }
0xd4: {  	[sflag:s1] =	ssyncadd.s32 $0xFFFFC000  }
0xd5: {  	[tilespmem:s30], [sflag:$0x9] =	stream.linear.gather [spmem:s20], $0x4000, $0x38;
	[tilespmem:$0x1EC00] =	vst v63  }
0xd6: {  	_ =	swait.ge [sflag:s24], $0x4000  }
0xd7: {  	[sflag:s24] =	ssyncset.done $0x0  }
0xd8: {  	[sflag:s24] =	ssyncadd.s32 $0xFFFFC000  }
0xd9: {  	[hbm4b:s21+s3] =	stream.linear.scatter [tilespmem:s30], [sflag:$0x5], $0x4000, $0x38;
	[tilespmem:$0x1EC00] =	vst v63  }
0xda: {  	_ =	swait.ge [sflag:s9], $0x4000  }
0xdb: {  	[sflag:s9] =	ssyncset.done $0x0  }
0xdc: {  	s11 =	sadd.s32 $0x1, s11;
	[sflag:s9] =	ssyncadd.s32 $0xFFFFC000  }
0xdd: {  	p0 =	sne.s32 s11, s22;
	_ =	swait.ge [sflag:s1], $0x4000  }
.Ltmp1:
0xde: {  	[sflag:s1] =	ssyncset.done $0x0;
	(pc) =	sbr.rel @p0 .LBB2_1-.Ltmp1, $4  }
0xdf: {  	[sflag:s1] =	ssyncadd.s32 $0xFFFFC000  }
0xe0: {  	_ =	swait.ge [sflag:s7], $0x2800  }
0xe1: {  	[sflag:s7] =	ssyncset.done $0x0  }
0xe2: {  	[sflag:s7] =	ssyncadd.s32 $0xFFFFD800  }
0xe3: {  	_ =	sfence.sel $0x180000  }
0xe4: {  	[bflag:$0x0] =	sbarrier.arrive $0xFFFF  }
0xe5: {  	_ =	strace $0x90000047  }
0xe6: {  	s0 =	stileid.u32;
	[bflag:$0x2] =	sbarrier.arrive $0xFFFF  }
0xe7: {  	p0 =	sne.s32 s0, $0x0;
	s0 =	rddreg [dreg:$0x2]  }
0xe8: {  	s0 =	sadd.s32 @!p0 $0x100000, s0  }
0xe9: {  	[sflag:s0] =	ssyncadd.tile.s32 @!p0 $0x1;
	_ =	shalt  }
.Lfunc_end2:
_tile_overlayer_lowered:
.L_overlay_start_2:
0xea: {  	(tag) =	ssettag $0x2  }
0xeb: {  	s0 =	rddreg [dreg:$0x0];
	s2 =	stileid.u32  }
0xec: {  	s1 =	rddreg [dreg:$0x1];
	p0 =	sne.s32 s2, $0x0  }
0xed: {  	s3 =	rddreg [dreg:$0x2];
	[bflag:$0x3] =	sbarrier.arrive $0xFFFF;
	s2 =	simm.s32 @!p0 $0x1C09  }
0xee: {  	[timem:s3], [sflag:s2] =	dma.local @!p0 [hbm:s0], s1  }
0xef: {  	s0 =	simm.s32 @!p0 $0x9  }
0xf0: {  	_ =	swait.ge @!p0 [sflag:s0], s1  }
0xf1: {  	s1 =	ssub.s32 @!p0 $0x0, s1;
	[sflag:s0] =	ssyncset.done @!p0 $0x0  }
0xf2: {  	[sflag:s0] =	ssyncadd.s32 @!p0 s1  }
0xf3: {  	[bflag:$0x3] =	sbarrier.arrive $0xFFFF  }
0xf4: {  	_ =	shalt  }

// kernel: kernel.14.cloned.1.call-start
scs
__scs_entry_jumppad:
0x0: {  	(pc) =	sbr.rel $0x88, $3  }
0x1: {  	(tag) =	ssettag $0x0;
	lr =	simm.s32 $0x1  }
0x2: {  	[smem:$0x3F9A] =	sst lr;
	_ =	strace $0xD0000000  }
0x3: {  	_ = 	snop  }
0x4: {  	_ = 	snop  }
0x5: {  	_ = 	snop  }
0x6: {  	_ = 	snop  }
0x7: {  	_ = 	snop  }
__scs_overlays_trampoline_lowered:
0x8: {  	[smem:$0x3FA9] =	sst s0  }
0x9: {  	[smem:$0x3FAA] =	sst s1  }
0xa: {  	[smem:$0x3FAB] =	sst s2  }
0xb: {  	[smem:$0x3FAC] =	sst s3  }
0xc: {  	[smem:$0x3FAD] =	sst s4  }
0xd: {  	[smem:$0x3FAE] =	sst s5  }
0xe: {  	[smem:$0x3FAF] =	sst s6  }
0xf: {  	[smem:$0x3FB0] =	sst s7  }
0x10: {  	[smem:$0x3FB1] =	sst s8  }
0x11: {  	[smem:$0x3FB2] =	sst s9;
	s0 =	simm.s32 @!p0 $0x0  }
0x12: {  	s1 =	sld [smem:$0x3F98];
	s0 =	simm.s32 @p0 $0x1  }
0x13: {  	[smem:$0x3FB3] =	sst s0;
	s0 =	simm.s32 @!p1 $0x0  }
0x14: {  	s2 =	sld [smem:$0x3F97];
	s0 =	simm.s32 @p1 $0x1  }
0x15: {  	[smem:$0x3FB4] =	sst s0;
	s0 =	simm.s32 @!p2 $0x0  }
0x16: {  	s3 =	sld [smem:$0x3FDB];
	s0 =	simm.s32 @p2 $0x1  }
0x17: {  	s4 =	simm.s32 $0x1BF5;
	[smem:$0x3FB6] =	sst s0  }
0x18: {  	s0 =	sld [smem:$0x3F99];
	_ =	swait.ge [sflag:s4], $0x0  }
0x19: {  	s7 =	sld [smem:$0x3F9A]  }
0x1a: {  	s8 =	sadd.s32 $0xFFFFE003, lr  }
0x1b: {  	s9 =	sadd.s32 $0xFFFFFEF7, lr;
	s5 =	simm.s32 $0xFFFFFFFF;
	p2 =	slt.u32 s8, $0xFFFFF086  }
0x1c: {  	p1 =	slt.u32 s9, $0xF7A;
	s5 =	simm.s32 @!p2 $0x0  }
0x1d: {  	s5 =	simm.s32 @p1 $0x1;
	p0 =	seq.s32 s7, s2  }
0x1e: {  	s7 =	smul.u32 @!p0 $0xF7A, s2;
	p2 =	seq.s32 @!p0 s5, $0x0  }
0x1f: {  	s9 =	smul.u32 $0xF7A, s1;
	s8 =	simm.s32 @!p0 $0x1BF5;
	p2 =	por !p2, p0  }
0x20: {  	[sflag:s8] =	ssyncset.s32 @!p0 $0xFFFFF086;
	s6 =	sadd.s32 @!p0 s3, s7;
	s7 =	simm.s32 @!p0 $0x108  }
0x21: {  	s3 =	sadd.s32 s3, s9;
	s6 =	sadd.s32 @!p0 $0x88, s6;
	s7 =	simm.s32 @p2 $0x1082  }
0x22: {  	[simem:s7], [sflag:s8] =	dma.local @!p0 [hbm:s6], $0xF7A  }
0x23: {  	s9 =	sor.u32 $0xD0000000, s2;
	s6 =	simm.s32 $0x108;
	_ =	swait.ge @!p0 [sflag:s8], $0x0  }
0x24: {  	s3 =	sadd.s32 $0x88, s3;
	s6 =	simm.s32 @!p1 $0x1082;
	[sflag:s4] =	ssyncset.s32 $0xFFFFF086  }
0x25: {  	[simem:s6], [sflag:s4] =	dma.local [hbm:s3], $0xF7A  }
0x26: {  	[smem:$0x3F9A] =	sst s1;
	(tag) =	ssettag s2;
	_ =	strace s9  }
0x27: {  	s1 =	sld [smem:$0x3FAA]  }
0x28: {  	s2 =	sld [smem:$0x3FAB]  }
0x29: {  	s4 =	sld [smem:$0x3FAD]  }
0x2a: {  	p0 =	seq.s32 s5, $0x0;
	s5 =	sld [smem:$0x3FAE]  }
0x2b: {  	s6 =	sld [smem:$0x3FAF]  }
0x2c: {  	s7 =	sld [smem:$0x3FB0]  }
0x2d: {  	s3 =	simm.s32 $0x108;
	s8 =	sld [smem:$0x3FB1]  }
0x2e: {  	s3 =	simm.s32 @!p0 $0x1082;
	s9 =	sld [smem:$0x3FB2]  }
0x2f: {  	lr =	sadd.s32 s0, s3;
	s0 =	sld [smem:$0x3FA9]  }
0x30: {  	s3 =	sld [smem:$0x3FAC]  }
0x31: {  	[smem:$0x3FB5] =	sst s10  }
0x32: {  	s10 =	sld [smem:$0x3FB3];
	_ =	sdelay $0x3  }
0x33: {  	p0 =	seq.s32 s10, $0x1;
	s10 =	sld [smem:$0x3FB5];
	_ =	sdelay $0x3  }
0x34: {  	[smem:$0x3FB5] =	sst s10  }
0x35: {  	s10 =	sld [smem:$0x3FB4];
	_ =	sdelay $0x3  }
0x36: {  	p1 =	seq.s32 s10, $0x1;
	s10 =	sld [smem:$0x3FB5];
	_ =	sdelay $0x3  }
0x37: {  	[smem:$0x3FB5] =	sst s10  }
0x38: {  	s10 =	sld [smem:$0x3FB6]  }
0x39: {  	_ = 	snop;
	(pc) =	sbr.ind lr, $3  }
0x3a: {  	_ = 	snop  }
0x3b: {  	_ = 	snop  }
0x3c: {  	p2 =	seq.s32 s10, $0x1;
	s10 =	sld [smem:$0x3FB5]  }
0x3d: {  	_ =	shalt  }
0x3e: {  	_ =	shalt  }
0x3f: {  	_ =	shalt  }
0x40: {  	_ =	shalt  }
0x41: {  	_ =	shalt  }
0x42: {  	_ =	shalt  }
0x43: {  	_ =	shalt  }
0x44: {  	_ =	shalt  }
0x45: {  	_ =	shalt  }
0x46: {  	_ =	shalt  }
0x47: {  	_ =	shalt  }
0x48: {  	_ =	shalt  }
0x49: {  	_ =	shalt  }
0x4a: {  	_ =	shalt  }
0x4b: {  	_ =	shalt  }
0x4c: {  	_ =	shalt  }
0x4d: {  	_ =	shalt  }
0x4e: {  	_ =	shalt  }
0x4f: {  	_ =	shalt  }
0x50: {  	_ =	shalt  }
0x51: {  	_ =	shalt  }
0x52: {  	_ =	shalt  }
0x53: {  	_ =	shalt  }
0x54: {  	_ =	shalt  }
0x55: {  	_ =	shalt  }
0x56: {  	_ =	shalt  }
0x57: {  	_ =	shalt  }
0x58: {  	_ =	shalt  }
0x59: {  	_ =	shalt  }
0x5a: {  	_ =	shalt  }
0x5b: {  	_ =	shalt  }
0x5c: {  	_ =	shalt  }
0x5d: {  	_ =	shalt  }
0x5e: {  	_ =	shalt  }
0x5f: {  	_ =	shalt  }
0x60: {  	_ =	shalt  }
0x61: {  	_ =	shalt  }
0x62: {  	_ =	shalt  }
0x63: {  	_ =	shalt  }
0x64: {  	_ =	shalt  }
0x65: {  	_ =	shalt  }
0x66: {  	_ =	shalt  }
0x67: {  	_ =	shalt  }
0x68: {  	_ =	shalt  }
0x69: {  	_ =	shalt  }
0x6a: {  	_ =	shalt  }
0x6b: {  	_ =	shalt  }
0x6c: {  	_ =	shalt  }
0x6d: {  	_ =	shalt  }
0x6e: {  	_ =	shalt  }
0x6f: {  	_ =	shalt  }
0x70: {  	_ =	shalt  }
0x71: {  	_ =	shalt  }
0x72: {  	_ =	shalt  }
0x73: {  	_ =	shalt  }
0x74: {  	_ =	shalt  }
0x75: {  	_ =	shalt  }
0x76: {  	_ =	shalt  }
0x77: {  	_ =	shalt  }
0x78: {  	_ =	shalt  }
0x79: {  	_ =	shalt  }
0x7a: {  	_ =	shalt  }
0x7b: {  	_ =	shalt  }
0x7c: {  	_ =	shalt  }
0x7d: {  	_ =	shalt  }
0x7e: {  	_ =	shalt  }
0x7f: {  	_ =	shalt  }
0x80: {  	_ =	shalt  }
0x81: {  	_ =	shalt  }
0x82: {  	_ =	shalt  }
0x83: {  	_ =	shalt  }
0x84: {  	_ =	shalt  }
0x85: {  	_ =	shalt  }
0x86: {  	_ =	shalt  }
0x87: {  	_ =	shalt  }
.Lfunc_end0:
.L_simem_size_0:
called_computation.1_lowered:
.L_overlay_start_0:
0x88: {  	s2 =	sld [smem:$0x3FD9]  }
0x89: {  	s3 =	sld [smem:$0x3FFE];
	_ =	sdelay $0x1  }
0x8a: {  	s1 =	srdreg.scid  }
0x8b: {  	s0 =	sand.u32 $0x1, s1  }
0x8c: {  	s16 =	sshll.u32 s0, $0xA;
	s2 =	sadd.s32 s3, s2  }
0x8d: {  	s2 =	sadd.s32 s2, s16  }
0x8e: {  	[smem:$0x3FC1] =	sst s2  }
0x8f: {  	_ = 	snop  }
0x90: {  	(tm) =	ssettm $0x1  }
0x91: {  	s17 =	sld [smem:$0x3FFB];
	_ =	sdelay $0x3  }
0x92: {  	_ =	strace s17  }
0x93: {  	s2 =	sld [smem:$0x3FFC];
	_ =	sdelay $0x3  }
0x94: {  	_ =	strace s2  }
0x95: {  	s2 =	sld [smem:$0x3FFD];
	_ =	sdelay $0x3  }
0x96: {  	_ =	strace s2  }
0x97: {  	_ =	strace $0x8FFFFFFF  }
0x98: {  	s18 =	sld [smem:$0x3FDB];
	_ =	sdelay $0x1  }
0x99: {  	s19 =	simm.s32 $_scs_section_size  }
0x9a: {  	s4 =	simm.s32 $_size__tile_overlayer_lowered;
	s5 =	simm.s32 $_tile_overlayer_lowered  }
0x9b: {  	s22 =	simm.s32 $0x1BFF;
	s21 =	sshll.u32 s5, $0x1;
	s2 =	sadd.s32 s19, s18  }
0x9c: {  	s6 =	simm.s32 $0x0;
	s20 =	sshll.u32 s4, $0x1;
	s4 =	sadd.s32 s21, s2  }
0x9d: {  	[timem:s6], [sflag:s22] =	dma.local [hbm:s4], s20  }
0x9e: {  	_ =	swait.ge [sflag:s22], s20  }
0x9f: {  	s3 =	ssub.s32 $0x0, s20;
	[sflag:s22] =	ssyncset.done $0x0  }
0xa0: {  	[sflag:s22] =	ssyncadd.s32 s3;
	_ =	sdelay $0x1  }
0xa1: {  	s23 =	simm.s32 $0x1B8B  }
0xa2: {  	_ =	swait.ge [sflag:s23], $0x1  }
0xa3: {  	[sflag:s23] =	ssyncset.done $0x0  }
0xa4: {  	s25 =	simm.s32 $0x1B8E;
	s24 =	sld [smem:$0x3FFE];
	[sflag:s23] =	ssyncadd.s32 $0xFFFFFFFF  }
0xa5: {  	s26 =	simm.s32 $execute0_lowered;
	[smem:$0x3FD2] =	sst s25  }
0xa6: {  	s4 =	sshll.u32 s26, $0x1;
	_ =	strace $0x80000049;
	[dreg:$0x1] =	wrdreg $0xFFFFFFFF  }
0xa7: {  	s28 =	simm.s32 $_size_execute0_lowered;
	s2 =	sadd.s32 s2, s4;
	[dreg:$0x0] =	wrdreg $0x0  }
0xa8: {  	s4 =	sshll.u32 s28, $0x1;
	[dreg:$0x2] =	wrdreg s2  }
0xa9: {  	[dreg:$0x3] =	wrdreg s4  }
0xaa: {  	[dreg:$0x4] =	wrdreg $0xC0  }
0xab: {  	_ =	task [dreg:s6], $0x5FFFF  }
0xac: {  	[dreg:$0x1] =	wrdreg $0xFFFFFFFF  }
0xad: {  	[dreg:$0x0] =	wrdreg $0x60  }
0xae: {  	[dreg:$0x2] =	wrdreg s24  }
0xaf: {  	[dreg:$0x3] =	wrdreg $0xAC000  }
0xb0: {  	[dreg:$0x4] =	wrdreg $0x9  }
0xb1: {  	_ =	task.clear_ibuf [dreg:s6], $0x5FFFF;
	_ =	strace $0x90000049  }
0xb2: {  	s29 =	simm.s32 $0x9;
	_ =	strace $0x8000004B  }
0xb3: {  	_ =	swait.ge [sflag:s29], $0x1  }
0xb4: {  	[sflag:s29] =	ssyncadd.s32 $0xFFFFFFFF  }
0xb5: {  	_ =	strace $0x9000004B  }
0xb6: {  	_ =	sfence  }
0xb7: {  	s30 =	sld [smem:$0x0];
	_ =	sdelay $0x2  }
0xb8: {  	s31 =	sshll.u32 s1, $0xD;
	s1 =	sshrl.u32 s1, $0x2  }
0xb9: {  	s3 =	sand.u32 $0x4000, s31;
	s1 =	sadd.s32 s1, s30  }
0xba: {  	s0 =	sor.u32 s3, s0;
	s1 =	sshll.u32 s1, $0x11  }
0xbb: {  	s0 =	sor.u32 s1, s0  }
0xbc: {  	s0 =	sadd.s32 $0x8F2B, s0  }
0xbd: {  	[sflag:s0] =	ssyncadd.remote.s32 $0x1  }
0xbe: {  	_ =	sfence.sel $0xFFFF  }
0xbf: {  	[dreg:$0x0] =	wrdreg $0xFFFFFFFF;
	(pc) =	sbr.abs _section_cstart, $3  }
0xc0: {  	[dreg:$0x1] =	wrdreg $0xFFFFFFFF  }
0xc1: {  	_ =	task.clear_ibuf [dreg:s6], $0x2FFFF;
	_ =	strace $0x9FFFFFFF  }
0xc2: {  	(tm) =	ssettm $0x7FFFFFFF  }
0xc3: {  	_ =	shalt  }
tec
execute0_lowered:
.L_overlay_start_1:
0x0: {  	(tag) =	ssettag $0x1  }
0x1: {  	s0 =	rddreg [dreg:$0x0]  }
0x2: {  	s2 =	rddreg [dreg:$0x1]  }
0x3: {  	s3 =	simm.s32 $0x0;
	s12 =	stileid.u32;
	s5 =	srdreg.scid  }
0x4: {  	s28 =	simm.s32 $0x200;
	s29 =	simm.s32 $0x80;
	s30 =	simm.s32 $0x400  }
0x5: {  	s31 =	simm.s32 $0x300;
	[smem:$0x7FF] =	sst s3;
	s1 =	smul.u32 $0x14000, s12  }
0x6: {  	s4 =	sadd.s32 $0x17C00, s0;
	s5 =	sand.u32 $0x1, s5;
	s6 =	smul.u32 $0x280, s12  }
0x7: {  	s10 =	sadd.s32 $0xC1400, s0;
	s11 =	sadd.s32 $0x66E00, s0;
	s14 =	smul.u32 $0x50000, s12  }
0x8: {  	s17 =	sshll.u32 s12, $0x6;
	s18 =	smul.u32 $0x50, s12;
	_ =	strace $0x8000004A  }
0x9: {  	s8 =	smul.u32 $0x2800, s5;
	s9 =	sshll.u32 s5, $0x4;
	[dreg:$0x7] =	wrdreg s11  }
0xa: {  	s25 =	ssub.s32 $0x2, s5;
	s15 =	smul.u32 $0x500, s5;
	s5 =	sor.u32 $0x1C09, s17  }
0xb: {  	s7 =	sshrl.u32 s1, $0x3;
	s9 =	sor.u32 s12, s9;
	s26 =	sshrl.u32 s25, $0x1  }
0xc: {  	[dreg:$0xb] =	wrdreg s5;
	s19 =	sshrl.u32 s14, $0x2;
	s5 =	simm.s32 $0x3  }
0xd: {  	s7 =	sadd.s32 s7, s0;
	s6 =	sadd.s32 s6, s8;
	s24 =	smul.u32 $0x500, s9  }
0xe: {  	s9 =	smul.u32 $0xA00, s9;
	s11 =	ssub.s32 s25, s26;
	s25 =	simm.s32 $0x180  }
0xf: {  	s26 =	simm.s32 $0x280;
	s6 =	sshll.u32 s6, $0x4;
	[dreg:$0x5] =	wrdreg s25  }
0x10: {  	s16 =	sadd.s32 $0x3EE00, s7;
	[dreg:$0x6] =	wrdreg s26;
	s25 =	simm.s32 $0x8400  }
0x11: {  	s26 =	simm.s32 $0x1;
	s7 =	simm.s32 $0x7;
	s6 =	sadd.s32 s6, s0  }
0x12: {  	s0 =	sadd.s32 s24, s0;
	s13 =	sadd.s32 s10, s9;
	[dreg:$0xa] =	wrdreg s16  }
0x13: {  	s9 =	simm.s32 $0x6;
	[dreg:$0x8] =	wrdreg s13;
	s8 =	sadd.s32 $0x20, s13  }
0x14: {  	s0 =	sadd.s32 $0x67400, s0;
	s20 =	sadd.s32 $0x71400, s6;
	[dreg:$0x9] =	wrdreg s8  }
0x15: {  	s22 =	sadd.s32 $0x71C00, s6;
	s16 =	sadd.s32 $0x72400, s6;
	[dreg:$0xc] =	wrdreg s0  }
0x16: {  	s8 =	sadd.s32 s1, s2;
	[dreg:$0xd] =	wrdreg s20;
	s0 =	sadd.s32 s19, s2  }
0x17: {  	s1 =	sadd.s32 s18, s15;
	[dreg:$0xf] =	wrdreg s22;
	s19 =	sadd.s32 $0x72C00, s6  }
0x18: {  	s22 =	smax.u32 s11, $0x1;
	s11 =	simm.s32 $0x0;
	s21 =	sadd.s32 $0x4000, s0  }
0x19: {  	s1 =	sshll.u32 s1, $0x5;
	s23 =	sadd.s32 $0x8000, s0;
	s18 =	sadd.s32 $0xC000, s0  }
0x1a: {  	s20 =	sadd.s32 $0x10000, s0;
	s0 =	simm.s32 $0x4400;
	[dreg:$0xe] =	wrdreg s21  }
0x1b: {  	[dreg:$0x10] =	wrdreg s23;
	s17 =	sadd.s32 s1, s10;
	s21 =	sadd.s32 $0x73400, s6  }
0x1c: {  	s23 =	simm.s32 $0x100;
	s10 =	simm.s32 $0x4;
	s1 =	sadd.s32 $0x80, s17  }
0x1d: {  	s6 =	simm.s32 $0x8;
	s24 =	sadd.s32 $0x40, s17;
	[dreg:$0x3] =	wrdreg s1  }
0x1e: {  	v0 =	vimm.f32 $1.000000000e+00;
	[dreg:$0x4] =	wrdreg s24;
	s24 =	simm.s32 $0x9;
	s1 =	simm.s32 $0x5  }
.LBB2_1:
0x1f: {  	s12 =	rddreg [dreg:$0x8]  }
0x20: {  	s14 =	rddreg [dreg:$0x9]  }
0x21: {  	[tilespmem:s3], [sflag:$0x1] =	stream.linear.gather [hbm4b:s12+s3], $0x100, $0x38;
	[tilespmem:$0x1EC00] =	vst v63  }
0x22: {  	s13 =	rddreg [dreg:$0xa]  }
0x23: {  	[tilespmem:s23], [sflag:$0x2] =	stream.linear.gather [hbm4b:s14+s3], $0x100, $0x38;
	[tilespmem:$0x1EC00] =	vst v63  }
0x24: {  	s15 =	sshrl.u32 s8, $0x3;
	s14 =	rddreg [dreg:$0xb]  }
0x25: {  	[spmem:s15], [sflag:s14] =	dma.local [hbm:s13], $0x2800  }
0x26: {  	_ =	swait.ge [sflag:s24], $0x2800  }
0x27: {  	[sflag:s24] =	ssyncset.done $0x0  }
0x28: {  	s15 =	rddreg [dreg:$0x7];
	[sflag:s24] =	ssyncadd.s32 $0xFFFFD800  }
0x29: {  	[tilespmem:s25], [sflag:$0x9] =	stream.linear.gather [hbm4b:s15+s3], $0x2800, $0x38;
	[tilespmem:$0x1EC00] =	vst v63  }
0x2a: {  	_ =	swait.ge [sflag:s24], $0x2800  }
0x2b: {  	[sflag:s24] =	ssyncset.done $0x0  }
0x2c: {  	[sflag:s24] =	ssyncadd.s32 $0xFFFFD800  }
0x2d: {  	s12 =	simm.s32 $0x0;
	[bflag:$0x0] =	sbarrier.arrive $0xFFFF  }
.LBB2_2:
0x2e: {  	_ =	swait.ge [sflag:s26], $0x100  }
0x2f: {  	p0 =	seq.s32 s12, $0x0;
	[sflag:s26] =	ssyncset.done $0x0  }
0x30: {  	s13 =	simm.s32 @!p0 $0x7;
	[sflag:s26] =	ssyncadd.s32 $0xFFFFFF00  }
0x31: {  	_ =	swait.ge @!p0 [sflag:s13], $0x4000  }
0x32: {  	s14 =	rddreg [dreg:$0x4];
	[sflag:s13] =	ssyncset.done @!p0 $0x0  }
0x33: {  	[sflag:s13] =	ssyncadd.s32 @!p0 $0xFFFFC000;
	s14 =	sadd.s32 s12, s14  }
0x34: {  	[tilespmem:s28], [sflag:$0x3] =	stream.linear.gather [hbm4b:s14+s3], $0x100, $0x38;
	[tilespmem:$0x1EC00] =	vst v63  }
0x35: {  	_ = 	snop  }
0x36: {  	[tilespmem:s30], [sflag:$0x5] =	stream.indirect.gather [hbm4b:s4+s29], $0x80, s3, s29, $0xb8;
	[tilespmem:$0x1EC00] =	vst v63  }
0x37: {  	v1 =	vld [tilespmem:$0x80];
	_ =	sdelay $0x7  }
0x38: {  	[tilespmem:v1+s25+$0x0] =	vst.idx.add.f32.msk $0xffff, v0  }
0x39: {  	v1 =	vld [tilespmem:$0x90];
	_ =	sdelay $0x7  }
0x3a: {  	[tilespmem:v1+s25+$0x0] =	vst.idx.add.f32.msk $0xffff, v0  }
0x3b: {  	v1 =	vld [tilespmem:$0xA0];
	_ =	sdelay $0x7  }
0x3c: {  	[tilespmem:v1+s25+$0x0] =	vst.idx.add.f32.msk $0xffff, v0  }
0x3d: {  	v1 =	vld [tilespmem:$0xB0];
	_ =	sdelay $0x7  }
0x3e: {  	[tilespmem:v1+s25+$0x0] =	vst.idx.add.f32.msk $0xffff, v0  }
0x3f: {  	v1 =	vld [tilespmem:$0xC0];
	_ =	sdelay $0x7  }
0x40: {  	[tilespmem:v1+s25+$0x0] =	vst.idx.add.f32.msk $0xffff, v0  }
0x41: {  	v1 =	vld [tilespmem:$0xD0];
	_ =	sdelay $0x7  }
0x42: {  	[tilespmem:v1+s25+$0x0] =	vst.idx.add.f32.msk $0xffff, v0  }
0x43: {  	v1 =	vld [tilespmem:$0xE0];
	_ =	sdelay $0x7  }
0x44: {  	[tilespmem:v1+s25+$0x0] =	vst.idx.add.f32.msk $0xffff, v0  }
0x45: {  	v1 =	vld [tilespmem:$0xF0];
	_ =	sdelay $0x6  }
0x46: {  	p0 =	sne.s32 s12, $0x0  }
0x47: {  	s13 =	simm.s32 @p0 $0x6;
	[tilespmem:v1+s25+$0x0] =	vst.idx.add.f32.msk $0xffff, v0  }
0x48: {  	_ =	swait.ge @p0 [sflag:s13], $0x4000  }
0x49: {  	s14 =	simm.s32 @p0 $0x380;
	[sflag:s13] =	ssyncset.done @p0 $0x0  }
0x4a: {  	s15 =	simm.s32 @p0 $0x4400;
	[sflag:s13] =	ssyncadd.s32 @p0 $0xFFFFC000;
	s13 =	simm.s32 @p0 $0x80  }
0x4b: {  	[spmem:s2] =	stream.indirect.scatter.add.f32 @p0 [tilespmem:s15], [sflag:$0x8], $0x80, s14, s13, $0xb8;
	[tilespmem:$0x1EC00] =	vst v63  }
0x4c: {  	s13 =	simm.s32 @p0 $0x2  }
0x4d: {  	_ =	swait.ge @p0 [sflag:s13], $0x100  }
0x4e: {  	[sflag:s13] =	ssyncset.done @p0 $0x0  }
0x4f: {  	[sflag:s13] =	ssyncadd.s32 @p0 $0xFFFFFF00;
	s13 =	simm.s32 @p0 $0x8  }
0x50: {  	_ =	swait.ge @p0 [sflag:s13], $0x4000  }
0x51: {  	[sflag:s13] =	ssyncset.done @p0 $0x0  }
0x52: {  	[sflag:s13] =	ssyncadd.s32 @p0 $0xFFFFC000;
	s13 =	simm.s32 @!p0 $0x2  }
0x53: {  	_ =	swait.ge @!p0 [sflag:s13], $0x100  }
0x54: {  	s15 =	sadd.s32 s12, s17;
	[sflag:s13] =	ssyncset.done @!p0 $0x0  }
0x55: {  	s14 =	sadd.s32 $0x60, s15;
	[sflag:s13] =	ssyncadd.s32 @!p0 $0xFFFFFF00  }
0x56: {  	[tilespmem:s31], [sflag:$0x4] =	stream.linear.gather [hbm4b:s14+s3], $0x100, $0x38;
	[tilespmem:$0x1EC00] =	vst v63  }
0x57: {  	_ = 	snop  }
0x58: {  	[tilespmem:s0], [sflag:$0x6] =	stream.indirect.gather [hbm4b:s4+s29], $0x80, s23, s29, $0xb8;
	[tilespmem:$0x1EC00] =	vst v63  }
0x59: {  	v1 =	vld [tilespmem:$0x180];
	_ =	sdelay $0x7  }
0x5a: {  	[tilespmem:v1+s25+$0x0] =	vst.idx.add.f32.msk $0xffff, v0  }
0x5b: {  	v1 =	vld [tilespmem:$0x190];
	_ =	sdelay $0x7  }
0x5c: {  	[tilespmem:v1+s25+$0x0] =	vst.idx.add.f32.msk $0xffff, v0  }
0x5d: {  	v1 =	vld [tilespmem:$0x1A0];
	_ =	sdelay $0x7  }
0x5e: {  	[tilespmem:v1+s25+$0x0] =	vst.idx.add.f32.msk $0xffff, v0  }
0x5f: {  	v1 =	vld [tilespmem:$0x1B0];
	_ =	sdelay $0x7  }
0x60: {  	[tilespmem:v1+s25+$0x0] =	vst.idx.add.f32.msk $0xffff, v0  }
0x61: {  	v1 =	vld [tilespmem:$0x1C0];
	_ =	sdelay $0x7  }
0x62: {  	[tilespmem:v1+s25+$0x0] =	vst.idx.add.f32.msk $0xffff, v0  }
0x63: {  	v1 =	vld [tilespmem:$0x1D0];
	_ =	sdelay $0x7  }
0x64: {  	[tilespmem:v1+s25+$0x0] =	vst.idx.add.f32.msk $0xffff, v0  }
0x65: {  	v1 =	vld [tilespmem:$0x1E0];
	_ =	sdelay $0x7  }
0x66: {  	[tilespmem:v1+s25+$0x0] =	vst.idx.add.f32.msk $0xffff, v0  }
0x67: {  	v1 =	vld [tilespmem:$0x1F0];
	_ =	sdelay $0x7  }
0x68: {  	[tilespmem:v1+s25+$0x0] =	vst.idx.add.f32.msk $0xffff, v0  }
0x69: {  	_ =	swait.ge [sflag:s1], $0x4000  }
0x6a: {  	[sflag:s1] =	ssyncset.done $0x0  }
0x6b: {  	[sflag:s1] =	ssyncadd.s32 $0xFFFFC000  }
0x6c: {  	[spmem:s2] =	stream.indirect.scatter.add.f32 [tilespmem:s30], [sflag:$0x7], $0x80, s29, s29, $0xb8;
	[tilespmem:$0x1EC00] =	vst v63  }
0x6d: {  	_ =	swait.ge [sflag:s5], $0x100  }
0x6e: {  	[sflag:s5] =	ssyncset.done $0x0  }
0x6f: {  	[sflag:s5] =	ssyncadd.s32 $0xFFFFFF00  }
0x70: {  	_ =	swait.ge [sflag:s7], $0x4000  }
0x71: {  	p0 =	seq.s32 s12, $0x980;
	s13 =	rddreg [dreg:$0x3];
	[sflag:s7] =	ssyncset.done $0x0  }
0x72: {  	s14 =	simm.s32 @!p0 $0x0;
	[sflag:s7] =	ssyncadd.s32 $0xFFFFC000;
	s13 =	sadd.s32 @!p0 s12, s13  }
0x73: {  	[tilespmem:s14], [sflag:$0x1] =	stream.linear.gather @!p0 [hbm4b:s13+s14], $0x100, $0x38;
	[tilespmem:$0x1EC00] =	vst v63  }
0x74: {  	_ = 	snop  }
0x75: {  	[tilespmem:s30], [sflag:$0x5] =	stream.indirect.gather [hbm4b:s4+s29], $0x80, s28, s29, $0xb8;
	[tilespmem:$0x1EC00] =	vst v63  }
0x76: {  	v1 =	vld [tilespmem:$0x280];
	_ =	sdelay $0x7  }
0x77: {  	[tilespmem:v1+s25+$0x0] =	vst.idx.add.f32.msk $0xffff, v0  }
0x78: {  	v1 =	vld [tilespmem:$0x290];
	_ =	sdelay $0x7  }
0x79: {  	[tilespmem:v1+s25+$0x0] =	vst.idx.add.f32.msk $0xffff, v0  }
0x7a: {  	v1 =	vld [tilespmem:$0x2A0];
	_ =	sdelay $0x7  }
0x7b: {  	[tilespmem:v1+s25+$0x0] =	vst.idx.add.f32.msk $0xffff, v0  }
0x7c: {  	v1 =	vld [tilespmem:$0x2B0];
	_ =	sdelay $0x7  }
0x7d: {  	[tilespmem:v1+s25+$0x0] =	vst.idx.add.f32.msk $0xffff, v0  }
0x7e: {  	v1 =	vld [tilespmem:$0x2C0];
	_ =	sdelay $0x7  }
0x7f: {  	[tilespmem:v1+s25+$0x0] =	vst.idx.add.f32.msk $0xffff, v0  }
0x80: {  	v1 =	vld [tilespmem:$0x2D0];
	_ =	sdelay $0x7  }
0x81: {  	[tilespmem:v1+s25+$0x0] =	vst.idx.add.f32.msk $0xffff, v0  }
0x82: {  	v1 =	vld [tilespmem:$0x2E0];
	_ =	sdelay $0x7  }
0x83: {  	[tilespmem:v1+s25+$0x0] =	vst.idx.add.f32.msk $0xffff, v0  }
0x84: {  	v1 =	vld [tilespmem:$0x2F0];
	_ =	sdelay $0x7  }
0x85: {  	[tilespmem:v1+s25+$0x0] =	vst.idx.add.f32.msk $0xffff, v0  }
0x86: {  	_ =	swait.ge [sflag:s9], $0x4000  }
0x87: {  	[sflag:s9] =	ssyncset.done $0x0  }
0x88: {  	s15 =	rddreg [dreg:$0x5];
	[sflag:s9] =	ssyncadd.s32 $0xFFFFC000  }
0x89: {  	[spmem:s2] =	stream.indirect.scatter.add.f32 [tilespmem:s0], [sflag:$0x8], $0x80, s15, s29, $0xb8;
	[tilespmem:$0x1EC00] =	vst v63  }
0x8a: {  	_ =	swait.ge [sflag:s10], $0x100  }
0x8b: {  	[sflag:s10] =	ssyncset.done $0x0  }
0x8c: {  	[sflag:s10] =	ssyncadd.s32 $0xFFFFFF00  }
0x8d: {  	_ =	swait.ge [sflag:s6], $0x4000  }
0x8e: {  	s13 =	sadd.s32 @!p0 s12, s17;
	[sflag:s6] =	ssyncset.done $0x0  }
0x8f: {  	s13 =	sadd.s32 @!p0 $0xA0, s13;
	s15 =	simm.s32 @!p0 $0x100;
	[sflag:s6] =	ssyncadd.s32 $0xFFFFC000  }
0x90: {  	[tilespmem:s15], [sflag:$0x2] =	stream.linear.gather @!p0 [hbm4b:s13+s14], $0x100, $0x38;
	[tilespmem:$0x1EC00] =	vst v63  }
0x91: {  	_ = 	snop  }
0x92: {  	[tilespmem:s0], [sflag:$0x6] =	stream.indirect.gather [hbm4b:s4+s29], $0x80, s31, s29, $0xb8;
	[tilespmem:$0x1EC00] =	vst v63  }
0x93: {  	v1 =	vld [tilespmem:$0x380];
	_ =	sdelay $0x7  }
0x94: {  	[tilespmem:v1+s25+$0x0] =	vst.idx.add.f32.msk $0xffff, v0  }
0x95: {  	v1 =	vld [tilespmem:$0x390];
	_ =	sdelay $0x7  }
0x96: {  	[tilespmem:v1+s25+$0x0] =	vst.idx.add.f32.msk $0xffff, v0  }
0x97: {  	v1 =	vld [tilespmem:$0x3A0];
	_ =	sdelay $0x7  }
0x98: {  	[tilespmem:v1+s25+$0x0] =	vst.idx.add.f32.msk $0xffff, v0  }
0x99: {  	v1 =	vld [tilespmem:$0x3B0];
	_ =	sdelay $0x7  }
0x9a: {  	[tilespmem:v1+s25+$0x0] =	vst.idx.add.f32.msk $0xffff, v0  }
0x9b: {  	v1 =	vld [tilespmem:$0x3C0];
	_ =	sdelay $0x7  }
0x9c: {  	[tilespmem:v1+s25+$0x0] =	vst.idx.add.f32.msk $0xffff, v0  }
0x9d: {  	v1 =	vld [tilespmem:$0x3D0];
	_ =	sdelay $0x7  }
0x9e: {  	[tilespmem:v1+s25+$0x0] =	vst.idx.add.f32.msk $0xffff, v0  }
0x9f: {  	v1 =	vld [tilespmem:$0x3E0];
	_ =	sdelay $0x7  }
0xa0: {  	[tilespmem:v1+s25+$0x0] =	vst.idx.add.f32.msk $0xffff, v0  }
0xa1: {  	v1 =	vld [tilespmem:$0x3F0];
	_ =	sdelay $0x5  }
0xa2: {  	s12 =	sadd.s32 $0x80, s12  }
0xa3: {  	p0 =	sne.s32 s12, $0xA00  }
.Ltmp0:
0xa4: {  	[tilespmem:v1+s25+$0x0] =	vst.idx.add.f32.msk $0xffff, v0;
	(pc) =	sbr.rel @p0 .LBB2_2-.Ltmp0, $4  }
0xa5: {  	_ =	swait.ge [sflag:s1], $0x4000  }
0xa6: {  	[sflag:s1] =	ssyncset.done $0x0  }
0xa7: {  	s15 =	rddreg [dreg:$0x6];
	[sflag:s1] =	ssyncadd.s32 $0xFFFFC000  }
0xa8: {  	[spmem:s2] =	stream.indirect.scatter.add.f32 [tilespmem:s30], [sflag:$0x7], $0x80, s15, s29, $0xb8;
	[tilespmem:$0x1EC00] =	vst v63  }
0xa9: {  	_ =	swait.ge [sflag:s9], $0x4000  }
0xaa: {  	[sflag:s9] =	ssyncset.done $0x0  }
0xab: {  	s12 =	simm.s32 $0x380;
	[sflag:s9] =	ssyncadd.s32 $0xFFFFC000  }
0xac: {  	[spmem:s2] =	stream.indirect.scatter.add.f32 [tilespmem:s0], [sflag:$0x8], $0x80, s12, s29, $0xb8;
	[tilespmem:$0x1EC00] =	vst v63  }
0xad: {  	_ =	swait.ge [sflag:s7], $0x4000  }
0xae: {  	[sflag:s7] =	ssyncset.done $0x0  }
0xaf: {  	[sflag:s7] =	ssyncadd.s32 $0xFFFFC000  }
0xb0: {  	_ =	swait.ge [sflag:s6], $0x4000  }
0xb1: {  	[sflag:s6] =	ssyncset.done $0x0  }
0xb2: {  	[sflag:s6] =	ssyncadd.s32 $0xFFFFC000  }
0xb3: {  	[bflag:$0x0] =	sbarrier.arrive $0xFFFF  }
0xb4: {  	s14 =	rddreg [dreg:$0xc]  }
0xb5: {  	[hbm4b:s14+s3] =	stream.linear.scatter [tilespmem:s25], [sflag:$0x7], $0x2800, $0x38;
	[tilespmem:$0x1EC00] =	vst v63  }
0xb6: {  	_ = 	snop  }
0xb7: {  	[tilespmem:s30], [sflag:$0x9] =	stream.linear.gather [spmem:s8], $0x4000, $0x38;
	[tilespmem:$0x1EC00] =	vst v63  }
0xb8: {  	_ =	swait.ge [sflag:s24], $0x4000  }
0xb9: {  	[sflag:s24] =	ssyncset.done $0x0  }
0xba: {  	s15 =	rddreg [dreg:$0xd];
	[sflag:s24] =	ssyncadd.s32 $0xFFFFC000  }
0xbb: {  	[hbm4b:s15+s3] =	stream.linear.scatter [tilespmem:s30], [sflag:$0x5], $0x4000, $0x38;
	[tilespmem:$0x1EC00] =	vst v63  }
0xbc: {  	s13 =	rddreg [dreg:$0xe]  }
0xbd: {  	[tilespmem:s0], [sflag:$0x9] =	stream.linear.gather [spmem:s13], $0x4000, $0x38;
	[tilespmem:$0x1EC00] =	vst v63  }
0xbe: {  	_ =	swait.ge [sflag:s24], $0x4000  }
0xbf: {  	[sflag:s24] =	ssyncset.done $0x0  }
0xc0: {  	s14 =	rddreg [dreg:$0xf];
	[sflag:s24] =	ssyncadd.s32 $0xFFFFC000  }
0xc1: {  	[hbm4b:s14+s3] =	stream.linear.scatter [tilespmem:s0], [sflag:$0x6], $0x4000, $0x38;
	[tilespmem:$0x1EC00] =	vst v63  }
0xc2: {  	_ =	swait.ge [sflag:s1], $0x4000  }
0xc3: {  	[sflag:s1] =	ssyncset.done $0x0  }
0xc4: {  	s15 =	rddreg [dreg:$0x10];
	[sflag:s1] =	ssyncadd.s32 $0xFFFFC000  }
0xc5: {  	[tilespmem:s30], [sflag:$0x9] =	stream.linear.gather [spmem:s15], $0x4000, $0x38;
	[tilespmem:$0x1EC00] =	vst v63  }
0xc6: {  	_ =	swait.ge [sflag:s24], $0x4000  }
0xc7: {  	[sflag:s24] =	ssyncset.done $0x0  }
0xc8: {  	[sflag:s24] =	ssyncadd.s32 $0xFFFFC000  }
0xc9: {  	[hbm4b:s16+s3] =	stream.linear.scatter [tilespmem:s30], [sflag:$0x5], $0x4000, $0x38;
	[tilespmem:$0x1EC00] =	vst v63  }
0xca: {  	_ =	swait.ge [sflag:s9], $0x4000  }
0xcb: {  	[sflag:s9] =	ssyncset.done $0x0  }
0xcc: {  	[sflag:s9] =	ssyncadd.s32 $0xFFFFC000  }
0xcd: {  	[tilespmem:s0], [sflag:$0x9] =	stream.linear.gather [spmem:s18], $0x4000, $0x38;
	[tilespmem:$0x1EC00] =	vst v63  }
0xce: {  	_ =	swait.ge [sflag:s24], $0x4000  }
0xcf: {  	[sflag:s24] =	ssyncset.done $0x0  }
0xd0: {  	[sflag:s24] =	ssyncadd.s32 $0xFFFFC000  }
0xd1: {  	[hbm4b:s19+s3] =	stream.linear.scatter [tilespmem:s0], [sflag:$0x6], $0x4000, $0x38;
	[tilespmem:$0x1EC00] =	vst v63  }
0xd2: {  	_ =	swait.ge [sflag:s1], $0x4000  }
0xd3: {  	[sflag:s1] =	ssyncset.done $0x0  }
0xd4: {  	[sflag:s1] =	ssyncadd.s32 $0xFFFFC000  }
0xd5: {  	[tilespmem:s30], [sflag:$0x9] =	stream.linear.gather [spmem:s20], $0x4000, $0x38;
	[tilespmem:$0x1EC00] =	vst v63  }
0xd6: {  	_ =	swait.ge [sflag:s24], $0x4000  }
0xd7: {  	[sflag:s24] =	ssyncset.done $0x0  }
0xd8: {  	[sflag:s24] =	ssyncadd.s32 $0xFFFFC000  }
0xd9: {  	[hbm4b:s21+s3] =	stream.linear.scatter [tilespmem:s30], [sflag:$0x5], $0x4000, $0x38;
	[tilespmem:$0x1EC00] =	vst v63  }
0xda: {  	_ =	swait.ge [sflag:s9], $0x4000  }
0xdb: {  	[sflag:s9] =	ssyncset.done $0x0  }
0xdc: {  	s11 =	sadd.s32 $0x1, s11;
	[sflag:s9] =	ssyncadd.s32 $0xFFFFC000  }
0xdd: {  	p0 =	sne.s32 s11, s22;
	_ =	swait.ge [sflag:s1], $0x4000  }
.Ltmp1:
0xde: {  	[sflag:s1] =	ssyncset.done $0x0;
	(pc) =	sbr.rel @p0 .LBB2_1-.Ltmp1, $4  }
0xdf: {  	[sflag:s1] =	ssyncadd.s32 $0xFFFFC000  }
0xe0: {  	_ =	swait.ge [sflag:s7], $0x2800  }
0xe1: {  	[sflag:s7] =	ssyncset.done $0x0  }
0xe2: {  	[sflag:s7] =	ssyncadd.s32 $0xFFFFD800  }
0xe3: {  	_ =	sfence.sel $0x180000  }
0xe4: {  	[bflag:$0x0] =	sbarrier.arrive $0xFFFF  }
0xe5: {  	_ =	strace $0x9000004A  }
0xe6: {  	s0 =	stileid.u32;
	[bflag:$0x2] =	sbarrier.arrive $0xFFFF  }
0xe7: {  	p0 =	sne.s32 s0, $0x0;
	s0 =	rddreg [dreg:$0x2]  }
0xe8: {  	s0 =	sadd.s32 @!p0 $0x100000, s0  }
0xe9: {  	[sflag:s0] =	ssyncadd.tile.s32 @!p0 $0x1;
	_ =	shalt  }
.Lfunc_end2:
_tile_overlayer_lowered:
.L_overlay_start_2:
0xea: {  	(tag) =	ssettag $0x2  }
0xeb: {  	s0 =	rddreg [dreg:$0x0];
	s2 =	stileid.u32  }
0xec: {  	s1 =	rddreg [dreg:$0x1];
	p0 =	sne.s32 s2, $0x0  }
0xed: {  	s3 =	rddreg [dreg:$0x2];
	[bflag:$0x3] =	sbarrier.arrive $0xFFFF;
	s2 =	simm.s32 @!p0 $0x1C09  }
0xee: {  	[timem:s3], [sflag:s2] =	dma.local @!p0 [hbm:s0], s1  }
0xef: {  	s0 =	simm.s32 @!p0 $0x9  }
0xf0: {  	_ =	swait.ge @!p0 [sflag:s0], s1  }
0xf1: {  	s1 =	ssub.s32 @!p0 $0x0, s1;
	[sflag:s0] =	ssyncset.done @!p0 $0x0  }
0xf2: {  	[sflag:s0] =	ssyncadd.s32 @!p0 s1  }
0xf3: {  	[bflag:$0x3] =	sbarrier.arrive $0xFFFF  }
0xf4: {  	_ =	shalt  }

// kernel: kernel.17.cloned.1.call-start
scs
__scs_entry_jumppad:
0x0: {  	(pc) =	sbr.rel $0x88, $3  }
0x1: {  	(tag) =	ssettag $0x0;
	lr =	simm.s32 $0x1  }
0x2: {  	[smem:$0x3F9A] =	sst lr;
	_ =	strace $0xD0000000  }
0x3: {  	_ = 	snop  }
0x4: {  	_ = 	snop  }
0x5: {  	_ = 	snop  }
0x6: {  	_ = 	snop  }
0x7: {  	_ = 	snop  }
__scs_overlays_trampoline_lowered:
0x8: {  	[smem:$0x3FA9] =	sst s0  }
0x9: {  	[smem:$0x3FAA] =	sst s1  }
0xa: {  	[smem:$0x3FAB] =	sst s2  }
0xb: {  	[smem:$0x3FAC] =	sst s3  }
0xc: {  	[smem:$0x3FAD] =	sst s4  }
0xd: {  	[smem:$0x3FAE] =	sst s5  }
0xe: {  	[smem:$0x3FAF] =	sst s6  }
0xf: {  	[smem:$0x3FB0] =	sst s7  }
0x10: {  	[smem:$0x3FB1] =	sst s8  }
0x11: {  	[smem:$0x3FB2] =	sst s9;
	s0 =	simm.s32 @!p0 $0x0  }
0x12: {  	s1 =	sld [smem:$0x3F98];
	s0 =	simm.s32 @p0 $0x1  }
0x13: {  	[smem:$0x3FB3] =	sst s0;
	s0 =	simm.s32 @!p1 $0x0  }
0x14: {  	s2 =	sld [smem:$0x3F97];
	s0 =	simm.s32 @p1 $0x1  }
0x15: {  	[smem:$0x3FB4] =	sst s0;
	s0 =	simm.s32 @!p2 $0x0  }
0x16: {  	s3 =	sld [smem:$0x3FDB];
	s0 =	simm.s32 @p2 $0x1  }
0x17: {  	s4 =	simm.s32 $0x1BF5;
	[smem:$0x3FB6] =	sst s0  }
0x18: {  	s0 =	sld [smem:$0x3F99];
	_ =	swait.ge [sflag:s4], $0x0  }
0x19: {  	s7 =	sld [smem:$0x3F9A]  }
0x1a: {  	s8 =	sadd.s32 $0xFFFFE003, lr  }
0x1b: {  	s9 =	sadd.s32 $0xFFFFFEF7, lr;
	s5 =	simm.s32 $0xFFFFFFFF;
	p2 =	slt.u32 s8, $0xFFFFF086  }
0x1c: {  	p1 =	slt.u32 s9, $0xF7A;
	s5 =	simm.s32 @!p2 $0x0  }
0x1d: {  	s5 =	simm.s32 @p1 $0x1;
	p0 =	seq.s32 s7, s2  }
0x1e: {  	s7 =	smul.u32 @!p0 $0xF7A, s2;
	p2 =	seq.s32 @!p0 s5, $0x0  }
0x1f: {  	s9 =	smul.u32 $0xF7A, s1;
	s8 =	simm.s32 @!p0 $0x1BF5;
	p2 =	por !p2, p0  }
0x20: {  	[sflag:s8] =	ssyncset.s32 @!p0 $0xFFFFF086;
	s6 =	sadd.s32 @!p0 s3, s7;
	s7 =	simm.s32 @!p0 $0x108  }
0x21: {  	s3 =	sadd.s32 s3, s9;
	s6 =	sadd.s32 @!p0 $0x88, s6;
	s7 =	simm.s32 @p2 $0x1082  }
0x22: {  	[simem:s7], [sflag:s8] =	dma.local @!p0 [hbm:s6], $0xF7A  }
0x23: {  	s9 =	sor.u32 $0xD0000000, s2;
	s6 =	simm.s32 $0x108;
	_ =	swait.ge @!p0 [sflag:s8], $0x0  }
0x24: {  	s3 =	sadd.s32 $0x88, s3;
	s6 =	simm.s32 @!p1 $0x1082;
	[sflag:s4] =	ssyncset.s32 $0xFFFFF086  }
0x25: {  	[simem:s6], [sflag:s4] =	dma.local [hbm:s3], $0xF7A  }
0x26: {  	[smem:$0x3F9A] =	sst s1;
	(tag) =	ssettag s2;
	_ =	strace s9  }
0x27: {  	s1 =	sld [smem:$0x3FAA]  }
0x28: {  	s2 =	sld [smem:$0x3FAB]  }
0x29: {  	s4 =	sld [smem:$0x3FAD]  }
0x2a: {  	p0 =	seq.s32 s5, $0x0;
	s5 =	sld [smem:$0x3FAE]  }
0x2b: {  	s6 =	sld [smem:$0x3FAF]  }
0x2c: {  	s7 =	sld [smem:$0x3FB0]  }
0x2d: {  	s3 =	simm.s32 $0x108;
	s8 =	sld [smem:$0x3FB1]  }
0x2e: {  	s3 =	simm.s32 @!p0 $0x1082;
	s9 =	sld [smem:$0x3FB2]  }
0x2f: {  	lr =	sadd.s32 s0, s3;
	s0 =	sld [smem:$0x3FA9]  }
0x30: {  	s3 =	sld [smem:$0x3FAC]  }
0x31: {  	[smem:$0x3FB5] =	sst s10  }
0x32: {  	s10 =	sld [smem:$0x3FB3];
	_ =	sdelay $0x3  }
0x33: {  	p0 =	seq.s32 s10, $0x1;
	s10 =	sld [smem:$0x3FB5];
	_ =	sdelay $0x3  }
0x34: {  	[smem:$0x3FB5] =	sst s10  }
0x35: {  	s10 =	sld [smem:$0x3FB4];
	_ =	sdelay $0x3  }
0x36: {  	p1 =	seq.s32 s10, $0x1;
	s10 =	sld [smem:$0x3FB5];
	_ =	sdelay $0x3  }
0x37: {  	[smem:$0x3FB5] =	sst s10  }
0x38: {  	s10 =	sld [smem:$0x3FB6]  }
0x39: {  	_ = 	snop;
	(pc) =	sbr.ind lr, $3  }
0x3a: {  	_ = 	snop  }
0x3b: {  	_ = 	snop  }
0x3c: {  	p2 =	seq.s32 s10, $0x1;
	s10 =	sld [smem:$0x3FB5]  }
0x3d: {  	_ =	shalt  }
0x3e: {  	_ =	shalt  }
0x3f: {  	_ =	shalt  }
0x40: {  	_ =	shalt  }
0x41: {  	_ =	shalt  }
0x42: {  	_ =	shalt  }
0x43: {  	_ =	shalt  }
0x44: {  	_ =	shalt  }
0x45: {  	_ =	shalt  }
0x46: {  	_ =	shalt  }
0x47: {  	_ =	shalt  }
0x48: {  	_ =	shalt  }
0x49: {  	_ =	shalt  }
0x4a: {  	_ =	shalt  }
0x4b: {  	_ =	shalt  }
0x4c: {  	_ =	shalt  }
0x4d: {  	_ =	shalt  }
0x4e: {  	_ =	shalt  }
0x4f: {  	_ =	shalt  }
0x50: {  	_ =	shalt  }
0x51: {  	_ =	shalt  }
0x52: {  	_ =	shalt  }
0x53: {  	_ =	shalt  }
0x54: {  	_ =	shalt  }
0x55: {  	_ =	shalt  }
0x56: {  	_ =	shalt  }
0x57: {  	_ =	shalt  }
0x58: {  	_ =	shalt  }
0x59: {  	_ =	shalt  }
0x5a: {  	_ =	shalt  }
0x5b: {  	_ =	shalt  }
0x5c: {  	_ =	shalt  }
0x5d: {  	_ =	shalt  }
0x5e: {  	_ =	shalt  }
0x5f: {  	_ =	shalt  }
0x60: {  	_ =	shalt  }
0x61: {  	_ =	shalt  }
0x62: {  	_ =	shalt  }
0x63: {  	_ =	shalt  }
0x64: {  	_ =	shalt  }
0x65: {  	_ =	shalt  }
0x66: {  	_ =	shalt  }
0x67: {  	_ =	shalt  }
0x68: {  	_ =	shalt  }
0x69: {  	_ =	shalt  }
0x6a: {  	_ =	shalt  }
0x6b: {  	_ =	shalt  }
0x6c: {  	_ =	shalt  }
0x6d: {  	_ =	shalt  }
0x6e: {  	_ =	shalt  }
0x6f: {  	_ =	shalt  }
0x70: {  	_ =	shalt  }
0x71: {  	_ =	shalt  }
0x72: {  	_ =	shalt  }
0x73: {  	_ =	shalt  }
0x74: {  	_ =	shalt  }
0x75: {  	_ =	shalt  }
0x76: {  	_ =	shalt  }
0x77: {  	_ =	shalt  }
0x78: {  	_ =	shalt  }
0x79: {  	_ =	shalt  }
0x7a: {  	_ =	shalt  }
0x7b: {  	_ =	shalt  }
0x7c: {  	_ =	shalt  }
0x7d: {  	_ =	shalt  }
0x7e: {  	_ =	shalt  }
0x7f: {  	_ =	shalt  }
0x80: {  	_ =	shalt  }
0x81: {  	_ =	shalt  }
0x82: {  	_ =	shalt  }
0x83: {  	_ =	shalt  }
0x84: {  	_ =	shalt  }
0x85: {  	_ =	shalt  }
0x86: {  	_ =	shalt  }
0x87: {  	_ =	shalt  }
.Lfunc_end0:
.L_simem_size_0:
called_computation.2_lowered:
.L_overlay_start_0:
0x88: {  	s2 =	sld [smem:$0x3FD9]  }
0x89: {  	s3 =	sld [smem:$0x3FFE];
	_ =	sdelay $0x1  }
0x8a: {  	s1 =	srdreg.scid  }
0x8b: {  	s0 =	sand.u32 $0x1, s1  }
0x8c: {  	s16 =	sshll.u32 s0, $0xA;
	s2 =	sadd.s32 s3, s2  }
0x8d: {  	s2 =	sadd.s32 s2, s16  }
0x8e: {  	[smem:$0x3FC1] =	sst s2  }
0x8f: {  	_ = 	snop  }
0x90: {  	(tm) =	ssettm $0x1  }
0x91: {  	s17 =	sld [smem:$0x3FFB];
	_ =	sdelay $0x3  }
0x92: {  	_ =	strace s17  }
0x93: {  	s2 =	sld [smem:$0x3FFC];
	_ =	sdelay $0x3  }
0x94: {  	_ =	strace s2  }
0x95: {  	s2 =	sld [smem:$0x3FFD];
	_ =	sdelay $0x3  }
0x96: {  	_ =	strace s2  }
0x97: {  	_ =	strace $0x8FFFFFFF  }
0x98: {  	s18 =	sld [smem:$0x3FDB];
	_ =	sdelay $0x1  }
0x99: {  	s19 =	simm.s32 $_scs_section_size  }
0x9a: {  	s4 =	simm.s32 $_size__tile_overlayer_lowered;
	s5 =	simm.s32 $_tile_overlayer_lowered  }
0x9b: {  	s22 =	simm.s32 $0x1BFF;
	s21 =	sshll.u32 s5, $0x1;
	s2 =	sadd.s32 s19, s18  }
0x9c: {  	s6 =	simm.s32 $0x0;
	s20 =	sshll.u32 s4, $0x1;
	s4 =	sadd.s32 s21, s2  }
0x9d: {  	[timem:s6], [sflag:s22] =	dma.local [hbm:s4], s20  }
0x9e: {  	_ =	swait.ge [sflag:s22], s20  }
0x9f: {  	s3 =	ssub.s32 $0x0, s20;
	[sflag:s22] =	ssyncset.done $0x0  }
0xa0: {  	[sflag:s22] =	ssyncadd.s32 s3;
	_ =	sdelay $0x1  }
0xa1: {  	s23 =	simm.s32 $0x1B8B  }
0xa2: {  	_ =	swait.ge [sflag:s23], $0x1  }
0xa3: {  	[sflag:s23] =	ssyncset.done $0x0  }
0xa4: {  	s25 =	simm.s32 $0x1B8E;
	s24 =	sld [smem:$0x3FFE];
	[sflag:s23] =	ssyncadd.s32 $0xFFFFFFFF  }
0xa5: {  	s26 =	simm.s32 $execute0_lowered;
	[smem:$0x3FD2] =	sst s25  }
0xa6: {  	s4 =	sshll.u32 s26, $0x1;
	_ =	strace $0x8000004C;
	[dreg:$0x1] =	wrdreg $0xFFFFFFFF  }
0xa7: {  	s28 =	simm.s32 $_size_execute0_lowered;
	s2 =	sadd.s32 s2, s4;
	[dreg:$0x0] =	wrdreg $0x0  }
0xa8: {  	s4 =	sshll.u32 s28, $0x1;
	[dreg:$0x2] =	wrdreg s2  }
0xa9: {  	[dreg:$0x3] =	wrdreg s4  }
0xaa: {  	[dreg:$0x4] =	wrdreg $0xC0  }
0xab: {  	_ =	task [dreg:s6], $0x5FFFF  }
0xac: {  	[dreg:$0x1] =	wrdreg $0xFFFFFFFF  }
0xad: {  	[dreg:$0x0] =	wrdreg $0x60  }
0xae: {  	[dreg:$0x2] =	wrdreg s24  }
0xaf: {  	[dreg:$0x3] =	wrdreg $0xAC000  }
0xb0: {  	[dreg:$0x4] =	wrdreg $0x9  }
0xb1: {  	_ =	task.clear_ibuf [dreg:s6], $0x5FFFF;
	_ =	strace $0x9000004C  }
0xb2: {  	s29 =	simm.s32 $0x9;
	_ =	strace $0x8000004E  }
0xb3: {  	_ =	swait.ge [sflag:s29], $0x1  }
0xb4: {  	[sflag:s29] =	ssyncadd.s32 $0xFFFFFFFF  }
0xb5: {  	_ =	strace $0x9000004E  }
0xb6: {  	_ =	sfence  }
0xb7: {  	s30 =	sld [smem:$0x0];
	_ =	sdelay $0x2  }
0xb8: {  	s31 =	sshll.u32 s1, $0xD;
	s1 =	sshrl.u32 s1, $0x2  }
0xb9: {  	s3 =	sand.u32 $0x4000, s31;
	s1 =	sadd.s32 s1, s30  }
0xba: {  	s0 =	sor.u32 s3, s0;
	s1 =	sshll.u32 s1, $0x11  }
0xbb: {  	s0 =	sor.u32 s1, s0  }
0xbc: {  	s0 =	sadd.s32 $0x8F2B, s0  }
0xbd: {  	[sflag:s0] =	ssyncadd.remote.s32 $0x1  }
0xbe: {  	_ =	sfence.sel $0xFFFF  }
0xbf: {  	[dreg:$0x0] =	wrdreg $0xFFFFFFFF;
	(pc) =	sbr.abs _section_cstart, $3  }
0xc0: {  	[dreg:$0x1] =	wrdreg $0xFFFFFFFF  }
0xc1: {  	_ =	task.clear_ibuf [dreg:s6], $0x2FFFF;
	_ =	strace $0x9FFFFFFF  }
0xc2: {  	(tm) =	ssettm $0x7FFFFFFF  }
0xc3: {  	_ =	shalt  }
tec
execute0_lowered:
.L_overlay_start_1:
0x0: {  	(tag) =	ssettag $0x1  }
0x1: {  	s0 =	rddreg [dreg:$0x0]  }
0x2: {  	s2 =	rddreg [dreg:$0x1]  }
0x3: {  	s3 =	simm.s32 $0x0;
	s12 =	stileid.u32;
	s5 =	srdreg.scid  }
0x4: {  	s28 =	simm.s32 $0x200;
	s29 =	simm.s32 $0x80;
	s30 =	simm.s32 $0x400  }
0x5: {  	s31 =	simm.s32 $0x300;
	[smem:$0x7FF] =	sst s3;
	s1 =	smul.u32 $0x14000, s12  }
0x6: {  	s4 =	sadd.s32 $0x17C00, s0;
	s5 =	sand.u32 $0x1, s5;
	s6 =	smul.u32 $0x280, s12  }
0x7: {  	s10 =	sadd.s32 $0x3C00, s0;
	s11 =	sadd.s32 $0x66E00, s0;
	s14 =	smul.u32 $0x50000, s12  }
0x8: {  	s17 =	sshll.u32 s12, $0x6;
	s18 =	smul.u32 $0x50, s12;
	_ =	strace $0x8000004D  }
0x9: {  	s8 =	smul.u32 $0x2800, s5;
	s9 =	sshll.u32 s5, $0x4;
	[dreg:$0x7] =	wrdreg s11  }
0xa: {  	s25 =	ssub.s32 $0x2, s5;
	s15 =	smul.u32 $0x500, s5;
	s5 =	sor.u32 $0x1C09, s17  }
0xb: {  	s7 =	sshrl.u32 s1, $0x3;
	s9 =	sor.u32 s12, s9;
	s26 =	sshrl.u32 s25, $0x1  }
0xc: {  	[dreg:$0xb] =	wrdreg s5;
	s19 =	sshrl.u32 s14, $0x2;
	s5 =	simm.s32 $0x3  }
0xd: {  	s7 =	sadd.s32 s7, s0;
	s6 =	sadd.s32 s6, s8;
	s24 =	smul.u32 $0x500, s9  }
0xe: {  	s9 =	smul.u32 $0xA00, s9;
	s11 =	ssub.s32 s25, s26;
	s25 =	simm.s32 $0x180  }
0xf: {  	s26 =	simm.s32 $0x280;
	s6 =	sshll.u32 s6, $0x4;
	[dreg:$0x5] =	wrdreg s25  }
0x10: {  	s16 =	sadd.s32 $0x3EE00, s7;
	[dreg:$0x6] =	wrdreg s26;
	s25 =	simm.s32 $0x8400  }
0x11: {  	s26 =	simm.s32 $0x1;
	s7 =	simm.s32 $0x7;
	s6 =	sadd.s32 s6, s0  }
0x12: {  	s0 =	sadd.s32 s24, s0;
	s13 =	sadd.s32 s10, s9;
	[dreg:$0xa] =	wrdreg s16  }
0x13: {  	s9 =	simm.s32 $0x6;
	[dreg:$0x8] =	wrdreg s13;
	s8 =	sadd.s32 $0x20, s13  }
0x14: {  	s0 =	sadd.s32 $0x67400, s0;
	s20 =	sadd.s32 $0x71400, s6;
	[dreg:$0x9] =	wrdreg s8  }
0x15: {  	s22 =	sadd.s32 $0x71C00, s6;
	s16 =	sadd.s32 $0x72400, s6;
	[dreg:$0xc] =	wrdreg s0  }
0x16: {  	s8 =	sadd.s32 s1, s2;
	[dreg:$0xd] =	wrdreg s20;
	s0 =	sadd.s32 s19, s2  }
0x17: {  	s1 =	sadd.s32 s18, s15;
	[dreg:$0xf] =	wrdreg s22;
	s19 =	sadd.s32 $0x72C00, s6  }
0x18: {  	s22 =	smax.u32 s11, $0x1;
	s11 =	simm.s32 $0x0;
	s21 =	sadd.s32 $0x4000, s0  }
0x19: {  	s1 =	sshll.u32 s1, $0x5;
	s23 =	sadd.s32 $0x8000, s0;
	s18 =	sadd.s32 $0xC000, s0  }
0x1a: {  	s20 =	sadd.s32 $0x10000, s0;
	s0 =	simm.s32 $0x4400;
	[dreg:$0xe] =	wrdreg s21  }
0x1b: {  	[dreg:$0x10] =	wrdreg s23;
	s17 =	sadd.s32 s1, s10;
	s21 =	sadd.s32 $0x73400, s6  }
0x1c: {  	s23 =	simm.s32 $0x100;
	s10 =	simm.s32 $0x4;
	s1 =	sadd.s32 $0x80, s17  }
0x1d: {  	s6 =	simm.s32 $0x8;
	s24 =	sadd.s32 $0x40, s17;
	[dreg:$0x3] =	wrdreg s1  }
0x1e: {  	v0 =	vimm.f32 $1.000000000e+00;
	[dreg:$0x4] =	wrdreg s24;
	s24 =	simm.s32 $0x9;
	s1 =	simm.s32 $0x5  }
.LBB2_1:
0x1f: {  	s12 =	rddreg [dreg:$0x8]  }
0x20: {  	s14 =	rddreg [dreg:$0x9]  }
0x21: {  	[tilespmem:s3], [sflag:$0x1] =	stream.linear.gather [hbm4b:s12+s3], $0x100, $0x38;
	[tilespmem:$0x1EC00] =	vst v63  }
0x22: {  	s13 =	rddreg [dreg:$0xa]  }
0x23: {  	[tilespmem:s23], [sflag:$0x2] =	stream.linear.gather [hbm4b:s14+s3], $0x100, $0x38;
	[tilespmem:$0x1EC00] =	vst v63  }
0x24: {  	s15 =	sshrl.u32 s8, $0x3;
	s14 =	rddreg [dreg:$0xb]  }
0x25: {  	[spmem:s15], [sflag:s14] =	dma.local [hbm:s13], $0x2800  }
0x26: {  	_ =	swait.ge [sflag:s24], $0x2800  }
0x27: {  	[sflag:s24] =	ssyncset.done $0x0  }
0x28: {  	s15 =	rddreg [dreg:$0x7];
	[sflag:s24] =	ssyncadd.s32 $0xFFFFD800  }
0x29: {  	[tilespmem:s25], [sflag:$0x9] =	stream.linear.gather [hbm4b:s15+s3], $0x2800, $0x38;
	[tilespmem:$0x1EC00] =	vst v63  }
0x2a: {  	_ =	swait.ge [sflag:s24], $0x2800  }
0x2b: {  	[sflag:s24] =	ssyncset.done $0x0  }
0x2c: {  	[sflag:s24] =	ssyncadd.s32 $0xFFFFD800  }
0x2d: {  	s12 =	simm.s32 $0x0;
	[bflag:$0x0] =	sbarrier.arrive $0xFFFF  }
.LBB2_2:
0x2e: {  	_ =	swait.ge [sflag:s26], $0x100  }
0x2f: {  	p0 =	seq.s32 s12, $0x0;
	[sflag:s26] =	ssyncset.done $0x0  }
0x30: {  	s13 =	simm.s32 @!p0 $0x7;
	[sflag:s26] =	ssyncadd.s32 $0xFFFFFF00  }
0x31: {  	_ =	swait.ge @!p0 [sflag:s13], $0x4000  }
0x32: {  	s14 =	rddreg [dreg:$0x4];
	[sflag:s13] =	ssyncset.done @!p0 $0x0  }
0x33: {  	[sflag:s13] =	ssyncadd.s32 @!p0 $0xFFFFC000;
	s14 =	sadd.s32 s12, s14  }
0x34: {  	[tilespmem:s28], [sflag:$0x3] =	stream.linear.gather [hbm4b:s14+s3], $0x100, $0x38;
	[tilespmem:$0x1EC00] =	vst v63  }
0x35: {  	_ = 	snop  }
0x36: {  	[tilespmem:s30], [sflag:$0x5] =	stream.indirect.gather [hbm4b:s4+s29], $0x80, s3, s29, $0xb8;
	[tilespmem:$0x1EC00] =	vst v63  }
0x37: {  	v1 =	vld [tilespmem:$0x80];
	_ =	sdelay $0x7  }
0x38: {  	[tilespmem:v1+s25+$0x0] =	vst.idx.add.f32.msk $0xffff, v0  }
0x39: {  	v1 =	vld [tilespmem:$0x90];
	_ =	sdelay $0x7  }
0x3a: {  	[tilespmem:v1+s25+$0x0] =	vst.idx.add.f32.msk $0xffff, v0  }
0x3b: {  	v1 =	vld [tilespmem:$0xA0];
	_ =	sdelay $0x7  }
0x3c: {  	[tilespmem:v1+s25+$0x0] =	vst.idx.add.f32.msk $0xffff, v0  }
0x3d: {  	v1 =	vld [tilespmem:$0xB0];
	_ =	sdelay $0x7  }
0x3e: {  	[tilespmem:v1+s25+$0x0] =	vst.idx.add.f32.msk $0xffff, v0  }
0x3f: {  	v1 =	vld [tilespmem:$0xC0];
	_ =	sdelay $0x7  }
0x40: {  	[tilespmem:v1+s25+$0x0] =	vst.idx.add.f32.msk $0xffff, v0  }
0x41: {  	v1 =	vld [tilespmem:$0xD0];
	_ =	sdelay $0x7  }
0x42: {  	[tilespmem:v1+s25+$0x0] =	vst.idx.add.f32.msk $0xffff, v0  }
0x43: {  	v1 =	vld [tilespmem:$0xE0];
	_ =	sdelay $0x7  }
0x44: {  	[tilespmem:v1+s25+$0x0] =	vst.idx.add.f32.msk $0xffff, v0  }
0x45: {  	v1 =	vld [tilespmem:$0xF0];
	_ =	sdelay $0x6  }
0x46: {  	p0 =	sne.s32 s12, $0x0  }
0x47: {  	s13 =	simm.s32 @p0 $0x6;
	[tilespmem:v1+s25+$0x0] =	vst.idx.add.f32.msk $0xffff, v0  }
0x48: {  	_ =	swait.ge @p0 [sflag:s13], $0x4000  }
0x49: {  	s14 =	simm.s32 @p0 $0x380;
	[sflag:s13] =	ssyncset.done @p0 $0x0  }
0x4a: {  	s15 =	simm.s32 @p0 $0x4400;
	[sflag:s13] =	ssyncadd.s32 @p0 $0xFFFFC000;
	s13 =	simm.s32 @p0 $0x80  }
0x4b: {  	[spmem:s2] =	stream.indirect.scatter.add.f32 @p0 [tilespmem:s15], [sflag:$0x8], $0x80, s14, s13, $0xb8;
	[tilespmem:$0x1EC00] =	vst v63  }
0x4c: {  	s13 =	simm.s32 @p0 $0x2  }
0x4d: {  	_ =	swait.ge @p0 [sflag:s13], $0x100  }
0x4e: {  	[sflag:s13] =	ssyncset.done @p0 $0x0  }
0x4f: {  	[sflag:s13] =	ssyncadd.s32 @p0 $0xFFFFFF00;
	s13 =	simm.s32 @p0 $0x8  }
0x50: {  	_ =	swait.ge @p0 [sflag:s13], $0x4000  }
0x51: {  	[sflag:s13] =	ssyncset.done @p0 $0x0  }
0x52: {  	[sflag:s13] =	ssyncadd.s32 @p0 $0xFFFFC000;
	s13 =	simm.s32 @!p0 $0x2  }
0x53: {  	_ =	swait.ge @!p0 [sflag:s13], $0x100  }
0x54: {  	s15 =	sadd.s32 s12, s17;
	[sflag:s13] =	ssyncset.done @!p0 $0x0  }
0x55: {  	s14 =	sadd.s32 $0x60, s15;
	[sflag:s13] =	ssyncadd.s32 @!p0 $0xFFFFFF00  }
0x56: {  	[tilespmem:s31], [sflag:$0x4] =	stream.linear.gather [hbm4b:s14+s3], $0x100, $0x38;
	[tilespmem:$0x1EC00] =	vst v63  }
0x57: {  	_ = 	snop  }
0x58: {  	[tilespmem:s0], [sflag:$0x6] =	stream.indirect.gather [hbm4b:s4+s29], $0x80, s23, s29, $0xb8;
	[tilespmem:$0x1EC00] =	vst v63  }
0x59: {  	v1 =	vld [tilespmem:$0x180];
	_ =	sdelay $0x7  }
0x5a: {  	[tilespmem:v1+s25+$0x0] =	vst.idx.add.f32.msk $0xffff, v0  }
0x5b: {  	v1 =	vld [tilespmem:$0x190];
	_ =	sdelay $0x7  }
0x5c: {  	[tilespmem:v1+s25+$0x0] =	vst.idx.add.f32.msk $0xffff, v0  }
0x5d: {  	v1 =	vld [tilespmem:$0x1A0];
	_ =	sdelay $0x7  }
0x5e: {  	[tilespmem:v1+s25+$0x0] =	vst.idx.add.f32.msk $0xffff, v0  }
0x5f: {  	v1 =	vld [tilespmem:$0x1B0];
	_ =	sdelay $0x7  }
0x60: {  	[tilespmem:v1+s25+$0x0] =	vst.idx.add.f32.msk $0xffff, v0  }
0x61: {  	v1 =	vld [tilespmem:$0x1C0];
	_ =	sdelay $0x7  }
0x62: {  	[tilespmem:v1+s25+$0x0] =	vst.idx.add.f32.msk $0xffff, v0  }
0x63: {  	v1 =	vld [tilespmem:$0x1D0];
	_ =	sdelay $0x7  }
0x64: {  	[tilespmem:v1+s25+$0x0] =	vst.idx.add.f32.msk $0xffff, v0  }
0x65: {  	v1 =	vld [tilespmem:$0x1E0];
	_ =	sdelay $0x7  }
0x66: {  	[tilespmem:v1+s25+$0x0] =	vst.idx.add.f32.msk $0xffff, v0  }
0x67: {  	v1 =	vld [tilespmem:$0x1F0];
	_ =	sdelay $0x7  }
0x68: {  	[tilespmem:v1+s25+$0x0] =	vst.idx.add.f32.msk $0xffff, v0  }
0x69: {  	_ =	swait.ge [sflag:s1], $0x4000  }
0x6a: {  	[sflag:s1] =	ssyncset.done $0x0  }
0x6b: {  	[sflag:s1] =	ssyncadd.s32 $0xFFFFC000  }
0x6c: {  	[spmem:s2] =	stream.indirect.scatter.add.f32 [tilespmem:s30], [sflag:$0x7], $0x80, s29, s29, $0xb8;
	[tilespmem:$0x1EC00] =	vst v63  }
0x6d: {  	_ =	swait.ge [sflag:s5], $0x100  }
0x6e: {  	[sflag:s5] =	ssyncset.done $0x0  }
0x6f: {  	[sflag:s5] =	ssyncadd.s32 $0xFFFFFF00  }
0x70: {  	_ =	swait.ge [sflag:s7], $0x4000  }
0x71: {  	p0 =	seq.s32 s12, $0x980;
	s13 =	rddreg [dreg:$0x3];
	[sflag:s7] =	ssyncset.done $0x0  }
0x72: {  	s14 =	simm.s32 @!p0 $0x0;
	[sflag:s7] =	ssyncadd.s32 $0xFFFFC000;
	s13 =	sadd.s32 @!p0 s12, s13  }
0x73: {  	[tilespmem:s14], [sflag:$0x1] =	stream.linear.gather @!p0 [hbm4b:s13+s14], $0x100, $0x38;
	[tilespmem:$0x1EC00] =	vst v63  }
0x74: {  	_ = 	snop  }
0x75: {  	[tilespmem:s30], [sflag:$0x5] =	stream.indirect.gather [hbm4b:s4+s29], $0x80, s28, s29, $0xb8;
	[tilespmem:$0x1EC00] =	vst v63  }
0x76: {  	v1 =	vld [tilespmem:$0x280];
	_ =	sdelay $0x7  }
0x77: {  	[tilespmem:v1+s25+$0x0] =	vst.idx.add.f32.msk $0xffff, v0  }
0x78: {  	v1 =	vld [tilespmem:$0x290];
	_ =	sdelay $0x7  }
0x79: {  	[tilespmem:v1+s25+$0x0] =	vst.idx.add.f32.msk $0xffff, v0  }
0x7a: {  	v1 =	vld [tilespmem:$0x2A0];
	_ =	sdelay $0x7  }
0x7b: {  	[tilespmem:v1+s25+$0x0] =	vst.idx.add.f32.msk $0xffff, v0  }
0x7c: {  	v1 =	vld [tilespmem:$0x2B0];
	_ =	sdelay $0x7  }
0x7d: {  	[tilespmem:v1+s25+$0x0] =	vst.idx.add.f32.msk $0xffff, v0  }
0x7e: {  	v1 =	vld [tilespmem:$0x2C0];
	_ =	sdelay $0x7  }
0x7f: {  	[tilespmem:v1+s25+$0x0] =	vst.idx.add.f32.msk $0xffff, v0  }
0x80: {  	v1 =	vld [tilespmem:$0x2D0];
	_ =	sdelay $0x7  }
0x81: {  	[tilespmem:v1+s25+$0x0] =	vst.idx.add.f32.msk $0xffff, v0  }
0x82: {  	v1 =	vld [tilespmem:$0x2E0];
	_ =	sdelay $0x7  }
0x83: {  	[tilespmem:v1+s25+$0x0] =	vst.idx.add.f32.msk $0xffff, v0  }
0x84: {  	v1 =	vld [tilespmem:$0x2F0];
	_ =	sdelay $0x7  }
0x85: {  	[tilespmem:v1+s25+$0x0] =	vst.idx.add.f32.msk $0xffff, v0  }
0x86: {  	_ =	swait.ge [sflag:s9], $0x4000  }
0x87: {  	[sflag:s9] =	ssyncset.done $0x0  }
0x88: {  	s15 =	rddreg [dreg:$0x5];
	[sflag:s9] =	ssyncadd.s32 $0xFFFFC000  }
0x89: {  	[spmem:s2] =	stream.indirect.scatter.add.f32 [tilespmem:s0], [sflag:$0x8], $0x80, s15, s29, $0xb8;
	[tilespmem:$0x1EC00] =	vst v63  }
0x8a: {  	_ =	swait.ge [sflag:s10], $0x100  }
0x8b: {  	[sflag:s10] =	ssyncset.done $0x0  }
0x8c: {  	[sflag:s10] =	ssyncadd.s32 $0xFFFFFF00  }
0x8d: {  	_ =	swait.ge [sflag:s6], $0x4000  }
0x8e: {  	s13 =	sadd.s32 @!p0 s12, s17;
	[sflag:s6] =	ssyncset.done $0x0  }
0x8f: {  	s13 =	sadd.s32 @!p0 $0xA0, s13;
	s15 =	simm.s32 @!p0 $0x100;
	[sflag:s6] =	ssyncadd.s32 $0xFFFFC000  }
0x90: {  	[tilespmem:s15], [sflag:$0x2] =	stream.linear.gather @!p0 [hbm4b:s13+s14], $0x100, $0x38;
	[tilespmem:$0x1EC00] =	vst v63  }
0x91: {  	_ = 	snop  }
0x92: {  	[tilespmem:s0], [sflag:$0x6] =	stream.indirect.gather [hbm4b:s4+s29], $0x80, s31, s29, $0xb8;
	[tilespmem:$0x1EC00] =	vst v63  }
0x93: {  	v1 =	vld [tilespmem:$0x380];
	_ =	sdelay $0x7  }
0x94: {  	[tilespmem:v1+s25+$0x0] =	vst.idx.add.f32.msk $0xffff, v0  }
0x95: {  	v1 =	vld [tilespmem:$0x390];
	_ =	sdelay $0x7  }
0x96: {  	[tilespmem:v1+s25+$0x0] =	vst.idx.add.f32.msk $0xffff, v0  }
0x97: {  	v1 =	vld [tilespmem:$0x3A0];
	_ =	sdelay $0x7  }
0x98: {  	[tilespmem:v1+s25+$0x0] =	vst.idx.add.f32.msk $0xffff, v0  }
0x99: {  	v1 =	vld [tilespmem:$0x3B0];
	_ =	sdelay $0x7  }
0x9a: {  	[tilespmem:v1+s25+$0x0] =	vst.idx.add.f32.msk $0xffff, v0  }
0x9b: {  	v1 =	vld [tilespmem:$0x3C0];
	_ =	sdelay $0x7  }
0x9c: {  	[tilespmem:v1+s25+$0x0] =	vst.idx.add.f32.msk $0xffff, v0  }
0x9d: {  	v1 =	vld [tilespmem:$0x3D0];
	_ =	sdelay $0x7  }
0x9e: {  	[tilespmem:v1+s25+$0x0] =	vst.idx.add.f32.msk $0xffff, v0  }
0x9f: {  	v1 =	vld [tilespmem:$0x3E0];
	_ =	sdelay $0x7  }
0xa0: {  	[tilespmem:v1+s25+$0x0] =	vst.idx.add.f32.msk $0xffff, v0  }
0xa1: {  	v1 =	vld [tilespmem:$0x3F0];
	_ =	sdelay $0x5  }
0xa2: {  	s12 =	sadd.s32 $0x80, s12  }
0xa3: {  	p0 =	sne.s32 s12, $0xA00  }
.Ltmp0:
0xa4: {  	[tilespmem:v1+s25+$0x0] =	vst.idx.add.f32.msk $0xffff, v0;
	(pc) =	sbr.rel @p0 .LBB2_2-.Ltmp0, $4  }
0xa5: {  	_ =	swait.ge [sflag:s1], $0x4000  }
0xa6: {  	[sflag:s1] =	ssyncset.done $0x0  }
0xa7: {  	s15 =	rddreg [dreg:$0x6];
	[sflag:s1] =	ssyncadd.s32 $0xFFFFC000  }
0xa8: {  	[spmem:s2] =	stream.indirect.scatter.add.f32 [tilespmem:s30], [sflag:$0x7], $0x80, s15, s29, $0xb8;
	[tilespmem:$0x1EC00] =	vst v63  }
0xa9: {  	_ =	swait.ge [sflag:s9], $0x4000  }
0xaa: {  	[sflag:s9] =	ssyncset.done $0x0  }
0xab: {  	s12 =	simm.s32 $0x380;
	[sflag:s9] =	ssyncadd.s32 $0xFFFFC000  }
0xac: {  	[spmem:s2] =	stream.indirect.scatter.add.f32 [tilespmem:s0], [sflag:$0x8], $0x80, s12, s29, $0xb8;
	[tilespmem:$0x1EC00] =	vst v63  }
0xad: {  	_ =	swait.ge [sflag:s7], $0x4000  }
0xae: {  	[sflag:s7] =	ssyncset.done $0x0  }
0xaf: {  	[sflag:s7] =	ssyncadd.s32 $0xFFFFC000  }
0xb0: {  	_ =	swait.ge [sflag:s6], $0x4000  }
0xb1: {  	[sflag:s6] =	ssyncset.done $0x0  }
0xb2: {  	[sflag:s6] =	ssyncadd.s32 $0xFFFFC000  }
0xb3: {  	[bflag:$0x0] =	sbarrier.arrive $0xFFFF  }
0xb4: {  	s14 =	rddreg [dreg:$0xc]  }
0xb5: {  	[hbm4b:s14+s3] =	stream.linear.scatter [tilespmem:s25], [sflag:$0x7], $0x2800, $0x38;
	[tilespmem:$0x1EC00] =	vst v63  }
0xb6: {  	_ = 	snop  }
0xb7: {  	[tilespmem:s30], [sflag:$0x9] =	stream.linear.gather [spmem:s8], $0x4000, $0x38;
	[tilespmem:$0x1EC00] =	vst v63  }
0xb8: {  	_ =	swait.ge [sflag:s24], $0x4000  }
0xb9: {  	[sflag:s24] =	ssyncset.done $0x0  }
0xba: {  	s15 =	rddreg [dreg:$0xd];
	[sflag:s24] =	ssyncadd.s32 $0xFFFFC000  }
0xbb: {  	[hbm4b:s15+s3] =	stream.linear.scatter [tilespmem:s30], [sflag:$0x5], $0x4000, $0x38;
	[tilespmem:$0x1EC00] =	vst v63  }
0xbc: {  	s13 =	rddreg [dreg:$0xe]  }
0xbd: {  	[tilespmem:s0], [sflag:$0x9] =	stream.linear.gather [spmem:s13], $0x4000, $0x38;
	[tilespmem:$0x1EC00] =	vst v63  }
0xbe: {  	_ =	swait.ge [sflag:s24], $0x4000  }
0xbf: {  	[sflag:s24] =	ssyncset.done $0x0  }
0xc0: {  	s14 =	rddreg [dreg:$0xf];
	[sflag:s24] =	ssyncadd.s32 $0xFFFFC000  }
0xc1: {  	[hbm4b:s14+s3] =	stream.linear.scatter [tilespmem:s0], [sflag:$0x6], $0x4000, $0x38;
	[tilespmem:$0x1EC00] =	vst v63  }
0xc2: {  	_ =	swait.ge [sflag:s1], $0x4000  }
0xc3: {  	[sflag:s1] =	ssyncset.done $0x0  }
0xc4: {  	s15 =	rddreg [dreg:$0x10];
	[sflag:s1] =	ssyncadd.s32 $0xFFFFC000  }
0xc5: {  	[tilespmem:s30], [sflag:$0x9] =	stream.linear.gather [spmem:s15], $0x4000, $0x38;
	[tilespmem:$0x1EC00] =	vst v63  }
0xc6: {  	_ =	swait.ge [sflag:s24], $0x4000  }
0xc7: {  	[sflag:s24] =	ssyncset.done $0x0  }
0xc8: {  	[sflag:s24] =	ssyncadd.s32 $0xFFFFC000  }
0xc9: {  	[hbm4b:s16+s3] =	stream.linear.scatter [tilespmem:s30], [sflag:$0x5], $0x4000, $0x38;
	[tilespmem:$0x1EC00] =	vst v63  }
0xca: {  	_ =	swait.ge [sflag:s9], $0x4000  }
0xcb: {  	[sflag:s9] =	ssyncset.done $0x0  }
0xcc: {  	[sflag:s9] =	ssyncadd.s32 $0xFFFFC000  }
0xcd: {  	[tilespmem:s0], [sflag:$0x9] =	stream.linear.gather [spmem:s18], $0x4000, $0x38;
	[tilespmem:$0x1EC00] =	vst v63  }
0xce: {  	_ =	swait.ge [sflag:s24], $0x4000  }
0xcf: {  	[sflag:s24] =	ssyncset.done $0x0  }
0xd0: {  	[sflag:s24] =	ssyncadd.s32 $0xFFFFC000  }
0xd1: {  	[hbm4b:s19+s3] =	stream.linear.scatter [tilespmem:s0], [sflag:$0x6], $0x4000, $0x38;
	[tilespmem:$0x1EC00] =	vst v63  }
0xd2: {  	_ =	swait.ge [sflag:s1], $0x4000  }
0xd3: {  	[sflag:s1] =	ssyncset.done $0x0  }
0xd4: {  	[sflag:s1] =	ssyncadd.s32 $0xFFFFC000  }
0xd5: {  	[tilespmem:s30], [sflag:$0x9] =	stream.linear.gather [spmem:s20], $0x4000, $0x38;
	[tilespmem:$0x1EC00] =	vst v63  }
0xd6: {  	_ =	swait.ge [sflag:s24], $0x4000  }
0xd7: {  	[sflag:s24] =	ssyncset.done $0x0  }
0xd8: {  	[sflag:s24] =	ssyncadd.s32 $0xFFFFC000  }
0xd9: {  	[hbm4b:s21+s3] =	stream.linear.scatter [tilespmem:s30], [sflag:$0x5], $0x4000, $0x38;
	[tilespmem:$0x1EC00] =	vst v63  }
0xda: {  	_ =	swait.ge [sflag:s9], $0x4000  }
0xdb: {  	[sflag:s9] =	ssyncset.done $0x0  }
0xdc: {  	s11 =	sadd.s32 $0x1, s11;
	[sflag:s9] =	ssyncadd.s32 $0xFFFFC000  }
0xdd: {  	p0 =	sne.s32 s11, s22;
	_ =	swait.ge [sflag:s1], $0x4000  }
.Ltmp1:
0xde: {  	[sflag:s1] =	ssyncset.done $0x0;
	(pc) =	sbr.rel @p0 .LBB2_1-.Ltmp1, $4  }
0xdf: {  	[sflag:s1] =	ssyncadd.s32 $0xFFFFC000  }
0xe0: {  	_ =	swait.ge [sflag:s7], $0x2800  }
0xe1: {  	[sflag:s7] =	ssyncset.done $0x0  }
0xe2: {  	[sflag:s7] =	ssyncadd.s32 $0xFFFFD800  }
0xe3: {  	_ =	sfence.sel $0x180000  }
0xe4: {  	[bflag:$0x0] =	sbarrier.arrive $0xFFFF  }
0xe5: {  	_ =	strace $0x9000004D  }
0xe6: {  	s0 =	stileid.u32;
	[bflag:$0x2] =	sbarrier.arrive $0xFFFF  }
0xe7: {  	p0 =	sne.s32 s0, $0x0;
	s0 =	rddreg [dreg:$0x2]  }
0xe8: {  	s0 =	sadd.s32 @!p0 $0x100000, s0  }
0xe9: {  	[sflag:s0] =	ssyncadd.tile.s32 @!p0 $0x1;
	_ =	shalt  }
.Lfunc_end2:
_tile_overlayer_lowered:
.L_overlay_start_2:
0xea: {  	(tag) =	ssettag $0x2  }
0xeb: {  	s0 =	rddreg [dreg:$0x0];
	s2 =	stileid.u32  }
0xec: {  	s1 =	rddreg [dreg:$0x1];
	p0 =	sne.s32 s2, $0x0  }
0xed: {  	s3 =	rddreg [dreg:$0x2];
	[bflag:$0x3] =	sbarrier.arrive $0xFFFF;
	s2 =	simm.s32 @!p0 $0x1C09  }
0xee: {  	[timem:s3], [sflag:s2] =	dma.local @!p0 [hbm:s0], s1  }
0xef: {  	s0 =	simm.s32 @!p0 $0x9  }
0xf0: {  	_ =	swait.ge @!p0 [sflag:s0], s1  }
0xf1: {  	s1 =	ssub.s32 @!p0 $0x0, s1;
	[sflag:s0] =	ssyncset.done @!p0 $0x0  }
0xf2: {  	[sflag:s0] =	ssyncadd.s32 @!p0 s1  }
0xf3: {  	[bflag:$0x3] =	sbarrier.arrive $0xFFFF  }
0xf4: {  	_ =	shalt  }

// kernel: kernel.20.cloned.1.call-start
scs
__scs_entry_jumppad:
0x0: {  	(pc) =	sbr.rel $0x88, $3  }
0x1: {  	(tag) =	ssettag $0x0;
	lr =	simm.s32 $0x1  }
0x2: {  	[smem:$0x3F9A] =	sst lr;
	_ =	strace $0xD0000000  }
0x3: {  	_ = 	snop  }
0x4: {  	_ = 	snop  }
0x5: {  	_ = 	snop  }
0x6: {  	_ = 	snop  }
0x7: {  	_ = 	snop  }
__scs_overlays_trampoline_lowered:
0x8: {  	[smem:$0x3FA9] =	sst s0  }
0x9: {  	[smem:$0x3FAA] =	sst s1  }
0xa: {  	[smem:$0x3FAB] =	sst s2  }
0xb: {  	[smem:$0x3FAC] =	sst s3  }
0xc: {  	[smem:$0x3FAD] =	sst s4  }
0xd: {  	[smem:$0x3FAE] =	sst s5  }
0xe: {  	[smem:$0x3FAF] =	sst s6  }
0xf: {  	[smem:$0x3FB0] =	sst s7  }
0x10: {  	[smem:$0x3FB1] =	sst s8  }
0x11: {  	[smem:$0x3FB2] =	sst s9;
	s0 =	simm.s32 @!p0 $0x0  }
0x12: {  	s1 =	sld [smem:$0x3F98];
	s0 =	simm.s32 @p0 $0x1  }
0x13: {  	[smem:$0x3FB3] =	sst s0;
	s0 =	simm.s32 @!p1 $0x0  }
0x14: {  	s2 =	sld [smem:$0x3F97];
	s0 =	simm.s32 @p1 $0x1  }
0x15: {  	[smem:$0x3FB4] =	sst s0;
	s0 =	simm.s32 @!p2 $0x0  }
0x16: {  	s3 =	sld [smem:$0x3FDB];
	s0 =	simm.s32 @p2 $0x1  }
0x17: {  	s4 =	simm.s32 $0x1BF5;
	[smem:$0x3FB6] =	sst s0  }
0x18: {  	s0 =	sld [smem:$0x3F99];
	_ =	swait.ge [sflag:s4], $0x0  }
0x19: {  	s7 =	sld [smem:$0x3F9A]  }
0x1a: {  	s8 =	sadd.s32 $0xFFFFE003, lr  }
0x1b: {  	s9 =	sadd.s32 $0xFFFFFEF7, lr;
	s5 =	simm.s32 $0xFFFFFFFF;
	p2 =	slt.u32 s8, $0xFFFFF086  }
0x1c: {  	p1 =	slt.u32 s9, $0xF7A;
	s5 =	simm.s32 @!p2 $0x0  }
0x1d: {  	s5 =	simm.s32 @p1 $0x1;
	p0 =	seq.s32 s7, s2  }
0x1e: {  	s7 =	smul.u32 @!p0 $0xF7A, s2;
	p2 =	seq.s32 @!p0 s5, $0x0  }
0x1f: {  	s9 =	smul.u32 $0xF7A, s1;
	s8 =	simm.s32 @!p0 $0x1BF5;
	p2 =	por !p2, p0  }
0x20: {  	[sflag:s8] =	ssyncset.s32 @!p0 $0xFFFFF086;
	s6 =	sadd.s32 @!p0 s3, s7;
	s7 =	simm.s32 @!p0 $0x108  }
0x21: {  	s3 =	sadd.s32 s3, s9;
	s6 =	sadd.s32 @!p0 $0x88, s6;
	s7 =	simm.s32 @p2 $0x1082  }
0x22: {  	[simem:s7], [sflag:s8] =	dma.local @!p0 [hbm:s6], $0xF7A  }
0x23: {  	s9 =	sor.u32 $0xD0000000, s2;
	s6 =	simm.s32 $0x108;
	_ =	swait.ge @!p0 [sflag:s8], $0x0  }
0x24: {  	s3 =	sadd.s32 $0x88, s3;
	s6 =	simm.s32 @!p1 $0x1082;
	[sflag:s4] =	ssyncset.s32 $0xFFFFF086  }
0x25: {  	[simem:s6], [sflag:s4] =	dma.local [hbm:s3], $0xF7A  }
0x26: {  	[smem:$0x3F9A] =	sst s1;
	(tag) =	ssettag s2;
	_ =	strace s9  }
0x27: {  	s1 =	sld [smem:$0x3FAA]  }
0x28: {  	s2 =	sld [smem:$0x3FAB]  }
0x29: {  	s4 =	sld [smem:$0x3FAD]  }
0x2a: {  	p0 =	seq.s32 s5, $0x0;
	s5 =	sld [smem:$0x3FAE]  }
0x2b: {  	s6 =	sld [smem:$0x3FAF]  }
0x2c: {  	s7 =	sld [smem:$0x3FB0]  }
0x2d: {  	s3 =	simm.s32 $0x108;
	s8 =	sld [smem:$0x3FB1]  }
0x2e: {  	s3 =	simm.s32 @!p0 $0x1082;
	s9 =	sld [smem:$0x3FB2]  }
0x2f: {  	lr =	sadd.s32 s0, s3;
	s0 =	sld [smem:$0x3FA9]  }
0x30: {  	s3 =	sld [smem:$0x3FAC]  }
0x31: {  	[smem:$0x3FB5] =	sst s10  }
0x32: {  	s10 =	sld [smem:$0x3FB3];
	_ =	sdelay $0x3  }
0x33: {  	p0 =	seq.s32 s10, $0x1;
	s10 =	sld [smem:$0x3FB5];
	_ =	sdelay $0x3  }
0x34: {  	[smem:$0x3FB5] =	sst s10  }
0x35: {  	s10 =	sld [smem:$0x3FB4];
	_ =	sdelay $0x3  }
0x36: {  	p1 =	seq.s32 s10, $0x1;
	s10 =	sld [smem:$0x3FB5];
	_ =	sdelay $0x3  }
0x37: {  	[smem:$0x3FB5] =	sst s10  }
0x38: {  	s10 =	sld [smem:$0x3FB6]  }
0x39: {  	_ = 	snop;
	(pc) =	sbr.ind lr, $3  }
0x3a: {  	_ = 	snop  }
0x3b: {  	_ = 	snop  }
0x3c: {  	p2 =	seq.s32 s10, $0x1;
	s10 =	sld [smem:$0x3FB5]  }
0x3d: {  	_ =	shalt  }
0x3e: {  	_ =	shalt  }
0x3f: {  	_ =	shalt  }
0x40: {  	_ =	shalt  }
0x41: {  	_ =	shalt  }
0x42: {  	_ =	shalt  }
0x43: {  	_ =	shalt  }
0x44: {  	_ =	shalt  }
0x45: {  	_ =	shalt  }
0x46: {  	_ =	shalt  }
0x47: {  	_ =	shalt  }
0x48: {  	_ =	shalt  }
0x49: {  	_ =	shalt  }
0x4a: {  	_ =	shalt  }
0x4b: {  	_ =	shalt  }
0x4c: {  	_ =	shalt  }
0x4d: {  	_ =	shalt  }
0x4e: {  	_ =	shalt  }
0x4f: {  	_ =	shalt  }
0x50: {  	_ =	shalt  }
0x51: {  	_ =	shalt  }
0x52: {  	_ =	shalt  }
0x53: {  	_ =	shalt  }
0x54: {  	_ =	shalt  }
0x55: {  	_ =	shalt  }
0x56: {  	_ =	shalt  }
0x57: {  	_ =	shalt  }
0x58: {  	_ =	shalt  }
0x59: {  	_ =	shalt  }
0x5a: {  	_ =	shalt  }
0x5b: {  	_ =	shalt  }
0x5c: {  	_ =	shalt  }
0x5d: {  	_ =	shalt  }
0x5e: {  	_ =	shalt  }
0x5f: {  	_ =	shalt  }
0x60: {  	_ =	shalt  }
0x61: {  	_ =	shalt  }
0x62: {  	_ =	shalt  }
0x63: {  	_ =	shalt  }
0x64: {  	_ =	shalt  }
0x65: {  	_ =	shalt  }
0x66: {  	_ =	shalt  }
0x67: {  	_ =	shalt  }
0x68: {  	_ =	shalt  }
0x69: {  	_ =	shalt  }
0x6a: {  	_ =	shalt  }
0x6b: {  	_ =	shalt  }
0x6c: {  	_ =	shalt  }
0x6d: {  	_ =	shalt  }
0x6e: {  	_ =	shalt  }
0x6f: {  	_ =	shalt  }
0x70: {  	_ =	shalt  }
0x71: {  	_ =	shalt  }
0x72: {  	_ =	shalt  }
0x73: {  	_ =	shalt  }
0x74: {  	_ =	shalt  }
0x75: {  	_ =	shalt  }
0x76: {  	_ =	shalt  }
0x77: {  	_ =	shalt  }
0x78: {  	_ =	shalt  }
0x79: {  	_ =	shalt  }
0x7a: {  	_ =	shalt  }
0x7b: {  	_ =	shalt  }
0x7c: {  	_ =	shalt  }
0x7d: {  	_ =	shalt  }
0x7e: {  	_ =	shalt  }
0x7f: {  	_ =	shalt  }
0x80: {  	_ =	shalt  }
0x81: {  	_ =	shalt  }
0x82: {  	_ =	shalt  }
0x83: {  	_ =	shalt  }
0x84: {  	_ =	shalt  }
0x85: {  	_ =	shalt  }
0x86: {  	_ =	shalt  }
0x87: {  	_ =	shalt  }
.Lfunc_end0:
.L_simem_size_0:
called_computation.3_lowered:
.L_overlay_start_0:
0x88: {  	s2 =	sld [smem:$0x3FD9]  }
0x89: {  	s3 =	sld [smem:$0x3FFE];
	_ =	sdelay $0x1  }
0x8a: {  	s1 =	srdreg.scid  }
0x8b: {  	s0 =	sand.u32 $0x1, s1  }
0x8c: {  	s16 =	sshll.u32 s0, $0xA;
	s2 =	sadd.s32 s3, s2  }
0x8d: {  	s2 =	sadd.s32 s2, s16  }
0x8e: {  	[smem:$0x3FC1] =	sst s2  }
0x8f: {  	_ = 	snop  }
0x90: {  	(tm) =	ssettm $0x1  }
0x91: {  	s17 =	sld [smem:$0x3FFB];
	_ =	sdelay $0x3  }
0x92: {  	_ =	strace s17  }
0x93: {  	s2 =	sld [smem:$0x3FFC];
	_ =	sdelay $0x3  }
0x94: {  	_ =	strace s2  }
0x95: {  	s2 =	sld [smem:$0x3FFD];
	_ =	sdelay $0x3  }
0x96: {  	_ =	strace s2  }
0x97: {  	_ =	strace $0x8FFFFFFF  }
0x98: {  	s18 =	sld [smem:$0x3FDB];
	_ =	sdelay $0x1  }
0x99: {  	s19 =	simm.s32 $_scs_section_size  }
0x9a: {  	s4 =	simm.s32 $_size__tile_overlayer_lowered;
	s5 =	simm.s32 $_tile_overlayer_lowered  }
0x9b: {  	s22 =	simm.s32 $0x1BFF;
	s21 =	sshll.u32 s5, $0x1;
	s2 =	sadd.s32 s19, s18  }
0x9c: {  	s6 =	simm.s32 $0x0;
	s20 =	sshll.u32 s4, $0x1;
	s4 =	sadd.s32 s21, s2  }
0x9d: {  	[timem:s6], [sflag:s22] =	dma.local [hbm:s4], s20  }
0x9e: {  	_ =	swait.ge [sflag:s22], s20  }
0x9f: {  	s3 =	ssub.s32 $0x0, s20;
	[sflag:s22] =	ssyncset.done $0x0  }
0xa0: {  	[sflag:s22] =	ssyncadd.s32 s3;
	_ =	sdelay $0x1  }
0xa1: {  	s23 =	simm.s32 $0x1B8B  }
0xa2: {  	_ =	swait.ge [sflag:s23], $0x1  }
0xa3: {  	[sflag:s23] =	ssyncset.done $0x0  }
0xa4: {  	s25 =	simm.s32 $0x1B8E;
	s24 =	sld [smem:$0x3FFE];
	[sflag:s23] =	ssyncadd.s32 $0xFFFFFFFF  }
0xa5: {  	s26 =	simm.s32 $execute0_lowered;
	[smem:$0x3FD2] =	sst s25  }
0xa6: {  	s4 =	sshll.u32 s26, $0x1;
	_ =	strace $0x8000004F;
	[dreg:$0x1] =	wrdreg $0xFFFFFFFF  }
0xa7: {  	s28 =	simm.s32 $_size_execute0_lowered;
	s2 =	sadd.s32 s2, s4;
	[dreg:$0x0] =	wrdreg $0x0  }
0xa8: {  	s4 =	sshll.u32 s28, $0x1;
	[dreg:$0x2] =	wrdreg s2  }
0xa9: {  	[dreg:$0x3] =	wrdreg s4  }
0xaa: {  	[dreg:$0x4] =	wrdreg $0xC0  }
0xab: {  	_ =	task [dreg:s6], $0x5FFFF  }
0xac: {  	[dreg:$0x1] =	wrdreg $0xFFFFFFFF  }
0xad: {  	[dreg:$0x0] =	wrdreg $0x60  }
0xae: {  	[dreg:$0x2] =	wrdreg s24  }
0xaf: {  	[dreg:$0x3] =	wrdreg $0xAC000  }
0xb0: {  	[dreg:$0x4] =	wrdreg $0x9  }
0xb1: {  	_ =	task.clear_ibuf [dreg:s6], $0x5FFFF;
	_ =	strace $0x9000004F  }
0xb2: {  	s29 =	simm.s32 $0x9;
	_ =	strace $0x80000051  }
0xb3: {  	_ =	swait.ge [sflag:s29], $0x1  }
0xb4: {  	[sflag:s29] =	ssyncadd.s32 $0xFFFFFFFF  }
0xb5: {  	_ =	strace $0x90000051  }
0xb6: {  	_ =	sfence  }
0xb7: {  	s30 =	sld [smem:$0x0];
	_ =	sdelay $0x2  }
0xb8: {  	s31 =	sshll.u32 s1, $0xD;
	s1 =	sshrl.u32 s1, $0x2  }
0xb9: {  	s3 =	sand.u32 $0x4000, s31;
	s1 =	sadd.s32 s1, s30  }
0xba: {  	s0 =	sor.u32 s3, s0;
	s1 =	sshll.u32 s1, $0x11  }
0xbb: {  	s0 =	sor.u32 s1, s0  }
0xbc: {  	s0 =	sadd.s32 $0x8F2B, s0  }
0xbd: {  	[sflag:s0] =	ssyncadd.remote.s32 $0x1  }
0xbe: {  	_ =	sfence.sel $0xFFFF  }
0xbf: {  	[dreg:$0x0] =	wrdreg $0xFFFFFFFF;
	(pc) =	sbr.abs _section_cstart, $3  }
0xc0: {  	[dreg:$0x1] =	wrdreg $0xFFFFFFFF  }
0xc1: {  	_ =	task.clear_ibuf [dreg:s6], $0x2FFFF;
	_ =	strace $0x9FFFFFFF  }
0xc2: {  	(tm) =	ssettm $0x7FFFFFFF  }
0xc3: {  	_ =	shalt  }
tec
execute0_lowered:
.L_overlay_start_1:
0x0: {  	(tag) =	ssettag $0x1  }
0x1: {  	s0 =	rddreg [dreg:$0x0]  }
0x2: {  	s2 =	rddreg [dreg:$0x1]  }
0x3: {  	s3 =	simm.s32 $0x0;
	s12 =	stileid.u32;
	s5 =	srdreg.scid  }
0x4: {  	s28 =	simm.s32 $0x200;
	s29 =	simm.s32 $0x80;
	s30 =	simm.s32 $0x400  }
0x5: {  	s31 =	simm.s32 $0x300;
	[smem:$0x7FF] =	sst s3;
	s1 =	smul.u32 $0x14000, s12  }
0x6: {  	s4 =	sadd.s32 $0x3C00, s0;
	s5 =	sand.u32 $0x1, s5;
	s6 =	smul.u32 $0x280, s12  }
0x7: {  	s10 =	sadd.s32 $0xC1400, s0;
	s11 =	sadd.s32 $0x66E00, s0;
	s14 =	smul.u32 $0x50000, s12  }
0x8: {  	s17 =	sshll.u32 s12, $0x6;
	s18 =	smul.u32 $0x50, s12;
	_ =	strace $0x80000050  }
0x9: {  	s8 =	smul.u32 $0x2800, s5;
	s9 =	sshll.u32 s5, $0x4;
	[dreg:$0x7] =	wrdreg s11  }
0xa: {  	s25 =	ssub.s32 $0x2, s5;
	s15 =	smul.u32 $0x500, s5;
	s5 =	sor.u32 $0x1C09, s17  }
0xb: {  	s7 =	sshrl.u32 s1, $0x3;
	s9 =	sor.u32 s12, s9;
	s26 =	sshrl.u32 s25, $0x1  }
0xc: {  	[dreg:$0xb] =	wrdreg s5;
	s19 =	sshrl.u32 s14, $0x2;
	s5 =	simm.s32 $0x3  }
0xd: {  	s7 =	sadd.s32 s7, s0;
	s6 =	sadd.s32 s6, s8;
	s24 =	smul.u32 $0x500, s9  }
0xe: {  	s9 =	smul.u32 $0xA00, s9;
	s11 =	ssub.s32 s25, s26;
	s25 =	simm.s32 $0x180  }
0xf: {  	s26 =	simm.s32 $0x280;
	s6 =	sshll.u32 s6, $0x4;
	[dreg:$0x5] =	wrdreg s25  }
0x10: {  	s16 =	sadd.s32 $0x3EE00, s7;
	[dreg:$0x6] =	wrdreg s26;
	s25 =	simm.s32 $0x8400  }
0x11: {  	s26 =	simm.s32 $0x1;
	s7 =	simm.s32 $0x7;
	s6 =	sadd.s32 s6, s0  }
0x12: {  	s0 =	sadd.s32 s24, s0;
	s13 =	sadd.s32 s10, s9;
	[dreg:$0xa] =	wrdreg s16  }
0x13: {  	s9 =	simm.s32 $0x6;
	[dreg:$0x8] =	wrdreg s13;
	s8 =	sadd.s32 $0x20, s13  }
0x14: {  	s0 =	sadd.s32 $0x2AE00, s0;
	s20 =	sadd.s32 $0x67400, s6;
	[dreg:$0x9] =	wrdreg s8  }
0x15: {  	s22 =	sadd.s32 $0x67C00, s6;
	s16 =	sadd.s32 $0x68400, s6;
	[dreg:$0xc] =	wrdreg s0  }
0x16: {  	s8 =	sadd.s32 s1, s2;
	[dreg:$0xd] =	wrdreg s20;
	s0 =	sadd.s32 s19, s2  }
0x17: {  	s1 =	sadd.s32 s18, s15;
	[dreg:$0xf] =	wrdreg s22;
	s19 =	sadd.s32 $0x68C00, s6  }
0x18: {  	s22 =	smax.u32 s11, $0x1;
	s11 =	simm.s32 $0x0;
	s21 =	sadd.s32 $0x4000, s0  }
0x19: {  	s1 =	sshll.u32 s1, $0x5;
	s23 =	sadd.s32 $0x8000, s0;
	s18 =	sadd.s32 $0xC000, s0  }
0x1a: {  	s20 =	sadd.s32 $0x10000, s0;
	s0 =	simm.s32 $0x4400;
	[dreg:$0xe] =	wrdreg s21  }
0x1b: {  	[dreg:$0x10] =	wrdreg s23;
	s17 =	sadd.s32 s1, s10;
	s21 =	sadd.s32 $0x69400, s6  }
0x1c: {  	s23 =	simm.s32 $0x100;
	s10 =	simm.s32 $0x4;
	s1 =	sadd.s32 $0x80, s17  }
0x1d: {  	s6 =	simm.s32 $0x8;
	s24 =	sadd.s32 $0x40, s17;
	[dreg:$0x3] =	wrdreg s1  }
0x1e: {  	v0 =	vimm.f32 $1.000000000e+00;
	[dreg:$0x4] =	wrdreg s24;
	s24 =	simm.s32 $0x9;
	s1 =	simm.s32 $0x5  }
.LBB2_1:
0x1f: {  	s12 =	rddreg [dreg:$0x8]  }
0x20: {  	s14 =	rddreg [dreg:$0x9]  }
0x21: {  	[tilespmem:s3], [sflag:$0x1] =	stream.linear.gather [hbm4b:s12+s3], $0x100, $0x38;
	[tilespmem:$0x1EC00] =	vst v63  }
0x22: {  	s13 =	rddreg [dreg:$0xa]  }
0x23: {  	[tilespmem:s23], [sflag:$0x2] =	stream.linear.gather [hbm4b:s14+s3], $0x100, $0x38;
	[tilespmem:$0x1EC00] =	vst v63  }
0x24: {  	s15 =	sshrl.u32 s8, $0x3;
	s14 =	rddreg [dreg:$0xb]  }
0x25: {  	[spmem:s15], [sflag:s14] =	dma.local [hbm:s13], $0x2800  }
0x26: {  	_ =	swait.ge [sflag:s24], $0x2800  }
0x27: {  	[sflag:s24] =	ssyncset.done $0x0  }
0x28: {  	s15 =	rddreg [dreg:$0x7];
	[sflag:s24] =	ssyncadd.s32 $0xFFFFD800  }
0x29: {  	[tilespmem:s25], [sflag:$0x9] =	stream.linear.gather [hbm4b:s15+s3], $0x2800, $0x38;
	[tilespmem:$0x1EC00] =	vst v63  }
0x2a: {  	_ =	swait.ge [sflag:s24], $0x2800  }
0x2b: {  	[sflag:s24] =	ssyncset.done $0x0  }
0x2c: {  	[sflag:s24] =	ssyncadd.s32 $0xFFFFD800  }
0x2d: {  	s12 =	simm.s32 $0x0;
	[bflag:$0x0] =	sbarrier.arrive $0xFFFF  }
.LBB2_2:
0x2e: {  	_ =	swait.ge [sflag:s26], $0x100  }
0x2f: {  	p0 =	seq.s32 s12, $0x0;
	[sflag:s26] =	ssyncset.done $0x0  }
0x30: {  	s13 =	simm.s32 @!p0 $0x7;
	[sflag:s26] =	ssyncadd.s32 $0xFFFFFF00  }
0x31: {  	_ =	swait.ge @!p0 [sflag:s13], $0x4000  }
0x32: {  	s14 =	rddreg [dreg:$0x4];
	[sflag:s13] =	ssyncset.done @!p0 $0x0  }
0x33: {  	[sflag:s13] =	ssyncadd.s32 @!p0 $0xFFFFC000;
	s14 =	sadd.s32 s12, s14  }
0x34: {  	[tilespmem:s28], [sflag:$0x3] =	stream.linear.gather [hbm4b:s14+s3], $0x100, $0x38;
	[tilespmem:$0x1EC00] =	vst v63  }
0x35: {  	_ = 	snop  }
0x36: {  	[tilespmem:s30], [sflag:$0x5] =	stream.indirect.gather [hbm4b:s4+s29], $0x80, s3, s29, $0xb8;
	[tilespmem:$0x1EC00] =	vst v63  }
0x37: {  	v1 =	vld [tilespmem:$0x80];
	_ =	sdelay $0x7  }
0x38: {  	[tilespmem:v1+s25+$0x0] =	vst.idx.add.f32.msk $0xffff, v0  }
0x39: {  	v1 =	vld [tilespmem:$0x90];
	_ =	sdelay $0x7  }
0x3a: {  	[tilespmem:v1+s25+$0x0] =	vst.idx.add.f32.msk $0xffff, v0  }
0x3b: {  	v1 =	vld [tilespmem:$0xA0];
	_ =	sdelay $0x7  }
0x3c: {  	[tilespmem:v1+s25+$0x0] =	vst.idx.add.f32.msk $0xffff, v0  }
0x3d: {  	v1 =	vld [tilespmem:$0xB0];
	_ =	sdelay $0x7  }
0x3e: {  	[tilespmem:v1+s25+$0x0] =	vst.idx.add.f32.msk $0xffff, v0  }
0x3f: {  	v1 =	vld [tilespmem:$0xC0];
	_ =	sdelay $0x7  }
0x40: {  	[tilespmem:v1+s25+$0x0] =	vst.idx.add.f32.msk $0xffff, v0  }
0x41: {  	v1 =	vld [tilespmem:$0xD0];
	_ =	sdelay $0x7  }
0x42: {  	[tilespmem:v1+s25+$0x0] =	vst.idx.add.f32.msk $0xffff, v0  }
0x43: {  	v1 =	vld [tilespmem:$0xE0];
	_ =	sdelay $0x7  }
0x44: {  	[tilespmem:v1+s25+$0x0] =	vst.idx.add.f32.msk $0xffff, v0  }
0x45: {  	v1 =	vld [tilespmem:$0xF0];
	_ =	sdelay $0x6  }
0x46: {  	p0 =	sne.s32 s12, $0x0  }
0x47: {  	s13 =	simm.s32 @p0 $0x6;
	[tilespmem:v1+s25+$0x0] =	vst.idx.add.f32.msk $0xffff, v0  }
0x48: {  	_ =	swait.ge @p0 [sflag:s13], $0x4000  }
0x49: {  	s14 =	simm.s32 @p0 $0x380;
	[sflag:s13] =	ssyncset.done @p0 $0x0  }
0x4a: {  	s15 =	simm.s32 @p0 $0x4400;
	[sflag:s13] =	ssyncadd.s32 @p0 $0xFFFFC000;
	s13 =	simm.s32 @p0 $0x80  }
0x4b: {  	[spmem:s2] =	stream.indirect.scatter.add.f32 @p0 [tilespmem:s15], [sflag:$0x8], $0x80, s14, s13, $0xb8;
	[tilespmem:$0x1EC00] =	vst v63  }
0x4c: {  	s13 =	simm.s32 @p0 $0x2  }
0x4d: {  	_ =	swait.ge @p0 [sflag:s13], $0x100  }
0x4e: {  	[sflag:s13] =	ssyncset.done @p0 $0x0  }
0x4f: {  	[sflag:s13] =	ssyncadd.s32 @p0 $0xFFFFFF00;
	s13 =	simm.s32 @p0 $0x8  }
0x50: {  	_ =	swait.ge @p0 [sflag:s13], $0x4000  }
0x51: {  	[sflag:s13] =	ssyncset.done @p0 $0x0  }
0x52: {  	[sflag:s13] =	ssyncadd.s32 @p0 $0xFFFFC000;
	s13 =	simm.s32 @!p0 $0x2  }
0x53: {  	_ =	swait.ge @!p0 [sflag:s13], $0x100  }
0x54: {  	s15 =	sadd.s32 s12, s17;
	[sflag:s13] =	ssyncset.done @!p0 $0x0  }
0x55: {  	s14 =	sadd.s32 $0x60, s15;
	[sflag:s13] =	ssyncadd.s32 @!p0 $0xFFFFFF00  }
0x56: {  	[tilespmem:s31], [sflag:$0x4] =	stream.linear.gather [hbm4b:s14+s3], $0x100, $0x38;
	[tilespmem:$0x1EC00] =	vst v63  }
0x57: {  	_ = 	snop  }
0x58: {  	[tilespmem:s0], [sflag:$0x6] =	stream.indirect.gather [hbm4b:s4+s29], $0x80, s23, s29, $0xb8;
	[tilespmem:$0x1EC00] =	vst v63  }
0x59: {  	v1 =	vld [tilespmem:$0x180];
	_ =	sdelay $0x7  }
0x5a: {  	[tilespmem:v1+s25+$0x0] =	vst.idx.add.f32.msk $0xffff, v0  }
0x5b: {  	v1 =	vld [tilespmem:$0x190];
	_ =	sdelay $0x7  }
0x5c: {  	[tilespmem:v1+s25+$0x0] =	vst.idx.add.f32.msk $0xffff, v0  }
0x5d: {  	v1 =	vld [tilespmem:$0x1A0];
	_ =	sdelay $0x7  }
0x5e: {  	[tilespmem:v1+s25+$0x0] =	vst.idx.add.f32.msk $0xffff, v0  }
0x5f: {  	v1 =	vld [tilespmem:$0x1B0];
	_ =	sdelay $0x7  }
0x60: {  	[tilespmem:v1+s25+$0x0] =	vst.idx.add.f32.msk $0xffff, v0  }
0x61: {  	v1 =	vld [tilespmem:$0x1C0];
	_ =	sdelay $0x7  }
0x62: {  	[tilespmem:v1+s25+$0x0] =	vst.idx.add.f32.msk $0xffff, v0  }
0x63: {  	v1 =	vld [tilespmem:$0x1D0];
	_ =	sdelay $0x7  }
0x64: {  	[tilespmem:v1+s25+$0x0] =	vst.idx.add.f32.msk $0xffff, v0  }
0x65: {  	v1 =	vld [tilespmem:$0x1E0];
	_ =	sdelay $0x7  }
0x66: {  	[tilespmem:v1+s25+$0x0] =	vst.idx.add.f32.msk $0xffff, v0  }
0x67: {  	v1 =	vld [tilespmem:$0x1F0];
	_ =	sdelay $0x7  }
0x68: {  	[tilespmem:v1+s25+$0x0] =	vst.idx.add.f32.msk $0xffff, v0  }
0x69: {  	_ =	swait.ge [sflag:s1], $0x4000  }
0x6a: {  	[sflag:s1] =	ssyncset.done $0x0  }
0x6b: {  	[sflag:s1] =	ssyncadd.s32 $0xFFFFC000  }
0x6c: {  	[spmem:s2] =	stream.indirect.scatter.add.f32 [tilespmem:s30], [sflag:$0x7], $0x80, s29, s29, $0xb8;
	[tilespmem:$0x1EC00] =	vst v63  }
0x6d: {  	_ =	swait.ge [sflag:s5], $0x100  }
0x6e: {  	[sflag:s5] =	ssyncset.done $0x0  }
0x6f: {  	[sflag:s5] =	ssyncadd.s32 $0xFFFFFF00  }
0x70: {  	_ =	swait.ge [sflag:s7], $0x4000  }
0x71: {  	p0 =	seq.s32 s12, $0x980;
	s13 =	rddreg [dreg:$0x3];
	[sflag:s7] =	ssyncset.done $0x0  }
0x72: {  	s14 =	simm.s32 @!p0 $0x0;
	[sflag:s7] =	ssyncadd.s32 $0xFFFFC000;
	s13 =	sadd.s32 @!p0 s12, s13  }
0x73: {  	[tilespmem:s14], [sflag:$0x1] =	stream.linear.gather @!p0 [hbm4b:s13+s14], $0x100, $0x38;
	[tilespmem:$0x1EC00] =	vst v63  }
0x74: {  	_ = 	snop  }
0x75: {  	[tilespmem:s30], [sflag:$0x5] =	stream.indirect.gather [hbm4b:s4+s29], $0x80, s28, s29, $0xb8;
	[tilespmem:$0x1EC00] =	vst v63  }
0x76: {  	v1 =	vld [tilespmem:$0x280];
	_ =	sdelay $0x7  }
0x77: {  	[tilespmem:v1+s25+$0x0] =	vst.idx.add.f32.msk $0xffff, v0  }
0x78: {  	v1 =	vld [tilespmem:$0x290];
	_ =	sdelay $0x7  }
0x79: {  	[tilespmem:v1+s25+$0x0] =	vst.idx.add.f32.msk $0xffff, v0  }
0x7a: {  	v1 =	vld [tilespmem:$0x2A0];
	_ =	sdelay $0x7  }
0x7b: {  	[tilespmem:v1+s25+$0x0] =	vst.idx.add.f32.msk $0xffff, v0  }
0x7c: {  	v1 =	vld [tilespmem:$0x2B0];
	_ =	sdelay $0x7  }
0x7d: {  	[tilespmem:v1+s25+$0x0] =	vst.idx.add.f32.msk $0xffff, v0  }
0x7e: {  	v1 =	vld [tilespmem:$0x2C0];
	_ =	sdelay $0x7  }
0x7f: {  	[tilespmem:v1+s25+$0x0] =	vst.idx.add.f32.msk $0xffff, v0  }
0x80: {  	v1 =	vld [tilespmem:$0x2D0];
	_ =	sdelay $0x7  }
0x81: {  	[tilespmem:v1+s25+$0x0] =	vst.idx.add.f32.msk $0xffff, v0  }
0x82: {  	v1 =	vld [tilespmem:$0x2E0];
	_ =	sdelay $0x7  }
0x83: {  	[tilespmem:v1+s25+$0x0] =	vst.idx.add.f32.msk $0xffff, v0  }
0x84: {  	v1 =	vld [tilespmem:$0x2F0];
	_ =	sdelay $0x7  }
0x85: {  	[tilespmem:v1+s25+$0x0] =	vst.idx.add.f32.msk $0xffff, v0  }
0x86: {  	_ =	swait.ge [sflag:s9], $0x4000  }
0x87: {  	[sflag:s9] =	ssyncset.done $0x0  }
0x88: {  	s15 =	rddreg [dreg:$0x5];
	[sflag:s9] =	ssyncadd.s32 $0xFFFFC000  }
0x89: {  	[spmem:s2] =	stream.indirect.scatter.add.f32 [tilespmem:s0], [sflag:$0x8], $0x80, s15, s29, $0xb8;
	[tilespmem:$0x1EC00] =	vst v63  }
0x8a: {  	_ =	swait.ge [sflag:s10], $0x100  }
0x8b: {  	[sflag:s10] =	ssyncset.done $0x0  }
0x8c: {  	[sflag:s10] =	ssyncadd.s32 $0xFFFFFF00  }
0x8d: {  	_ =	swait.ge [sflag:s6], $0x4000  }
0x8e: {  	s13 =	sadd.s32 @!p0 s12, s17;
	[sflag:s6] =	ssyncset.done $0x0  }
0x8f: {  	s13 =	sadd.s32 @!p0 $0xA0, s13;
	s15 =	simm.s32 @!p0 $0x100;
	[sflag:s6] =	ssyncadd.s32 $0xFFFFC000  }
0x90: {  	[tilespmem:s15], [sflag:$0x2] =	stream.linear.gather @!p0 [hbm4b:s13+s14], $0x100, $0x38;
	[tilespmem:$0x1EC00] =	vst v63  }
0x91: {  	_ = 	snop  }
0x92: {  	[tilespmem:s0], [sflag:$0x6] =	stream.indirect.gather [hbm4b:s4+s29], $0x80, s31, s29, $0xb8;
	[tilespmem:$0x1EC00] =	vst v63  }
0x93: {  	v1 =	vld [tilespmem:$0x380];
	_ =	sdelay $0x7  }
0x94: {  	[tilespmem:v1+s25+$0x0] =	vst.idx.add.f32.msk $0xffff, v0  }
0x95: {  	v1 =	vld [tilespmem:$0x390];
	_ =	sdelay $0x7  }
0x96: {  	[tilespmem:v1+s25+$0x0] =	vst.idx.add.f32.msk $0xffff, v0  }
0x97: {  	v1 =	vld [tilespmem:$0x3A0];
	_ =	sdelay $0x7  }
0x98: {  	[tilespmem:v1+s25+$0x0] =	vst.idx.add.f32.msk $0xffff, v0  }
0x99: {  	v1 =	vld [tilespmem:$0x3B0];
	_ =	sdelay $0x7  }
0x9a: {  	[tilespmem:v1+s25+$0x0] =	vst.idx.add.f32.msk $0xffff, v0  }
0x9b: {  	v1 =	vld [tilespmem:$0x3C0];
	_ =	sdelay $0x7  }
0x9c: {  	[tilespmem:v1+s25+$0x0] =	vst.idx.add.f32.msk $0xffff, v0  }
0x9d: {  	v1 =	vld [tilespmem:$0x3D0];
	_ =	sdelay $0x7  }
0x9e: {  	[tilespmem:v1+s25+$0x0] =	vst.idx.add.f32.msk $0xffff, v0  }
0x9f: {  	v1 =	vld [tilespmem:$0x3E0];
	_ =	sdelay $0x7  }
0xa0: {  	[tilespmem:v1+s25+$0x0] =	vst.idx.add.f32.msk $0xffff, v0  }
0xa1: {  	v1 =	vld [tilespmem:$0x3F0];
	_ =	sdelay $0x5  }
0xa2: {  	s12 =	sadd.s32 $0x80, s12  }
0xa3: {  	p0 =	sne.s32 s12, $0xA00  }
.Ltmp0:
0xa4: {  	[tilespmem:v1+s25+$0x0] =	vst.idx.add.f32.msk $0xffff, v0;
	(pc) =	sbr.rel @p0 .LBB2_2-.Ltmp0, $4  }
0xa5: {  	_ =	swait.ge [sflag:s1], $0x4000  }
0xa6: {  	[sflag:s1] =	ssyncset.done $0x0  }
0xa7: {  	s15 =	rddreg [dreg:$0x6];
	[sflag:s1] =	ssyncadd.s32 $0xFFFFC000  }
0xa8: {  	[spmem:s2] =	stream.indirect.scatter.add.f32 [tilespmem:s30], [sflag:$0x7], $0x80, s15, s29, $0xb8;
	[tilespmem:$0x1EC00] =	vst v63  }
0xa9: {  	_ =	swait.ge [sflag:s9], $0x4000  }
0xaa: {  	[sflag:s9] =	ssyncset.done $0x0  }
0xab: {  	s12 =	simm.s32 $0x380;
	[sflag:s9] =	ssyncadd.s32 $0xFFFFC000  }
0xac: {  	[spmem:s2] =	stream.indirect.scatter.add.f32 [tilespmem:s0], [sflag:$0x8], $0x80, s12, s29, $0xb8;
	[tilespmem:$0x1EC00] =	vst v63  }
0xad: {  	_ =	swait.ge [sflag:s7], $0x4000  }
0xae: {  	[sflag:s7] =	ssyncset.done $0x0  }
0xaf: {  	[sflag:s7] =	ssyncadd.s32 $0xFFFFC000  }
0xb0: {  	_ =	swait.ge [sflag:s6], $0x4000  }
0xb1: {  	[sflag:s6] =	ssyncset.done $0x0  }
0xb2: {  	[sflag:s6] =	ssyncadd.s32 $0xFFFFC000  }
0xb3: {  	[bflag:$0x0] =	sbarrier.arrive $0xFFFF  }
0xb4: {  	s14 =	rddreg [dreg:$0xc]  }
0xb5: {  	[hbm4b:s14+s3] =	stream.linear.scatter [tilespmem:s25], [sflag:$0x7], $0x2800, $0x38;
	[tilespmem:$0x1EC00] =	vst v63  }
0xb6: {  	_ = 	snop  }
0xb7: {  	[tilespmem:s30], [sflag:$0x9] =	stream.linear.gather [spmem:s8], $0x4000, $0x38;
	[tilespmem:$0x1EC00] =	vst v63  }
0xb8: {  	_ =	swait.ge [sflag:s24], $0x4000  }
0xb9: {  	[sflag:s24] =	ssyncset.done $0x0  }
0xba: {  	s15 =	rddreg [dreg:$0xd];
	[sflag:s24] =	ssyncadd.s32 $0xFFFFC000  }
0xbb: {  	[hbm4b:s15+s3] =	stream.linear.scatter [tilespmem:s30], [sflag:$0x5], $0x4000, $0x38;
	[tilespmem:$0x1EC00] =	vst v63  }
0xbc: {  	s13 =	rddreg [dreg:$0xe]  }
0xbd: {  	[tilespmem:s0], [sflag:$0x9] =	stream.linear.gather [spmem:s13], $0x4000, $0x38;
	[tilespmem:$0x1EC00] =	vst v63  }
0xbe: {  	_ =	swait.ge [sflag:s24], $0x4000  }
0xbf: {  	[sflag:s24] =	ssyncset.done $0x0  }
0xc0: {  	s14 =	rddreg [dreg:$0xf];
	[sflag:s24] =	ssyncadd.s32 $0xFFFFC000  }
0xc1: {  	[hbm4b:s14+s3] =	stream.linear.scatter [tilespmem:s0], [sflag:$0x6], $0x4000, $0x38;
	[tilespmem:$0x1EC00] =	vst v63  }
0xc2: {  	_ =	swait.ge [sflag:s1], $0x4000  }
0xc3: {  	[sflag:s1] =	ssyncset.done $0x0  }
0xc4: {  	s15 =	rddreg [dreg:$0x10];
	[sflag:s1] =	ssyncadd.s32 $0xFFFFC000  }
0xc5: {  	[tilespmem:s30], [sflag:$0x9] =	stream.linear.gather [spmem:s15], $0x4000, $0x38;
	[tilespmem:$0x1EC00] =	vst v63  }
0xc6: {  	_ =	swait.ge [sflag:s24], $0x4000  }
0xc7: {  	[sflag:s24] =	ssyncset.done $0x0  }
0xc8: {  	[sflag:s24] =	ssyncadd.s32 $0xFFFFC000  }
0xc9: {  	[hbm4b:s16+s3] =	stream.linear.scatter [tilespmem:s30], [sflag:$0x5], $0x4000, $0x38;
	[tilespmem:$0x1EC00] =	vst v63  }
0xca: {  	_ =	swait.ge [sflag:s9], $0x4000  }
0xcb: {  	[sflag:s9] =	ssyncset.done $0x0  }
0xcc: {  	[sflag:s9] =	ssyncadd.s32 $0xFFFFC000  }
0xcd: {  	[tilespmem:s0], [sflag:$0x9] =	stream.linear.gather [spmem:s18], $0x4000, $0x38;
	[tilespmem:$0x1EC00] =	vst v63  }
0xce: {  	_ =	swait.ge [sflag:s24], $0x4000  }
0xcf: {  	[sflag:s24] =	ssyncset.done $0x0  }
0xd0: {  	[sflag:s24] =	ssyncadd.s32 $0xFFFFC000  }
0xd1: {  	[hbm4b:s19+s3] =	stream.linear.scatter [tilespmem:s0], [sflag:$0x6], $0x4000, $0x38;
	[tilespmem:$0x1EC00] =	vst v63  }
0xd2: {  	_ =	swait.ge [sflag:s1], $0x4000  }
0xd3: {  	[sflag:s1] =	ssyncset.done $0x0  }
0xd4: {  	[sflag:s1] =	ssyncadd.s32 $0xFFFFC000  }
0xd5: {  	[tilespmem:s30], [sflag:$0x9] =	stream.linear.gather [spmem:s20], $0x4000, $0x38;
	[tilespmem:$0x1EC00] =	vst v63  }
0xd6: {  	_ =	swait.ge [sflag:s24], $0x4000  }
0xd7: {  	[sflag:s24] =	ssyncset.done $0x0  }
0xd8: {  	[sflag:s24] =	ssyncadd.s32 $0xFFFFC000  }
0xd9: {  	[hbm4b:s21+s3] =	stream.linear.scatter [tilespmem:s30], [sflag:$0x5], $0x4000, $0x38;
	[tilespmem:$0x1EC00] =	vst v63  }
0xda: {  	_ =	swait.ge [sflag:s9], $0x4000  }
0xdb: {  	[sflag:s9] =	ssyncset.done $0x0  }
0xdc: {  	s11 =	sadd.s32 $0x1, s11;
	[sflag:s9] =	ssyncadd.s32 $0xFFFFC000  }
0xdd: {  	p0 =	sne.s32 s11, s22;
	_ =	swait.ge [sflag:s1], $0x4000  }
.Ltmp1:
0xde: {  	[sflag:s1] =	ssyncset.done $0x0;
	(pc) =	sbr.rel @p0 .LBB2_1-.Ltmp1, $4  }
0xdf: {  	[sflag:s1] =	ssyncadd.s32 $0xFFFFC000  }
0xe0: {  	_ =	swait.ge [sflag:s7], $0x2800  }
0xe1: {  	[sflag:s7] =	ssyncset.done $0x0  }
0xe2: {  	[sflag:s7] =	ssyncadd.s32 $0xFFFFD800  }
0xe3: {  	_ =	sfence.sel $0x180000  }
0xe4: {  	[bflag:$0x0] =	sbarrier.arrive $0xFFFF  }
0xe5: {  	_ =	strace $0x90000050  }
0xe6: {  	s0 =	stileid.u32;
	[bflag:$0x2] =	sbarrier.arrive $0xFFFF  }
0xe7: {  	p0 =	sne.s32 s0, $0x0;
	s0 =	rddreg [dreg:$0x2]  }
0xe8: {  	s0 =	sadd.s32 @!p0 $0x100000, s0  }
0xe9: {  	[sflag:s0] =	ssyncadd.tile.s32 @!p0 $0x1;
	_ =	shalt  }
.Lfunc_end2:
_tile_overlayer_lowered:
.L_overlay_start_2:
0xea: {  	(tag) =	ssettag $0x2  }
0xeb: {  	s0 =	rddreg [dreg:$0x0];
	s2 =	stileid.u32  }
0xec: {  	s1 =	rddreg [dreg:$0x1];
	p0 =	sne.s32 s2, $0x0  }
0xed: {  	s3 =	rddreg [dreg:$0x2];
	[bflag:$0x3] =	sbarrier.arrive $0xFFFF;
	s2 =	simm.s32 @!p0 $0x1C09  }
0xee: {  	[timem:s3], [sflag:s2] =	dma.local @!p0 [hbm:s0], s1  }
0xef: {  	s0 =	simm.s32 @!p0 $0x9  }
0xf0: {  	_ =	swait.ge @!p0 [sflag:s0], s1  }
0xf1: {  	s1 =	ssub.s32 @!p0 $0x0, s1;
	[sflag:s0] =	ssyncset.done @!p0 $0x0  }
0xf2: {  	[sflag:s0] =	ssyncadd.s32 @!p0 s1  }
0xf3: {  	[bflag:$0x3] =	sbarrier.arrive $0xFFFF  }
0xf4: {  	_ =	shalt  }

</sc_bundles>
